<compile_context>
chip_gen: v7x
topology: tpu7x:2x2x1
jax: 0.10.2.dev20260603
libtpu: 0.0.44.dev20260713+nightly
codegen_flags: <defaults>
</compile_context>

<pallas_src>
import functools

import jax
import jax.numpy as jnp
from jax import lax
from jax.experimental import pallas as pl
from jax.experimental.pallas import tpu as pltpu
from jax.experimental.pallas import tpu_sc as plsc

N = 10000
E = 320000
IN_NF = 128
IN_EF = 16
OUT_NF = 128

NUM_CORES = 2
NUM_TILES = 16
NUM_WORKERS = NUM_CORES * NUM_TILES
CHUNK = 128
TOTAL_ROWS = E // CHUNK
BASE_ROWS = TOTAL_ROWS // NUM_WORKERS
LEFTOVER = TOTAL_ROWS - BASE_ROWS * NUM_WORKERS
NP = 10112
ROWS_PER_TILE = NP // NUM_TILES
RE_CHUNK = CHUNK * 16


def _lane_perm(v, idx):
    dn = lax.GatherDimensionNumbers(offset_dims=(), collapsed_slice_dims=(0,),
                                    start_index_map=(0,))
    return lax.gather(v, idx[:, None], dn, slice_sizes=(1,),
                      mode=lax.GatherScatterMode.PROMISE_IN_BOUNDS)


def _edge_sc_kernel(ts_h, td_h, rea_h, reb_h, ei_h, zz_h, w0_h, b0_h,
                    sd_h, ss_h,
                    isv2, idv2, ga2, gb2, rba0, rba1, rbb0, rbb1, pd, ps,
                    w0s, b0s, sdacc, ssacc,
                    sga0, sga1, sgb0, sgb1, sre0, sre1, sidx):
    f32 = jnp.float32
    cid = lax.axis_index("c")
    sid = lax.axis_index("s")
    wid = sid * NUM_CORES + cid
    row0 = sid * ROWS_PER_TILE
    crow0 = wid * BASE_ROWS

    pltpu.sync_copy(zz_h.at[pl.ds(row0, ROWS_PER_TILE)],
                    sdacc.at[pl.ds(row0, ROWS_PER_TILE)])
    pltpu.sync_copy(zz_h.at[pl.ds(row0, ROWS_PER_TILE)],
                    ssacc.at[pl.ds(row0, ROWS_PER_TILE)])
    pltpu.sync_copy(w0_h, w0s)
    pltpu.sync_copy(b0_h, b0s)

    def _idx_descs(c, carry):
        eb = pl.multiple_of((crow0 + c) * CHUNK, CHUNK)
        pltpu.make_async_copy(ei_h.at[0, pl.ds(eb, CHUNK)],
                              isv2.at[c], sidx).start()
        pltpu.make_async_copy(ei_h.at[1, pl.ds(eb, CHUNK)],
                              idv2.at[c], sidx).start()
        return carry

    def _idx_waits(c, carry):
        eb = pl.multiple_of((crow0 + c) * CHUNK, CHUNK)
        pltpu.make_async_copy(ei_h.at[0, pl.ds(eb, CHUNK)],
                              isv2.at[c], sidx).wait()
        pltpu.make_async_copy(ei_h.at[1, pl.ds(eb, CHUNK)],
                              idv2.at[c], sidx).wait()
        return carry

    lax.fori_loop(0, BASE_ROWS, _idx_descs, 0)

    @pl.when(wid < LEFTOVER)
    def _():
        erow = TOTAL_ROWS - LEFTOVER + wid
        eb = erow * CHUNK
        pltpu.make_async_copy(ei_h.at[0, pl.ds(eb, CHUNK)],
                              isv2.at[BASE_ROWS], sidx).start()
        pltpu.make_async_copy(ei_h.at[1, pl.ds(eb, CHUNK)],
                              idv2.at[BASE_ROWS], sidx).start()
        pltpu.make_async_copy(ei_h.at[0, pl.ds(eb, CHUNK)],
                              isv2.at[BASE_ROWS], sidx).wait()
        pltpu.make_async_copy(ei_h.at[1, pl.ds(eb, CHUNK)],
                              idv2.at[BASE_ROWS], sidx).wait()

    lax.fori_loop(0, BASE_ROWS, _idx_waits, 0)
    plsc.subcore_barrier()

    w0r = w0s[...]
    b0r = b0s[...]
    lane = lax.broadcasted_iota(jnp.int32, (16,), 0)
    one = jnp.full((16,), 1.0, f32)
    zero = jnp.full((16,), 0.0, f32)
    cntv = jnp.where(lane == 0, one, zero)
    px1 = jnp.bitwise_xor(lane, 1)
    px2 = jnp.bitwise_xor(lane, 2)
    px4 = jnp.bitwise_xor(lane, 4)
    px8 = jnp.bitwise_xor(lane, 8)
    sems = ((sga0, sgb0, sre0), (sga1, sgb1, sre1))
    bufs = ((ga2.at[0], gb2.at[0], rba0, rbb0), (ga2.at[1], gb2.at[1], rba1, rbb1))

    def _descs(c, b):
        ga_b, gb_b, rba_b, rbb_b = bufs[b]
        sga, sgb, sre = sems[b]
        rrow = pl.multiple_of((crow0 + c) * 16, 16)
        return (pltpu.make_async_copy(ts_h.at[isv2.at[c]], ga_b, sga),
                pltpu.make_async_copy(td_h.at[idv2.at[c]], gb_b, sgb),
                pltpu.make_async_copy(rea_h.at[pl.ds(rrow, 16)], rba_b, sre),
                pltpu.make_async_copy(reb_h.at[pl.ds(rrow, 16)], rbb_b, sre))

    def _fire(c, b):
        for d in _descs(c, b):
            d.start()

    def _wait(c, b):
        for d in _descs(c, b):
            d.wait()

    def _compute(b):
        ga_b, gb_b, rba_b, rbb_b = bufs[b]

        def pair_body(t, tc):
            for half in range(2):
                rb_b = rba_b if half == 0 else rbb_b
                for eo in range(4):
                    e = t * 8 + half * 4 + eo
                    a0 = ga_b[e, pl.ds(0, 16)]
                    a1 = ga_b[e, pl.ds(16, 16)]
                    c0 = gb_b[e, pl.ds(0, 16)]
                    c1 = gb_b[e, pl.ds(16, 16)]
                    r0 = rb_b[t, pl.ds(eo * 32, 16)]
                    r1 = rb_b[t, pl.ds(eo * 32 + 16, 16)]
                    h1 = a0 + c0 + r0
                    g1 = jnp.where(h1 > 0, h1, 0.2 * h1)
                    h2 = a1 + c1 + r1
                    g2 = jnp.where(h2 > 0, h2, 0.2 * h2)
                    sv = g2 * w0r
                    sv = sv + _lane_perm(sv, px1)
                    sv = sv + _lane_perm(sv, px2)
                    sv = sv + _lane_perm(sv, px4)
                    sv = sv + _lane_perm(sv, px8)
                    kv = 1.0 / (1.0 + jnp.exp(-(sv + b0r)))
                    u = kv * g2
                    tail = jnp.where(lane == 0, kv,
                                     jnp.where(lane == 1, one, zero))
                    pd[e, pl.ds(0, 16)] = g1
                    ps[e, pl.ds(0, 16)] = u
                    ps[e, pl.ds(16, 16)] = tail
            return tc

        lax.fori_loop(0, CHUNK // 8, pair_body, 0)

    def _scatter(c):
        pltpu.sync_copy(pd, sdacc.at[idv2.at[c]], add=True)
        pltpu.sync_copy(ps, ssacc.at[isv2.at[c]], add=True)

    def _cnt_init(r, carry):
        pd[r, pl.ds(16, 16)] = cntv
        return carry

    lax.fori_loop(0, CHUNK, _cnt_init, 0)

    _fire(0, 0)

    def body(i, carry):
        c0 = 2 * i
        c1 = c0 + 1
        _fire(c1, 1)
        _wait(c0, 0)
        _compute(0)
        _scatter(c0)

        @pl.when(i < BASE_ROWS // 2 - 1)
        def _():
            _fire(c0 + 2, 0)

        _wait(c1, 1)
        _compute(1)
        _scatter(c1)
        return carry

    lax.fori_loop(0, BASE_ROWS // 2, body, 0)

    @pl.when(wid < LEFTOVER)
    def _():
        erow = TOTAL_ROWS - LEFTOVER + wid
        ga_b, gb_b, rba_b, rbb_b = bufs[0]
        sga, sgb, sre = sems[0]
        rrow = erow * 16
        ds = (pltpu.make_async_copy(ts_h.at[isv2.at[BASE_ROWS]], ga_b, sga),
              pltpu.make_async_copy(td_h.at[idv2.at[BASE_ROWS]], gb_b, sgb),
              pltpu.make_async_copy(rea_h.at[pl.ds(rrow, 16)], rba_b, sre),
              pltpu.make_async_copy(reb_h.at[pl.ds(rrow, 16)], rbb_b, sre))
        for d in ds:
            d.start()
        for d in ds:
            d.wait()
        _compute(0)
        _scatter(BASE_ROWS)

    plsc.subcore_barrier()
    pltpu.sync_copy(sdacc.at[pl.ds(row0, ROWS_PER_TILE)],
                    sd_h.at[cid, pl.ds(row0, ROWS_PER_TILE)])
    pltpu.sync_copy(ssacc.at[pl.ds(row0, ROWS_PER_TILE)],
                    ss_h.at[cid, pl.ds(row0, ROWS_PER_TILE)])


def _tables_body(nf_ref, ws_ref, wd_ref, ts_ref, td_ref):
    x = nf_ref[...]
    ts_ref[...] = jnp.dot(x, ws_ref[...], preferred_element_type=jnp.float32)
    td_ref[...] = jnp.dot(x, wd_ref[...], preferred_element_type=jnp.float32)


def _re_body(nef8_ref, w8a_ref, w8b_ref, b8_ref, rea_ref, reb_ref):
    x = nef8_ref[...]
    rea_ref[...] = (jnp.dot(x, w8a_ref[...],
                            preferred_element_type=jnp.float32) + b8_ref[...])
    reb_ref[...] = (jnp.dot(x, w8b_ref[...],
                            preferred_element_type=jnp.float32) + b8_ref[...])


def _fin_body(sd_ref, ss_ref, w2o_ref, b2o_ref, w2f_ref, b2f_ref,
              w1r_ref, b1r_ref, w2r_ref, b2r_ref, out_ref):
    f32 = jnp.float32
    sd = sd_ref[0] + sd_ref[1]
    ss = ss_ref[0] + ss_ref[1]
    s1 = sd[:, 0:16]
    cntd = sd[:, 16:17]
    new_nf = jnp.dot(s1, w2o_ref[...], preferred_element_type=f32) + cntd * b2o_ref[...]
    s2 = ss[:, 0:16]
    ks = ss[:, 16:17]
    cnts = ss[:, 17:18]
    nfo12 = jnp.dot(s2, w2f_ref[...], preferred_element_type=f32) + ks * b2f_ref[...]
    nfo2 = nfo12[:, 8:16] / jnp.maximum(cnts, 1.0)
    hin = jnp.concatenate([new_nf, nfo12[:, 0:8], nfo2], axis=1)
    h = jnp.dot(hin, w1r_ref[...], preferred_element_type=f32) + b1r_ref[...]
    h = jnp.where(h > 0, h, 0.2 * h)
    red = jnp.dot(h, w2r_ref[...], preferred_element_type=f32) + b2r_ref[...]
    out_ref[...] = jnp.where(cnts > 0, red, new_nf)


def kernel(nf, edge_index, nef,
           W1_o2i, b1_o2i, W2_o2i, b2_o2i,
           W1_i2o, b1_i2o, W2_i2o, b2_i2o,
           W1_red, b1_red, W2_red, b2_red):
    f32 = jnp.float32
    i32 = jnp.int32

    ws = jnp.concatenate([W1_o2i[:IN_NF], W1_i2o[IN_NF:2 * IN_NF]], axis=1)
    wd = jnp.concatenate([W1_o2i[IN_NF:2 * IN_NF], W1_i2o[:IN_NF]], axis=1)
    wre = jnp.concatenate([W1_o2i[2 * IN_NF:], W1_i2o[2 * IN_NF:]], axis=1)
    bre = jnp.concatenate([b1_o2i, b1_i2o]).reshape(1, 32)
    wk = jnp.kron(jnp.eye(4, dtype=f32), wre)
    zpad = jnp.zeros((64, 128), f32)
    w8a = jnp.concatenate([wk, zpad], axis=0)
    w8b = jnp.concatenate([zpad, wk], axis=0)
    b8 = jnp.tile(bre, (1, 4))
    nef8 = nef.reshape(E // 8, 8 * IN_EF)
    w0v = W2_i2o[:, 0]
    b0v = jnp.full((16,), 1.0, f32) * b2_i2o[0]
    zeros_acc = jnp.zeros((NP, 32), f32)

    ts, td = pl.pallas_call(
        _tables_body,
        out_shape=(jax.ShapeDtypeStruct((N, 32), f32),
                   jax.ShapeDtypeStruct((N, 32), f32)),
    )(nf, ws, wd)

    BLK8 = 4000
    rea, reb = pl.pallas_call(
        _re_body,
        grid=(E // 8 // BLK8,),
        in_specs=[pl.BlockSpec((BLK8, 128), lambda i: (i, 0)),
                  pl.BlockSpec((128, 128), lambda i: (0, 0)),
                  pl.BlockSpec((128, 128), lambda i: (0, 0)),
                  pl.BlockSpec((1, 128), lambda i: (0, 0))],
        out_specs=(pl.BlockSpec((BLK8, 128), lambda i: (i, 0)),
                   pl.BlockSpec((BLK8, 128), lambda i: (i, 0))),
        out_shape=(jax.ShapeDtypeStruct((E // 8, 128), f32),
                   jax.ShapeDtypeStruct((E // 8, 128), f32)),
    )(nef8, w8a, w8b, b8)

    mesh = plsc.VectorSubcoreMesh(core_axis_name="c", subcore_axis_name="s")
    edge_fn = functools.partial(
        pl.kernel,
        out_type=(jax.ShapeDtypeStruct((NUM_CORES, NP, 32), f32),
                  jax.ShapeDtypeStruct((NUM_CORES, NP, 32), f32)),
        mesh=mesh,
        scratch_types=[
            pltpu.VMEM((BASE_ROWS + 1, CHUNK), i32),
            pltpu.VMEM((BASE_ROWS + 1, CHUNK), i32),
            pltpu.VMEM((2, CHUNK, 32), f32),
            pltpu.VMEM((2, CHUNK, 32), f32),
            pltpu.VMEM((16, 128), f32),
            pltpu.VMEM((16, 128), f32),
            pltpu.VMEM((16, 128), f32),
            pltpu.VMEM((16, 128), f32),
            pltpu.VMEM((CHUNK, 32), f32),
            pltpu.VMEM((CHUNK, 32), f32),
            pltpu.VMEM((16,), f32),
            pltpu.VMEM((16,), f32),
            pltpu.VMEM_SHARED((NP, 32), f32),
            pltpu.VMEM_SHARED((NP, 32), f32),
            pltpu.SemaphoreType.DMA,
            pltpu.SemaphoreType.DMA,
            pltpu.SemaphoreType.DMA,
            pltpu.SemaphoreType.DMA,
            pltpu.SemaphoreType.DMA,
            pltpu.SemaphoreType.DMA,
            pltpu.SemaphoreType.DMA,
        ],
        compiler_params=pltpu.CompilerParams(use_tc_tiling_on_sc=False),
    )(_edge_sc_kernel)
    sd_part, ss_part = edge_fn(ts, td, rea, reb, edge_index, zeros_acc,
                               w0v, b0v)

    b2o = b2_o2i.reshape(1, OUT_NF)
    w2f = W2_i2o[:, 1:17]
    b2f = b2_i2o[1:17].reshape(1, 16)
    b1r = b1_red.reshape(1, 16)
    b2r = b2_red.reshape(1, OUT_NF)
    RBLK = 2000
    out = pl.pallas_call(
        _fin_body,
        grid=(N // RBLK,),
        in_specs=[pl.BlockSpec((NUM_CORES, RBLK, 32), lambda i: (0, i, 0)),
                  pl.BlockSpec((NUM_CORES, RBLK, 32), lambda i: (0, i, 0)),
                  pl.BlockSpec((16, OUT_NF), lambda i: (0, 0)),
                  pl.BlockSpec((1, OUT_NF), lambda i: (0, 0)),
                  pl.BlockSpec((16, 16), lambda i: (0, 0)),
                  pl.BlockSpec((1, 16), lambda i: (0, 0)),
                  pl.BlockSpec((144, 16), lambda i: (0, 0)),
                  pl.BlockSpec((1, 16), lambda i: (0, 0)),
                  pl.BlockSpec((16, OUT_NF), lambda i: (0, 0)),
                  pl.BlockSpec((1, OUT_NF), lambda i: (0, 0))],
        out_specs=pl.BlockSpec((RBLK, OUT_NF), lambda i: (i, 0)),
        out_shape=jax.ShapeDtypeStruct((N, OUT_NF), f32),
    )(sd_part, ss_part, W2_o2i, b2o, w2f, b2f, W1_red, b1r, W2_red, b2r)
    return out

# --- scband reference (transcript-rebuilt; emitter-appended) ---
"""Pipeline reference for scband-prediction-57939108823650 (READ-ONLY COPY).

The authoritative reference and input builder live on the scoring server;
editing this copy changes nothing except your own understanding.
"""

import jax, jax.numpy as jnp
import numpy as np

N = 10000
E = 320000
IN_NF = 128
IN_EF = 16
OUT_NF = 128
H1 = 8
H2 = 8
H_IN = 16


def _mlp2(x, W1, b1, W2, b2):
    # Linear -> LeakyReLU(0.2) -> Linear  (matches MLP(in, h_in, out))
    h = x @ W1 + b1
    h = jnp.where(h > 0, h, 0.2 * h)
    return h @ W2 + b2


def setup_inputs(seed: int = 0):
    key = jax.random.key(seed)
    ks = jax.random.split(key, 12)
    nf = jax.random.normal(ks[0], (N, IN_NF), dtype=jnp.float32)
    edge_index = jax.random.randint(ks[1], (2, E), 0, N, dtype=jnp.int32)
    nef = jax.random.normal(ks[2], (E, IN_EF), dtype=jnp.float32)

    def lin(k, fan_in, fan_out):
        k1, k2 = jax.random.split(k)
        lim = 1.0 / np.sqrt(fan_in)
        W = jax.random.uniform(k1, (fan_in, fan_out), jnp.float32, -lim, lim)
        b = jax.random.uniform(k2, (fan_out,), jnp.float32, -lim, lim)
        return W, b

    W1_o2i, b1_o2i = lin(ks[3], 2 * IN_NF + IN_EF, H_IN)
    W2_o2i, b2_o2i = lin(ks[4], H_IN, OUT_NF)
    W1_i2o, b1_i2o = lin(ks[5], 2 * IN_NF + IN_EF, H_IN)
    W2_i2o, b2_i2o = lin(ks[6], H_IN, 1 + H1 + H2)
    W1_red, b1_red = lin(ks[7], IN_NF + H1 + H2, H_IN)
    W2_red, b2_red = lin(ks[8], H_IN, OUT_NF)
    return {
        "nf": nf, "edge_index": edge_index, "nef": nef,
        "W1_o2i": W1_o2i, "b1_o2i": b1_o2i, "W2_o2i": W2_o2i, "b2_o2i": b2_o2i,
        "W1_i2o": W1_i2o, "b1_i2o": b1_i2o, "W2_i2o": W2_i2o, "b2_i2o": b2_i2o,
        "W1_red": W1_red, "b1_red": b1_red, "W2_red": W2_red, "b2_red": b2_red,
    }


def reference(nf, edge_index, nef,
              W1_o2i, b1_o2i, W2_o2i, b2_o2i,
              W1_i2o, b1_i2o, W2_i2o, b2_i2o,
              W1_red, b1_red, W2_red, b2_red):
    src = edge_index[0]
    dst = edge_index[1]
    # --- update_all(edge_msg_i, sum) over etype 'net_out' (src -> dst) ---
    x = jnp.concatenate([nf[src], nf[dst], nef], axis=1)
    efi = _mlp2(x, W1_o2i, b1_o2i, W2_o2i, b2_o2i)
    new_nf = jax.ops.segment_sum(efi, dst, num_segments=N)
    # --- 'net_in' etype modeled as the reversed edges: src' = dst, dst' = src ---
    x2 = jnp.concatenate([nf[dst], nf[src], nef], axis=1)
    y = _mlp2(x2, W1_i2o, b1_i2o, W2_i2o, b2_i2o)
    k = jax.nn.sigmoid(y[:, :1])
    f1 = y[:, 1:1 + H1]
    f2 = y[:, 1 + H1:1 + H1 + H2]
    efo1 = f1 * k
    efo2 = f2 * k
    nfo1 = jax.ops.segment_sum(efo1, src, num_segments=N)
    deg = jax.ops.segment_sum(jnp.ones((E,), jnp.float32), src, num_segments=N)
    nfo2 = jax.ops.segment_sum(efo2, src, num_segments=N) / jnp.maximum(deg, 1.0)[:, None]
    # --- apply_nodes(node_reduce_o) only on dst nodes of 'net_in' edges ---
    red = _mlp2(jnp.concatenate([new_nf, nfo1, nfo2], axis=1), W1_red, b1_red, W2_red, b2_red)
    out = jnp.where((deg > 0)[:, None], red, new_nf)
    return out

if __name__ == "__main__":
    import jax
    _d = setup_inputs()
    print(jax.jit(kernel)(*tuple(_d.values())))

</pallas_src>

<mosaic_0001>
#map = affine_map<(d0, d1) -> (0, 0)>
#map1 = affine_map<(d0, d1) -> (0)>
#map2 = affine_map<(d0, d1) -> (0, 0, 0)>
module attributes {stable_mosaic.version = 14 : i64} {
  func.func @_edge_sc_kernel(%arg0: i32, %arg1: i32, %arg2: memref<10000x32xf32, #tpu.memory_space<hbm>>, %arg3: memref<10000x32xf32, #tpu.memory_space<hbm>>, %arg4: memref<40000x128xf32, #tpu.memory_space<hbm>>, %arg5: memref<40000x128xf32, #tpu.memory_space<hbm>>, %arg6: memref<2x320000xi32, #tpu.memory_space<hbm>>, %arg7: memref<10112x32xf32, #tpu.memory_space<hbm>>, %arg8: memref<16xf32, #tpu.memory_space<hbm>>, %arg9: memref<16xf32, #tpu.memory_space<hbm>>, %arg10: memref<2x10112x32xf32, #tpu.memory_space<hbm>>, %arg11: memref<2x10112x32xf32, #tpu.memory_space<hbm>>, %arg12: memref<79x128xi32, #tpu.memory_space<vmem>>, %arg13: memref<79x128xi32, #tpu.memory_space<vmem>>, %arg14: memref<2x128x32xf32, #tpu.memory_space<vmem>>, %arg15: memref<2x128x32xf32, #tpu.memory_space<vmem>>, %arg16: memref<16x128xf32, #tpu.memory_space<vmem>>, %arg17: memref<16x128xf32, #tpu.memory_space<vmem>>, %arg18: memref<16x128xf32, #tpu.memory_space<vmem>>, %arg19: memref<16x128xf32, #tpu.memory_space<vmem>>, %arg20: memref<128x32xf32, #tpu.memory_space<vmem>>, %arg21: memref<128x32xf32, #tpu.memory_space<vmem>>, %arg22: memref<16xf32, #tpu.memory_space<vmem>>, %arg23: memref<16xf32, #tpu.memory_space<vmem>>, %arg24: memref<10112x32xf32, #tpu.memory_space<vmem_shared>>, %arg25: memref<10112x32xf32, #tpu.memory_space<vmem_shared>>, %arg26: memref<!tpu.dma_semaphore, #tpu.memory_space<semaphore_mem>>, %arg27: memref<!tpu.dma_semaphore, #tpu.memory_space<semaphore_mem>>, %arg28: memref<!tpu.dma_semaphore, #tpu.memory_space<semaphore_mem>>, %arg29: memref<!tpu.dma_semaphore, #tpu.memory_space<semaphore_mem>>, %arg30: memref<!tpu.dma_semaphore, #tpu.memory_space<semaphore_mem>>, %arg31: memref<!tpu.dma_semaphore, #tpu.memory_space<semaphore_mem>>, %arg32: memref<!tpu.dma_semaphore, #tpu.memory_space<semaphore_mem>>) attributes {dimension_semantics = [#tpu.dimension_semantics<core_parallel>, #tpu.dimension_semantics<subcore_parallel>], iteration_bounds = array<i64: 2, 16>, scalar_prefetch = 0 : i64, scratch_operands = 21 : i64, tpu.core_type = #tpu.core_type<sc_vector_subcore>, window_params = [{transform_indices = #map}, {transform_indices = #map}, {transform_indices = #map}, {transform_indices = #map}, {transform_indices = #map}, {transform_indices = #map}, {transform_indices = #map1}, {transform_indices = #map1}, {transform_indices = #map2}, {transform_indices = #map2}]} {
    %mul3A = arith.constant 2 : i32
    %mul3A_0 = arith.muli %arg1, %mul3A : i32
    %add3A = arith.addi %mul3A_0, %arg0 : i32
    %mul3A_1 = arith.constant 632 : i32
    %mul3A_2 = arith.muli %arg1, %mul3A_1 : i32
    %mul3A_3 = arith.constant 78 : i32
    %mul3A_4 = arith.muli %add3A, %mul3A_3 : i32
    "tpu.region"() ({
      %run_scoped3A = tpu.sem_alloc : memref<!tpu.dma_semaphore, #tpu.memory_space<semaphore_mem>>
      %dma_start3A_98 = arith.constant 0 : i32
      %dma_start3A_99 = tpu.memref_slice %arg24[%mul3A_2, %dma_start3A_98] : memref<10112x32xf32, #tpu.memory_space<vmem_shared>> -> memref<632x32xf32, #tpu.memory_space<vmem_shared>>
      %dma_start3A_100 = arith.constant 0 : i32
      %dma_start3A_101 = tpu.memref_slice %arg7[%mul3A_2, %dma_start3A_100] : memref<10112x32xf32, #tpu.memory_space<hbm>> -> memref<632x32xf32, #tpu.memory_space<hbm>>
      tpu.enqueue_dma source(%dma_start3A_101 : memref<632x32xf32, #tpu.memory_space<hbm>>) target(%dma_start3A_99 : memref<632x32xf32, #tpu.memory_space<vmem_shared>>) target_semaphore(%run_scoped3A : memref<!tpu.dma_semaphore, #tpu.memory_space<semaphore_mem>>)
      %dma_wait3A = arith.constant 0 : i32
      %dma_wait3A_102 = tpu.memref_slice %arg24[%mul3A_2, %dma_wait3A] : memref<10112x32xf32, #tpu.memory_space<vmem_shared>> -> memref<632x32xf32, #tpu.memory_space<vmem_shared>>
      %dma_wait3A_103 = arith.constant 0 : i32
      %dma_wait3A_104 = tpu.memref_slice %arg7[%mul3A_2, %dma_wait3A_103] : memref<10112x32xf32, #tpu.memory_space<hbm>> -> memref<632x32xf32, #tpu.memory_space<hbm>>
      tpu.wait_dma2 semaphore(%run_scoped3A : memref<!tpu.dma_semaphore, #tpu.memory_space<semaphore_mem>>) src(%dma_wait3A_104 : memref<632x32xf32, #tpu.memory_space<hbm>>) dst(%dma_wait3A_102 : memref<632x32xf32, #tpu.memory_space<vmem_shared>>)
      tpu.yield
    }) : () -> ()
    "tpu.region"() ({
      %run_scoped3A = tpu.sem_alloc : memref<!tpu.dma_semaphore, #tpu.memory_space<semaphore_mem>>
      %dma_start3A_98 = arith.constant 0 : i32
      %dma_start3A_99 = tpu.memref_slice %arg25[%mul3A_2, %dma_start3A_98] : memref<10112x32xf32, #tpu.memory_space<vmem_shared>> -> memref<632x32xf32, #tpu.memory_space<vmem_shared>>
      %dma_start3A_100 = arith.constant 0 : i32
      %dma_start3A_101 = tpu.memref_slice %arg7[%mul3A_2, %dma_start3A_100] : memref<10112x32xf32, #tpu.memory_space<hbm>> -> memref<632x32xf32, #tpu.memory_space<hbm>>
      tpu.enqueue_dma source(%dma_start3A_101 : memref<632x32xf32, #tpu.memory_space<hbm>>) target(%dma_start3A_99 : memref<632x32xf32, #tpu.memory_space<vmem_shared>>) target_semaphore(%run_scoped3A : memref<!tpu.dma_semaphore, #tpu.memory_space<semaphore_mem>>)
      %dma_wait3A = arith.constant 0 : i32
      %dma_wait3A_102 = tpu.memref_slice %arg25[%mul3A_2, %dma_wait3A] : memref<10112x32xf32, #tpu.memory_space<vmem_shared>> -> memref<632x32xf32, #tpu.memory_space<vmem_shared>>
      %dma_wait3A_103 = arith.constant 0 : i32
      %dma_wait3A_104 = tpu.memref_slice %arg7[%mul3A_2, %dma_wait3A_103] : memref<10112x32xf32, #tpu.memory_space<hbm>> -> memref<632x32xf32, #tpu.memory_space<hbm>>
      tpu.wait_dma2 semaphore(%run_scoped3A : memref<!tpu.dma_semaphore, #tpu.memory_space<semaphore_mem>>) src(%dma_wait3A_104 : memref<632x32xf32, #tpu.memory_space<hbm>>) dst(%dma_wait3A_102 : memref<632x32xf32, #tpu.memory_space<vmem_shared>>)
      tpu.yield
    }) : () -> ()
    "tpu.region"() ({
      %run_scoped3A = tpu.sem_alloc : memref<!tpu.dma_semaphore, #tpu.memory_space<semaphore_mem>>
      tpu.enqueue_dma source(%arg8 : memref<16xf32, #tpu.memory_space<hbm>>) target(%arg22 : memref<16xf32, #tpu.memory_space<vmem>>) target_semaphore(%run_scoped3A : memref<!tpu.dma_semaphore, #tpu.memory_space<semaphore_mem>>)
      tpu.wait_dma2 semaphore(%run_scoped3A : memref<!tpu.dma_semaphore, #tpu.memory_space<semaphore_mem>>) src(%arg8 : memref<16xf32, #tpu.memory_space<hbm>>) dst(%arg22 : memref<16xf32, #tpu.memory_space<vmem>>)
      tpu.yield
    }) : () -> ()
    "tpu.region"() ({
      %run_scoped3A = tpu.sem_alloc : memref<!tpu.dma_semaphore, #tpu.memory_space<semaphore_mem>>
      tpu.enqueue_dma source(%arg9 : memref<16xf32, #tpu.memory_space<hbm>>) target(%arg23 : memref<16xf32, #tpu.memory_space<vmem>>) target_semaphore(%run_scoped3A : memref<!tpu.dma_semaphore, #tpu.memory_space<semaphore_mem>>)
      tpu.wait_dma2 semaphore(%run_scoped3A : memref<!tpu.dma_semaphore, #tpu.memory_space<semaphore_mem>>) src(%arg9 : memref<16xf32, #tpu.memory_space<hbm>>) dst(%arg23 : memref<16xf32, #tpu.memory_space<vmem>>)
      tpu.yield
    }) : () -> ()
    %scan3A = arith.constant 0 : i32
    %scan3A_5 = arith.constant 0 : i32
    %scan3A_6 = arith.constant 78 : i32
    %scan3A_7 = arith.addi %scan3A_5, %scan3A_6 : i32
    %scan3A_8 = arith.constant 1 : i32
    scf.for %scan3A_98 = %scan3A_5 to %scan3A_7 step %scan3A_8  : i32 {
      %add3A_99 = arith.addi %mul3A_4, %scan3A_98 : i32
      %mul3A_100 = arith.constant 128 : i32
      %mul3A_101 = arith.muli %add3A_99, %mul3A_100 : i32
      %multiple_of3A_102 = tpu.assume_multiple %mul3A_101, 128 : i32
      %dma_start3A_103 = arith.constant 0 : i32
      %dma_start3A_104 = arith.constant 0 : i32
      %dma_start3A_105 = tpu.memref_slice %arg12[%scan3A_98, %dma_start3A_104] : memref<79x128xi32, #tpu.memory_space<vmem>> -> memref<1x128xi32, #tpu.memory_space<vmem>>
      %dma_start3A_106 = tpu.memref_squeeze %dma_start3A_105 : memref<1x128xi32, #tpu.memory_space<vmem>> -> memref<128xi32, #tpu.memory_space<vmem>>
      %dma_start3A_107 = tpu.memref_slice %arg6[%dma_start3A_103, %multiple_of3A_102] : memref<2x320000xi32, #tpu.memory_space<hbm>> -> memref<1x128xi32, #tpu.memory_space<hbm>>
      %dma_start3A_108 = tpu.memref_squeeze %dma_start3A_107 : memref<1x128xi32, #tpu.memory_space<hbm>> -> memref<128xi32, #tpu.memory_space<hbm>>
      %dma_start3A_109 = arith.constant 0 : i32
      %dma_start3A_110 = tpu.memref_slice %arg12[%scan3A_98, %dma_start3A_109] : memref<79x128xi32, #tpu.memory_space<vmem>> -> memref<1x128xi32, #tpu.memory_space<vmem>>
      %dma_start3A_111 = tpu.memref_squeeze %dma_start3A_110 : memref<1x128xi32, #tpu.memory_space<vmem>> -> memref<128xi32, #tpu.memory_space<vmem>>
      %dma_start3A_112 = tpu.memref_slice %arg6[%dma_start3A_103, %multiple_of3A_102] : memref<2x320000xi32, #tpu.memory_space<hbm>> -> memref<1x128xi32, #tpu.memory_space<hbm>>
      %dma_start3A_113 = tpu.memref_squeeze %dma_start3A_112 : memref<1x128xi32, #tpu.memory_space<hbm>> -> memref<128xi32, #tpu.memory_space<hbm>>
      tpu.enqueue_dma source(%dma_start3A_113 : memref<128xi32, #tpu.memory_space<hbm>>) target(%dma_start3A_111 : memref<128xi32, #tpu.memory_space<vmem>>) target_semaphore(%arg32 : memref<!tpu.dma_semaphore, #tpu.memory_space<semaphore_mem>>)
      %dma_start3A_114 = arith.constant 1 : i32
      %dma_start3A_115 = arith.constant 0 : i32
      %dma_start3A_116 = tpu.memref_slice %arg13[%scan3A_98, %dma_start3A_115] : memref<79x128xi32, #tpu.memory_space<vmem>> -> memref<1x128xi32, #tpu.memory_space<vmem>>
      %dma_start3A_117 = tpu.memref_squeeze %dma_start3A_116 : memref<1x128xi32, #tpu.memory_space<vmem>> -> memref<128xi32, #tpu.memory_space<vmem>>
      %dma_start3A_118 = tpu.memref_slice %arg6[%dma_start3A_114, %multiple_of3A_102] : memref<2x320000xi32, #tpu.memory_space<hbm>> -> memref<1x128xi32, #tpu.memory_space<hbm>>
      %dma_start3A_119 = tpu.memref_squeeze %dma_start3A_118 : memref<1x128xi32, #tpu.memory_space<hbm>> -> memref<128xi32, #tpu.memory_space<hbm>>
      %dma_start3A_120 = arith.constant 0 : i32
      %dma_start3A_121 = tpu.memref_slice %arg13[%scan3A_98, %dma_start3A_120] : memref<79x128xi32, #tpu.memory_space<vmem>> -> memref<1x128xi32, #tpu.memory_space<vmem>>
      %dma_start3A_122 = tpu.memref_squeeze %dma_start3A_121 : memref<1x128xi32, #tpu.memory_space<vmem>> -> memref<128xi32, #tpu.memory_space<vmem>>
      %dma_start3A_123 = tpu.memref_slice %arg6[%dma_start3A_114, %multiple_of3A_102] : memref<2x320000xi32, #tpu.memory_space<hbm>> -> memref<1x128xi32, #tpu.memory_space<hbm>>
      %dma_start3A_124 = tpu.memref_squeeze %dma_start3A_123 : memref<1x128xi32, #tpu.memory_space<hbm>> -> memref<128xi32, #tpu.memory_space<hbm>>
      tpu.enqueue_dma source(%dma_start3A_124 : memref<128xi32, #tpu.memory_space<hbm>>) target(%dma_start3A_122 : memref<128xi32, #tpu.memory_space<vmem>>) target_semaphore(%arg32 : memref<!tpu.dma_semaphore, #tpu.memory_space<semaphore_mem>>)
    }
    %scan3A_9 = arith.constant 78 : i32
    %lt3A = arith.constant 4 : i32
    %lt3A_10 = arith.cmpi slt, %add3A, %lt3A : i32
    %convert_element_type3A = arith.extui %lt3A_10 : i1 to i32
    %cond3A = arith.constant 0 : i32
    %cond3A_11 = arith.cmpi ne, %convert_element_type3A, %cond3A : i32
    scf.if %cond3A_11 {
      %add3A_98 = arith.constant 2496 : i32
      %add3A_99 = arith.addi %add3A_98, %add3A : i32
      %mul3A_100 = arith.constant 128 : i32
      %mul3A_101 = arith.muli %add3A_99, %mul3A_100 : i32
      %dma_start3A_102 = arith.constant 0 : i32
      %dma_start3A_103 = arith.constant 78 : i32
      %dma_start3A_104 = arith.constant 0 : i32
      %dma_start3A_105 = tpu.memref_slice %arg12[%dma_start3A_103, %dma_start3A_104] : memref<79x128xi32, #tpu.memory_space<vmem>> -> memref<1x128xi32, #tpu.memory_space<vmem>>
      %dma_start3A_106 = tpu.memref_squeeze %dma_start3A_105 : memref<1x128xi32, #tpu.memory_space<vmem>> -> memref<128xi32, #tpu.memory_space<vmem>>
      %dma_start3A_107 = tpu.memref_slice %arg6[%dma_start3A_102, %mul3A_101] : memref<2x320000xi32, #tpu.memory_space<hbm>> -> memref<1x128xi32, #tpu.memory_space<hbm>>
      %dma_start3A_108 = tpu.memref_squeeze %dma_start3A_107 : memref<1x128xi32, #tpu.memory_space<hbm>> -> memref<128xi32, #tpu.memory_space<hbm>>
      %dma_start3A_109 = arith.constant 0 : i32
      %dma_start3A_110 = tpu.memref_slice %arg12[%dma_start3A_103, %dma_start3A_109] : memref<79x128xi32, #tpu.memory_space<vmem>> -> memref<1x128xi32, #tpu.memory_space<vmem>>
      %dma_start3A_111 = tpu.memref_squeeze %dma_start3A_110 : memref<1x128xi32, #tpu.memory_space<vmem>> -> memref<128xi32, #tpu.memory_space<vmem>>
      %dma_start3A_112 = tpu.memref_slice %arg6[%dma_start3A_102, %mul3A_101] : memref<2x320000xi32, #tpu.memory_space<hbm>> -> memref<1x128xi32, #tpu.memory_space<hbm>>
      %dma_start3A_113 = tpu.memref_squeeze %dma_start3A_112 : memref<1x128xi32, #tpu.memory_space<hbm>> -> memref<128xi32, #tpu.memory_space<hbm>>
      tpu.enqueue_dma source(%dma_start3A_113 : memref<128xi32, #tpu.memory_space<hbm>>) target(%dma_start3A_111 : memref<128xi32, #tpu.memory_space<vmem>>) target_semaphore(%arg32 : memref<!tpu.dma_semaphore, #tpu.memory_space<semaphore_mem>>)
      %dma_start3A_114 = arith.constant 1 : i32
      %dma_start3A_115 = arith.constant 78 : i32
      %dma_start3A_116 = arith.constant 0 : i32
      %dma_start3A_117 = tpu.memref_slice %arg13[%dma_start3A_115, %dma_start3A_116] : memref<79x128xi32, #tpu.memory_space<vmem>> -> memref<1x128xi32, #tpu.memory_space<vmem>>
      %dma_start3A_118 = tpu.memref_squeeze %dma_start3A_117 : memref<1x128xi32, #tpu.memory_space<vmem>> -> memref<128xi32, #tpu.memory_space<vmem>>
      %dma_start3A_119 = tpu.memref_slice %arg6[%dma_start3A_114, %mul3A_101] : memref<2x320000xi32, #tpu.memory_space<hbm>> -> memref<1x128xi32, #tpu.memory_space<hbm>>
      %dma_start3A_120 = tpu.memref_squeeze %dma_start3A_119 : memref<1x128xi32, #tpu.memory_space<hbm>> -> memref<128xi32, #tpu.memory_space<hbm>>
      %dma_start3A_121 = arith.constant 0 : i32
      %dma_start3A_122 = tpu.memref_slice %arg13[%dma_start3A_115, %dma_start3A_121] : memref<79x128xi32, #tpu.memory_space<vmem>> -> memref<1x128xi32, #tpu.memory_space<vmem>>
      %dma_start3A_123 = tpu.memref_squeeze %dma_start3A_122 : memref<1x128xi32, #tpu.memory_space<vmem>> -> memref<128xi32, #tpu.memory_space<vmem>>
      %dma_start3A_124 = tpu.memref_slice %arg6[%dma_start3A_114, %mul3A_101] : memref<2x320000xi32, #tpu.memory_space<hbm>> -> memref<1x128xi32, #tpu.memory_space<hbm>>
      %dma_start3A_125 = tpu.memref_squeeze %dma_start3A_124 : memref<1x128xi32, #tpu.memory_space<hbm>> -> memref<128xi32, #tpu.memory_space<hbm>>
      tpu.enqueue_dma source(%dma_start3A_125 : memref<128xi32, #tpu.memory_space<hbm>>) target(%dma_start3A_123 : memref<128xi32, #tpu.memory_space<vmem>>) target_semaphore(%arg32 : memref<!tpu.dma_semaphore, #tpu.memory_space<semaphore_mem>>)
      %dma_wait3A = arith.constant 0 : i32
      %dma_wait3A_126 = arith.constant 78 : i32
      %dma_wait3A_127 = arith.constant 0 : i32
      %dma_wait3A_128 = tpu.memref_slice %arg12[%dma_wait3A_126, %dma_wait3A_127] : memref<79x128xi32, #tpu.memory_space<vmem>> -> memref<1x128xi32, #tpu.memory_space<vmem>>
      %dma_wait3A_129 = tpu.memref_squeeze %dma_wait3A_128 : memref<1x128xi32, #tpu.memory_space<vmem>> -> memref<128xi32, #tpu.memory_space<vmem>>
      %dma_wait3A_130 = tpu.memref_slice %arg6[%dma_wait3A, %mul3A_101] : memref<2x320000xi32, #tpu.memory_space<hbm>> -> memref<1x128xi32, #tpu.memory_space<hbm>>
      %dma_wait3A_131 = tpu.memref_squeeze %dma_wait3A_130 : memref<1x128xi32, #tpu.memory_space<hbm>> -> memref<128xi32, #tpu.memory_space<hbm>>
      %dma_wait3A_132 = arith.constant 0 : i32
      %dma_wait3A_133 = tpu.memref_slice %arg12[%dma_wait3A_126, %dma_wait3A_132] : memref<79x128xi32, #tpu.memory_space<vmem>> -> memref<1x128xi32, #tpu.memory_space<vmem>>
      %dma_wait3A_134 = tpu.memref_squeeze %dma_wait3A_133 : memref<1x128xi32, #tpu.memory_space<vmem>> -> memref<128xi32, #tpu.memory_space<vmem>>
      %dma_wait3A_135 = tpu.memref_slice %arg6[%dma_wait3A, %mul3A_101] : memref<2x320000xi32, #tpu.memory_space<hbm>> -> memref<1x128xi32, #tpu.memory_space<hbm>>
      %dma_wait3A_136 = tpu.memref_squeeze %dma_wait3A_135 : memref<1x128xi32, #tpu.memory_space<hbm>> -> memref<128xi32, #tpu.memory_space<hbm>>
      tpu.wait_dma2 semaphore(%arg32 : memref<!tpu.dma_semaphore, #tpu.memory_space<semaphore_mem>>) src(%dma_wait3A_136 : memref<128xi32, #tpu.memory_space<hbm>>) dst(%dma_wait3A_134 : memref<128xi32, #tpu.memory_space<vmem>>)
      %dma_wait3A_137 = arith.constant 1 : i32
      %dma_wait3A_138 = arith.constant 78 : i32
      %dma_wait3A_139 = arith.constant 0 : i32
      %dma_wait3A_140 = tpu.memref_slice %arg13[%dma_wait3A_138, %dma_wait3A_139] : memref<79x128xi32, #tpu.memory_space<vmem>> -> memref<1x128xi32, #tpu.memory_space<vmem>>
      %dma_wait3A_141 = tpu.memref_squeeze %dma_wait3A_140 : memref<1x128xi32, #tpu.memory_space<vmem>> -> memref<128xi32, #tpu.memory_space<vmem>>
      %dma_wait3A_142 = tpu.memref_slice %arg6[%dma_wait3A_137, %mul3A_101] : memref<2x320000xi32, #tpu.memory_space<hbm>> -> memref<1x128xi32, #tpu.memory_space<hbm>>
      %dma_wait3A_143 = tpu.memref_squeeze %dma_wait3A_142 : memref<1x128xi32, #tpu.memory_space<hbm>> -> memref<128xi32, #tpu.memory_space<hbm>>
      %dma_wait3A_144 = arith.constant 0 : i32
      %dma_wait3A_145 = tpu.memref_slice %arg13[%dma_wait3A_138, %dma_wait3A_144] : memref<79x128xi32, #tpu.memory_space<vmem>> -> memref<1x128xi32, #tpu.memory_space<vmem>>
      %dma_wait3A_146 = tpu.memref_squeeze %dma_wait3A_145 : memref<1x128xi32, #tpu.memory_space<vmem>> -> memref<128xi32, #tpu.memory_space<vmem>>
      %dma_wait3A_147 = tpu.memref_slice %arg6[%dma_wait3A_137, %mul3A_101] : memref<2x320000xi32, #tpu.memory_space<hbm>> -> memref<1x128xi32, #tpu.memory_space<hbm>>
      %dma_wait3A_148 = tpu.memref_squeeze %dma_wait3A_147 : memref<1x128xi32, #tpu.memory_space<hbm>> -> memref<128xi32, #tpu.memory_space<hbm>>
      tpu.wait_dma2 semaphore(%arg32 : memref<!tpu.dma_semaphore, #tpu.memory_space<semaphore_mem>>) src(%dma_wait3A_148 : memref<128xi32, #tpu.memory_space<hbm>>) dst(%dma_wait3A_146 : memref<128xi32, #tpu.memory_space<vmem>>)
    } else {
    }
    %scan3A_12 = arith.constant 0 : i32
    %scan3A_13 = arith.constant 0 : i32
    %scan3A_14 = arith.constant 78 : i32
    %scan3A_15 = arith.addi %scan3A_13, %scan3A_14 : i32
    %scan3A_16 = arith.constant 1 : i32
    scf.for %scan3A_98 = %scan3A_13 to %scan3A_15 step %scan3A_16  : i32 {
      %add3A_99 = arith.addi %mul3A_4, %scan3A_98 : i32
      %mul3A_100 = arith.constant 128 : i32
      %mul3A_101 = arith.muli %add3A_99, %mul3A_100 : i32
      %multiple_of3A_102 = tpu.assume_multiple %mul3A_101, 128 : i32
      %dma_wait3A = arith.constant 0 : i32
      %dma_wait3A_103 = arith.constant 0 : i32
      %dma_wait3A_104 = tpu.memref_slice %arg12[%scan3A_98, %dma_wait3A_103] : memref<79x128xi32, #tpu.memory_space<vmem>> -> memref<1x128xi32, #tpu.memory_space<vmem>>
      %dma_wait3A_105 = tpu.memref_squeeze %dma_wait3A_104 : memref<1x128xi32, #tpu.memory_space<vmem>> -> memref<128xi32, #tpu.memory_space<vmem>>
      %dma_wait3A_106 = tpu.memref_slice %arg6[%dma_wait3A, %multiple_of3A_102] : memref<2x320000xi32, #tpu.memory_space<hbm>> -> memref<1x128xi32, #tpu.memory_space<hbm>>
      %dma_wait3A_107 = tpu.memref_squeeze %dma_wait3A_106 : memref<1x128xi32, #tpu.memory_space<hbm>> -> memref<128xi32, #tpu.memory_space<hbm>>
      %dma_wait3A_108 = arith.constant 0 : i32
      %dma_wait3A_109 = tpu.memref_slice %arg12[%scan3A_98, %dma_wait3A_108] : memref<79x128xi32, #tpu.memory_space<vmem>> -> memref<1x128xi32, #tpu.memory_space<vmem>>
      %dma_wait3A_110 = tpu.memref_squeeze %dma_wait3A_109 : memref<1x128xi32, #tpu.memory_space<vmem>> -> memref<128xi32, #tpu.memory_space<vmem>>
      %dma_wait3A_111 = tpu.memref_slice %arg6[%dma_wait3A, %multiple_of3A_102] : memref<2x320000xi32, #tpu.memory_space<hbm>> -> memref<1x128xi32, #tpu.memory_space<hbm>>
      %dma_wait3A_112 = tpu.memref_squeeze %dma_wait3A_111 : memref<1x128xi32, #tpu.memory_space<hbm>> -> memref<128xi32, #tpu.memory_space<hbm>>
      tpu.wait_dma2 semaphore(%arg32 : memref<!tpu.dma_semaphore, #tpu.memory_space<semaphore_mem>>) src(%dma_wait3A_112 : memref<128xi32, #tpu.memory_space<hbm>>) dst(%dma_wait3A_110 : memref<128xi32, #tpu.memory_space<vmem>>)
      %dma_wait3A_113 = arith.constant 1 : i32
      %dma_wait3A_114 = arith.constant 0 : i32
      %dma_wait3A_115 = tpu.memref_slice %arg13[%scan3A_98, %dma_wait3A_114] : memref<79x128xi32, #tpu.memory_space<vmem>> -> memref<1x128xi32, #tpu.memory_space<vmem>>
      %dma_wait3A_116 = tpu.memref_squeeze %dma_wait3A_115 : memref<1x128xi32, #tpu.memory_space<vmem>> -> memref<128xi32, #tpu.memory_space<vmem>>
      %dma_wait3A_117 = tpu.memref_slice %arg6[%dma_wait3A_113, %multiple_of3A_102] : memref<2x320000xi32, #tpu.memory_space<hbm>> -> memref<1x128xi32, #tpu.memory_space<hbm>>
      %dma_wait3A_118 = tpu.memref_squeeze %dma_wait3A_117 : memref<1x128xi32, #tpu.memory_space<hbm>> -> memref<128xi32, #tpu.memory_space<hbm>>
      %dma_wait3A_119 = arith.constant 0 : i32
      %dma_wait3A_120 = tpu.memref_slice %arg13[%scan3A_98, %dma_wait3A_119] : memref<79x128xi32, #tpu.memory_space<vmem>> -> memref<1x128xi32, #tpu.memory_space<vmem>>
      %dma_wait3A_121 = tpu.memref_squeeze %dma_wait3A_120 : memref<1x128xi32, #tpu.memory_space<vmem>> -> memref<128xi32, #tpu.memory_space<vmem>>
      %dma_wait3A_122 = tpu.memref_slice %arg6[%dma_wait3A_113, %multiple_of3A_102] : memref<2x320000xi32, #tpu.memory_space<hbm>> -> memref<1x128xi32, #tpu.memory_space<hbm>>
      %dma_wait3A_123 = tpu.memref_squeeze %dma_wait3A_122 : memref<1x128xi32, #tpu.memory_space<hbm>> -> memref<128xi32, #tpu.memory_space<hbm>>
      tpu.wait_dma2 semaphore(%arg32 : memref<!tpu.dma_semaphore, #tpu.memory_space<semaphore_mem>>) src(%dma_wait3A_123 : memref<128xi32, #tpu.memory_space<hbm>>) dst(%dma_wait3A_121 : memref<128xi32, #tpu.memory_space<vmem>>)
    }
    %scan3A_17 = arith.constant 78 : i32
    %barrier3A = arith.constant 0 : index
    tpu.barrier barrier_id(%barrier3A)
    %get3A = arith.constant 0 : index
    %get3A_18 = tpu.vector_load %arg22[%get3A] {strides = array<i32>} : memref<16xf32, #tpu.memory_space<vmem>>, vector<16xf32>,
    %get3A_19 = vector.shape_cast %get3A_18 : vector<16xf32> to vector<16xf32>
    %get3A_20 = arith.constant 0 : index
    %get3A_21 = tpu.vector_load %arg23[%get3A_20] {strides = array<i32>} : memref<16xf32, #tpu.memory_space<vmem>>, vector<16xf32>,
    %get3A_22 = vector.shape_cast %get3A_21 : vector<16xf32> to vector<16xf32>
    %iota3A = tpu.iota {dimensions = array<i32: 0>} : vector<16xi32>
    %broadcast_in_dim3A = arith.constant 1.000000e+00 : f32
    %broadcast_in_dim3A_23 = vector.broadcast %broadcast_in_dim3A : f32 to vector<16xf32>
    %broadcast_in_dim3A_24 = arith.constant 0.000000e+00 : f32
    %broadcast_in_dim3A_25 = vector.broadcast %broadcast_in_dim3A_24 : f32 to vector<16xf32>
    %eq3A = arith.constant 0 : i32
    %eq3A_26 = vector.broadcast %eq3A : i32 to vector<16xi32>
    %eq3A_27 = arith.cmpi eq, %iota3A, %eq3A_26 : vector<16xi32>
    %select_n3A = arith.select %eq3A_27, %broadcast_in_dim3A_23, %broadcast_in_dim3A_25 : vector<16xi1>, vector<16xf32>
    %xor3A = arith.constant 1 : i32
    %xor3A_28 = vector.broadcast %xor3A : i32 to vector<16xi32>
    %xor3A_29 = arith.xori %iota3A, %xor3A_28 : vector<16xi32>
    %xor3A_30 = arith.constant 2 : i32
    %xor3A_31 = vector.broadcast %xor3A_30 : i32 to vector<16xi32>
    %xor3A_32 = arith.xori %iota3A, %xor3A_31 : vector<16xi32>
    %xor3A_33 = arith.constant 4 : i32
    %xor3A_34 = vector.broadcast %xor3A_33 : i32 to vector<16xi32>
    %xor3A_35 = arith.xori %iota3A, %xor3A_34 : vector<16xi32>
    %xor3A_36 = arith.constant 8 : i32
    %xor3A_37 = vector.broadcast %xor3A_36 : i32 to vector<16xi32>
    %xor3A_38 = arith.xori %iota3A, %xor3A_37 : vector<16xi32>
    %scan3A_39 = arith.constant 0 : i32
    %scan3A_40 = arith.constant 0 : i32
    %scan3A_41 = arith.constant 128 : i32
    %scan3A_42 = arith.addi %scan3A_40, %scan3A_41 : i32
    %scan3A_43 = arith.constant 1 : i32
    scf.for %scan3A_98 = %scan3A_40 to %scan3A_42 step %scan3A_43  : i32 {
      %swap3A = arith.index_cast %scan3A_98 : i32 to index
      %swap3A_99 = arith.constant 16 : index
      %swap3A_100 = tpu.vector_load %arg20[%swap3A, %swap3A_99] {strides = array<i32>} : memref<128x32xf32, #tpu.memory_space<vmem>>, vector<1x16xf32>,
      %swap3A_101 = vector.shape_cast %swap3A_100 : vector<1x16xf32> to vector<16xf32>
      %swap3A_102 = vector.shape_cast %select_n3A : vector<16xf32> to vector<1x16xf32>
      tpu.vector_store %arg20[%swap3A, %swap3A_99], %swap3A_102 {strides = array<i32>} : memref<128x32xf32, #tpu.memory_space<vmem>>, vector<1x16xf32>,
    }
    %scan3A_44 = arith.constant 128 : i32
    %add3A_45 = arith.constant 0 : i32
    %add3A_46 = arith.addi %mul3A_4, %add3A_45 : i32
    %mul3A_47 = arith.constant 16 : i32
    %mul3A_48 = arith.muli %add3A_46, %mul3A_47 : i32
    %multiple_of3A = tpu.assume_multiple %mul3A_48, 16 : i32
    %dma_start3A = arith.constant 0 : i32
    %dma_start3A_49 = arith.constant 0 : i32
    %dma_start3A_50 = arith.constant 0 : i32
    %dma_start3A_51 = arith.constant 0 : i32
    %dma_start3A_52 = tpu.memref_slice %arg14[%dma_start3A_49, %dma_start3A_50, %dma_start3A_51] : memref<2x128x32xf32, #tpu.memory_space<vmem>> -> memref<1x128x32xf32, #tpu.memory_space<vmem>>
    %dma_start3A_53 = tpu.memref_squeeze %dma_start3A_52 : memref<1x128x32xf32, #tpu.memory_space<vmem>> -> memref<128x32xf32, #tpu.memory_space<vmem>>
    %dma_start3A_54 = arith.constant 0 : i32
    %dma_start3A_55 = tpu.memref_slice %arg12[%dma_start3A, %dma_start3A_54] : memref<79x128xi32, #tpu.memory_space<vmem>> -> memref<1x128xi32, #tpu.memory_space<vmem>>
    %dma_start3A_56 = tpu.memref_squeeze %dma_start3A_55 : memref<1x128xi32, #tpu.memory_space<vmem>> -> memref<128xi32, #tpu.memory_space<vmem>>
    %dma_start3A_57 = arith.constant 0 : i32
    %dma_start3A_58 = arith.constant 0 : i32
    %dma_start3A_59 = tpu.memref_slice %arg2[%dma_start3A_57, %dma_start3A_58] : memref<10000x32xf32, #tpu.memory_space<hbm>> -> memref<10000x32xf32, #tpu.memory_space<hbm>>
    tpu.enqueue_indirect_dma source(%dma_start3A_59 : memref<10000x32xf32, #tpu.memory_space<hbm>>) target(%dma_start3A_53 : memref<128x32xf32, #tpu.memory_space<vmem>>) offsets(%dma_start3A_56 : memref<128xi32, #tpu.memory_space<vmem>>) semaphore(%arg26 : memref<!tpu.dma_semaphore, #tpu.memory_space<semaphore_mem>>)
    %dma_start3A_60 = arith.constant 0 : i32
    %dma_start3A_61 = arith.constant 0 : i32
    %dma_start3A_62 = arith.constant 0 : i32
    %dma_start3A_63 = arith.constant 0 : i32
    %dma_start3A_64 = tpu.memref_slice %arg15[%dma_start3A_61, %dma_start3A_62, %dma_start3A_63] : memref<2x128x32xf32, #tpu.memory_space<vmem>> -> memref<1x128x32xf32, #tpu.memory_space<vmem>>
    %dma_start3A_65 = tpu.memref_squeeze %dma_start3A_64 : memref<1x128x32xf32, #tpu.memory_space<vmem>> -> memref<128x32xf32, #tpu.memory_space<vmem>>
    %dma_start3A_66 = arith.constant 0 : i32
    %dma_start3A_67 = tpu.memref_slice %arg13[%dma_start3A_60, %dma_start3A_66] : memref<79x128xi32, #tpu.memory_space<vmem>> -> memref<1x128xi32, #tpu.memory_space<vmem>>
    %dma_start3A_68 = tpu.memref_squeeze %dma_start3A_67 : memref<1x128xi32, #tpu.memory_space<vmem>> -> memref<128xi32, #tpu.memory_space<vmem>>
    %dma_start3A_69 = arith.constant 0 : i32
    %dma_start3A_70 = arith.constant 0 : i32
    %dma_start3A_71 = tpu.memref_slice %arg3[%dma_start3A_69, %dma_start3A_70] : memref<10000x32xf32, #tpu.memory_space<hbm>> -> memref<10000x32xf32, #tpu.memory_space<hbm>>
    tpu.enqueue_indirect_dma source(%dma_start3A_71 : memref<10000x32xf32, #tpu.memory_space<hbm>>) target(%dma_start3A_65 : memref<128x32xf32, #tpu.memory_space<vmem>>) offsets(%dma_start3A_68 : memref<128xi32, #tpu.memory_space<vmem>>) semaphore(%arg28 : memref<!tpu.dma_semaphore, #tpu.memory_space<semaphore_mem>>)
    %dma_start3A_72 = arith.constant 0 : i32
    %dma_start3A_73 = tpu.memref_slice %arg4[%multiple_of3A, %dma_start3A_72] : memref<40000x128xf32, #tpu.memory_space<hbm>> -> memref<16x128xf32, #tpu.memory_space<hbm>>
    %dma_start3A_74 = arith.constant 0 : i32
    %dma_start3A_75 = tpu.memref_slice %arg4[%multiple_of3A, %dma_start3A_74] : memref<40000x128xf32, #tpu.memory_space<hbm>> -> memref<16x128xf32, #tpu.memory_space<hbm>>
    tpu.enqueue_dma source(%dma_start3A_75 : memref<16x128xf32, #tpu.memory_space<hbm>>) target(%arg16 : memref<16x128xf32, #tpu.memory_space<vmem>>) target_semaphore(%arg30 : memref<!tpu.dma_semaphore, #tpu.memory_space<semaphore_mem>>)
    %dma_start3A_76 = arith.constant 0 : i32
    %dma_start3A_77 = tpu.memref_slice %arg5[%multiple_of3A, %dma_start3A_76] : memref<40000x128xf32, #tpu.memory_space<hbm>> -> memref<16x128xf32, #tpu.memory_space<hbm>>
    %dma_start3A_78 = arith.constant 0 : i32
    %dma_start3A_79 = tpu.memref_slice %arg5[%multiple_of3A, %dma_start3A_78] : memref<40000x128xf32, #tpu.memory_space<hbm>> -> memref<16x128xf32, #tpu.memory_space<hbm>>
    tpu.enqueue_dma source(%dma_start3A_79 : memref<16x128xf32, #tpu.memory_space<hbm>>) target(%arg18 : memref<16x128xf32, #tpu.memory_space<vmem>>) target_semaphore(%arg30 : memref<!tpu.dma_semaphore, #tpu.memory_space<semaphore_mem>>)
    %scan3A_80 = arith.constant 0 : i32
    %scan3A_81 = arith.constant 1 : i32
    %scan3A_82 = arith.constant 1 : i32
    %scan3A_83 = arith.constant 0 : i32
    %scan3A_84 = arith.constant 0 : i32
    %scan3A_85 = arith.constant 0 : i32
    %scan3A_86 = arith.constant 39 : i32
    %scan3A_87 = arith.addi %scan3A_85, %scan3A_86 : i32
    %scan3A_88 = arith.constant 1 : i32
    scf.for %scan3A_98 = %scan3A_85 to %scan3A_87 step %scan3A_88  : i32 {
      %mul3A_99 = arith.constant 2 : i32
      %mul3A_100 = arith.muli %mul3A_99, %scan3A_98 : i32
      %add3A_101 = arith.constant 1 : i32
      %add3A_102 = arith.addi %mul3A_100, %add3A_101 : i32
      %add3A_103 = arith.addi %mul3A_4, %add3A_102 : i32
      %mul3A_104 = arith.constant 16 : i32
      %mul3A_105 = arith.muli %add3A_103, %mul3A_104 : i32
      %multiple_of3A_106 = tpu.assume_multiple %mul3A_105, 16 : i32
      %dma_start3A_107 = arith.constant 0 : i32
      %dma_start3A_108 = arith.constant 0 : i32
      %dma_start3A_109 = tpu.memref_slice %arg14[%scan3A_81, %dma_start3A_107, %dma_start3A_108] : memref<2x128x32xf32, #tpu.memory_space<vmem>> -> memref<1x128x32xf32, #tpu.memory_space<vmem>>
      %dma_start3A_110 = tpu.memref_squeeze %dma_start3A_109 : memref<1x128x32xf32, #tpu.memory_space<vmem>> -> memref<128x32xf32, #tpu.memory_space<vmem>>
      %dma_start3A_111 = arith.constant 0 : i32
      %dma_start3A_112 = tpu.memref_slice %arg12[%add3A_102, %dma_start3A_111] : memref<79x128xi32, #tpu.memory_space<vmem>> -> memref<1x128xi32, #tpu.memory_space<vmem>>
      %dma_start3A_113 = tpu.memref_squeeze %dma_start3A_112 : memref<1x128xi32, #tpu.memory_space<vmem>> -> memref<128xi32, #tpu.memory_space<vmem>>
      %dma_start3A_114 = arith.constant 0 : i32
      %dma_start3A_115 = arith.constant 0 : i32
      %dma_start3A_116 = tpu.memref_slice %arg2[%dma_start3A_114, %dma_start3A_115] : memref<10000x32xf32, #tpu.memory_space<hbm>> -> memref<10000x32xf32, #tpu.memory_space<hbm>>
      tpu.enqueue_indirect_dma source(%dma_start3A_116 : memref<10000x32xf32, #tpu.memory_space<hbm>>) target(%dma_start3A_110 : memref<128x32xf32, #tpu.memory_space<vmem>>) offsets(%dma_start3A_113 : memref<128xi32, #tpu.memory_space<vmem>>) semaphore(%arg27 : memref<!tpu.dma_semaphore, #tpu.memory_space<semaphore_mem>>)
      %dma_start3A_117 = arith.constant 0 : i32
      %dma_start3A_118 = arith.constant 0 : i32
      %dma_start3A_119 = tpu.memref_slice %arg15[%scan3A_82, %dma_start3A_117, %dma_start3A_118] : memref<2x128x32xf32, #tpu.memory_space<vmem>> -> memref<1x128x32xf32, #tpu.memory_space<vmem>>
      %dma_start3A_120 = tpu.memref_squeeze %dma_start3A_119 : memref<1x128x32xf32, #tpu.memory_space<vmem>> -> memref<128x32xf32, #tpu.memory_space<vmem>>
      %dma_start3A_121 = arith.constant 0 : i32
      %dma_start3A_122 = tpu.memref_slice %arg13[%add3A_102, %dma_start3A_121] : memref<79x128xi32, #tpu.memory_space<vmem>> -> memref<1x128xi32, #tpu.memory_space<vmem>>
      %dma_start3A_123 = tpu.memref_squeeze %dma_start3A_122 : memref<1x128xi32, #tpu.memory_space<vmem>> -> memref<128xi32, #tpu.memory_space<vmem>>
      %dma_start3A_124 = arith.constant 0 : i32
      %dma_start3A_125 = arith.constant 0 : i32
      %dma_start3A_126 = tpu.memref_slice %arg3[%dma_start3A_124, %dma_start3A_125] : memref<10000x32xf32, #tpu.memory_space<hbm>> -> memref<10000x32xf32, #tpu.memory_space<hbm>>
      tpu.enqueue_indirect_dma source(%dma_start3A_126 : memref<10000x32xf32, #tpu.memory_space<hbm>>) target(%dma_start3A_120 : memref<128x32xf32, #tpu.memory_space<vmem>>) offsets(%dma_start3A_123 : memref<128xi32, #tpu.memory_space<vmem>>) semaphore(%arg29 : memref<!tpu.dma_semaphore, #tpu.memory_space<semaphore_mem>>)
      %dma_start3A_127 = arith.constant 0 : i32
      %dma_start3A_128 = tpu.memref_slice %arg4[%multiple_of3A_106, %dma_start3A_127] : memref<40000x128xf32, #tpu.memory_space<hbm>> -> memref<16x128xf32, #tpu.memory_space<hbm>>
      %dma_start3A_129 = arith.constant 0 : i32
      %dma_start3A_130 = tpu.memref_slice %arg4[%multiple_of3A_106, %dma_start3A_129] : memref<40000x128xf32, #tpu.memory_space<hbm>> -> memref<16x128xf32, #tpu.memory_space<hbm>>
      tpu.enqueue_dma source(%dma_start3A_130 : memref<16x128xf32, #tpu.memory_space<hbm>>) target(%arg17 : memref<16x128xf32, #tpu.memory_space<vmem>>) target_semaphore(%arg31 : memref<!tpu.dma_semaphore, #tpu.memory_space<semaphore_mem>>)
      %dma_start3A_131 = arith.constant 0 : i32
      %dma_start3A_132 = tpu.memref_slice %arg5[%multiple_of3A_106, %dma_start3A_131] : memref<40000x128xf32, #tpu.memory_space<hbm>> -> memref<16x128xf32, #tpu.memory_space<hbm>>
      %dma_start3A_133 = arith.constant 0 : i32
      %dma_start3A_134 = tpu.memref_slice %arg5[%multiple_of3A_106, %dma_start3A_133] : memref<40000x128xf32, #tpu.memory_space<hbm>> -> memref<16x128xf32, #tpu.memory_space<hbm>>
      tpu.enqueue_dma source(%dma_start3A_134 : memref<16x128xf32, #tpu.memory_space<hbm>>) target(%arg19 : memref<16x128xf32, #tpu.memory_space<vmem>>) target_semaphore(%arg31 : memref<!tpu.dma_semaphore, #tpu.memory_space<semaphore_mem>>)
      %add3A_135 = arith.addi %mul3A_4, %mul3A_100 : i32
      %mul3A_136 = arith.constant 16 : i32
      %mul3A_137 = arith.muli %add3A_135, %mul3A_136 : i32
      %multiple_of3A_138 = tpu.assume_multiple %mul3A_137, 16 : i32
      %dma_wait3A = arith.constant 0 : i32
      %dma_wait3A_139 = arith.constant 0 : i32
      %dma_wait3A_140 = tpu.memref_slice %arg14[%scan3A_83, %dma_wait3A, %dma_wait3A_139] : memref<2x128x32xf32, #tpu.memory_space<vmem>> -> memref<1x128x32xf32, #tpu.memory_space<vmem>>
      %dma_wait3A_141 = tpu.memref_squeeze %dma_wait3A_140 : memref<1x128x32xf32, #tpu.memory_space<vmem>> -> memref<128x32xf32, #tpu.memory_space<vmem>>
      %dma_wait3A_142 = arith.constant 0 : i32
      %dma_wait3A_143 = tpu.memref_slice %arg12[%mul3A_100, %dma_wait3A_142] : memref<79x128xi32, #tpu.memory_space<vmem>> -> memref<1x128xi32, #tpu.memory_space<vmem>>
      %dma_wait3A_144 = tpu.memref_squeeze %dma_wait3A_143 : memref<1x128xi32, #tpu.memory_space<vmem>> -> memref<128xi32, #tpu.memory_space<vmem>>
      %dma_wait3A_145 = arith.constant 0 : i32
      %dma_wait3A_146 = arith.constant 0 : i32
      %dma_wait3A_147 = tpu.memref_slice %arg2[%dma_wait3A_145, %dma_wait3A_146] : memref<10000x32xf32, #tpu.memory_space<hbm>> -> memref<10000x32xf32, #tpu.memory_space<hbm>>
      tpu.wait_indirect_dma semaphore(%arg26 : memref<!tpu.dma_semaphore, #tpu.memory_space<semaphore_mem>>) src(%dma_wait3A_147 : memref<10000x32xf32, #tpu.memory_space<hbm>>) dst(%dma_wait3A_141 : memref<128x32xf32, #tpu.memory_space<vmem>>)
      %dma_wait3A_148 = arith.constant 0 : i32
      %dma_wait3A_149 = arith.constant 0 : i32
      %dma_wait3A_150 = tpu.memref_slice %arg15[%scan3A_84, %dma_wait3A_148, %dma_wait3A_149] : memref<2x128x32xf32, #tpu.memory_space<vmem>> -> memref<1x128x32xf32, #tpu.memory_space<vmem>>
      %dma_wait3A_151 = tpu.memref_squeeze %dma_wait3A_150 : memref<1x128x32xf32, #tpu.memory_space<vmem>> -> memref<128x32xf32, #tpu.memory_space<vmem>>
      %dma_wait3A_152 = arith.constant 0 : i32
      %dma_wait3A_153 = tpu.memref_slice %arg13[%mul3A_100, %dma_wait3A_152] : memref<79x128xi32, #tpu.memory_space<vmem>> -> memref<1x128xi32, #tpu.memory_space<vmem>>
      %dma_wait3A_154 = tpu.memref_squeeze %dma_wait3A_153 : memref<1x128xi32, #tpu.memory_space<vmem>> -> memref<128xi32, #tpu.memory_space<vmem>>
      %dma_wait3A_155 = arith.constant 0 : i32
      %dma_wait3A_156 = arith.constant 0 : i32
      %dma_wait3A_157 = tpu.memref_slice %arg3[%dma_wait3A_155, %dma_wait3A_156] : memref<10000x32xf32, #tpu.memory_space<hbm>> -> memref<10000x32xf32, #tpu.memory_space<hbm>>
      tpu.wait_indirect_dma semaphore(%arg28 : memref<!tpu.dma_semaphore, #tpu.memory_space<semaphore_mem>>) src(%dma_wait3A_157 : memref<10000x32xf32, #tpu.memory_space<hbm>>) dst(%dma_wait3A_151 : memref<128x32xf32, #tpu.memory_space<vmem>>)
      %dma_wait3A_158 = arith.constant 0 : i32
      %dma_wait3A_159 = tpu.memref_slice %arg4[%multiple_of3A_138, %dma_wait3A_158] : memref<40000x128xf32, #tpu.memory_space<hbm>> -> memref<16x128xf32, #tpu.memory_space<hbm>>
      %dma_wait3A_160 = arith.constant 0 : i32
      %dma_wait3A_161 = tpu.memref_slice %arg4[%multiple_of3A_138, %dma_wait3A_160] : memref<40000x128xf32, #tpu.memory_space<hbm>> -> memref<16x128xf32, #tpu.memory_space<hbm>>
      tpu.wait_dma2 semaphore(%arg30 : memref<!tpu.dma_semaphore, #tpu.memory_space<semaphore_mem>>) src(%dma_wait3A_161 : memref<16x128xf32, #tpu.memory_space<hbm>>) dst(%arg16 : memref<16x128xf32, #tpu.memory_space<vmem>>)
      %dma_wait3A_162 = arith.constant 0 : i32
      %dma_wait3A_163 = tpu.memref_slice %arg5[%multiple_of3A_138, %dma_wait3A_162] : memref<40000x128xf32, #tpu.memory_space<hbm>> -> memref<16x128xf32, #tpu.memory_space<hbm>>
      %dma_wait3A_164 = arith.constant 0 : i32
      %dma_wait3A_165 = tpu.memref_slice %arg5[%multiple_of3A_138, %dma_wait3A_164] : memref<40000x128xf32, #tpu.memory_space<hbm>> -> memref<16x128xf32, #tpu.memory_space<hbm>>
      tpu.wait_dma2 semaphore(%arg30 : memref<!tpu.dma_semaphore, #tpu.memory_space<semaphore_mem>>) src(%dma_wait3A_165 : memref<16x128xf32, #tpu.memory_space<hbm>>) dst(%arg18 : memref<16x128xf32, #tpu.memory_space<vmem>>)
      %scan3A_166 = arith.constant 0 : i32
      %scan3A_167 = arith.constant 0 : i32
      %scan3A_168 = arith.constant 16 : i32
      %scan3A_169 = arith.addi %scan3A_167, %scan3A_168 : i32
      %scan3A_170 = arith.constant 1 : i32
      scf.for %scan3A_215 = %scan3A_167 to %scan3A_169 step %scan3A_170  : i32 {
        %mul3A_216 = arith.constant 8 : i32
        %mul3A_217 = arith.muli %scan3A_215, %mul3A_216 : i32
        %add3A_218 = arith.constant 0 : i32
        %add3A_219 = arith.addi %mul3A_217, %add3A_218 : i32
        %add3A_220 = arith.constant 0 : i32
        %add3A_221 = arith.addi %add3A_219, %add3A_220 : i32
        %get3A_222 = arith.constant 0 : i32
        %get3A_223 = arith.constant 0 : i32
        %get3A_224 = tpu.memref_slice %arg14[%scan3A_83, %get3A_222, %get3A_223] : memref<2x128x32xf32, #tpu.memory_space<vmem>> -> memref<1x128x32xf32, #tpu.memory_space<vmem>>
        %get3A_225 = tpu.memref_squeeze %get3A_224 : memref<1x128x32xf32, #tpu.memory_space<vmem>> -> memref<128x32xf32, #tpu.memory_space<vmem>>
        %get3A_226 = arith.index_cast %add3A_221 : i32 to index
        %get3A_227 = arith.constant 0 : index
        %get3A_228 = tpu.vector_load %get3A_225[%get3A_226, %get3A_227] {strides = array<i32>} : memref<128x32xf32, #tpu.memory_space<vmem>>, vector<1x16xf32>,
        %get3A_229 = vector.shape_cast %get3A_228 : vector<1x16xf32> to vector<16xf32>
        %get3A_230 = arith.constant 0 : i32
        %get3A_231 = arith.constant 0 : i32
        %get3A_232 = tpu.memref_slice %arg14[%scan3A_83, %get3A_230, %get3A_231] : memref<2x128x32xf32, #tpu.memory_space<vmem>> -> memref<1x128x32xf32, #tpu.memory_space<vmem>>
        %get3A_233 = tpu.memref_squeeze %get3A_232 : memref<1x128x32xf32, #tpu.memory_space<vmem>> -> memref<128x32xf32, #tpu.memory_space<vmem>>
        %get3A_234 = arith.index_cast %add3A_221 : i32 to index
        %get3A_235 = arith.constant 16 : index
        %get3A_236 = tpu.vector_load %get3A_233[%get3A_234, %get3A_235] {strides = array<i32>} : memref<128x32xf32, #tpu.memory_space<vmem>>, vector<1x16xf32>,
        %get3A_237 = vector.shape_cast %get3A_236 : vector<1x16xf32> to vector<16xf32>
        %get3A_238 = arith.constant 0 : i32
        %get3A_239 = arith.constant 0 : i32
        %get3A_240 = tpu.memref_slice %arg15[%scan3A_84, %get3A_238, %get3A_239] : memref<2x128x32xf32, #tpu.memory_space<vmem>> -> memref<1x128x32xf32, #tpu.memory_space<vmem>>
        %get3A_241 = tpu.memref_squeeze %get3A_240 : memref<1x128x32xf32, #tpu.memory_space<vmem>> -> memref<128x32xf32, #tpu.memory_space<vmem>>
        %get3A_242 = arith.index_cast %add3A_221 : i32 to index
        %get3A_243 = arith.constant 0 : index
        %get3A_244 = tpu.vector_load %get3A_241[%get3A_242, %get3A_243] {strides = array<i32>} : memref<128x32xf32, #tpu.memory_space<vmem>>, vector<1x16xf32>,
        %get3A_245 = vector.shape_cast %get3A_244 : vector<1x16xf32> to vector<16xf32>
        %get3A_246 = arith.constant 0 : i32
        %get3A_247 = arith.constant 0 : i32
        %get3A_248 = tpu.memref_slice %arg15[%scan3A_84, %get3A_246, %get3A_247] : memref<2x128x32xf32, #tpu.memory_space<vmem>> -> memref<1x128x32xf32, #tpu.memory_space<vmem>>
        %get3A_249 = tpu.memref_squeeze %get3A_248 : memref<1x128x32xf32, #tpu.memory_space<vmem>> -> memref<128x32xf32, #tpu.memory_space<vmem>>
        %get3A_250 = arith.index_cast %add3A_221 : i32 to index
        %get3A_251 = arith.constant 16 : index
        %get3A_252 = tpu.vector_load %get3A_249[%get3A_250, %get3A_251] {strides = array<i32>} : memref<128x32xf32, #tpu.memory_space<vmem>>, vector<1x16xf32>,
        %get3A_253 = vector.shape_cast %get3A_252 : vector<1x16xf32> to vector<16xf32>
        %get3A_254 = arith.index_cast %scan3A_215 : i32 to index
        %get3A_255 = arith.constant 0 : index
        %get3A_256 = tpu.vector_load %arg16[%get3A_254, %get3A_255] {strides = array<i32>} : memref<16x128xf32, #tpu.memory_space<vmem>>, vector<1x16xf32>,
        %get3A_257 = vector.shape_cast %get3A_256 : vector<1x16xf32> to vector<16xf32>
        %get3A_258 = arith.index_cast %scan3A_215 : i32 to index
        %get3A_259 = arith.constant 16 : index
        %get3A_260 = tpu.vector_load %arg16[%get3A_258, %get3A_259] {strides = array<i32>} : memref<16x128xf32, #tpu.memory_space<vmem>>, vector<1x16xf32>,
        %get3A_261 = vector.shape_cast %get3A_260 : vector<1x16xf32> to vector<16xf32>
        %add3A_262 = arith.addf %get3A_229, %get3A_245 : vector<16xf32>
        %add3A_263 = arith.addf %add3A_262, %get3A_257 : vector<16xf32>
        %gt3A = arith.constant 0.000000e+00 : f32
        %gt3A_264 = vector.broadcast %gt3A : f32 to vector<16xf32>
        %gt3A_265 = arith.cmpf ogt, %add3A_263, %gt3A_264 : vector<16xf32>
        %mul3A_266 = arith.constant 2.000000e-01 : f32
        %mul3A_267 = vector.broadcast %mul3A_266 : f32 to vector<16xf32>
        %mul3A_268 = arith.mulf %mul3A_267, %add3A_263 : vector<16xf32>
        %select_n3A_269 = arith.select %gt3A_265, %add3A_263, %mul3A_268 : vector<16xi1>, vector<16xf32>
        %add3A_270 = arith.addf %get3A_237, %get3A_253 : vector<16xf32>
        %add3A_271 = arith.addf %add3A_270, %get3A_261 : vector<16xf32>
        %gt3A_272 = arith.constant 0.000000e+00 : f32
        %gt3A_273 = vector.broadcast %gt3A_272 : f32 to vector<16xf32>
        %gt3A_274 = arith.cmpf ogt, %add3A_271, %gt3A_273 : vector<16xf32>
        %mul3A_275 = arith.constant 2.000000e-01 : f32
        %mul3A_276 = vector.broadcast %mul3A_275 : f32 to vector<16xf32>
        %mul3A_277 = arith.mulf %mul3A_276, %add3A_271 : vector<16xf32>
        %select_n3A_278 = arith.select %gt3A_274, %add3A_271, %mul3A_277 : vector<16xi1>, vector<16xf32>
        %mul3A_279 = arith.mulf %select_n3A_278, %get3A_19 : vector<16xf32>
        %broadcast_in_dim3A_280 = vector.shape_cast %xor3A_29 : vector<16xi32> to vector<16x1xi32>
        %gather3A = vector.shape_cast %broadcast_in_dim3A_280 : vector<16x1xi32> to vector<16xi32>
        %gather3A_281 = tpu.dynamic_gather %mul3A_279[%gather3A] in [0] : vector<16xf32>, vector<16xi32> -> vector<16xf32>
        %add3A_282 = arith.addf %mul3A_279, %gather3A_281 : vector<16xf32>
        %broadcast_in_dim3A_283 = vector.shape_cast %xor3A_32 : vector<16xi32> to vector<16x1xi32>
        %gather3A_284 = vector.shape_cast %broadcast_in_dim3A_283 : vector<16x1xi32> to vector<16xi32>
        %gather3A_285 = tpu.dynamic_gather %add3A_282[%gather3A_284] in [0] : vector<16xf32>, vector<16xi32> -> vector<16xf32>
        %add3A_286 = arith.addf %add3A_282, %gather3A_285 : vector<16xf32>
        %broadcast_in_dim3A_287 = vector.shape_cast %xor3A_35 : vector<16xi32> to vector<16x1xi32>
        %gather3A_288 = vector.shape_cast %broadcast_in_dim3A_287 : vector<16x1xi32> to vector<16xi32>
        %gather3A_289 = tpu.dynamic_gather %add3A_286[%gather3A_288] in [0] : vector<16xf32>, vector<16xi32> -> vector<16xf32>
        %add3A_290 = arith.addf %add3A_286, %gather3A_289 : vector<16xf32>
        %broadcast_in_dim3A_291 = vector.shape_cast %xor3A_38 : vector<16xi32> to vector<16x1xi32>
        %gather3A_292 = vector.shape_cast %broadcast_in_dim3A_291 : vector<16x1xi32> to vector<16xi32>
        %gather3A_293 = tpu.dynamic_gather %add3A_290[%gather3A_292] in [0] : vector<16xf32>, vector<16xi32> -> vector<16xf32>
        %add3A_294 = arith.addf %add3A_290, %gather3A_293 : vector<16xf32>
        %add3A_295 = arith.addf %add3A_294, %get3A_22 : vector<16xf32>
        %neg3A = arith.constant 0.000000e+00 : f32
        %neg3A_296 = vector.broadcast %neg3A : f32 to vector<16xf32>
        %neg3A_297 = arith.subf %neg3A_296, %add3A_295 : vector<16xf32>
        %exp3A = math.exp %neg3A_297 : vector<16xf32>
        %add3A_298 = arith.constant 1.000000e+00 : f32
        %add3A_299 = vector.broadcast %add3A_298 : f32 to vector<16xf32>
        %add3A_300 = arith.addf %add3A_299, %exp3A : vector<16xf32>
        %div3A = arith.constant 1.000000e+00 : f32
        %div3A_301 = vector.broadcast %div3A : f32 to vector<16xf32>
        %div3A_302 = arith.divf %div3A_301, %add3A_300 : vector<16xf32>
        %mul3A_303 = arith.mulf %div3A_302, %select_n3A_278 : vector<16xf32>
        %eq3A_304 = arith.constant 0 : i32
        %eq3A_305 = vector.broadcast %eq3A_304 : i32 to vector<16xi32>
        %eq3A_306 = arith.cmpi eq, %iota3A, %eq3A_305 : vector<16xi32>
        %eq3A_307 = arith.constant 1 : i32
        %eq3A_308 = vector.broadcast %eq3A_307 : i32 to vector<16xi32>
        %eq3A_309 = arith.cmpi eq, %iota3A, %eq3A_308 : vector<16xi32>
        %select_n3A_310 = arith.select %eq3A_309, %broadcast_in_dim3A_23, %broadcast_in_dim3A_25 : vector<16xi1>, vector<16xf32>
        %select_n3A_311 = arith.select %eq3A_306, %div3A_302, %select_n3A_310 : vector<16xi1>, vector<16xf32>
        %swap3A = arith.index_cast %add3A_221 : i32 to index
        %swap3A_312 = arith.constant 0 : index
        %swap3A_313 = tpu.vector_load %arg20[%swap3A, %swap3A_312] {strides = array<i32>} : memref<128x32xf32, #tpu.memory_space<vmem>>, vector<1x16xf32>,
        %swap3A_314 = vector.shape_cast %swap3A_313 : vector<1x16xf32> to vector<16xf32>
        %swap3A_315 = vector.shape_cast %select_n3A_269 : vector<16xf32> to vector<1x16xf32>
        tpu.vector_store %arg20[%swap3A, %swap3A_312], %swap3A_315 {strides = array<i32>} : memref<128x32xf32, #tpu.memory_space<vmem>>, vector<1x16xf32>,
        %swap3A_316 = arith.index_cast %add3A_221 : i32 to index
        %swap3A_317 = arith.constant 0 : index
        %swap3A_318 = tpu.vector_load %arg21[%swap3A_316, %swap3A_317] {strides = array<i32>} : memref<128x32xf32, #tpu.memory_space<vmem>>, vector<1x16xf32>,
        %swap3A_319 = vector.shape_cast %swap3A_318 : vector<1x16xf32> to vector<16xf32>
        %swap3A_320 = vector.shape_cast %mul3A_303 : vector<16xf32> to vector<1x16xf32>
        tpu.vector_store %arg21[%swap3A_316, %swap3A_317], %swap3A_320 {strides = array<i32>} : memref<128x32xf32, #tpu.memory_space<vmem>>, vector<1x16xf32>,
        %swap3A_321 = arith.index_cast %add3A_221 : i32 to index
        %swap3A_322 = arith.constant 16 : index
        %swap3A_323 = tpu.vector_load %arg21[%swap3A_321, %swap3A_322] {strides = array<i32>} : memref<128x32xf32, #tpu.memory_space<vmem>>, vector<1x16xf32>,
        %swap3A_324 = vector.shape_cast %swap3A_323 : vector<1x16xf32> to vector<16xf32>
        %swap3A_325 = vector.shape_cast %select_n3A_311 : vector<16xf32> to vector<1x16xf32>
        tpu.vector_store %arg21[%swap3A_321, %swap3A_322], %swap3A_325 {strides = array<i32>} : memref<128x32xf32, #tpu.memory_space<vmem>>, vector<1x16xf32>,
        %mul3A_326 = arith.constant 8 : i32
        %mul3A_327 = arith.muli %scan3A_215, %mul3A_326 : i32
        %add3A_328 = arith.constant 0 : i32
        %add3A_329 = arith.addi %mul3A_327, %add3A_328 : i32
        %add3A_330 = arith.constant 1 : i32
        %add3A_331 = arith.addi %add3A_329, %add3A_330 : i32
        %get3A_332 = arith.constant 0 : i32
        %get3A_333 = arith.constant 0 : i32
        %get3A_334 = tpu.memref_slice %arg14[%scan3A_83, %get3A_332, %get3A_333] : memref<2x128x32xf32, #tpu.memory_space<vmem>> -> memref<1x128x32xf32, #tpu.memory_space<vmem>>
        %get3A_335 = tpu.memref_squeeze %get3A_334 : memref<1x128x32xf32, #tpu.memory_space<vmem>> -> memref<128x32xf32, #tpu.memory_space<vmem>>
        %get3A_336 = arith.index_cast %add3A_331 : i32 to index
        %get3A_337 = arith.constant 0 : index
        %get3A_338 = tpu.vector_load %get3A_335[%get3A_336, %get3A_337] {strides = array<i32>} : memref<128x32xf32, #tpu.memory_space<vmem>>, vector<1x16xf32>,
        %get3A_339 = vector.shape_cast %get3A_338 : vector<1x16xf32> to vector<16xf32>
        %get3A_340 = arith.constant 0 : i32
        %get3A_341 = arith.constant 0 : i32
        %get3A_342 = tpu.memref_slice %arg14[%scan3A_83, %get3A_340, %get3A_341] : memref<2x128x32xf32, #tpu.memory_space<vmem>> -> memref<1x128x32xf32, #tpu.memory_space<vmem>>
        %get3A_343 = tpu.memref_squeeze %get3A_342 : memref<1x128x32xf32, #tpu.memory_space<vmem>> -> memref<128x32xf32, #tpu.memory_space<vmem>>
        %get3A_344 = arith.index_cast %add3A_331 : i32 to index
        %get3A_345 = arith.constant 16 : index
        %get3A_346 = tpu.vector_load %get3A_343[%get3A_344, %get3A_345] {strides = array<i32>} : memref<128x32xf32, #tpu.memory_space<vmem>>, vector<1x16xf32>,
        %get3A_347 = vector.shape_cast %get3A_346 : vector<1x16xf32> to vector<16xf32>
        %get3A_348 = arith.constant 0 : i32
        %get3A_349 = arith.constant 0 : i32
        %get3A_350 = tpu.memref_slice %arg15[%scan3A_84, %get3A_348, %get3A_349] : memref<2x128x32xf32, #tpu.memory_space<vmem>> -> memref<1x128x32xf32, #tpu.memory_space<vmem>>
        %get3A_351 = tpu.memref_squeeze %get3A_350 : memref<1x128x32xf32, #tpu.memory_space<vmem>> -> memref<128x32xf32, #tpu.memory_space<vmem>>
        %get3A_352 = arith.index_cast %add3A_331 : i32 to index
        %get3A_353 = arith.constant 0 : index
        %get3A_354 = tpu.vector_load %get3A_351[%get3A_352, %get3A_353] {strides = array<i32>} : memref<128x32xf32, #tpu.memory_space<vmem>>, vector<1x16xf32>,
        %get3A_355 = vector.shape_cast %get3A_354 : vector<1x16xf32> to vector<16xf32>
        %get3A_356 = arith.constant 0 : i32
        %get3A_357 = arith.constant 0 : i32
        %get3A_358 = tpu.memref_slice %arg15[%scan3A_84, %get3A_356, %get3A_357] : memref<2x128x32xf32, #tpu.memory_space<vmem>> -> memref<1x128x32xf32, #tpu.memory_space<vmem>>
        %get3A_359 = tpu.memref_squeeze %get3A_358 : memref<1x128x32xf32, #tpu.memory_space<vmem>> -> memref<128x32xf32, #tpu.memory_space<vmem>>
        %get3A_360 = arith.index_cast %add3A_331 : i32 to index
        %get3A_361 = arith.constant 16 : index
        %get3A_362 = tpu.vector_load %get3A_359[%get3A_360, %get3A_361] {strides = array<i32>} : memref<128x32xf32, #tpu.memory_space<vmem>>, vector<1x16xf32>,
        %get3A_363 = vector.shape_cast %get3A_362 : vector<1x16xf32> to vector<16xf32>
        %get3A_364 = arith.index_cast %scan3A_215 : i32 to index
        %get3A_365 = arith.constant 32 : index
        %get3A_366 = tpu.vector_load %arg16[%get3A_364, %get3A_365] {strides = array<i32>} : memref<16x128xf32, #tpu.memory_space<vmem>>, vector<1x16xf32>,
        %get3A_367 = vector.shape_cast %get3A_366 : vector<1x16xf32> to vector<16xf32>
        %get3A_368 = arith.index_cast %scan3A_215 : i32 to index
        %get3A_369 = arith.constant 48 : index
        %get3A_370 = tpu.vector_load %arg16[%get3A_368, %get3A_369] {strides = array<i32>} : memref<16x128xf32, #tpu.memory_space<vmem>>, vector<1x16xf32>,
        %get3A_371 = vector.shape_cast %get3A_370 : vector<1x16xf32> to vector<16xf32>
        %add3A_372 = arith.addf %get3A_339, %get3A_355 : vector<16xf32>
        %add3A_373 = arith.addf %add3A_372, %get3A_367 : vector<16xf32>
        %gt3A_374 = arith.constant 0.000000e+00 : f32
        %gt3A_375 = vector.broadcast %gt3A_374 : f32 to vector<16xf32>
        %gt3A_376 = arith.cmpf ogt, %add3A_373, %gt3A_375 : vector<16xf32>
        %mul3A_377 = arith.constant 2.000000e-01 : f32
        %mul3A_378 = vector.broadcast %mul3A_377 : f32 to vector<16xf32>
        %mul3A_379 = arith.mulf %mul3A_378, %add3A_373 : vector<16xf32>
        %select_n3A_380 = arith.select %gt3A_376, %add3A_373, %mul3A_379 : vector<16xi1>, vector<16xf32>
        %add3A_381 = arith.addf %get3A_347, %get3A_363 : vector<16xf32>
        %add3A_382 = arith.addf %add3A_381, %get3A_371 : vector<16xf32>
        %gt3A_383 = arith.constant 0.000000e+00 : f32
        %gt3A_384 = vector.broadcast %gt3A_383 : f32 to vector<16xf32>
        %gt3A_385 = arith.cmpf ogt, %add3A_382, %gt3A_384 : vector<16xf32>
        %mul3A_386 = arith.constant 2.000000e-01 : f32
        %mul3A_387 = vector.broadcast %mul3A_386 : f32 to vector<16xf32>
        %mul3A_388 = arith.mulf %mul3A_387, %add3A_382 : vector<16xf32>
        %select_n3A_389 = arith.select %gt3A_385, %add3A_382, %mul3A_388 : vector<16xi1>, vector<16xf32>
        %mul3A_390 = arith.mulf %select_n3A_389, %get3A_19 : vector<16xf32>
        %broadcast_in_dim3A_391 = vector.shape_cast %xor3A_29 : vector<16xi32> to vector<16x1xi32>
        %gather3A_392 = vector.shape_cast %broadcast_in_dim3A_391 : vector<16x1xi32> to vector<16xi32>
        %gather3A_393 = tpu.dynamic_gather %mul3A_390[%gather3A_392] in [0] : vector<16xf32>, vector<16xi32> -> vector<16xf32>
        %add3A_394 = arith.addf %mul3A_390, %gather3A_393 : vector<16xf32>
        %broadcast_in_dim3A_395 = vector.shape_cast %xor3A_32 : vector<16xi32> to vector<16x1xi32>
        %gather3A_396 = vector.shape_cast %broadcast_in_dim3A_395 : vector<16x1xi32> to vector<16xi32>
        %gather3A_397 = tpu.dynamic_gather %add3A_394[%gather3A_396] in [0] : vector<16xf32>, vector<16xi32> -> vector<16xf32>
        %add3A_398 = arith.addf %add3A_394, %gather3A_397 : vector<16xf32>
        %broadcast_in_dim3A_399 = vector.shape_cast %xor3A_35 : vector<16xi32> to vector<16x1xi32>
        %gather3A_400 = vector.shape_cast %broadcast_in_dim3A_399 : vector<16x1xi32> to vector<16xi32>
        %gather3A_401 = tpu.dynamic_gather %add3A_398[%gather3A_400] in [0] : vector<16xf32>, vector<16xi32> -> vector<16xf32>
        %add3A_402 = arith.addf %add3A_398, %gather3A_401 : vector<16xf32>
        %broadcast_in_dim3A_403 = vector.shape_cast %xor3A_38 : vector<16xi32> to vector<16x1xi32>
        %gather3A_404 = vector.shape_cast %broadcast_in_dim3A_403 : vector<16x1xi32> to vector<16xi32>
        %gather3A_405 = tpu.dynamic_gather %add3A_402[%gather3A_404] in [0] : vector<16xf32>, vector<16xi32> -> vector<16xf32>
        %add3A_406 = arith.addf %add3A_402, %gather3A_405 : vector<16xf32>
        %add3A_407 = arith.addf %add3A_406, %get3A_22 : vector<16xf32>
        %neg3A_408 = arith.constant 0.000000e+00 : f32
        %neg3A_409 = vector.broadcast %neg3A_408 : f32 to vector<16xf32>
        %neg3A_410 = arith.subf %neg3A_409, %add3A_407 : vector<16xf32>
        %exp3A_411 = math.exp %neg3A_410 : vector<16xf32>
        %add3A_412 = arith.constant 1.000000e+00 : f32
        %add3A_413 = vector.broadcast %add3A_412 : f32 to vector<16xf32>
        %add3A_414 = arith.addf %add3A_413, %exp3A_411 : vector<16xf32>
        %div3A_415 = arith.constant 1.000000e+00 : f32
        %div3A_416 = vector.broadcast %div3A_415 : f32 to vector<16xf32>
        %div3A_417 = arith.divf %div3A_416, %add3A_414 : vector<16xf32>
        %mul3A_418 = arith.mulf %div3A_417, %select_n3A_389 : vector<16xf32>
        %eq3A_419 = arith.constant 0 : i32
        %eq3A_420 = vector.broadcast %eq3A_419 : i32 to vector<16xi32>
        %eq3A_421 = arith.cmpi eq, %iota3A, %eq3A_420 : vector<16xi32>
        %eq3A_422 = arith.constant 1 : i32
        %eq3A_423 = vector.broadcast %eq3A_422 : i32 to vector<16xi32>
        %eq3A_424 = arith.cmpi eq, %iota3A, %eq3A_423 : vector<16xi32>
        %select_n3A_425 = arith.select %eq3A_424, %broadcast_in_dim3A_23, %broadcast_in_dim3A_25 : vector<16xi1>, vector<16xf32>
        %select_n3A_426 = arith.select %eq3A_421, %div3A_417, %select_n3A_425 : vector<16xi1>, vector<16xf32>
        %swap3A_427 = arith.index_cast %add3A_331 : i32 to index
        %swap3A_428 = arith.constant 0 : index
        %swap3A_429 = tpu.vector_load %arg20[%swap3A_427, %swap3A_428] {strides = array<i32>} : memref<128x32xf32, #tpu.memory_space<vmem>>, vector<1x16xf32>,
        %swap3A_430 = vector.shape_cast %swap3A_429 : vector<1x16xf32> to vector<16xf32>
        %swap3A_431 = vector.shape_cast %select_n3A_380 : vector<16xf32> to vector<1x16xf32>
        tpu.vector_store %arg20[%swap3A_427, %swap3A_428], %swap3A_431 {strides = array<i32>} : memref<128x32xf32, #tpu.memory_space<vmem>>, vector<1x16xf32>,
        %swap3A_432 = arith.index_cast %add3A_331 : i32 to index
        %swap3A_433 = arith.constant 0 : index
        %swap3A_434 = tpu.vector_load %arg21[%swap3A_432, %swap3A_433] {strides = array<i32>} : memref<128x32xf32, #tpu.memory_space<vmem>>, vector<1x16xf32>,
        %swap3A_435 = vector.shape_cast %swap3A_434 : vector<1x16xf32> to vector<16xf32>
        %swap3A_436 = vector.shape_cast %mul3A_418 : vector<16xf32> to vector<1x16xf32>
        tpu.vector_store %arg21[%swap3A_432, %swap3A_433], %swap3A_436 {strides = array<i32>} : memref<128x32xf32, #tpu.memory_space<vmem>>, vector<1x16xf32>,
        %swap3A_437 = arith.index_cast %add3A_331 : i32 to index
        %swap3A_438 = arith.constant 16 : index
        %swap3A_439 = tpu.vector_load %arg21[%swap3A_437, %swap3A_438] {strides = array<i32>} : memref<128x32xf32, #tpu.memory_space<vmem>>, vector<1x16xf32>,
        %swap3A_440 = vector.shape_cast %swap3A_439 : vector<1x16xf32> to vector<16xf32>
        %swap3A_441 = vector.shape_cast %select_n3A_426 : vector<16xf32> to vector<1x16xf32>
        tpu.vector_store %arg21[%swap3A_437, %swap3A_438], %swap3A_441 {strides = array<i32>} : memref<128x32xf32, #tpu.memory_space<vmem>>, vector<1x16xf32>,
        %mul3A_442 = arith.constant 8 : i32
        %mul3A_443 = arith.muli %scan3A_215, %mul3A_442 : i32
        %add3A_444 = arith.constant 0 : i32
        %add3A_445 = arith.addi %mul3A_443, %add3A_444 : i32
        %add3A_446 = arith.constant 2 : i32
        %add3A_447 = arith.addi %add3A_445, %add3A_446 : i32
        %get3A_448 = arith.constant 0 : i32
        %get3A_449 = arith.constant 0 : i32
        %get3A_450 = tpu.memref_slice %arg14[%scan3A_83, %get3A_448, %get3A_449] : memref<2x128x32xf32, #tpu.memory_space<vmem>> -> memref<1x128x32xf32, #tpu.memory_space<vmem>>
        %get3A_451 = tpu.memref_squeeze %get3A_450 : memref<1x128x32xf32, #tpu.memory_space<vmem>> -> memref<128x32xf32, #tpu.memory_space<vmem>>
        %get3A_452 = arith.index_cast %add3A_447 : i32 to index
        %get3A_453 = arith.constant 0 : index
        %get3A_454 = tpu.vector_load %get3A_451[%get3A_452, %get3A_453] {strides = array<i32>} : memref<128x32xf32, #tpu.memory_space<vmem>>, vector<1x16xf32>,
        %get3A_455 = vector.shape_cast %get3A_454 : vector<1x16xf32> to vector<16xf32>
        %get3A_456 = arith.constant 0 : i32
        %get3A_457 = arith.constant 0 : i32
        %get3A_458 = tpu.memref_slice %arg14[%scan3A_83, %get3A_456, %get3A_457] : memref<2x128x32xf32, #tpu.memory_space<vmem>> -> memref<1x128x32xf32, #tpu.memory_space<vmem>>
        %get3A_459 = tpu.memref_squeeze %get3A_458 : memref<1x128x32xf32, #tpu.memory_space<vmem>> -> memref<128x32xf32, #tpu.memory_space<vmem>>
        %get3A_460 = arith.index_cast %add3A_447 : i32 to index
        %get3A_461 = arith.constant 16 : index
        %get3A_462 = tpu.vector_load %get3A_459[%get3A_460, %get3A_461] {strides = array<i32>} : memref<128x32xf32, #tpu.memory_space<vmem>>, vector<1x16xf32>,
        %get3A_463 = vector.shape_cast %get3A_462 : vector<1x16xf32> to vector<16xf32>
        %get3A_464 = arith.constant 0 : i32
        %get3A_465 = arith.constant 0 : i32
        %get3A_466 = tpu.memref_slice %arg15[%scan3A_84, %get3A_464, %get3A_465] : memref<2x128x32xf32, #tpu.memory_space<vmem>> -> memref<1x128x32xf32, #tpu.memory_space<vmem>>
        %get3A_467 = tpu.memref_squeeze %get3A_466 : memref<1x128x32xf32, #tpu.memory_space<vmem>> -> memref<128x32xf32, #tpu.memory_space<vmem>>
        %get3A_468 = arith.index_cast %add3A_447 : i32 to index
        %get3A_469 = arith.constant 0 : index
        %get3A_470 = tpu.vector_load %get3A_467[%get3A_468, %get3A_469] {strides = array<i32>} : memref<128x32xf32, #tpu.memory_space<vmem>>, vector<1x16xf32>,
        %get3A_471 = vector.shape_cast %get3A_470 : vector<1x16xf32> to vector<16xf32>
        %get3A_472 = arith.constant 0 : i32
        %get3A_473 = arith.constant 0 : i32
        %get3A_474 = tpu.memref_slice %arg15[%scan3A_84, %get3A_472, %get3A_473] : memref<2x128x32xf32, #tpu.memory_space<vmem>> -> memref<1x128x32xf32, #tpu.memory_space<vmem>>
        %get3A_475 = tpu.memref_squeeze %get3A_474 : memref<1x128x32xf32, #tpu.memory_space<vmem>> -> memref<128x32xf32, #tpu.memory_space<vmem>>
        %get3A_476 = arith.index_cast %add3A_447 : i32 to index
        %get3A_477 = arith.constant 16 : index
        %get3A_478 = tpu.vector_load %get3A_475[%get3A_476, %get3A_477] {strides = array<i32>} : memref<128x32xf32, #tpu.memory_space<vmem>>, vector<1x16xf32>,
        %get3A_479 = vector.shape_cast %get3A_478 : vector<1x16xf32> to vector<16xf32>
        %get3A_480 = arith.index_cast %scan3A_215 : i32 to index
        %get3A_481 = arith.constant 64 : index
        %get3A_482 = tpu.vector_load %arg16[%get3A_480, %get3A_481] {strides = array<i32>} : memref<16x128xf32, #tpu.memory_space<vmem>>, vector<1x16xf32>,
        %get3A_483 = vector.shape_cast %get3A_482 : vector<1x16xf32> to vector<16xf32>
        %get3A_484 = arith.index_cast %scan3A_215 : i32 to index
        %get3A_485 = arith.constant 80 : index
        %get3A_486 = tpu.vector_load %arg16[%get3A_484, %get3A_485] {strides = array<i32>} : memref<16x128xf32, #tpu.memory_space<vmem>>, vector<1x16xf32>,
        %get3A_487 = vector.shape_cast %get3A_486 : vector<1x16xf32> to vector<16xf32>
        %add3A_488 = arith.addf %get3A_455, %get3A_471 : vector<16xf32>
        %add3A_489 = arith.addf %add3A_488, %get3A_483 : vector<16xf32>
        %gt3A_490 = arith.constant 0.000000e+00 : f32
        %gt3A_491 = vector.broadcast %gt3A_490 : f32 to vector<16xf32>
        %gt3A_492 = arith.cmpf ogt, %add3A_489, %gt3A_491 : vector<16xf32>
        %mul3A_493 = arith.constant 2.000000e-01 : f32
        %mul3A_494 = vector.broadcast %mul3A_493 : f32 to vector<16xf32>
        %mul3A_495 = arith.mulf %mul3A_494, %add3A_489 : vector<16xf32>
        %select_n3A_496 = arith.select %gt3A_492, %add3A_489, %mul3A_495 : vector<16xi1>, vector<16xf32>
        %add3A_497 = arith.addf %get3A_463, %get3A_479 : vector<16xf32>
        %add3A_498 = arith.addf %add3A_497, %get3A_487 : vector<16xf32>
        %gt3A_499 = arith.constant 0.000000e+00 : f32
        %gt3A_500 = vector.broadcast %gt3A_499 : f32 to vector<16xf32>
        %gt3A_501 = arith.cmpf ogt, %add3A_498, %gt3A_500 : vector<16xf32>
        %mul3A_502 = arith.constant 2.000000e-01 : f32
        %mul3A_503 = vector.broadcast %mul3A_502 : f32 to vector<16xf32>
        %mul3A_504 = arith.mulf %mul3A_503, %add3A_498 : vector<16xf32>
        %select_n3A_505 = arith.select %gt3A_501, %add3A_498, %mul3A_504 : vector<16xi1>, vector<16xf32>
        %mul3A_506 = arith.mulf %select_n3A_505, %get3A_19 : vector<16xf32>
        %broadcast_in_dim3A_507 = vector.shape_cast %xor3A_29 : vector<16xi32> to vector<16x1xi32>
        %gather3A_508 = vector.shape_cast %broadcast_in_dim3A_507 : vector<16x1xi32> to vector<16xi32>
        %gather3A_509 = tpu.dynamic_gather %mul3A_506[%gather3A_508] in [0] : vector<16xf32>, vector<16xi32> -> vector<16xf32>
        %add3A_510 = arith.addf %mul3A_506, %gather3A_509 : vector<16xf32>
        %broadcast_in_dim3A_511 = vector.shape_cast %xor3A_32 : vector<16xi32> to vector<16x1xi32>
        %gather3A_512 = vector.shape_cast %broadcast_in_dim3A_511 : vector<16x1xi32> to vector<16xi32>
        %gather3A_513 = tpu.dynamic_gather %add3A_510[%gather3A_512] in [0] : vector<16xf32>, vector<16xi32> -> vector<16xf32>
        %add3A_514 = arith.addf %add3A_510, %gather3A_513 : vector<16xf32>
        %broadcast_in_dim3A_515 = vector.shape_cast %xor3A_35 : vector<16xi32> to vector<16x1xi32>
        %gather3A_516 = vector.shape_cast %broadcast_in_dim3A_515 : vector<16x1xi32> to vector<16xi32>
        %gather3A_517 = tpu.dynamic_gather %add3A_514[%gather3A_516] in [0] : vector<16xf32>, vector<16xi32> -> vector<16xf32>
        %add3A_518 = arith.addf %add3A_514, %gather3A_517 : vector<16xf32>
        %broadcast_in_dim3A_519 = vector.shape_cast %xor3A_38 : vector<16xi32> to vector<16x1xi32>
        %gather3A_520 = vector.shape_cast %broadcast_in_dim3A_519 : vector<16x1xi32> to vector<16xi32>
        %gather3A_521 = tpu.dynamic_gather %add3A_518[%gather3A_520] in [0] : vector<16xf32>, vector<16xi32> -> vector<16xf32>
        %add3A_522 = arith.addf %add3A_518, %gather3A_521 : vector<16xf32>
        %add3A_523 = arith.addf %add3A_522, %get3A_22 : vector<16xf32>
        %neg3A_524 = arith.constant 0.000000e+00 : f32
        %neg3A_525 = vector.broadcast %neg3A_524 : f32 to vector<16xf32>
        %neg3A_526 = arith.subf %neg3A_525, %add3A_523 : vector<16xf32>
        %exp3A_527 = math.exp %neg3A_526 : vector<16xf32>
        %add3A_528 = arith.constant 1.000000e+00 : f32
        %add3A_529 = vector.broadcast %add3A_528 : f32 to vector<16xf32>
        %add3A_530 = arith.addf %add3A_529, %exp3A_527 : vector<16xf32>
        %div3A_531 = arith.constant 1.000000e+00 : f32
        %div3A_532 = vector.broadcast %div3A_531 : f32 to vector<16xf32>
        %div3A_533 = arith.divf %div3A_532, %add3A_530 : vector<16xf32>
        %mul3A_534 = arith.mulf %div3A_533, %select_n3A_505 : vector<16xf32>
        %eq3A_535 = arith.constant 0 : i32
        %eq3A_536 = vector.broadcast %eq3A_535 : i32 to vector<16xi32>
        %eq3A_537 = arith.cmpi eq, %iota3A, %eq3A_536 : vector<16xi32>
        %eq3A_538 = arith.constant 1 : i32
        %eq3A_539 = vector.broadcast %eq3A_538 : i32 to vector<16xi32>
        %eq3A_540 = arith.cmpi eq, %iota3A, %eq3A_539 : vector<16xi32>
        %select_n3A_541 = arith.select %eq3A_540, %broadcast_in_dim3A_23, %broadcast_in_dim3A_25 : vector<16xi1>, vector<16xf32>
        %select_n3A_542 = arith.select %eq3A_537, %div3A_533, %select_n3A_541 : vector<16xi1>, vector<16xf32>
        %swap3A_543 = arith.index_cast %add3A_447 : i32 to index
        %swap3A_544 = arith.constant 0 : index
        %swap3A_545 = tpu.vector_load %arg20[%swap3A_543, %swap3A_544] {strides = array<i32>} : memref<128x32xf32, #tpu.memory_space<vmem>>, vector<1x16xf32>,
        %swap3A_546 = vector.shape_cast %swap3A_545 : vector<1x16xf32> to vector<16xf32>
        %swap3A_547 = vector.shape_cast %select_n3A_496 : vector<16xf32> to vector<1x16xf32>
        tpu.vector_store %arg20[%swap3A_543, %swap3A_544], %swap3A_547 {strides = array<i32>} : memref<128x32xf32, #tpu.memory_space<vmem>>, vector<1x16xf32>,
        %swap3A_548 = arith.index_cast %add3A_447 : i32 to index
        %swap3A_549 = arith.constant 0 : index
        %swap3A_550 = tpu.vector_load %arg21[%swap3A_548, %swap3A_549] {strides = array<i32>} : memref<128x32xf32, #tpu.memory_space<vmem>>, vector<1x16xf32>,
        %swap3A_551 = vector.shape_cast %swap3A_550 : vector<1x16xf32> to vector<16xf32>
        %swap3A_552 = vector.shape_cast %mul3A_534 : vector<16xf32> to vector<1x16xf32>
        tpu.vector_store %arg21[%swap3A_548, %swap3A_549], %swap3A_552 {strides = array<i32>} : memref<128x32xf32, #tpu.memory_space<vmem>>, vector<1x16xf32>,
        %swap3A_553 = arith.index_cast %add3A_447 : i32 to index
        %swap3A_554 = arith.constant 16 : index
        %swap3A_555 = tpu.vector_load %arg21[%swap3A_553, %swap3A_554] {strides = array<i32>} : memref<128x32xf32, #tpu.memory_space<vmem>>, vector<1x16xf32>,
        %swap3A_556 = vector.shape_cast %swap3A_555 : vector<1x16xf32> to vector<16xf32>
        %swap3A_557 = vector.shape_cast %select_n3A_542 : vector<16xf32> to vector<1x16xf32>
        tpu.vector_store %arg21[%swap3A_553, %swap3A_554], %swap3A_557 {strides = array<i32>} : memref<128x32xf32, #tpu.memory_space<vmem>>, vector<1x16xf32>,
        %mul3A_558 = arith.constant 8 : i32
        %mul3A_559 = arith.muli %scan3A_215, %mul3A_558 : i32
        %add3A_560 = arith.constant 0 : i32
        %add3A_561 = arith.addi %mul3A_559, %add3A_560 : i32
        %add3A_562 = arith.constant 3 : i32
        %add3A_563 = arith.addi %add3A_561, %add3A_562 : i32
        %get3A_564 = arith.constant 0 : i32
        %get3A_565 = arith.constant 0 : i32
        %get3A_566 = tpu.memref_slice %arg14[%scan3A_83, %get3A_564, %get3A_565] : memref<2x128x32xf32, #tpu.memory_space<vmem>> -> memref<1x128x32xf32, #tpu.memory_space<vmem>>
        %get3A_567 = tpu.memref_squeeze %get3A_566 : memref<1x128x32xf32, #tpu.memory_space<vmem>> -> memref<128x32xf32, #tpu.memory_space<vmem>>
        %get3A_568 = arith.index_cast %add3A_563 : i32 to index
        %get3A_569 = arith.constant 0 : index
        %get3A_570 = tpu.vector_load %get3A_567[%get3A_568, %get3A_569] {strides = array<i32>} : memref<128x32xf32, #tpu.memory_space<vmem>>, vector<1x16xf32>,
        %get3A_571 = vector.shape_cast %get3A_570 : vector<1x16xf32> to vector<16xf32>
        %get3A_572 = arith.constant 0 : i32
        %get3A_573 = arith.constant 0 : i32
        %get3A_574 = tpu.memref_slice %arg14[%scan3A_83, %get3A_572, %get3A_573] : memref<2x128x32xf32, #tpu.memory_space<vmem>> -> memref<1x128x32xf32, #tpu.memory_space<vmem>>
        %get3A_575 = tpu.memref_squeeze %get3A_574 : memref<1x128x32xf32, #tpu.memory_space<vmem>> -> memref<128x32xf32, #tpu.memory_space<vmem>>
        %get3A_576 = arith.index_cast %add3A_563 : i32 to index
        %get3A_577 = arith.constant 16 : index
        %get3A_578 = tpu.vector_load %get3A_575[%get3A_576, %get3A_577] {strides = array<i32>} : memref<128x32xf32, #tpu.memory_space<vmem>>, vector<1x16xf32>,
        %get3A_579 = vector.shape_cast %get3A_578 : vector<1x16xf32> to vector<16xf32>
        %get3A_580 = arith.constant 0 : i32
        %get3A_581 = arith.constant 0 : i32
        %get3A_582 = tpu.memref_slice %arg15[%scan3A_84, %get3A_580, %get3A_581] : memref<2x128x32xf32, #tpu.memory_space<vmem>> -> memref<1x128x32xf32, #tpu.memory_space<vmem>>
        %get3A_583 = tpu.memref_squeeze %get3A_582 : memref<1x128x32xf32, #tpu.memory_space<vmem>> -> memref<128x32xf32, #tpu.memory_space<vmem>>
        %get3A_584 = arith.index_cast %add3A_563 : i32 to index
        %get3A_585 = arith.constant 0 : index
        %get3A_586 = tpu.vector_load %get3A_583[%get3A_584, %get3A_585] {strides = array<i32>} : memref<128x32xf32, #tpu.memory_space<vmem>>, vector<1x16xf32>,
        %get3A_587 = vector.shape_cast %get3A_586 : vector<1x16xf32> to vector<16xf32>
        %get3A_588 = arith.constant 0 : i32
        %get3A_589 = arith.constant 0 : i32
        %get3A_590 = tpu.memref_slice %arg15[%scan3A_84, %get3A_588, %get3A_589] : memref<2x128x32xf32, #tpu.memory_space<vmem>> -> memref<1x128x32xf32, #tpu.memory_space<vmem>>
        %get3A_591 = tpu.memref_squeeze %get3A_590 : memref<1x128x32xf32, #tpu.memory_space<vmem>> -> memref<128x32xf32, #tpu.memory_space<vmem>>
        %get3A_592 = arith.index_cast %add3A_563 : i32 to index
        %get3A_593 = arith.constant 16 : index
        %get3A_594 = tpu.vector_load %get3A_591[%get3A_592, %get3A_593] {strides = array<i32>} : memref<128x32xf32, #tpu.memory_space<vmem>>, vector<1x16xf32>,
        %get3A_595 = vector.shape_cast %get3A_594 : vector<1x16xf32> to vector<16xf32>
        %get3A_596 = arith.index_cast %scan3A_215 : i32 to index
        %get3A_597 = arith.constant 96 : index
        %get3A_598 = tpu.vector_load %arg16[%get3A_596, %get3A_597] {strides = array<i32>} : memref<16x128xf32, #tpu.memory_space<vmem>>, vector<1x16xf32>,
        %get3A_599 = vector.shape_cast %get3A_598 : vector<1x16xf32> to vector<16xf32>
        %get3A_600 = arith.index_cast %scan3A_215 : i32 to index
        %get3A_601 = arith.constant 112 : index
        %get3A_602 = tpu.vector_load %arg16[%get3A_600, %get3A_601] {strides = array<i32>} : memref<16x128xf32, #tpu.memory_space<vmem>>, vector<1x16xf32>,
        %get3A_603 = vector.shape_cast %get3A_602 : vector<1x16xf32> to vector<16xf32>
        %add3A_604 = arith.addf %get3A_571, %get3A_587 : vector<16xf32>
        %add3A_605 = arith.addf %add3A_604, %get3A_599 : vector<16xf32>
        %gt3A_606 = arith.constant 0.000000e+00 : f32
        %gt3A_607 = vector.broadcast %gt3A_606 : f32 to vector<16xf32>
        %gt3A_608 = arith.cmpf ogt, %add3A_605, %gt3A_607 : vector<16xf32>
        %mul3A_609 = arith.constant 2.000000e-01 : f32
        %mul3A_610 = vector.broadcast %mul3A_609 : f32 to vector<16xf32>
        %mul3A_611 = arith.mulf %mul3A_610, %add3A_605 : vector<16xf32>
        %select_n3A_612 = arith.select %gt3A_608, %add3A_605, %mul3A_611 : vector<16xi1>, vector<16xf32>
        %add3A_613 = arith.addf %get3A_579, %get3A_595 : vector<16xf32>
        %add3A_614 = arith.addf %add3A_613, %get3A_603 : vector<16xf32>
        %gt3A_615 = arith.constant 0.000000e+00 : f32
        %gt3A_616 = vector.broadcast %gt3A_615 : f32 to vector<16xf32>
        %gt3A_617 = arith.cmpf ogt, %add3A_614, %gt3A_616 : vector<16xf32>
        %mul3A_618 = arith.constant 2.000000e-01 : f32
        %mul3A_619 = vector.broadcast %mul3A_618 : f32 to vector<16xf32>
        %mul3A_620 = arith.mulf %mul3A_619, %add3A_614 : vector<16xf32>
        %select_n3A_621 = arith.select %gt3A_617, %add3A_614, %mul3A_620 : vector<16xi1>, vector<16xf32>
        %mul3A_622 = arith.mulf %select_n3A_621, %get3A_19 : vector<16xf32>
        %broadcast_in_dim3A_623 = vector.shape_cast %xor3A_29 : vector<16xi32> to vector<16x1xi32>
        %gather3A_624 = vector.shape_cast %broadcast_in_dim3A_623 : vector<16x1xi32> to vector<16xi32>
        %gather3A_625 = tpu.dynamic_gather %mul3A_622[%gather3A_624] in [0] : vector<16xf32>, vector<16xi32> -> vector<16xf32>
        %add3A_626 = arith.addf %mul3A_622, %gather3A_625 : vector<16xf32>
        %broadcast_in_dim3A_627 = vector.shape_cast %xor3A_32 : vector<16xi32> to vector<16x1xi32>
        %gather3A_628 = vector.shape_cast %broadcast_in_dim3A_627 : vector<16x1xi32> to vector<16xi32>
        %gather3A_629 = tpu.dynamic_gather %add3A_626[%gather3A_628] in [0] : vector<16xf32>, vector<16xi32> -> vector<16xf32>
        %add3A_630 = arith.addf %add3A_626, %gather3A_629 : vector<16xf32>
        %broadcast_in_dim3A_631 = vector.shape_cast %xor3A_35 : vector<16xi32> to vector<16x1xi32>
        %gather3A_632 = vector.shape_cast %broadcast_in_dim3A_631 : vector<16x1xi32> to vector<16xi32>
        %gather3A_633 = tpu.dynamic_gather %add3A_630[%gather3A_632] in [0] : vector<16xf32>, vector<16xi32> -> vector<16xf32>
        %add3A_634 = arith.addf %add3A_630, %gather3A_633 : vector<16xf32>
        %broadcast_in_dim3A_635 = vector.shape_cast %xor3A_38 : vector<16xi32> to vector<16x1xi32>
        %gather3A_636 = vector.shape_cast %broadcast_in_dim3A_635 : vector<16x1xi32> to vector<16xi32>
        %gather3A_637 = tpu.dynamic_gather %add3A_634[%gather3A_636] in [0] : vector<16xf32>, vector<16xi32> -> vector<16xf32>
        %add3A_638 = arith.addf %add3A_634, %gather3A_637 : vector<16xf32>
        %add3A_639 = arith.addf %add3A_638, %get3A_22 : vector<16xf32>
        %neg3A_640 = arith.constant 0.000000e+00 : f32
        %neg3A_641 = vector.broadcast %neg3A_640 : f32 to vector<16xf32>
        %neg3A_642 = arith.subf %neg3A_641, %add3A_639 : vector<16xf32>
        %exp3A_643 = math.exp %neg3A_642 : vector<16xf32>
        %add3A_644 = arith.constant 1.000000e+00 : f32
        %add3A_645 = vector.broadcast %add3A_644 : f32 to vector<16xf32>
        %add3A_646 = arith.addf %add3A_645, %exp3A_643 : vector<16xf32>
        %div3A_647 = arith.constant 1.000000e+00 : f32
        %div3A_648 = vector.broadcast %div3A_647 : f32 to vector<16xf32>
        %div3A_649 = arith.divf %div3A_648, %add3A_646 : vector<16xf32>
        %mul3A_650 = arith.mulf %div3A_649, %select_n3A_621 : vector<16xf32>
        %eq3A_651 = arith.constant 0 : i32
        %eq3A_652 = vector.broadcast %eq3A_651 : i32 to vector<16xi32>
        %eq3A_653 = arith.cmpi eq, %iota3A, %eq3A_652 : vector<16xi32>
        %eq3A_654 = arith.constant 1 : i32
        %eq3A_655 = vector.broadcast %eq3A_654 : i32 to vector<16xi32>
        %eq3A_656 = arith.cmpi eq, %iota3A, %eq3A_655 : vector<16xi32>
        %select_n3A_657 = arith.select %eq3A_656, %broadcast_in_dim3A_23, %broadcast_in_dim3A_25 : vector<16xi1>, vector<16xf32>
        %select_n3A_658 = arith.select %eq3A_653, %div3A_649, %select_n3A_657 : vector<16xi1>, vector<16xf32>
        %swap3A_659 = arith.index_cast %add3A_563 : i32 to index
        %swap3A_660 = arith.constant 0 : index
        %swap3A_661 = tpu.vector_load %arg20[%swap3A_659, %swap3A_660] {strides = array<i32>} : memref<128x32xf32, #tpu.memory_space<vmem>>, vector<1x16xf32>,
        %swap3A_662 = vector.shape_cast %swap3A_661 : vector<1x16xf32> to vector<16xf32>
        %swap3A_663 = vector.shape_cast %select_n3A_612 : vector<16xf32> to vector<1x16xf32>
        tpu.vector_store %arg20[%swap3A_659, %swap3A_660], %swap3A_663 {strides = array<i32>} : memref<128x32xf32, #tpu.memory_space<vmem>>, vector<1x16xf32>,
        %swap3A_664 = arith.index_cast %add3A_563 : i32 to index
        %swap3A_665 = arith.constant 0 : index
        %swap3A_666 = tpu.vector_load %arg21[%swap3A_664, %swap3A_665] {strides = array<i32>} : memref<128x32xf32, #tpu.memory_space<vmem>>, vector<1x16xf32>,
        %swap3A_667 = vector.shape_cast %swap3A_666 : vector<1x16xf32> to vector<16xf32>
        %swap3A_668 = vector.shape_cast %mul3A_650 : vector<16xf32> to vector<1x16xf32>
        tpu.vector_store %arg21[%swap3A_664, %swap3A_665], %swap3A_668 {strides = array<i32>} : memref<128x32xf32, #tpu.memory_space<vmem>>, vector<1x16xf32>,
        %swap3A_669 = arith.index_cast %add3A_563 : i32 to index
        %swap3A_670 = arith.constant 16 : index
        %swap3A_671 = tpu.vector_load %arg21[%swap3A_669, %swap3A_670] {strides = array<i32>} : memref<128x32xf32, #tpu.memory_space<vmem>>, vector<1x16xf32>,
        %swap3A_672 = vector.shape_cast %swap3A_671 : vector<1x16xf32> to vector<16xf32>
        %swap3A_673 = vector.shape_cast %select_n3A_658 : vector<16xf32> to vector<1x16xf32>
        tpu.vector_store %arg21[%swap3A_669, %swap3A_670], %swap3A_673 {strides = array<i32>} : memref<128x32xf32, #tpu.memory_space<vmem>>, vector<1x16xf32>,
        %mul3A_674 = arith.constant 8 : i32
        %mul3A_675 = arith.muli %scan3A_215, %mul3A_674 : i32
        %add3A_676 = arith.constant 4 : i32
        %add3A_677 = arith.addi %mul3A_675, %add3A_676 : i32
        %add3A_678 = arith.constant 0 : i32
        %add3A_679 = arith.addi %add3A_677, %add3A_678 : i32
        %get3A_680 = arith.constant 0 : i32
        %get3A_681 = arith.constant 0 : i32
        %get3A_682 = tpu.memref_slice %arg14[%scan3A_83, %get3A_680, %get3A_681] : memref<2x128x32xf32, #tpu.memory_space<vmem>> -> memref<1x128x32xf32, #tpu.memory_space<vmem>>
        %get3A_683 = tpu.memref_squeeze %get3A_682 : memref<1x128x32xf32, #tpu.memory_space<vmem>> -> memref<128x32xf32, #tpu.memory_space<vmem>>
        %get3A_684 = arith.index_cast %add3A_679 : i32 to index
        %get3A_685 = arith.constant 0 : index
        %get3A_686 = tpu.vector_load %get3A_683[%get3A_684, %get3A_685] {strides = array<i32>} : memref<128x32xf32, #tpu.memory_space<vmem>>, vector<1x16xf32>,
        %get3A_687 = vector.shape_cast %get3A_686 : vector<1x16xf32> to vector<16xf32>
        %get3A_688 = arith.constant 0 : i32
        %get3A_689 = arith.constant 0 : i32
        %get3A_690 = tpu.memref_slice %arg14[%scan3A_83, %get3A_688, %get3A_689] : memref<2x128x32xf32, #tpu.memory_space<vmem>> -> memref<1x128x32xf32, #tpu.memory_space<vmem>>
        %get3A_691 = tpu.memref_squeeze %get3A_690 : memref<1x128x32xf32, #tpu.memory_space<vmem>> -> memref<128x32xf32, #tpu.memory_space<vmem>>
        %get3A_692 = arith.index_cast %add3A_679 : i32 to index
        %get3A_693 = arith.constant 16 : index
        %get3A_694 = tpu.vector_load %get3A_691[%get3A_692, %get3A_693] {strides = array<i32>} : memref<128x32xf32, #tpu.memory_space<vmem>>, vector<1x16xf32>,
        %get3A_695 = vector.shape_cast %get3A_694 : vector<1x16xf32> to vector<16xf32>
        %get3A_696 = arith.constant 0 : i32
        %get3A_697 = arith.constant 0 : i32
        %get3A_698 = tpu.memref_slice %arg15[%scan3A_84, %get3A_696, %get3A_697] : memref<2x128x32xf32, #tpu.memory_space<vmem>> -> memref<1x128x32xf32, #tpu.memory_space<vmem>>
        %get3A_699 = tpu.memref_squeeze %get3A_698 : memref<1x128x32xf32, #tpu.memory_space<vmem>> -> memref<128x32xf32, #tpu.memory_space<vmem>>
        %get3A_700 = arith.index_cast %add3A_679 : i32 to index
        %get3A_701 = arith.constant 0 : index
        %get3A_702 = tpu.vector_load %get3A_699[%get3A_700, %get3A_701] {strides = array<i32>} : memref<128x32xf32, #tpu.memory_space<vmem>>, vector<1x16xf32>,
        %get3A_703 = vector.shape_cast %get3A_702 : vector<1x16xf32> to vector<16xf32>
        %get3A_704 = arith.constant 0 : i32
        %get3A_705 = arith.constant 0 : i32
        %get3A_706 = tpu.memref_slice %arg15[%scan3A_84, %get3A_704, %get3A_705] : memref<2x128x32xf32, #tpu.memory_space<vmem>> -> memref<1x128x32xf32, #tpu.memory_space<vmem>>
        %get3A_707 = tpu.memref_squeeze %get3A_706 : memref<1x128x32xf32, #tpu.memory_space<vmem>> -> memref<128x32xf32, #tpu.memory_space<vmem>>
        %get3A_708 = arith.index_cast %add3A_679 : i32 to index
        %get3A_709 = arith.constant 16 : index
        %get3A_710 = tpu.vector_load %get3A_707[%get3A_708, %get3A_709] {strides = array<i32>} : memref<128x32xf32, #tpu.memory_space<vmem>>, vector<1x16xf32>,
        %get3A_711 = vector.shape_cast %get3A_710 : vector<1x16xf32> to vector<16xf32>
        %get3A_712 = arith.index_cast %scan3A_215 : i32 to index
        %get3A_713 = arith.constant 0 : index
        %get3A_714 = tpu.vector_load %arg18[%get3A_712, %get3A_713] {strides = array<i32>} : memref<16x128xf32, #tpu.memory_space<vmem>>, vector<1x16xf32>,
        %get3A_715 = vector.shape_cast %get3A_714 : vector<1x16xf32> to vector<16xf32>
        %get3A_716 = arith.index_cast %scan3A_215 : i32 to index
        %get3A_717 = arith.constant 16 : index
        %get3A_718 = tpu.vector_load %arg18[%get3A_716, %get3A_717] {strides = array<i32>} : memref<16x128xf32, #tpu.memory_space<vmem>>, vector<1x16xf32>,
        %get3A_719 = vector.shape_cast %get3A_718 : vector<1x16xf32> to vector<16xf32>
        %add3A_720 = arith.addf %get3A_687, %get3A_703 : vector<16xf32>
        %add3A_721 = arith.addf %add3A_720, %get3A_715 : vector<16xf32>
        %gt3A_722 = arith.constant 0.000000e+00 : f32
        %gt3A_723 = vector.broadcast %gt3A_722 : f32 to vector<16xf32>
        %gt3A_724 = arith.cmpf ogt, %add3A_721, %gt3A_723 : vector<16xf32>
        %mul3A_725 = arith.constant 2.000000e-01 : f32
        %mul3A_726 = vector.broadcast %mul3A_725 : f32 to vector<16xf32>
        %mul3A_727 = arith.mulf %mul3A_726, %add3A_721 : vector<16xf32>
        %select_n3A_728 = arith.select %gt3A_724, %add3A_721, %mul3A_727 : vector<16xi1>, vector<16xf32>
        %add3A_729 = arith.addf %get3A_695, %get3A_711 : vector<16xf32>
        %add3A_730 = arith.addf %add3A_729, %get3A_719 : vector<16xf32>
        %gt3A_731 = arith.constant 0.000000e+00 : f32
        %gt3A_732 = vector.broadcast %gt3A_731 : f32 to vector<16xf32>
        %gt3A_733 = arith.cmpf ogt, %add3A_730, %gt3A_732 : vector<16xf32>
        %mul3A_734 = arith.constant 2.000000e-01 : f32
        %mul3A_735 = vector.broadcast %mul3A_734 : f32 to vector<16xf32>
        %mul3A_736 = arith.mulf %mul3A_735, %add3A_730 : vector<16xf32>
        %select_n3A_737 = arith.select %gt3A_733, %add3A_730, %mul3A_736 : vector<16xi1>, vector<16xf32>
        %mul3A_738 = arith.mulf %select_n3A_737, %get3A_19 : vector<16xf32>
        %broadcast_in_dim3A_739 = vector.shape_cast %xor3A_29 : vector<16xi32> to vector<16x1xi32>
        %gather3A_740 = vector.shape_cast %broadcast_in_dim3A_739 : vector<16x1xi32> to vector<16xi32>
        %gather3A_741 = tpu.dynamic_gather %mul3A_738[%gather3A_740] in [0] : vector<16xf32>, vector<16xi32> -> vector<16xf32>
        %add3A_742 = arith.addf %mul3A_738, %gather3A_741 : vector<16xf32>
        %broadcast_in_dim3A_743 = vector.shape_cast %xor3A_32 : vector<16xi32> to vector<16x1xi32>
        %gather3A_744 = vector.shape_cast %broadcast_in_dim3A_743 : vector<16x1xi32> to vector<16xi32>
        %gather3A_745 = tpu.dynamic_gather %add3A_742[%gather3A_744] in [0] : vector<16xf32>, vector<16xi32> -> vector<16xf32>
        %add3A_746 = arith.addf %add3A_742, %gather3A_745 : vector<16xf32>
        %broadcast_in_dim3A_747 = vector.shape_cast %xor3A_35 : vector<16xi32> to vector<16x1xi32>
        %gather3A_748 = vector.shape_cast %broadcast_in_dim3A_747 : vector<16x1xi32> to vector<16xi32>
        %gather3A_749 = tpu.dynamic_gather %add3A_746[%gather3A_748] in [0] : vector<16xf32>, vector<16xi32> -> vector<16xf32>
        %add3A_750 = arith.addf %add3A_746, %gather3A_749 : vector<16xf32>
        %broadcast_in_dim3A_751 = vector.shape_cast %xor3A_38 : vector<16xi32> to vector<16x1xi32>
        %gather3A_752 = vector.shape_cast %broadcast_in_dim3A_751 : vector<16x1xi32> to vector<16xi32>
        %gather3A_753 = tpu.dynamic_gather %add3A_750[%gather3A_752] in [0] : vector<16xf32>, vector<16xi32> -> vector<16xf32>
        %add3A_754 = arith.addf %add3A_750, %gather3A_753 : vector<16xf32>
        %add3A_755 = arith.addf %add3A_754, %get3A_22 : vector<16xf32>
        %neg3A_756 = arith.constant 0.000000e+00 : f32
        %neg3A_757 = vector.broadcast %neg3A_756 : f32 to vector<16xf32>
        %neg3A_758 = arith.subf %neg3A_757, %add3A_755 : vector<16xf32>
        %exp3A_759 = math.exp %neg3A_758 : vector<16xf32>
        %add3A_760 = arith.constant 1.000000e+00 : f32
        %add3A_761 = vector.broadcast %add3A_760 : f32 to vector<16xf32>
        %add3A_762 = arith.addf %add3A_761, %exp3A_759 : vector<16xf32>
        %div3A_763 = arith.constant 1.000000e+00 : f32
        %div3A_764 = vector.broadcast %div3A_763 : f32 to vector<16xf32>
        %div3A_765 = arith.divf %div3A_764, %add3A_762 : vector<16xf32>
        %mul3A_766 = arith.mulf %div3A_765, %select_n3A_737 : vector<16xf32>
        %eq3A_767 = arith.constant 0 : i32
        %eq3A_768 = vector.broadcast %eq3A_767 : i32 to vector<16xi32>
        %eq3A_769 = arith.cmpi eq, %iota3A, %eq3A_768 : vector<16xi32>
        %eq3A_770 = arith.constant 1 : i32
        %eq3A_771 = vector.broadcast %eq3A_770 : i32 to vector<16xi32>
        %eq3A_772 = arith.cmpi eq, %iota3A, %eq3A_771 : vector<16xi32>
        %select_n3A_773 = arith.select %eq3A_772, %broadcast_in_dim3A_23, %broadcast_in_dim3A_25 : vector<16xi1>, vector<16xf32>
        %select_n3A_774 = arith.select %eq3A_769, %div3A_765, %select_n3A_773 : vector<16xi1>, vector<16xf32>
        %swap3A_775 = arith.index_cast %add3A_679 : i32 to index
        %swap3A_776 = arith.constant 0 : index
        %swap3A_777 = tpu.vector_load %arg20[%swap3A_775, %swap3A_776] {strides = array<i32>} : memref<128x32xf32, #tpu.memory_space<vmem>>, vector<1x16xf32>,
        %swap3A_778 = vector.shape_cast %swap3A_777 : vector<1x16xf32> to vector<16xf32>
        %swap3A_779 = vector.shape_cast %select_n3A_728 : vector<16xf32> to vector<1x16xf32>
        tpu.vector_store %arg20[%swap3A_775, %swap3A_776], %swap3A_779 {strides = array<i32>} : memref<128x32xf32, #tpu.memory_space<vmem>>, vector<1x16xf32>,
        %swap3A_780 = arith.index_cast %add3A_679 : i32 to index
        %swap3A_781 = arith.constant 0 : index
        %swap3A_782 = tpu.vector_load %arg21[%swap3A_780, %swap3A_781] {strides = array<i32>} : memref<128x32xf32, #tpu.memory_space<vmem>>, vector<1x16xf32>,
        %swap3A_783 = vector.shape_cast %swap3A_782 : vector<1x16xf32> to vector<16xf32>
        %swap3A_784 = vector.shape_cast %mul3A_766 : vector<16xf32> to vector<1x16xf32>
        tpu.vector_store %arg21[%swap3A_780, %swap3A_781], %swap3A_784 {strides = array<i32>} : memref<128x32xf32, #tpu.memory_space<vmem>>, vector<1x16xf32>,
        %swap3A_785 = arith.index_cast %add3A_679 : i32 to index
        %swap3A_786 = arith.constant 16 : index
        %swap3A_787 = tpu.vector_load %arg21[%swap3A_785, %swap3A_786] {strides = array<i32>} : memref<128x32xf32, #tpu.memory_space<vmem>>, vector<1x16xf32>,
        %swap3A_788 = vector.shape_cast %swap3A_787 : vector<1x16xf32> to vector<16xf32>
        %swap3A_789 = vector.shape_cast %select_n3A_774 : vector<16xf32> to vector<1x16xf32>
        tpu.vector_store %arg21[%swap3A_785, %swap3A_786], %swap3A_789 {strides = array<i32>} : memref<128x32xf32, #tpu.memory_space<vmem>>, vector<1x16xf32>,
        %mul3A_790 = arith.constant 8 : i32
        %mul3A_791 = arith.muli %scan3A_215, %mul3A_790 : i32
        %add3A_792 = arith.constant 4 : i32
        %add3A_793 = arith.addi %mul3A_791, %add3A_792 : i32
        %add3A_794 = arith.constant 1 : i32
        %add3A_795 = arith.addi %add3A_793, %add3A_794 : i32
        %get3A_796 = arith.constant 0 : i32
        %get3A_797 = arith.constant 0 : i32
        %get3A_798 = tpu.memref_slice %arg14[%scan3A_83, %get3A_796, %get3A_797] : memref<2x128x32xf32, #tpu.memory_space<vmem>> -> memref<1x128x32xf32, #tpu.memory_space<vmem>>
        %get3A_799 = tpu.memref_squeeze %get3A_798 : memref<1x128x32xf32, #tpu.memory_space<vmem>> -> memref<128x32xf32, #tpu.memory_space<vmem>>
        %get3A_800 = arith.index_cast %add3A_795 : i32 to index
        %get3A_801 = arith.constant 0 : index
        %get3A_802 = tpu.vector_load %get3A_799[%get3A_800, %get3A_801] {strides = array<i32>} : memref<128x32xf32, #tpu.memory_space<vmem>>, vector<1x16xf32>,
        %get3A_803 = vector.shape_cast %get3A_802 : vector<1x16xf32> to vector<16xf32>
        %get3A_804 = arith.constant 0 : i32
        %get3A_805 = arith.constant 0 : i32
        %get3A_806 = tpu.memref_slice %arg14[%scan3A_83, %get3A_804, %get3A_805] : memref<2x128x32xf32, #tpu.memory_space<vmem>> -> memref<1x128x32xf32, #tpu.memory_space<vmem>>
        %get3A_807 = tpu.memref_squeeze %get3A_806 : memref<1x128x32xf32, #tpu.memory_space<vmem>> -> memref<128x32xf32, #tpu.memory_space<vmem>>
        %get3A_808 = arith.index_cast %add3A_795 : i32 to index
        %get3A_809 = arith.constant 16 : index
        %get3A_810 = tpu.vector_load %get3A_807[%get3A_808, %get3A_809] {strides = array<i32>} : memref<128x32xf32, #tpu.memory_space<vmem>>, vector<1x16xf32>,
        %get3A_811 = vector.shape_cast %get3A_810 : vector<1x16xf32> to vector<16xf32>
        %get3A_812 = arith.constant 0 : i32
        %get3A_813 = arith.constant 0 : i32
        %get3A_814 = tpu.memref_slice %arg15[%scan3A_84, %get3A_812, %get3A_813] : memref<2x128x32xf32, #tpu.memory_space<vmem>> -> memref<1x128x32xf32, #tpu.memory_space<vmem>>
        %get3A_815 = tpu.memref_squeeze %get3A_814 : memref<1x128x32xf32, #tpu.memory_space<vmem>> -> memref<128x32xf32, #tpu.memory_space<vmem>>
        %get3A_816 = arith.index_cast %add3A_795 : i32 to index
        %get3A_817 = arith.constant 0 : index
        %get3A_818 = tpu.vector_load %get3A_815[%get3A_816, %get3A_817] {strides = array<i32>} : memref<128x32xf32, #tpu.memory_space<vmem>>, vector<1x16xf32>,
        %get3A_819 = vector.shape_cast %get3A_818 : vector<1x16xf32> to vector<16xf32>
        %get3A_820 = arith.constant 0 : i32
        %get3A_821 = arith.constant 0 : i32
        %get3A_822 = tpu.memref_slice %arg15[%scan3A_84, %get3A_820, %get3A_821] : memref<2x128x32xf32, #tpu.memory_space<vmem>> -> memref<1x128x32xf32, #tpu.memory_space<vmem>>
        %get3A_823 = tpu.memref_squeeze %get3A_822 : memref<1x128x32xf32, #tpu.memory_space<vmem>> -> memref<128x32xf32, #tpu.memory_space<vmem>>
        %get3A_824 = arith.index_cast %add3A_795 : i32 to index
        %get3A_825 = arith.constant 16 : index
        %get3A_826 = tpu.vector_load %get3A_823[%get3A_824, %get3A_825] {strides = array<i32>} : memref<128x32xf32, #tpu.memory_space<vmem>>, vector<1x16xf32>,
        %get3A_827 = vector.shape_cast %get3A_826 : vector<1x16xf32> to vector<16xf32>
        %get3A_828 = arith.index_cast %scan3A_215 : i32 to index
        %get3A_829 = arith.constant 32 : index
        %get3A_830 = tpu.vector_load %arg18[%get3A_828, %get3A_829] {strides = array<i32>} : memref<16x128xf32, #tpu.memory_space<vmem>>, vector<1x16xf32>,
        %get3A_831 = vector.shape_cast %get3A_830 : vector<1x16xf32> to vector<16xf32>
        %get3A_832 = arith.index_cast %scan3A_215 : i32 to index
        %get3A_833 = arith.constant 48 : index
        %get3A_834 = tpu.vector_load %arg18[%get3A_832, %get3A_833] {strides = array<i32>} : memref<16x128xf32, #tpu.memory_space<vmem>>, vector<1x16xf32>,
        %get3A_835 = vector.shape_cast %get3A_834 : vector<1x16xf32> to vector<16xf32>
        %add3A_836 = arith.addf %get3A_803, %get3A_819 : vector<16xf32>
        %add3A_837 = arith.addf %add3A_836, %get3A_831 : vector<16xf32>
        %gt3A_838 = arith.constant 0.000000e+00 : f32
        %gt3A_839 = vector.broadcast %gt3A_838 : f32 to vector<16xf32>
        %gt3A_840 = arith.cmpf ogt, %add3A_837, %gt3A_839 : vector<16xf32>
        %mul3A_841 = arith.constant 2.000000e-01 : f32
        %mul3A_842 = vector.broadcast %mul3A_841 : f32 to vector<16xf32>
        %mul3A_843 = arith.mulf %mul3A_842, %add3A_837 : vector<16xf32>
        %select_n3A_844 = arith.select %gt3A_840, %add3A_837, %mul3A_843 : vector<16xi1>, vector<16xf32>
        %add3A_845 = arith.addf %get3A_811, %get3A_827 : vector<16xf32>
        %add3A_846 = arith.addf %add3A_845, %get3A_835 : vector<16xf32>
        %gt3A_847 = arith.constant 0.000000e+00 : f32
        %gt3A_848 = vector.broadcast %gt3A_847 : f32 to vector<16xf32>
        %gt3A_849 = arith.cmpf ogt, %add3A_846, %gt3A_848 : vector<16xf32>
        %mul3A_850 = arith.constant 2.000000e-01 : f32
        %mul3A_851 = vector.broadcast %mul3A_850 : f32 to vector<16xf32>
        %mul3A_852 = arith.mulf %mul3A_851, %add3A_846 : vector<16xf32>
        %select_n3A_853 = arith.select %gt3A_849, %add3A_846, %mul3A_852 : vector<16xi1>, vector<16xf32>
        %mul3A_854 = arith.mulf %select_n3A_853, %get3A_19 : vector<16xf32>
        %broadcast_in_dim3A_855 = vector.shape_cast %xor3A_29 : vector<16xi32> to vector<16x1xi32>
        %gather3A_856 = vector.shape_cast %broadcast_in_dim3A_855 : vector<16x1xi32> to vector<16xi32>
        %gather3A_857 = tpu.dynamic_gather %mul3A_854[%gather3A_856] in [0] : vector<16xf32>, vector<16xi32> -> vector<16xf32>
        %add3A_858 = arith.addf %mul3A_854, %gather3A_857 : vector<16xf32>
        %broadcast_in_dim3A_859 = vector.shape_cast %xor3A_32 : vector<16xi32> to vector<16x1xi32>
        %gather3A_860 = vector.shape_cast %broadcast_in_dim3A_859 : vector<16x1xi32> to vector<16xi32>
        %gather3A_861 = tpu.dynamic_gather %add3A_858[%gather3A_860] in [0] : vector<16xf32>, vector<16xi32> -> vector<16xf32>
        %add3A_862 = arith.addf %add3A_858, %gather3A_861 : vector<16xf32>
        %broadcast_in_dim3A_863 = vector.shape_cast %xor3A_35 : vector<16xi32> to vector<16x1xi32>
        %gather3A_864 = vector.shape_cast %broadcast_in_dim3A_863 : vector<16x1xi32> to vector<16xi32>
        %gather3A_865 = tpu.dynamic_gather %add3A_862[%gather3A_864] in [0] : vector<16xf32>, vector<16xi32> -> vector<16xf32>
        %add3A_866 = arith.addf %add3A_862, %gather3A_865 : vector<16xf32>
        %broadcast_in_dim3A_867 = vector.shape_cast %xor3A_38 : vector<16xi32> to vector<16x1xi32>
        %gather3A_868 = vector.shape_cast %broadcast_in_dim3A_867 : vector<16x1xi32> to vector<16xi32>
        %gather3A_869 = tpu.dynamic_gather %add3A_866[%gather3A_868] in [0] : vector<16xf32>, vector<16xi32> -> vector<16xf32>
        %add3A_870 = arith.addf %add3A_866, %gather3A_869 : vector<16xf32>
        %add3A_871 = arith.addf %add3A_870, %get3A_22 : vector<16xf32>
        %neg3A_872 = arith.constant 0.000000e+00 : f32
        %neg3A_873 = vector.broadcast %neg3A_872 : f32 to vector<16xf32>
        %neg3A_874 = arith.subf %neg3A_873, %add3A_871 : vector<16xf32>
        %exp3A_875 = math.exp %neg3A_874 : vector<16xf32>
        %add3A_876 = arith.constant 1.000000e+00 : f32
        %add3A_877 = vector.broadcast %add3A_876 : f32 to vector<16xf32>
        %add3A_878 = arith.addf %add3A_877, %exp3A_875 : vector<16xf32>
        %div3A_879 = arith.constant 1.000000e+00 : f32
        %div3A_880 = vector.broadcast %div3A_879 : f32 to vector<16xf32>
        %div3A_881 = arith.divf %div3A_880, %add3A_878 : vector<16xf32>
        %mul3A_882 = arith.mulf %div3A_881, %select_n3A_853 : vector<16xf32>
        %eq3A_883 = arith.constant 0 : i32
        %eq3A_884 = vector.broadcast %eq3A_883 : i32 to vector<16xi32>
        %eq3A_885 = arith.cmpi eq, %iota3A, %eq3A_884 : vector<16xi32>
        %eq3A_886 = arith.constant 1 : i32
        %eq3A_887 = vector.broadcast %eq3A_886 : i32 to vector<16xi32>
        %eq3A_888 = arith.cmpi eq, %iota3A, %eq3A_887 : vector<16xi32>
        %select_n3A_889 = arith.select %eq3A_888, %broadcast_in_dim3A_23, %broadcast_in_dim3A_25 : vector<16xi1>, vector<16xf32>
        %select_n3A_890 = arith.select %eq3A_885, %div3A_881, %select_n3A_889 : vector<16xi1>, vector<16xf32>
        %swap3A_891 = arith.index_cast %add3A_795 : i32 to index
        %swap3A_892 = arith.constant 0 : index
        %swap3A_893 = tpu.vector_load %arg20[%swap3A_891, %swap3A_892] {strides = array<i32>} : memref<128x32xf32, #tpu.memory_space<vmem>>, vector<1x16xf32>,
        %swap3A_894 = vector.shape_cast %swap3A_893 : vector<1x16xf32> to vector<16xf32>
        %swap3A_895 = vector.shape_cast %select_n3A_844 : vector<16xf32> to vector<1x16xf32>
        tpu.vector_store %arg20[%swap3A_891, %swap3A_892], %swap3A_895 {strides = array<i32>} : memref<128x32xf32, #tpu.memory_space<vmem>>, vector<1x16xf32>,
        %swap3A_896 = arith.index_cast %add3A_795 : i32 to index
        %swap3A_897 = arith.constant 0 : index
        %swap3A_898 = tpu.vector_load %arg21[%swap3A_896, %swap3A_897] {strides = array<i32>} : memref<128x32xf32, #tpu.memory_space<vmem>>, vector<1x16xf32>,
        %swap3A_899 = vector.shape_cast %swap3A_898 : vector<1x16xf32> to vector<16xf32>
        %swap3A_900 = vector.shape_cast %mul3A_882 : vector<16xf32> to vector<1x16xf32>
        tpu.vector_store %arg21[%swap3A_896, %swap3A_897], %swap3A_900 {strides = array<i32>} : memref<128x32xf32, #tpu.memory_space<vmem>>, vector<1x16xf32>,
        %swap3A_901 = arith.index_cast %add3A_795 : i32 to index
        %swap3A_902 = arith.constant 16 : index
        %swap3A_903 = tpu.vector_load %arg21[%swap3A_901, %swap3A_902] {strides = array<i32>} : memref<128x32xf32, #tpu.memory_space<vmem>>, vector<1x16xf32>,
        %swap3A_904 = vector.shape_cast %swap3A_903 : vector<1x16xf32> to vector<16xf32>
        %swap3A_905 = vector.shape_cast %select_n3A_890 : vector<16xf32> to vector<1x16xf32>
        tpu.vector_store %arg21[%swap3A_901, %swap3A_902], %swap3A_905 {strides = array<i32>} : memref<128x32xf32, #tpu.memory_space<vmem>>, vector<1x16xf32>,
        %mul3A_906 = arith.constant 8 : i32
        %mul3A_907 = arith.muli %scan3A_215, %mul3A_906 : i32
        %add3A_908 = arith.constant 4 : i32
        %add3A_909 = arith.addi %mul3A_907, %add3A_908 : i32
        %add3A_910 = arith.constant 2 : i32
        %add3A_911 = arith.addi %add3A_909, %add3A_910 : i32
        %get3A_912 = arith.constant 0 : i32
        %get3A_913 = arith.constant 0 : i32
        %get3A_914 = tpu.memref_slice %arg14[%scan3A_83, %get3A_912, %get3A_913] : memref<2x128x32xf32, #tpu.memory_space<vmem>> -> memref<1x128x32xf32, #tpu.memory_space<vmem>>
        %get3A_915 = tpu.memref_squeeze %get3A_914 : memref<1x128x32xf32, #tpu.memory_space<vmem>> -> memref<128x32xf32, #tpu.memory_space<vmem>>
        %get3A_916 = arith.index_cast %add3A_911 : i32 to index
        %get3A_917 = arith.constant 0 : index
        %get3A_918 = tpu.vector_load %get3A_915[%get3A_916, %get3A_917] {strides = array<i32>} : memref<128x32xf32, #tpu.memory_space<vmem>>, vector<1x16xf32>,
        %get3A_919 = vector.shape_cast %get3A_918 : vector<1x16xf32> to vector<16xf32>
        %get3A_920 = arith.constant 0 : i32
        %get3A_921 = arith.constant 0 : i32
        %get3A_922 = tpu.memref_slice %arg14[%scan3A_83, %get3A_920, %get3A_921] : memref<2x128x32xf32, #tpu.memory_space<vmem>> -> memref<1x128x32xf32, #tpu.memory_space<vmem>>
        %get3A_923 = tpu.memref_squeeze %get3A_922 : memref<1x128x32xf32, #tpu.memory_space<vmem>> -> memref<128x32xf32, #tpu.memory_space<vmem>>
        %get3A_924 = arith.index_cast %add3A_911 : i32 to index
        %get3A_925 = arith.constant 16 : index
        %get3A_926 = tpu.vector_load %get3A_923[%get3A_924, %get3A_925] {strides = array<i32>} : memref<128x32xf32, #tpu.memory_space<vmem>>, vector<1x16xf32>,
        %get3A_927 = vector.shape_cast %get3A_926 : vector<1x16xf32> to vector<16xf32>
        %get3A_928 = arith.constant 0 : i32
        %get3A_929 = arith.constant 0 : i32
        %get3A_930 = tpu.memref_slice %arg15[%scan3A_84, %get3A_928, %get3A_929] : memref<2x128x32xf32, #tpu.memory_space<vmem>> -> memref<1x128x32xf32, #tpu.memory_space<vmem>>
        %get3A_931 = tpu.memref_squeeze %get3A_930 : memref<1x128x32xf32, #tpu.memory_space<vmem>> -> memref<128x32xf32, #tpu.memory_space<vmem>>
        %get3A_932 = arith.index_cast %add3A_911 : i32 to index
        %get3A_933 = arith.constant 0 : index
        %get3A_934 = tpu.vector_load %get3A_931[%get3A_932, %get3A_933] {strides = array<i32>} : memref<128x32xf32, #tpu.memory_space<vmem>>, vector<1x16xf32>,
        %get3A_935 = vector.shape_cast %get3A_934 : vector<1x16xf32> to vector<16xf32>
        %get3A_936 = arith.constant 0 : i32
        %get3A_937 = arith.constant 0 : i32
        %get3A_938 = tpu.memref_slice %arg15[%scan3A_84, %get3A_936, %get3A_937] : memref<2x128x32xf32, #tpu.memory_space<vmem>> -> memref<1x128x32xf32, #tpu.memory_space<vmem>>
        %get3A_939 = tpu.memref_squeeze %get3A_938 : memref<1x128x32xf32, #tpu.memory_space<vmem>> -> memref<128x32xf32, #tpu.memory_space<vmem>>
        %get3A_940 = arith.index_cast %add3A_911 : i32 to index
        %get3A_941 = arith.constant 16 : index
        %get3A_942 = tpu.vector_load %get3A_939[%get3A_940, %get3A_941] {strides = array<i32>} : memref<128x32xf32, #tpu.memory_space<vmem>>, vector<1x16xf32>,
        %get3A_943 = vector.shape_cast %get3A_942 : vector<1x16xf32> to vector<16xf32>
        %get3A_944 = arith.index_cast %scan3A_215 : i32 to index
        %get3A_945 = arith.constant 64 : index
        %get3A_946 = tpu.vector_load %arg18[%get3A_944, %get3A_945] {strides = array<i32>} : memref<16x128xf32, #tpu.memory_space<vmem>>, vector<1x16xf32>,
        %get3A_947 = vector.shape_cast %get3A_946 : vector<1x16xf32> to vector<16xf32>
        %get3A_948 = arith.index_cast %scan3A_215 : i32 to index
        %get3A_949 = arith.constant 80 : index
        %get3A_950 = tpu.vector_load %arg18[%get3A_948, %get3A_949] {strides = array<i32>} : memref<16x128xf32, #tpu.memory_space<vmem>>, vector<1x16xf32>,
        %get3A_951 = vector.shape_cast %get3A_950 : vector<1x16xf32> to vector<16xf32>
        %add3A_952 = arith.addf %get3A_919, %get3A_935 : vector<16xf32>
        %add3A_953 = arith.addf %add3A_952, %get3A_947 : vector<16xf32>
        %gt3A_954 = arith.constant 0.000000e+00 : f32
        %gt3A_955 = vector.broadcast %gt3A_954 : f32 to vector<16xf32>
        %gt3A_956 = arith.cmpf ogt, %add3A_953, %gt3A_955 : vector<16xf32>
        %mul3A_957 = arith.constant 2.000000e-01 : f32
        %mul3A_958 = vector.broadcast %mul3A_957 : f32 to vector<16xf32>
        %mul3A_959 = arith.mulf %mul3A_958, %add3A_953 : vector<16xf32>
        %select_n3A_960 = arith.select %gt3A_956, %add3A_953, %mul3A_959 : vector<16xi1>, vector<16xf32>
        %add3A_961 = arith.addf %get3A_927, %get3A_943 : vector<16xf32>
        %add3A_962 = arith.addf %add3A_961, %get3A_951 : vector<16xf32>
        %gt3A_963 = arith.constant 0.000000e+00 : f32
        %gt3A_964 = vector.broadcast %gt3A_963 : f32 to vector<16xf32>
        %gt3A_965 = arith.cmpf ogt, %add3A_962, %gt3A_964 : vector<16xf32>
        %mul3A_966 = arith.constant 2.000000e-01 : f32
        %mul3A_967 = vector.broadcast %mul3A_966 : f32 to vector<16xf32>
        %mul3A_968 = arith.mulf %mul3A_967, %add3A_962 : vector<16xf32>
        %select_n3A_969 = arith.select %gt3A_965, %add3A_962, %mul3A_968 : vector<16xi1>, vector<16xf32>
        %mul3A_970 = arith.mulf %select_n3A_969, %get3A_19 : vector<16xf32>
        %broadcast_in_dim3A_971 = vector.shape_cast %xor3A_29 : vector<16xi32> to vector<16x1xi32>
        %gather3A_972 = vector.shape_cast %broadcast_in_dim3A_971 : vector<16x1xi32> to vector<16xi32>
        %gather3A_973 = tpu.dynamic_gather %mul3A_970[%gather3A_972] in [0] : vector<16xf32>, vector<16xi32> -> vector<16xf32>
        %add3A_974 = arith.addf %mul3A_970, %gather3A_973 : vector<16xf32>
        %broadcast_in_dim3A_975 = vector.shape_cast %xor3A_32 : vector<16xi32> to vector<16x1xi32>
        %gather3A_976 = vector.shape_cast %broadcast_in_dim3A_975 : vector<16x1xi32> to vector<16xi32>
        %gather3A_977 = tpu.dynamic_gather %add3A_974[%gather3A_976] in [0] : vector<16xf32>, vector<16xi32> -> vector<16xf32>
        %add3A_978 = arith.addf %add3A_974, %gather3A_977 : vector<16xf32>
        %broadcast_in_dim3A_979 = vector.shape_cast %xor3A_35 : vector<16xi32> to vector<16x1xi32>
        %gather3A_980 = vector.shape_cast %broadcast_in_dim3A_979 : vector<16x1xi32> to vector<16xi32>
        %gather3A_981 = tpu.dynamic_gather %add3A_978[%gather3A_980] in [0] : vector<16xf32>, vector<16xi32> -> vector<16xf32>
        %add3A_982 = arith.addf %add3A_978, %gather3A_981 : vector<16xf32>
        %broadcast_in_dim3A_983 = vector.shape_cast %xor3A_38 : vector<16xi32> to vector<16x1xi32>
        %gather3A_984 = vector.shape_cast %broadcast_in_dim3A_983 : vector<16x1xi32> to vector<16xi32>
        %gather3A_985 = tpu.dynamic_gather %add3A_982[%gather3A_984] in [0] : vector<16xf32>, vector<16xi32> -> vector<16xf32>
        %add3A_986 = arith.addf %add3A_982, %gather3A_985 : vector<16xf32>
        %add3A_987 = arith.addf %add3A_986, %get3A_22 : vector<16xf32>
        %neg3A_988 = arith.constant 0.000000e+00 : f32
        %neg3A_989 = vector.broadcast %neg3A_988 : f32 to vector<16xf32>
        %neg3A_990 = arith.subf %neg3A_989, %add3A_987 : vector<16xf32>
        %exp3A_991 = math.exp %neg3A_990 : vector<16xf32>
        %add3A_992 = arith.constant 1.000000e+00 : f32
        %add3A_993 = vector.broadcast %add3A_992 : f32 to vector<16xf32>
        %add3A_994 = arith.addf %add3A_993, %exp3A_991 : vector<16xf32>
        %div3A_995 = arith.constant 1.000000e+00 : f32
        %div3A_996 = vector.broadcast %div3A_995 : f32 to vector<16xf32>
        %div3A_997 = arith.divf %div3A_996, %add3A_994 : vector<16xf32>
        %mul3A_998 = arith.mulf %div3A_997, %select_n3A_969 : vector<16xf32>
        %eq3A_999 = arith.constant 0 : i32
        %eq3A_1000 = vector.broadcast %eq3A_999 : i32 to vector<16xi32>
        %eq3A_1001 = arith.cmpi eq, %iota3A, %eq3A_1000 : vector<16xi32>
        %eq3A_1002 = arith.constant 1 : i32
        %eq3A_1003 = vector.broadcast %eq3A_1002 : i32 to vector<16xi32>
        %eq3A_1004 = arith.cmpi eq, %iota3A, %eq3A_1003 : vector<16xi32>
        %select_n3A_1005 = arith.select %eq3A_1004, %broadcast_in_dim3A_23, %broadcast_in_dim3A_25 : vector<16xi1>, vector<16xf32>
        %select_n3A_1006 = arith.select %eq3A_1001, %div3A_997, %select_n3A_1005 : vector<16xi1>, vector<16xf32>
        %swap3A_1007 = arith.index_cast %add3A_911 : i32 to index
        %swap3A_1008 = arith.constant 0 : index
        %swap3A_1009 = tpu.vector_load %arg20[%swap3A_1007, %swap3A_1008] {strides = array<i32>} : memref<128x32xf32, #tpu.memory_space<vmem>>, vector<1x16xf32>,
        %swap3A_1010 = vector.shape_cast %swap3A_1009 : vector<1x16xf32> to vector<16xf32>
        %swap3A_1011 = vector.shape_cast %select_n3A_960 : vector<16xf32> to vector<1x16xf32>
        tpu.vector_store %arg20[%swap3A_1007, %swap3A_1008], %swap3A_1011 {strides = array<i32>} : memref<128x32xf32, #tpu.memory_space<vmem>>, vector<1x16xf32>,
        %swap3A_1012 = arith.index_cast %add3A_911 : i32 to index
        %swap3A_1013 = arith.constant 0 : index
        %swap3A_1014 = tpu.vector_load %arg21[%swap3A_1012, %swap3A_1013] {strides = array<i32>} : memref<128x32xf32, #tpu.memory_space<vmem>>, vector<1x16xf32>,
        %swap3A_1015 = vector.shape_cast %swap3A_1014 : vector<1x16xf32> to vector<16xf32>
        %swap3A_1016 = vector.shape_cast %mul3A_998 : vector<16xf32> to vector<1x16xf32>
        tpu.vector_store %arg21[%swap3A_1012, %swap3A_1013], %swap3A_1016 {strides = array<i32>} : memref<128x32xf32, #tpu.memory_space<vmem>>, vector<1x16xf32>,
        %swap3A_1017 = arith.index_cast %add3A_911 : i32 to index
        %swap3A_1018 = arith.constant 16 : index
        %swap3A_1019 = tpu.vector_load %arg21[%swap3A_1017, %swap3A_1018] {strides = array<i32>} : memref<128x32xf32, #tpu.memory_space<vmem>>, vector<1x16xf32>,
        %swap3A_1020 = vector.shape_cast %swap3A_1019 : vector<1x16xf32> to vector<16xf32>
        %swap3A_1021 = vector.shape_cast %select_n3A_1006 : vector<16xf32> to vector<1x16xf32>
        tpu.vector_store %arg21[%swap3A_1017, %swap3A_1018], %swap3A_1021 {strides = array<i32>} : memref<128x32xf32, #tpu.memory_space<vmem>>, vector<1x16xf32>,
        %mul3A_1022 = arith.constant 8 : i32
        %mul3A_1023 = arith.muli %scan3A_215, %mul3A_1022 : i32
        %add3A_1024 = arith.constant 4 : i32
        %add3A_1025 = arith.addi %mul3A_1023, %add3A_1024 : i32
        %add3A_1026 = arith.constant 3 : i32
        %add3A_1027 = arith.addi %add3A_1025, %add3A_1026 : i32
        %get3A_1028 = arith.constant 0 : i32
        %get3A_1029 = arith.constant 0 : i32
        %get3A_1030 = tpu.memref_slice %arg14[%scan3A_83, %get3A_1028, %get3A_1029] : memref<2x128x32xf32, #tpu.memory_space<vmem>> -> memref<1x128x32xf32, #tpu.memory_space<vmem>>
        %get3A_1031 = tpu.memref_squeeze %get3A_1030 : memref<1x128x32xf32, #tpu.memory_space<vmem>> -> memref<128x32xf32, #tpu.memory_space<vmem>>
        %get3A_1032 = arith.index_cast %add3A_1027 : i32 to index
        %get3A_1033 = arith.constant 0 : index
        %get3A_1034 = tpu.vector_load %get3A_1031[%get3A_1032, %get3A_1033] {strides = array<i32>} : memref<128x32xf32, #tpu.memory_space<vmem>>, vector<1x16xf32>,
        %get3A_1035 = vector.shape_cast %get3A_1034 : vector<1x16xf32> to vector<16xf32>
        %get3A_1036 = arith.constant 0 : i32
        %get3A_1037 = arith.constant 0 : i32
        %get3A_1038 = tpu.memref_slice %arg14[%scan3A_83, %get3A_1036, %get3A_1037] : memref<2x128x32xf32, #tpu.memory_space<vmem>> -> memref<1x128x32xf32, #tpu.memory_space<vmem>>
        %get3A_1039 = tpu.memref_squeeze %get3A_1038 : memref<1x128x32xf32, #tpu.memory_space<vmem>> -> memref<128x32xf32, #tpu.memory_space<vmem>>
        %get3A_1040 = arith.index_cast %add3A_1027 : i32 to index
        %get3A_1041 = arith.constant 16 : index
        %get3A_1042 = tpu.vector_load %get3A_1039[%get3A_1040, %get3A_1041] {strides = array<i32>} : memref<128x32xf32, #tpu.memory_space<vmem>>, vector<1x16xf32>,
        %get3A_1043 = vector.shape_cast %get3A_1042 : vector<1x16xf32> to vector<16xf32>
        %get3A_1044 = arith.constant 0 : i32
        %get3A_1045 = arith.constant 0 : i32
        %get3A_1046 = tpu.memref_slice %arg15[%scan3A_84, %get3A_1044, %get3A_1045] : memref<2x128x32xf32, #tpu.memory_space<vmem>> -> memref<1x128x32xf32, #tpu.memory_space<vmem>>
        %get3A_1047 = tpu.memref_squeeze %get3A_1046 : memref<1x128x32xf32, #tpu.memory_space<vmem>> -> memref<128x32xf32, #tpu.memory_space<vmem>>
        %get3A_1048 = arith.index_cast %add3A_1027 : i32 to index
        %get3A_1049 = arith.constant 0 : index
        %get3A_1050 = tpu.vector_load %get3A_1047[%get3A_1048, %get3A_1049] {strides = array<i32>} : memref<128x32xf32, #tpu.memory_space<vmem>>, vector<1x16xf32>,
        %get3A_1051 = vector.shape_cast %get3A_1050 : vector<1x16xf32> to vector<16xf32>
        %get3A_1052 = arith.constant 0 : i32
        %get3A_1053 = arith.constant 0 : i32
        %get3A_1054 = tpu.memref_slice %arg15[%scan3A_84, %get3A_1052, %get3A_1053] : memref<2x128x32xf32, #tpu.memory_space<vmem>> -> memref<1x128x32xf32, #tpu.memory_space<vmem>>
        %get3A_1055 = tpu.memref_squeeze %get3A_1054 : memref<1x128x32xf32, #tpu.memory_space<vmem>> -> memref<128x32xf32, #tpu.memory_space<vmem>>
        %get3A_1056 = arith.index_cast %add3A_1027 : i32 to index
        %get3A_1057 = arith.constant 16 : index
        %get3A_1058 = tpu.vector_load %get3A_1055[%get3A_1056, %get3A_1057] {strides = array<i32>} : memref<128x32xf32, #tpu.memory_space<vmem>>, vector<1x16xf32>,
        %get3A_1059 = vector.shape_cast %get3A_1058 : vector<1x16xf32> to vector<16xf32>
        %get3A_1060 = arith.index_cast %scan3A_215 : i32 to index
        %get3A_1061 = arith.constant 96 : index
        %get3A_1062 = tpu.vector_load %arg18[%get3A_1060, %get3A_1061] {strides = array<i32>} : memref<16x128xf32, #tpu.memory_space<vmem>>, vector<1x16xf32>,
        %get3A_1063 = vector.shape_cast %get3A_1062 : vector<1x16xf32> to vector<16xf32>
        %get3A_1064 = arith.index_cast %scan3A_215 : i32 to index
        %get3A_1065 = arith.constant 112 : index
        %get3A_1066 = tpu.vector_load %arg18[%get3A_1064, %get3A_1065] {strides = array<i32>} : memref<16x128xf32, #tpu.memory_space<vmem>>, vector<1x16xf32>,
        %get3A_1067 = vector.shape_cast %get3A_1066 : vector<1x16xf32> to vector<16xf32>
        %add3A_1068 = arith.addf %get3A_1035, %get3A_1051 : vector<16xf32>
        %add3A_1069 = arith.addf %add3A_1068, %get3A_1063 : vector<16xf32>
        %gt3A_1070 = arith.constant 0.000000e+00 : f32
        %gt3A_1071 = vector.broadcast %gt3A_1070 : f32 to vector<16xf32>
        %gt3A_1072 = arith.cmpf ogt, %add3A_1069, %gt3A_1071 : vector<16xf32>
        %mul3A_1073 = arith.constant 2.000000e-01 : f32
        %mul3A_1074 = vector.broadcast %mul3A_1073 : f32 to vector<16xf32>
        %mul3A_1075 = arith.mulf %mul3A_1074, %add3A_1069 : vector<16xf32>
        %select_n3A_1076 = arith.select %gt3A_1072, %add3A_1069, %mul3A_1075 : vector<16xi1>, vector<16xf32>
        %add3A_1077 = arith.addf %get3A_1043, %get3A_1059 : vector<16xf32>
        %add3A_1078 = arith.addf %add3A_1077, %get3A_1067 : vector<16xf32>
        %gt3A_1079 = arith.constant 0.000000e+00 : f32
        %gt3A_1080 = vector.broadcast %gt3A_1079 : f32 to vector<16xf32>
        %gt3A_1081 = arith.cmpf ogt, %add3A_1078, %gt3A_1080 : vector<16xf32>
        %mul3A_1082 = arith.constant 2.000000e-01 : f32
        %mul3A_1083 = vector.broadcast %mul3A_1082 : f32 to vector<16xf32>
        %mul3A_1084 = arith.mulf %mul3A_1083, %add3A_1078 : vector<16xf32>
        %select_n3A_1085 = arith.select %gt3A_1081, %add3A_1078, %mul3A_1084 : vector<16xi1>, vector<16xf32>
        %mul3A_1086 = arith.mulf %select_n3A_1085, %get3A_19 : vector<16xf32>
        %broadcast_in_dim3A_1087 = vector.shape_cast %xor3A_29 : vector<16xi32> to vector<16x1xi32>
        %gather3A_1088 = vector.shape_cast %broadcast_in_dim3A_1087 : vector<16x1xi32> to vector<16xi32>
        %gather3A_1089 = tpu.dynamic_gather %mul3A_1086[%gather3A_1088] in [0] : vector<16xf32>, vector<16xi32> -> vector<16xf32>
        %add3A_1090 = arith.addf %mul3A_1086, %gather3A_1089 : vector<16xf32>
        %broadcast_in_dim3A_1091 = vector.shape_cast %xor3A_32 : vector<16xi32> to vector<16x1xi32>
        %gather3A_1092 = vector.shape_cast %broadcast_in_dim3A_1091 : vector<16x1xi32> to vector<16xi32>
        %gather3A_1093 = tpu.dynamic_gather %add3A_1090[%gather3A_1092] in [0] : vector<16xf32>, vector<16xi32> -> vector<16xf32>
        %add3A_1094 = arith.addf %add3A_1090, %gather3A_1093 : vector<16xf32>
        %broadcast_in_dim3A_1095 = vector.shape_cast %xor3A_35 : vector<16xi32> to vector<16x1xi32>
        %gather3A_1096 = vector.shape_cast %broadcast_in_dim3A_1095 : vector<16x1xi32> to vector<16xi32>
        %gather3A_1097 = tpu.dynamic_gather %add3A_1094[%gather3A_1096] in [0] : vector<16xf32>, vector<16xi32> -> vector<16xf32>
        %add3A_1098 = arith.addf %add3A_1094, %gather3A_1097 : vector<16xf32>
        %broadcast_in_dim3A_1099 = vector.shape_cast %xor3A_38 : vector<16xi32> to vector<16x1xi32>
        %gather3A_1100 = vector.shape_cast %broadcast_in_dim3A_1099 : vector<16x1xi32> to vector<16xi32>
        %gather3A_1101 = tpu.dynamic_gather %add3A_1098[%gather3A_1100] in [0] : vector<16xf32>, vector<16xi32> -> vector<16xf32>
        %add3A_1102 = arith.addf %add3A_1098, %gather3A_1101 : vector<16xf32>
        %add3A_1103 = arith.addf %add3A_1102, %get3A_22 : vector<16xf32>
        %neg3A_1104 = arith.constant 0.000000e+00 : f32
        %neg3A_1105 = vector.broadcast %neg3A_1104 : f32 to vector<16xf32>
        %neg3A_1106 = arith.subf %neg3A_1105, %add3A_1103 : vector<16xf32>
        %exp3A_1107 = math.exp %neg3A_1106 : vector<16xf32>
        %add3A_1108 = arith.constant 1.000000e+00 : f32
        %add3A_1109 = vector.broadcast %add3A_1108 : f32 to vector<16xf32>
        %add3A_1110 = arith.addf %add3A_1109, %exp3A_1107 : vector<16xf32>
        %div3A_1111 = arith.constant 1.000000e+00 : f32
        %div3A_1112 = vector.broadcast %div3A_1111 : f32 to vector<16xf32>
        %div3A_1113 = arith.divf %div3A_1112, %add3A_1110 : vector<16xf32>
        %mul3A_1114 = arith.mulf %div3A_1113, %select_n3A_1085 : vector<16xf32>
        %eq3A_1115 = arith.constant 0 : i32
        %eq3A_1116 = vector.broadcast %eq3A_1115 : i32 to vector<16xi32>
        %eq3A_1117 = arith.cmpi eq, %iota3A, %eq3A_1116 : vector<16xi32>
        %eq3A_1118 = arith.constant 1 : i32
        %eq3A_1119 = vector.broadcast %eq3A_1118 : i32 to vector<16xi32>
        %eq3A_1120 = arith.cmpi eq, %iota3A, %eq3A_1119 : vector<16xi32>
        %select_n3A_1121 = arith.select %eq3A_1120, %broadcast_in_dim3A_23, %broadcast_in_dim3A_25 : vector<16xi1>, vector<16xf32>
        %select_n3A_1122 = arith.select %eq3A_1117, %div3A_1113, %select_n3A_1121 : vector<16xi1>, vector<16xf32>
        %swap3A_1123 = arith.index_cast %add3A_1027 : i32 to index
        %swap3A_1124 = arith.constant 0 : index
        %swap3A_1125 = tpu.vector_load %arg20[%swap3A_1123, %swap3A_1124] {strides = array<i32>} : memref<128x32xf32, #tpu.memory_space<vmem>>, vector<1x16xf32>,
        %swap3A_1126 = vector.shape_cast %swap3A_1125 : vector<1x16xf32> to vector<16xf32>
        %swap3A_1127 = vector.shape_cast %select_n3A_1076 : vector<16xf32> to vector<1x16xf32>
        tpu.vector_store %arg20[%swap3A_1123, %swap3A_1124], %swap3A_1127 {strides = array<i32>} : memref<128x32xf32, #tpu.memory_space<vmem>>, vector<1x16xf32>,
        %swap3A_1128 = arith.index_cast %add3A_1027 : i32 to index
        %swap3A_1129 = arith.constant 0 : index
        %swap3A_1130 = tpu.vector_load %arg21[%swap3A_1128, %swap3A_1129] {strides = array<i32>} : memref<128x32xf32, #tpu.memory_space<vmem>>, vector<1x16xf32>,
        %swap3A_1131 = vector.shape_cast %swap3A_1130 : vector<1x16xf32> to vector<16xf32>
        %swap3A_1132 = vector.shape_cast %mul3A_1114 : vector<16xf32> to vector<1x16xf32>
        tpu.vector_store %arg21[%swap3A_1128, %swap3A_1129], %swap3A_1132 {strides = array<i32>} : memref<128x32xf32, #tpu.memory_space<vmem>>, vector<1x16xf32>,
        %swap3A_1133 = arith.index_cast %add3A_1027 : i32 to index
        %swap3A_1134 = arith.constant 16 : index
        %swap3A_1135 = tpu.vector_load %arg21[%swap3A_1133, %swap3A_1134] {strides = array<i32>} : memref<128x32xf32, #tpu.memory_space<vmem>>, vector<1x16xf32>,
        %swap3A_1136 = vector.shape_cast %swap3A_1135 : vector<1x16xf32> to vector<16xf32>
        %swap3A_1137 = vector.shape_cast %select_n3A_1122 : vector<16xf32> to vector<1x16xf32>
        tpu.vector_store %arg21[%swap3A_1133, %swap3A_1134], %swap3A_1137 {strides = array<i32>} : memref<128x32xf32, #tpu.memory_space<vmem>>, vector<1x16xf32>,
      }
      %scan3A_171 = arith.constant 16 : i32
      "tpu.region"() ({
        %run_scoped3A = tpu.sem_alloc : memref<!tpu.dma_semaphore, #tpu.memory_space<semaphore_mem>>
        %dma_start3A_215 = arith.constant 0 : i32
        %dma_start3A_216 = tpu.memref_slice %arg13[%mul3A_100, %dma_start3A_215] : memref<79x128xi32, #tpu.memory_space<vmem>> -> memref<1x128xi32, #tpu.memory_space<vmem>>
        %dma_start3A_217 = tpu.memref_squeeze %dma_start3A_216 : memref<1x128xi32, #tpu.memory_space<vmem>> -> memref<128xi32, #tpu.memory_space<vmem>>
        %dma_start3A_218 = arith.constant 0 : i32
        %dma_start3A_219 = arith.constant 0 : i32
        %dma_start3A_220 = tpu.memref_slice %arg24[%dma_start3A_218, %dma_start3A_219] : memref<10112x32xf32, #tpu.memory_space<vmem_shared>> -> memref<10112x32xf32, #tpu.memory_space<vmem_shared>>
        tpu.enqueue_indirect_dma source(%arg20 : memref<128x32xf32, #tpu.memory_space<vmem>>) target(%dma_start3A_220 : memref<10112x32xf32, #tpu.memory_space<vmem_shared>>) offsets(%dma_start3A_217 : memref<128xi32, #tpu.memory_space<vmem>>) semaphore(%run_scoped3A : memref<!tpu.dma_semaphore, #tpu.memory_space<semaphore_mem>>) {add = true}
        %dma_wait3A_221 = arith.constant 0 : i32
        %dma_wait3A_222 = tpu.memref_slice %arg13[%mul3A_100, %dma_wait3A_221] : memref<79x128xi32, #tpu.memory_space<vmem>> -> memref<1x128xi32, #tpu.memory_space<vmem>>
        %dma_wait3A_223 = tpu.memref_squeeze %dma_wait3A_222 : memref<1x128xi32, #tpu.memory_space<vmem>> -> memref<128xi32, #tpu.memory_space<vmem>>
        %dma_wait3A_224 = arith.constant 0 : i32
        %dma_wait3A_225 = arith.constant 0 : i32
        %dma_wait3A_226 = tpu.memref_slice %arg24[%dma_wait3A_224, %dma_wait3A_225] : memref<10112x32xf32, #tpu.memory_space<vmem_shared>> -> memref<10112x32xf32, #tpu.memory_space<vmem_shared>>
        tpu.wait_indirect_dma semaphore(%run_scoped3A : memref<!tpu.dma_semaphore, #tpu.memory_space<semaphore_mem>>) src(%arg20 : memref<128x32xf32, #tpu.memory_space<vmem>>) dst(%dma_wait3A_226 : memref<10112x32xf32, #tpu.memory_space<vmem_shared>>)
        tpu.yield
      }) : () -> ()
      "tpu.region"() ({
        %run_scoped3A = tpu.sem_alloc : memref<!tpu.dma_semaphore, #tpu.memory_space<semaphore_mem>>
        %dma_start3A_215 = arith.constant 0 : i32
        %dma_start3A_216 = tpu.memref_slice %arg12[%mul3A_100, %dma_start3A_215] : memref<79x128xi32, #tpu.memory_space<vmem>> -> memref<1x128xi32, #tpu.memory_space<vmem>>
        %dma_start3A_217 = tpu.memref_squeeze %dma_start3A_216 : memref<1x128xi32, #tpu.memory_space<vmem>> -> memref<128xi32, #tpu.memory_space<vmem>>
        %dma_start3A_218 = arith.constant 0 : i32
        %dma_start3A_219 = arith.constant 0 : i32
        %dma_start3A_220 = tpu.memref_slice %arg25[%dma_start3A_218, %dma_start3A_219] : memref<10112x32xf32, #tpu.memory_space<vmem_shared>> -> memref<10112x32xf32, #tpu.memory_space<vmem_shared>>
        tpu.enqueue_indirect_dma source(%arg21 : memref<128x32xf32, #tpu.memory_space<vmem>>) target(%dma_start3A_220 : memref<10112x32xf32, #tpu.memory_space<vmem_shared>>) offsets(%dma_start3A_217 : memref<128xi32, #tpu.memory_space<vmem>>) semaphore(%run_scoped3A : memref<!tpu.dma_semaphore, #tpu.memory_space<semaphore_mem>>) {add = true}
        %dma_wait3A_221 = arith.constant 0 : i32
        %dma_wait3A_222 = tpu.memref_slice %arg12[%mul3A_100, %dma_wait3A_221] : memref<79x128xi32, #tpu.memory_space<vmem>> -> memref<1x128xi32, #tpu.memory_space<vmem>>
        %dma_wait3A_223 = tpu.memref_squeeze %dma_wait3A_222 : memref<1x128xi32, #tpu.memory_space<vmem>> -> memref<128xi32, #tpu.memory_space<vmem>>
        %dma_wait3A_224 = arith.constant 0 : i32
        %dma_wait3A_225 = arith.constant 0 : i32
        %dma_wait3A_226 = tpu.memref_slice %arg25[%dma_wait3A_224, %dma_wait3A_225] : memref<10112x32xf32, #tpu.memory_space<vmem_shared>> -> memref<10112x32xf32, #tpu.memory_space<vmem_shared>>
        tpu.wait_indirect_dma semaphore(%run_scoped3A : memref<!tpu.dma_semaphore, #tpu.memory_space<semaphore_mem>>) src(%arg21 : memref<128x32xf32, #tpu.memory_space<vmem>>) dst(%dma_wait3A_226 : memref<10112x32xf32, #tpu.memory_space<vmem_shared>>)
        tpu.yield
      }) : () -> ()
      %lt3A_172 = arith.constant 38 : i32
      %lt3A_173 = arith.cmpi slt, %scan3A_98, %lt3A_172 : i32
      %convert_element_type3A_174 = arith.extui %lt3A_173 : i1 to i32
      %cond3A_175 = arith.constant 0 : i32
      %cond3A_176 = arith.cmpi ne, %convert_element_type3A_174, %cond3A_175 : i32
      scf.if %cond3A_176 {
        %add3A_215 = arith.constant 2 : i32
        %add3A_216 = arith.addi %mul3A_100, %add3A_215 : i32
        %add3A_217 = arith.addi %mul3A_4, %add3A_216 : i32
        %mul3A_218 = arith.constant 16 : i32
        %mul3A_219 = arith.muli %add3A_217, %mul3A_218 : i32
        %multiple_of3A_220 = tpu.assume_multiple %mul3A_219, 16 : i32
        %dma_start3A_221 = arith.constant 0 : i32
        %dma_start3A_222 = arith.constant 0 : i32
        %dma_start3A_223 = tpu.memref_slice %arg14[%scan3A_83, %dma_start3A_221, %dma_start3A_222] : memref<2x128x32xf32, #tpu.memory_space<vmem>> -> memref<1x128x32xf32, #tpu.memory_space<vmem>>
        %dma_start3A_224 = tpu.memref_squeeze %dma_start3A_223 : memref<1x128x32xf32, #tpu.memory_space<vmem>> -> memref<128x32xf32, #tpu.memory_space<vmem>>
        %dma_start3A_225 = arith.constant 0 : i32
        %dma_start3A_226 = tpu.memref_slice %arg12[%add3A_216, %dma_start3A_225] : memref<79x128xi32, #tpu.memory_space<vmem>> -> memref<1x128xi32, #tpu.memory_space<vmem>>
        %dma_start3A_227 = tpu.memref_squeeze %dma_start3A_226 : memref<1x128xi32, #tpu.memory_space<vmem>> -> memref<128xi32, #tpu.memory_space<vmem>>
        %dma_start3A_228 = arith.constant 0 : i32
        %dma_start3A_229 = arith.constant 0 : i32
        %dma_start3A_230 = tpu.memref_slice %arg2[%dma_start3A_228, %dma_start3A_229] : memref<10000x32xf32, #tpu.memory_space<hbm>> -> memref<10000x32xf32, #tpu.memory_space<hbm>>
        tpu.enqueue_indirect_dma source(%dma_start3A_230 : memref<10000x32xf32, #tpu.memory_space<hbm>>) target(%dma_start3A_224 : memref<128x32xf32, #tpu.memory_space<vmem>>) offsets(%dma_start3A_227 : memref<128xi32, #tpu.memory_space<vmem>>) semaphore(%arg26 : memref<!tpu.dma_semaphore, #tpu.memory_space<semaphore_mem>>)
        %dma_start3A_231 = arith.constant 0 : i32
        %dma_start3A_232 = arith.constant 0 : i32
        %dma_start3A_233 = tpu.memref_slice %arg15[%scan3A_84, %dma_start3A_231, %dma_start3A_232] : memref<2x128x32xf32, #tpu.memory_space<vmem>> -> memref<1x128x32xf32, #tpu.memory_space<vmem>>
        %dma_start3A_234 = tpu.memref_squeeze %dma_start3A_233 : memref<1x128x32xf32, #tpu.memory_space<vmem>> -> memref<128x32xf32, #tpu.memory_space<vmem>>
        %dma_start3A_235 = arith.constant 0 : i32
        %dma_start3A_236 = tpu.memref_slice %arg13[%add3A_216, %dma_start3A_235] : memref<79x128xi32, #tpu.memory_space<vmem>> -> memref<1x128xi32, #tpu.memory_space<vmem>>
        %dma_start3A_237 = tpu.memref_squeeze %dma_start3A_236 : memref<1x128xi32, #tpu.memory_space<vmem>> -> memref<128xi32, #tpu.memory_space<vmem>>
        %dma_start3A_238 = arith.constant 0 : i32
        %dma_start3A_239 = arith.constant 0 : i32
        %dma_start3A_240 = tpu.memref_slice %arg3[%dma_start3A_238, %dma_start3A_239] : memref<10000x32xf32, #tpu.memory_space<hbm>> -> memref<10000x32xf32, #tpu.memory_space<hbm>>
        tpu.enqueue_indirect_dma source(%dma_start3A_240 : memref<10000x32xf32, #tpu.memory_space<hbm>>) target(%dma_start3A_234 : memref<128x32xf32, #tpu.memory_space<vmem>>) offsets(%dma_start3A_237 : memref<128xi32, #tpu.memory_space<vmem>>) semaphore(%arg28 : memref<!tpu.dma_semaphore, #tpu.memory_space<semaphore_mem>>)
        %dma_start3A_241 = arith.constant 0 : i32
        %dma_start3A_242 = tpu.memref_slice %arg4[%multiple_of3A_220, %dma_start3A_241] : memref<40000x128xf32, #tpu.memory_space<hbm>> -> memref<16x128xf32, #tpu.memory_space<hbm>>
        %dma_start3A_243 = arith.constant 0 : i32
        %dma_start3A_244 = tpu.memref_slice %arg4[%multiple_of3A_220, %dma_start3A_243] : memref<40000x128xf32, #tpu.memory_space<hbm>> -> memref<16x128xf32, #tpu.memory_space<hbm>>
        tpu.enqueue_dma source(%dma_start3A_244 : memref<16x128xf32, #tpu.memory_space<hbm>>) target(%arg16 : memref<16x128xf32, #tpu.memory_space<vmem>>) target_semaphore(%arg30 : memref<!tpu.dma_semaphore, #tpu.memory_space<semaphore_mem>>)
        %dma_start3A_245 = arith.constant 0 : i32
        %dma_start3A_246 = tpu.memref_slice %arg5[%multiple_of3A_220, %dma_start3A_245] : memref<40000x128xf32, #tpu.memory_space<hbm>> -> memref<16x128xf32, #tpu.memory_space<hbm>>
        %dma_start3A_247 = arith.constant 0 : i32
        %dma_start3A_248 = tpu.memref_slice %arg5[%multiple_of3A_220, %dma_start3A_247] : memref<40000x128xf32, #tpu.memory_space<hbm>> -> memref<16x128xf32, #tpu.memory_space<hbm>>
        tpu.enqueue_dma source(%dma_start3A_248 : memref<16x128xf32, #tpu.memory_space<hbm>>) target(%arg18 : memref<16x128xf32, #tpu.memory_space<vmem>>) target_semaphore(%arg30 : memref<!tpu.dma_semaphore, #tpu.memory_space<semaphore_mem>>)
      } else {
      }
      %add3A_177 = arith.addi %mul3A_4, %add3A_102 : i32
      %mul3A_178 = arith.constant 16 : i32
      %mul3A_179 = arith.muli %add3A_177, %mul3A_178 : i32
      %multiple_of3A_180 = tpu.assume_multiple %mul3A_179, 16 : i32
      %dma_wait3A_181 = arith.constant 0 : i32
      %dma_wait3A_182 = arith.constant 0 : i32
      %dma_wait3A_183 = tpu.memref_slice %arg14[%scan3A_81, %dma_wait3A_181, %dma_wait3A_182] : memref<2x128x32xf32, #tpu.memory_space<vmem>> -> memref<1x128x32xf32, #tpu.memory_space<vmem>>
      %dma_wait3A_184 = tpu.memref_squeeze %dma_wait3A_183 : memref<1x128x32xf32, #tpu.memory_space<vmem>> -> memref<128x32xf32, #tpu.memory_space<vmem>>
      %dma_wait3A_185 = arith.constant 0 : i32
      %dma_wait3A_186 = tpu.memref_slice %arg12[%add3A_102, %dma_wait3A_185] : memref<79x128xi32, #tpu.memory_space<vmem>> -> memref<1x128xi32, #tpu.memory_space<vmem>>
      %dma_wait3A_187 = tpu.memref_squeeze %dma_wait3A_186 : memref<1x128xi32, #tpu.memory_space<vmem>> -> memref<128xi32, #tpu.memory_space<vmem>>
      %dma_wait3A_188 = arith.constant 0 : i32
      %dma_wait3A_189 = arith.constant 0 : i32
      %dma_wait3A_190 = tpu.memref_slice %arg2[%dma_wait3A_188, %dma_wait3A_189] : memref<10000x32xf32, #tpu.memory_space<hbm>> -> memref<10000x32xf32, #tpu.memory_space<hbm>>
      tpu.wait_indirect_dma semaphore(%arg27 : memref<!tpu.dma_semaphore, #tpu.memory_space<semaphore_mem>>) src(%dma_wait3A_190 : memref<10000x32xf32, #tpu.memory_space<hbm>>) dst(%dma_wait3A_184 : memref<128x32xf32, #tpu.memory_space<vmem>>)
      %dma_wait3A_191 = arith.constant 0 : i32
      %dma_wait3A_192 = arith.constant 0 : i32
      %dma_wait3A_193 = tpu.memref_slice %arg15[%scan3A_82, %dma_wait3A_191, %dma_wait3A_192] : memref<2x128x32xf32, #tpu.memory_space<vmem>> -> memref<1x128x32xf32, #tpu.memory_space<vmem>>
      %dma_wait3A_194 = tpu.memref_squeeze %dma_wait3A_193 : memref<1x128x32xf32, #tpu.memory_space<vmem>> -> memref<128x32xf32, #tpu.memory_space<vmem>>
      %dma_wait3A_195 = arith.constant 0 : i32
      %dma_wait3A_196 = tpu.memref_slice %arg13[%add3A_102, %dma_wait3A_195] : memref<79x128xi32, #tpu.memory_space<vmem>> -> memref<1x128xi32, #tpu.memory_space<vmem>>
      %dma_wait3A_197 = tpu.memref_squeeze %dma_wait3A_196 : memref<1x128xi32, #tpu.memory_space<vmem>> -> memref<128xi32, #tpu.memory_space<vmem>>
      %dma_wait3A_198 = arith.constant 0 : i32
      %dma_wait3A_199 = arith.constant 0 : i32
      %dma_wait3A_200 = tpu.memref_slice %arg3[%dma_wait3A_198, %dma_wait3A_199] : memref<10000x32xf32, #tpu.memory_space<hbm>> -> memref<10000x32xf32, #tpu.memory_space<hbm>>
      tpu.wait_indirect_dma semaphore(%arg29 : memref<!tpu.dma_semaphore, #tpu.memory_space<semaphore_mem>>) src(%dma_wait3A_200 : memref<10000x32xf32, #tpu.memory_space<hbm>>) dst(%dma_wait3A_194 : memref<128x32xf32, #tpu.memory_space<vmem>>)
      %dma_wait3A_201 = arith.constant 0 : i32
      %dma_wait3A_202 = tpu.memref_slice %arg4[%multiple_of3A_180, %dma_wait3A_201] : memref<40000x128xf32, #tpu.memory_space<hbm>> -> memref<16x128xf32, #tpu.memory_space<hbm>>
      %dma_wait3A_203 = arith.constant 0 : i32
      %dma_wait3A_204 = tpu.memref_slice %arg4[%multiple_of3A_180, %dma_wait3A_203] : memref<40000x128xf32, #tpu.memory_space<hbm>> -> memref<16x128xf32, #tpu.memory_space<hbm>>
      tpu.wait_dma2 semaphore(%arg31 : memref<!tpu.dma_semaphore, #tpu.memory_space<semaphore_mem>>) src(%dma_wait3A_204 : memref<16x128xf32, #tpu.memory_space<hbm>>) dst(%arg17 : memref<16x128xf32, #tpu.memory_space<vmem>>)
      %dma_wait3A_205 = arith.constant 0 : i32
      %dma_wait3A_206 = tpu.memref_slice %arg5[%multiple_of3A_180, %dma_wait3A_205] : memref<40000x128xf32, #tpu.memory_space<hbm>> -> memref<16x128xf32, #tpu.memory_space<hbm>>
      %dma_wait3A_207 = arith.constant 0 : i32
      %dma_wait3A_208 = tpu.memref_slice %arg5[%multiple_of3A_180, %dma_wait3A_207] : memref<40000x128xf32, #tpu.memory_space<hbm>> -> memref<16x128xf32, #tpu.memory_space<hbm>>
      tpu.wait_dma2 semaphore(%arg31 : memref<!tpu.dma_semaphore, #tpu.memory_space<semaphore_mem>>) src(%dma_wait3A_208 : memref<16x128xf32, #tpu.memory_space<hbm>>) dst(%arg19 : memref<16x128xf32, #tpu.memory_space<vmem>>)
      %scan3A_209 = arith.constant 0 : i32
      %scan3A_210 = arith.constant 0 : i32
      %scan3A_211 = arith.constant 16 : i32
      %scan3A_212 = arith.addi %scan3A_210, %scan3A_211 : i32
      %scan3A_213 = arith.constant 1 : i32
      scf.for %scan3A_215 = %scan3A_210 to %scan3A_212 step %scan3A_213  : i32 {
        %mul3A_216 = arith.constant 8 : i32
        %mul3A_217 = arith.muli %scan3A_215, %mul3A_216 : i32
        %add3A_218 = arith.constant 0 : i32
        %add3A_219 = arith.addi %mul3A_217, %add3A_218 : i32
        %add3A_220 = arith.constant 0 : i32
        %add3A_221 = arith.addi %add3A_219, %add3A_220 : i32
        %get3A_222 = arith.constant 0 : i32
        %get3A_223 = arith.constant 0 : i32
        %get3A_224 = tpu.memref_slice %arg14[%scan3A_81, %get3A_222, %get3A_223] : memref<2x128x32xf32, #tpu.memory_space<vmem>> -> memref<1x128x32xf32, #tpu.memory_space<vmem>>
        %get3A_225 = tpu.memref_squeeze %get3A_224 : memref<1x128x32xf32, #tpu.memory_space<vmem>> -> memref<128x32xf32, #tpu.memory_space<vmem>>
        %get3A_226 = arith.index_cast %add3A_221 : i32 to index
        %get3A_227 = arith.constant 0 : index
        %get3A_228 = tpu.vector_load %get3A_225[%get3A_226, %get3A_227] {strides = array<i32>} : memref<128x32xf32, #tpu.memory_space<vmem>>, vector<1x16xf32>,
        %get3A_229 = vector.shape_cast %get3A_228 : vector<1x16xf32> to vector<16xf32>
        %get3A_230 = arith.constant 0 : i32
        %get3A_231 = arith.constant 0 : i32
        %get3A_232 = tpu.memref_slice %arg14[%scan3A_81, %get3A_230, %get3A_231] : memref<2x128x32xf32, #tpu.memory_space<vmem>> -> memref<1x128x32xf32, #tpu.memory_space<vmem>>
        %get3A_233 = tpu.memref_squeeze %get3A_232 : memref<1x128x32xf32, #tpu.memory_space<vmem>> -> memref<128x32xf32, #tpu.memory_space<vmem>>
        %get3A_234 = arith.index_cast %add3A_221 : i32 to index
        %get3A_235 = arith.constant 16 : index
        %get3A_236 = tpu.vector_load %get3A_233[%get3A_234, %get3A_235] {strides = array<i32>} : memref<128x32xf32, #tpu.memory_space<vmem>>, vector<1x16xf32>,
        %get3A_237 = vector.shape_cast %get3A_236 : vector<1x16xf32> to vector<16xf32>
        %get3A_238 = arith.constant 0 : i32
        %get3A_239 = arith.constant 0 : i32
        %get3A_240 = tpu.memref_slice %arg15[%scan3A_82, %get3A_238, %get3A_239] : memref<2x128x32xf32, #tpu.memory_space<vmem>> -> memref<1x128x32xf32, #tpu.memory_space<vmem>>
        %get3A_241 = tpu.memref_squeeze %get3A_240 : memref<1x128x32xf32, #tpu.memory_space<vmem>> -> memref<128x32xf32, #tpu.memory_space<vmem>>
        %get3A_242 = arith.index_cast %add3A_221 : i32 to index
        %get3A_243 = arith.constant 0 : index
        %get3A_244 = tpu.vector_load %get3A_241[%get3A_242, %get3A_243] {strides = array<i32>} : memref<128x32xf32, #tpu.memory_space<vmem>>, vector<1x16xf32>,
        %get3A_245 = vector.shape_cast %get3A_244 : vector<1x16xf32> to vector<16xf32>
        %get3A_246 = arith.constant 0 : i32
        %get3A_247 = arith.constant 0 : i32
        %get3A_248 = tpu.memref_slice %arg15[%scan3A_82, %get3A_246, %get3A_247] : memref<2x128x32xf32, #tpu.memory_space<vmem>> -> memref<1x128x32xf32, #tpu.memory_space<vmem>>
        %get3A_249 = tpu.memref_squeeze %get3A_248 : memref<1x128x32xf32, #tpu.memory_space<vmem>> -> memref<128x32xf32, #tpu.memory_space<vmem>>
        %get3A_250 = arith.index_cast %add3A_221 : i32 to index
        %get3A_251 = arith.constant 16 : index
        %get3A_252 = tpu.vector_load %get3A_249[%get3A_250, %get3A_251] {strides = array<i32>} : memref<128x32xf32, #tpu.memory_space<vmem>>, vector<1x16xf32>,
        %get3A_253 = vector.shape_cast %get3A_252 : vector<1x16xf32> to vector<16xf32>
        %get3A_254 = arith.index_cast %scan3A_215 : i32 to index
        %get3A_255 = arith.constant 0 : index
        %get3A_256 = tpu.vector_load %arg17[%get3A_254, %get3A_255] {strides = array<i32>} : memref<16x128xf32, #tpu.memory_space<vmem>>, vector<1x16xf32>,
        %get3A_257 = vector.shape_cast %get3A_256 : vector<1x16xf32> to vector<16xf32>
        %get3A_258 = arith.index_cast %scan3A_215 : i32 to index
        %get3A_259 = arith.constant 16 : index
        %get3A_260 = tpu.vector_load %arg17[%get3A_258, %get3A_259] {strides = array<i32>} : memref<16x128xf32, #tpu.memory_space<vmem>>, vector<1x16xf32>,
        %get3A_261 = vector.shape_cast %get3A_260 : vector<1x16xf32> to vector<16xf32>
        %add3A_262 = arith.addf %get3A_229, %get3A_245 : vector<16xf32>
        %add3A_263 = arith.addf %add3A_262, %get3A_257 : vector<16xf32>
        %gt3A = arith.constant 0.000000e+00 : f32
        %gt3A_264 = vector.broadcast %gt3A : f32 to vector<16xf32>
        %gt3A_265 = arith.cmpf ogt, %add3A_263, %gt3A_264 : vector<16xf32>
        %mul3A_266 = arith.constant 2.000000e-01 : f32
        %mul3A_267 = vector.broadcast %mul3A_266 : f32 to vector<16xf32>
        %mul3A_268 = arith.mulf %mul3A_267, %add3A_263 : vector<16xf32>
        %select_n3A_269 = arith.select %gt3A_265, %add3A_263, %mul3A_268 : vector<16xi1>, vector<16xf32>
        %add3A_270 = arith.addf %get3A_237, %get3A_253 : vector<16xf32>
        %add3A_271 = arith.addf %add3A_270, %get3A_261 : vector<16xf32>
        %gt3A_272 = arith.constant 0.000000e+00 : f32
        %gt3A_273 = vector.broadcast %gt3A_272 : f32 to vector<16xf32>
        %gt3A_274 = arith.cmpf ogt, %add3A_271, %gt3A_273 : vector<16xf32>
        %mul3A_275 = arith.constant 2.000000e-01 : f32
        %mul3A_276 = vector.broadcast %mul3A_275 : f32 to vector<16xf32>
        %mul3A_277 = arith.mulf %mul3A_276, %add3A_271 : vector<16xf32>
        %select_n3A_278 = arith.select %gt3A_274, %add3A_271, %mul3A_277 : vector<16xi1>, vector<16xf32>
        %mul3A_279 = arith.mulf %select_n3A_278, %get3A_19 : vector<16xf32>
        %broadcast_in_dim3A_280 = vector.shape_cast %xor3A_29 : vector<16xi32> to vector<16x1xi32>
        %gather3A = vector.shape_cast %broadcast_in_dim3A_280 : vector<16x1xi32> to vector<16xi32>
        %gather3A_281 = tpu.dynamic_gather %mul3A_279[%gather3A] in [0] : vector<16xf32>, vector<16xi32> -> vector<16xf32>
        %add3A_282 = arith.addf %mul3A_279, %gather3A_281 : vector<16xf32>
        %broadcast_in_dim3A_283 = vector.shape_cast %xor3A_32 : vector<16xi32> to vector<16x1xi32>
        %gather3A_284 = vector.shape_cast %broadcast_in_dim3A_283 : vector<16x1xi32> to vector<16xi32>
        %gather3A_285 = tpu.dynamic_gather %add3A_282[%gather3A_284] in [0] : vector<16xf32>, vector<16xi32> -> vector<16xf32>
        %add3A_286 = arith.addf %add3A_282, %gather3A_285 : vector<16xf32>
        %broadcast_in_dim3A_287 = vector.shape_cast %xor3A_35 : vector<16xi32> to vector<16x1xi32>
        %gather3A_288 = vector.shape_cast %broadcast_in_dim3A_287 : vector<16x1xi32> to vector<16xi32>
        %gather3A_289 = tpu.dynamic_gather %add3A_286[%gather3A_288] in [0] : vector<16xf32>, vector<16xi32> -> vector<16xf32>
        %add3A_290 = arith.addf %add3A_286, %gather3A_289 : vector<16xf32>
        %broadcast_in_dim3A_291 = vector.shape_cast %xor3A_38 : vector<16xi32> to vector<16x1xi32>
        %gather3A_292 = vector.shape_cast %broadcast_in_dim3A_291 : vector<16x1xi32> to vector<16xi32>
        %gather3A_293 = tpu.dynamic_gather %add3A_290[%gather3A_292] in [0] : vector<16xf32>, vector<16xi32> -> vector<16xf32>
        %add3A_294 = arith.addf %add3A_290, %gather3A_293 : vector<16xf32>
        %add3A_295 = arith.addf %add3A_294, %get3A_22 : vector<16xf32>
        %neg3A = arith.constant 0.000000e+00 : f32
        %neg3A_296 = vector.broadcast %neg3A : f32 to vector<16xf32>
        %neg3A_297 = arith.subf %neg3A_296, %add3A_295 : vector<16xf32>
        %exp3A = math.exp %neg3A_297 : vector<16xf32>
        %add3A_298 = arith.constant 1.000000e+00 : f32
        %add3A_299 = vector.broadcast %add3A_298 : f32 to vector<16xf32>
        %add3A_300 = arith.addf %add3A_299, %exp3A : vector<16xf32>
        %div3A = arith.constant 1.000000e+00 : f32
        %div3A_301 = vector.broadcast %div3A : f32 to vector<16xf32>
        %div3A_302 = arith.divf %div3A_301, %add3A_300 : vector<16xf32>
        %mul3A_303 = arith.mulf %div3A_302, %select_n3A_278 : vector<16xf32>
        %eq3A_304 = arith.constant 0 : i32
        %eq3A_305 = vector.broadcast %eq3A_304 : i32 to vector<16xi32>
        %eq3A_306 = arith.cmpi eq, %iota3A, %eq3A_305 : vector<16xi32>
        %eq3A_307 = arith.constant 1 : i32
        %eq3A_308 = vector.broadcast %eq3A_307 : i32 to vector<16xi32>
        %eq3A_309 = arith.cmpi eq, %iota3A, %eq3A_308 : vector<16xi32>
        %select_n3A_310 = arith.select %eq3A_309, %broadcast_in_dim3A_23, %broadcast_in_dim3A_25 : vector<16xi1>, vector<16xf32>
        %select_n3A_311 = arith.select %eq3A_306, %div3A_302, %select_n3A_310 : vector<16xi1>, vector<16xf32>
        %swap3A = arith.index_cast %add3A_221 : i32 to index
        %swap3A_312 = arith.constant 0 : index
        %swap3A_313 = tpu.vector_load %arg20[%swap3A, %swap3A_312] {strides = array<i32>} : memref<128x32xf32, #tpu.memory_space<vmem>>, vector<1x16xf32>,
        %swap3A_314 = vector.shape_cast %swap3A_313 : vector<1x16xf32> to vector<16xf32>
        %swap3A_315 = vector.shape_cast %select_n3A_269 : vector<16xf32> to vector<1x16xf32>
        tpu.vector_store %arg20[%swap3A, %swap3A_312], %swap3A_315 {strides = array<i32>} : memref<128x32xf32, #tpu.memory_space<vmem>>, vector<1x16xf32>,
        %swap3A_316 = arith.index_cast %add3A_221 : i32 to index
        %swap3A_317 = arith.constant 0 : index
        %swap3A_318 = tpu.vector_load %arg21[%swap3A_316, %swap3A_317] {strides = array<i32>} : memref<128x32xf32, #tpu.memory_space<vmem>>, vector<1x16xf32>,
        %swap3A_319 = vector.shape_cast %swap3A_318 : vector<1x16xf32> to vector<16xf32>
        %swap3A_320 = vector.shape_cast %mul3A_303 : vector<16xf32> to vector<1x16xf32>
        tpu.vector_store %arg21[%swap3A_316, %swap3A_317], %swap3A_320 {strides = array<i32>} : memref<128x32xf32, #tpu.memory_space<vmem>>, vector<1x16xf32>,
        %swap3A_321 = arith.index_cast %add3A_221 : i32 to index
        %swap3A_322 = arith.constant 16 : index
        %swap3A_323 = tpu.vector_load %arg21[%swap3A_321, %swap3A_322] {strides = array<i32>} : memref<128x32xf32, #tpu.memory_space<vmem>>, vector<1x16xf32>,
        %swap3A_324 = vector.shape_cast %swap3A_323 : vector<1x16xf32> to vector<16xf32>
        %swap3A_325 = vector.shape_cast %select_n3A_311 : vector<16xf32> to vector<1x16xf32>
        tpu.vector_store %arg21[%swap3A_321, %swap3A_322], %swap3A_325 {strides = array<i32>} : memref<128x32xf32, #tpu.memory_space<vmem>>, vector<1x16xf32>,
        %mul3A_326 = arith.constant 8 : i32
        %mul3A_327 = arith.muli %scan3A_215, %mul3A_326 : i32
        %add3A_328 = arith.constant 0 : i32
        %add3A_329 = arith.addi %mul3A_327, %add3A_328 : i32
        %add3A_330 = arith.constant 1 : i32
        %add3A_331 = arith.addi %add3A_329, %add3A_330 : i32
        %get3A_332 = arith.constant 0 : i32
        %get3A_333 = arith.constant 0 : i32
        %get3A_334 = tpu.memref_slice %arg14[%scan3A_81, %get3A_332, %get3A_333] : memref<2x128x32xf32, #tpu.memory_space<vmem>> -> memref<1x128x32xf32, #tpu.memory_space<vmem>>
        %get3A_335 = tpu.memref_squeeze %get3A_334 : memref<1x128x32xf32, #tpu.memory_space<vmem>> -> memref<128x32xf32, #tpu.memory_space<vmem>>
        %get3A_336 = arith.index_cast %add3A_331 : i32 to index
        %get3A_337 = arith.constant 0 : index
        %get3A_338 = tpu.vector_load %get3A_335[%get3A_336, %get3A_337] {strides = array<i32>} : memref<128x32xf32, #tpu.memory_space<vmem>>, vector<1x16xf32>,
        %get3A_339 = vector.shape_cast %get3A_338 : vector<1x16xf32> to vector<16xf32>
        %get3A_340 = arith.constant 0 : i32
        %get3A_341 = arith.constant 0 : i32
        %get3A_342 = tpu.memref_slice %arg14[%scan3A_81, %get3A_340, %get3A_341] : memref<2x128x32xf32, #tpu.memory_space<vmem>> -> memref<1x128x32xf32, #tpu.memory_space<vmem>>
        %get3A_343 = tpu.memref_squeeze %get3A_342 : memref<1x128x32xf32, #tpu.memory_space<vmem>> -> memref<128x32xf32, #tpu.memory_space<vmem>>
        %get3A_344 = arith.index_cast %add3A_331 : i32 to index
        %get3A_345 = arith.constant 16 : index
        %get3A_346 = tpu.vector_load %get3A_343[%get3A_344, %get3A_345] {strides = array<i32>} : memref<128x32xf32, #tpu.memory_space<vmem>>, vector<1x16xf32>,
        %get3A_347 = vector.shape_cast %get3A_346 : vector<1x16xf32> to vector<16xf32>
        %get3A_348 = arith.constant 0 : i32
        %get3A_349 = arith.constant 0 : i32
        %get3A_350 = tpu.memref_slice %arg15[%scan3A_82, %get3A_348, %get3A_349] : memref<2x128x32xf32, #tpu.memory_space<vmem>> -> memref<1x128x32xf32, #tpu.memory_space<vmem>>
        %get3A_351 = tpu.memref_squeeze %get3A_350 : memref<1x128x32xf32, #tpu.memory_space<vmem>> -> memref<128x32xf32, #tpu.memory_space<vmem>>
        %get3A_352 = arith.index_cast %add3A_331 : i32 to index
        %get3A_353 = arith.constant 0 : index
        %get3A_354 = tpu.vector_load %get3A_351[%get3A_352, %get3A_353] {strides = array<i32>} : memref<128x32xf32, #tpu.memory_space<vmem>>, vector<1x16xf32>,
        %get3A_355 = vector.shape_cast %get3A_354 : vector<1x16xf32> to vector<16xf32>
        %get3A_356 = arith.constant 0 : i32
        %get3A_357 = arith.constant 0 : i32
        %get3A_358 = tpu.memref_slice %arg15[%scan3A_82, %get3A_356, %get3A_357] : memref<2x128x32xf32, #tpu.memory_space<vmem>> -> memref<1x128x32xf32, #tpu.memory_space<vmem>>
        %get3A_359 = tpu.memref_squeeze %get3A_358 : memref<1x128x32xf32, #tpu.memory_space<vmem>> -> memref<128x32xf32, #tpu.memory_space<vmem>>
        %get3A_360 = arith.index_cast %add3A_331 : i32 to index
        %get3A_361 = arith.constant 16 : index
        %get3A_362 = tpu.vector_load %get3A_359[%get3A_360, %get3A_361] {strides = array<i32>} : memref<128x32xf32, #tpu.memory_space<vmem>>, vector<1x16xf32>,
        %get3A_363 = vector.shape_cast %get3A_362 : vector<1x16xf32> to vector<16xf32>
        %get3A_364 = arith.index_cast %scan3A_215 : i32 to index
        %get3A_365 = arith.constant 32 : index
        %get3A_366 = tpu.vector_load %arg17[%get3A_364, %get3A_365] {strides = array<i32>} : memref<16x128xf32, #tpu.memory_space<vmem>>, vector<1x16xf32>,
        %get3A_367 = vector.shape_cast %get3A_366 : vector<1x16xf32> to vector<16xf32>
        %get3A_368 = arith.index_cast %scan3A_215 : i32 to index
        %get3A_369 = arith.constant 48 : index
        %get3A_370 = tpu.vector_load %arg17[%get3A_368, %get3A_369] {strides = array<i32>} : memref<16x128xf32, #tpu.memory_space<vmem>>, vector<1x16xf32>,
        %get3A_371 = vector.shape_cast %get3A_370 : vector<1x16xf32> to vector<16xf32>
        %add3A_372 = arith.addf %get3A_339, %get3A_355 : vector<16xf32>
        %add3A_373 = arith.addf %add3A_372, %get3A_367 : vector<16xf32>
        %gt3A_374 = arith.constant 0.000000e+00 : f32
        %gt3A_375 = vector.broadcast %gt3A_374 : f32 to vector<16xf32>
        %gt3A_376 = arith.cmpf ogt, %add3A_373, %gt3A_375 : vector<16xf32>
        %mul3A_377 = arith.constant 2.000000e-01 : f32
        %mul3A_378 = vector.broadcast %mul3A_377 : f32 to vector<16xf32>
        %mul3A_379 = arith.mulf %mul3A_378, %add3A_373 : vector<16xf32>
        %select_n3A_380 = arith.select %gt3A_376, %add3A_373, %mul3A_379 : vector<16xi1>, vector<16xf32>
        %add3A_381 = arith.addf %get3A_347, %get3A_363 : vector<16xf32>
        %add3A_382 = arith.addf %add3A_381, %get3A_371 : vector<16xf32>
        %gt3A_383 = arith.constant 0.000000e+00 : f32
        %gt3A_384 = vector.broadcast %gt3A_383 : f32 to vector<16xf32>
        %gt3A_385 = arith.cmpf ogt, %add3A_382, %gt3A_384 : vector<16xf32>
        %mul3A_386 = arith.constant 2.000000e-01 : f32
        %mul3A_387 = vector.broadcast %mul3A_386 : f32 to vector<16xf32>
        %mul3A_388 = arith.mulf %mul3A_387, %add3A_382 : vector<16xf32>
        %select_n3A_389 = arith.select %gt3A_385, %add3A_382, %mul3A_388 : vector<16xi1>, vector<16xf32>
        %mul3A_390 = arith.mulf %select_n3A_389, %get3A_19 : vector<16xf32>
        %broadcast_in_dim3A_391 = vector.shape_cast %xor3A_29 : vector<16xi32> to vector<16x1xi32>
        %gather3A_392 = vector.shape_cast %broadcast_in_dim3A_391 : vector<16x1xi32> to vector<16xi32>
        %gather3A_393 = tpu.dynamic_gather %mul3A_390[%gather3A_392] in [0] : vector<16xf32>, vector<16xi32> -> vector<16xf32>
        %add3A_394 = arith.addf %mul3A_390, %gather3A_393 : vector<16xf32>
        %broadcast_in_dim3A_395 = vector.shape_cast %xor3A_32 : vector<16xi32> to vector<16x1xi32>
        %gather3A_396 = vector.shape_cast %broadcast_in_dim3A_395 : vector<16x1xi32> to vector<16xi32>
        %gather3A_397 = tpu.dynamic_gather %add3A_394[%gather3A_396] in [0] : vector<16xf32>, vector<16xi32> -> vector<16xf32>
        %add3A_398 = arith.addf %add3A_394, %gather3A_397 : vector<16xf32>
        %broadcast_in_dim3A_399 = vector.shape_cast %xor3A_35 : vector<16xi32> to vector<16x1xi32>
        %gather3A_400 = vector.shape_cast %broadcast_in_dim3A_399 : vector<16x1xi32> to vector<16xi32>
        %gather3A_401 = tpu.dynamic_gather %add3A_398[%gather3A_400] in [0] : vector<16xf32>, vector<16xi32> -> vector<16xf32>
        %add3A_402 = arith.addf %add3A_398, %gather3A_401 : vector<16xf32>
        %broadcast_in_dim3A_403 = vector.shape_cast %xor3A_38 : vector<16xi32> to vector<16x1xi32>
        %gather3A_404 = vector.shape_cast %broadcast_in_dim3A_403 : vector<16x1xi32> to vector<16xi32>
        %gather3A_405 = tpu.dynamic_gather %add3A_402[%gather3A_404] in [0] : vector<16xf32>, vector<16xi32> -> vector<16xf32>
        %add3A_406 = arith.addf %add3A_402, %gather3A_405 : vector<16xf32>
        %add3A_407 = arith.addf %add3A_406, %get3A_22 : vector<16xf32>
        %neg3A_408 = arith.constant 0.000000e+00 : f32
        %neg3A_409 = vector.broadcast %neg3A_408 : f32 to vector<16xf32>
        %neg3A_410 = arith.subf %neg3A_409, %add3A_407 : vector<16xf32>
        %exp3A_411 = math.exp %neg3A_410 : vector<16xf32>
        %add3A_412 = arith.constant 1.000000e+00 : f32
        %add3A_413 = vector.broadcast %add3A_412 : f32 to vector<16xf32>
        %add3A_414 = arith.addf %add3A_413, %exp3A_411 : vector<16xf32>
        %div3A_415 = arith.constant 1.000000e+00 : f32
        %div3A_416 = vector.broadcast %div3A_415 : f32 to vector<16xf32>
        %div3A_417 = arith.divf %div3A_416, %add3A_414 : vector<16xf32>
        %mul3A_418 = arith.mulf %div3A_417, %select_n3A_389 : vector<16xf32>
        %eq3A_419 = arith.constant 0 : i32
        %eq3A_420 = vector.broadcast %eq3A_419 : i32 to vector<16xi32>
        %eq3A_421 = arith.cmpi eq, %iota3A, %eq3A_420 : vector<16xi32>
        %eq3A_422 = arith.constant 1 : i32
        %eq3A_423 = vector.broadcast %eq3A_422 : i32 to vector<16xi32>
        %eq3A_424 = arith.cmpi eq, %iota3A, %eq3A_423 : vector<16xi32>
        %select_n3A_425 = arith.select %eq3A_424, %broadcast_in_dim3A_23, %broadcast_in_dim3A_25 : vector<16xi1>, vector<16xf32>
        %select_n3A_426 = arith.select %eq3A_421, %div3A_417, %select_n3A_425 : vector<16xi1>, vector<16xf32>
        %swap3A_427 = arith.index_cast %add3A_331 : i32 to index
        %swap3A_428 = arith.constant 0 : index
        %swap3A_429 = tpu.vector_load %arg20[%swap3A_427, %swap3A_428] {strides = array<i32>} : memref<128x32xf32, #tpu.memory_space<vmem>>, vector<1x16xf32>,
        %swap3A_430 = vector.shape_cast %swap3A_429 : vector<1x16xf32> to vector<16xf32>
        %swap3A_431 = vector.shape_cast %select_n3A_380 : vector<16xf32> to vector<1x16xf32>
        tpu.vector_store %arg20[%swap3A_427, %swap3A_428], %swap3A_431 {strides = array<i32>} : memref<128x32xf32, #tpu.memory_space<vmem>>, vector<1x16xf32>,
        %swap3A_432 = arith.index_cast %add3A_331 : i32 to index
        %swap3A_433 = arith.constant 0 : index
        %swap3A_434 = tpu.vector_load %arg21[%swap3A_432, %swap3A_433] {strides = array<i32>} : memref<128x32xf32, #tpu.memory_space<vmem>>, vector<1x16xf32>,
        %swap3A_435 = vector.shape_cast %swap3A_434 : vector<1x16xf32> to vector<16xf32>
        %swap3A_436 = vector.shape_cast %mul3A_418 : vector<16xf32> to vector<1x16xf32>
        tpu.vector_store %arg21[%swap3A_432, %swap3A_433], %swap3A_436 {strides = array<i32>} : memref<128x32xf32, #tpu.memory_space<vmem>>, vector<1x16xf32>,
        %swap3A_437 = arith.index_cast %add3A_331 : i32 to index
        %swap3A_438 = arith.constant 16 : index
        %swap3A_439 = tpu.vector_load %arg21[%swap3A_437, %swap3A_438] {strides = array<i32>} : memref<128x32xf32, #tpu.memory_space<vmem>>, vector<1x16xf32>,
        %swap3A_440 = vector.shape_cast %swap3A_439 : vector<1x16xf32> to vector<16xf32>
        %swap3A_441 = vector.shape_cast %select_n3A_426 : vector<16xf32> to vector<1x16xf32>
        tpu.vector_store %arg21[%swap3A_437, %swap3A_438], %swap3A_441 {strides = array<i32>} : memref<128x32xf32, #tpu.memory_space<vmem>>, vector<1x16xf32>,
        %mul3A_442 = arith.constant 8 : i32
        %mul3A_443 = arith.muli %scan3A_215, %mul3A_442 : i32
        %add3A_444 = arith.constant 0 : i32
        %add3A_445 = arith.addi %mul3A_443, %add3A_444 : i32
        %add3A_446 = arith.constant 2 : i32
        %add3A_447 = arith.addi %add3A_445, %add3A_446 : i32
        %get3A_448 = arith.constant 0 : i32
        %get3A_449 = arith.constant 0 : i32
        %get3A_450 = tpu.memref_slice %arg14[%scan3A_81, %get3A_448, %get3A_449] : memref<2x128x32xf32, #tpu.memory_space<vmem>> -> memref<1x128x32xf32, #tpu.memory_space<vmem>>
        %get3A_451 = tpu.memref_squeeze %get3A_450 : memref<1x128x32xf32, #tpu.memory_space<vmem>> -> memref<128x32xf32, #tpu.memory_space<vmem>>
        %get3A_452 = arith.index_cast %add3A_447 : i32 to index
        %get3A_453 = arith.constant 0 : index
        %get3A_454 = tpu.vector_load %get3A_451[%get3A_452, %get3A_453] {strides = array<i32>} : memref<128x32xf32, #tpu.memory_space<vmem>>, vector<1x16xf32>,
        %get3A_455 = vector.shape_cast %get3A_454 : vector<1x16xf32> to vector<16xf32>
        %get3A_456 = arith.constant 0 : i32
        %get3A_457 = arith.constant 0 : i32
        %get3A_458 = tpu.memref_slice %arg14[%scan3A_81, %get3A_456, %get3A_457] : memref<2x128x32xf32, #tpu.memory_space<vmem>> -> memref<1x128x32xf32, #tpu.memory_space<vmem>>
        %get3A_459 = tpu.memref_squeeze %get3A_458 : memref<1x128x32xf32, #tpu.memory_space<vmem>> -> memref<128x32xf32, #tpu.memory_space<vmem>>
        %get3A_460 = arith.index_cast %add3A_447 : i32 to index
        %get3A_461 = arith.constant 16 : index
        %get3A_462 = tpu.vector_load %get3A_459[%get3A_460, %get3A_461] {strides = array<i32>} : memref<128x32xf32, #tpu.memory_space<vmem>>, vector<1x16xf32>,
        %get3A_463 = vector.shape_cast %get3A_462 : vector<1x16xf32> to vector<16xf32>
        %get3A_464 = arith.constant 0 : i32
        %get3A_465 = arith.constant 0 : i32
        %get3A_466 = tpu.memref_slice %arg15[%scan3A_82, %get3A_464, %get3A_465] : memref<2x128x32xf32, #tpu.memory_space<vmem>> -> memref<1x128x32xf32, #tpu.memory_space<vmem>>
        %get3A_467 = tpu.memref_squeeze %get3A_466 : memref<1x128x32xf32, #tpu.memory_space<vmem>> -> memref<128x32xf32, #tpu.memory_space<vmem>>
        %get3A_468 = arith.index_cast %add3A_447 : i32 to index
        %get3A_469 = arith.constant 0 : index
        %get3A_470 = tpu.vector_load %get3A_467[%get3A_468, %get3A_469] {strides = array<i32>} : memref<128x32xf32, #tpu.memory_space<vmem>>, vector<1x16xf32>,
        %get3A_471 = vector.shape_cast %get3A_470 : vector<1x16xf32> to vector<16xf32>
        %get3A_472 = arith.constant 0 : i32
        %get3A_473 = arith.constant 0 : i32
        %get3A_474 = tpu.memref_slice %arg15[%scan3A_82, %get3A_472, %get3A_473] : memref<2x128x32xf32, #tpu.memory_space<vmem>> -> memref<1x128x32xf32, #tpu.memory_space<vmem>>
        %get3A_475 = tpu.memref_squeeze %get3A_474 : memref<1x128x32xf32, #tpu.memory_space<vmem>> -> memref<128x32xf32, #tpu.memory_space<vmem>>
        %get3A_476 = arith.index_cast %add3A_447 : i32 to index
        %get3A_477 = arith.constant 16 : index
        %get3A_478 = tpu.vector_load %get3A_475[%get3A_476, %get3A_477] {strides = array<i32>} : memref<128x32xf32, #tpu.memory_space<vmem>>, vector<1x16xf32>,
        %get3A_479 = vector.shape_cast %get3A_478 : vector<1x16xf32> to vector<16xf32>
        %get3A_480 = arith.index_cast %scan3A_215 : i32 to index
        %get3A_481 = arith.constant 64 : index
        %get3A_482 = tpu.vector_load %arg17[%get3A_480, %get3A_481] {strides = array<i32>} : memref<16x128xf32, #tpu.memory_space<vmem>>, vector<1x16xf32>,
        %get3A_483 = vector.shape_cast %get3A_482 : vector<1x16xf32> to vector<16xf32>
        %get3A_484 = arith.index_cast %scan3A_215 : i32 to index
        %get3A_485 = arith.constant 80 : index
        %get3A_486 = tpu.vector_load %arg17[%get3A_484, %get3A_485] {strides = array<i32>} : memref<16x128xf32, #tpu.memory_space<vmem>>, vector<1x16xf32>,
        %get3A_487 = vector.shape_cast %get3A_486 : vector<1x16xf32> to vector<16xf32>
        %add3A_488 = arith.addf %get3A_455, %get3A_471 : vector<16xf32>
        %add3A_489 = arith.addf %add3A_488, %get3A_483 : vector<16xf32>
        %gt3A_490 = arith.constant 0.000000e+00 : f32
        %gt3A_491 = vector.broadcast %gt3A_490 : f32 to vector<16xf32>
        %gt3A_492 = arith.cmpf ogt, %add3A_489, %gt3A_491 : vector<16xf32>
        %mul3A_493 = arith.constant 2.000000e-01 : f32
        %mul3A_494 = vector.broadcast %mul3A_493 : f32 to vector<16xf32>
        %mul3A_495 = arith.mulf %mul3A_494, %add3A_489 : vector<16xf32>
        %select_n3A_496 = arith.select %gt3A_492, %add3A_489, %mul3A_495 : vector<16xi1>, vector<16xf32>
        %add3A_497 = arith.addf %get3A_463, %get3A_479 : vector<16xf32>
        %add3A_498 = arith.addf %add3A_497, %get3A_487 : vector<16xf32>
        %gt3A_499 = arith.constant 0.000000e+00 : f32
        %gt3A_500 = vector.broadcast %gt3A_499 : f32 to vector<16xf32>
        %gt3A_501 = arith.cmpf ogt, %add3A_498, %gt3A_500 : vector<16xf32>
        %mul3A_502 = arith.constant 2.000000e-01 : f32
        %mul3A_503 = vector.broadcast %mul3A_502 : f32 to vector<16xf32>
        %mul3A_504 = arith.mulf %mul3A_503, %add3A_498 : vector<16xf32>
        %select_n3A_505 = arith.select %gt3A_501, %add3A_498, %mul3A_504 : vector<16xi1>, vector<16xf32>
        %mul3A_506 = arith.mulf %select_n3A_505, %get3A_19 : vector<16xf32>
        %broadcast_in_dim3A_507 = vector.shape_cast %xor3A_29 : vector<16xi32> to vector<16x1xi32>
        %gather3A_508 = vector.shape_cast %broadcast_in_dim3A_507 : vector<16x1xi32> to vector<16xi32>
        %gather3A_509 = tpu.dynamic_gather %mul3A_506[%gather3A_508] in [0] : vector<16xf32>, vector<16xi32> -> vector<16xf32>
        %add3A_510 = arith.addf %mul3A_506, %gather3A_509 : vector<16xf32>
        %broadcast_in_dim3A_511 = vector.shape_cast %xor3A_32 : vector<16xi32> to vector<16x1xi32>
        %gather3A_512 = vector.shape_cast %broadcast_in_dim3A_511 : vector<16x1xi32> to vector<16xi32>
        %gather3A_513 = tpu.dynamic_gather %add3A_510[%gather3A_512] in [0] : vector<16xf32>, vector<16xi32> -> vector<16xf32>
        %add3A_514 = arith.addf %add3A_510, %gather3A_513 : vector<16xf32>
        %broadcast_in_dim3A_515 = vector.shape_cast %xor3A_35 : vector<16xi32> to vector<16x1xi32>
        %gather3A_516 = vector.shape_cast %broadcast_in_dim3A_515 : vector<16x1xi32> to vector<16xi32>
        %gather3A_517 = tpu.dynamic_gather %add3A_514[%gather3A_516] in [0] : vector<16xf32>, vector<16xi32> -> vector<16xf32>
        %add3A_518 = arith.addf %add3A_514, %gather3A_517 : vector<16xf32>
        %broadcast_in_dim3A_519 = vector.shape_cast %xor3A_38 : vector<16xi32> to vector<16x1xi32>
        %gather3A_520 = vector.shape_cast %broadcast_in_dim3A_519 : vector<16x1xi32> to vector<16xi32>
        %gather3A_521 = tpu.dynamic_gather %add3A_518[%gather3A_520] in [0] : vector<16xf32>, vector<16xi32> -> vector<16xf32>
        %add3A_522 = arith.addf %add3A_518, %gather3A_521 : vector<16xf32>
        %add3A_523 = arith.addf %add3A_522, %get3A_22 : vector<16xf32>
        %neg3A_524 = arith.constant 0.000000e+00 : f32
        %neg3A_525 = vector.broadcast %neg3A_524 : f32 to vector<16xf32>
        %neg3A_526 = arith.subf %neg3A_525, %add3A_523 : vector<16xf32>
        %exp3A_527 = math.exp %neg3A_526 : vector<16xf32>
        %add3A_528 = arith.constant 1.000000e+00 : f32
        %add3A_529 = vector.broadcast %add3A_528 : f32 to vector<16xf32>
        %add3A_530 = arith.addf %add3A_529, %exp3A_527 : vector<16xf32>
        %div3A_531 = arith.constant 1.000000e+00 : f32
        %div3A_532 = vector.broadcast %div3A_531 : f32 to vector<16xf32>
        %div3A_533 = arith.divf %div3A_532, %add3A_530 : vector<16xf32>
        %mul3A_534 = arith.mulf %div3A_533, %select_n3A_505 : vector<16xf32>
        %eq3A_535 = arith.constant 0 : i32
        %eq3A_536 = vector.broadcast %eq3A_535 : i32 to vector<16xi32>
        %eq3A_537 = arith.cmpi eq, %iota3A, %eq3A_536 : vector<16xi32>
        %eq3A_538 = arith.constant 1 : i32
        %eq3A_539 = vector.broadcast %eq3A_538 : i32 to vector<16xi32>
        %eq3A_540 = arith.cmpi eq, %iota3A, %eq3A_539 : vector<16xi32>
        %select_n3A_541 = arith.select %eq3A_540, %broadcast_in_dim3A_23, %broadcast_in_dim3A_25 : vector<16xi1>, vector<16xf32>
        %select_n3A_542 = arith.select %eq3A_537, %div3A_533, %select_n3A_541 : vector<16xi1>, vector<16xf32>
        %swap3A_543 = arith.index_cast %add3A_447 : i32 to index
        %swap3A_544 = arith.constant 0 : index
        %swap3A_545 = tpu.vector_load %arg20[%swap3A_543, %swap3A_544] {strides = array<i32>} : memref<128x32xf32, #tpu.memory_space<vmem>>, vector<1x16xf32>,
        %swap3A_546 = vector.shape_cast %swap3A_545 : vector<1x16xf32> to vector<16xf32>
        %swap3A_547 = vector.shape_cast %select_n3A_496 : vector<16xf32> to vector<1x16xf32>
        tpu.vector_store %arg20[%swap3A_543, %swap3A_544], %swap3A_547 {strides = array<i32>} : memref<128x32xf32, #tpu.memory_space<vmem>>, vector<1x16xf32>,
        %swap3A_548 = arith.index_cast %add3A_447 : i32 to index
        %swap3A_549 = arith.constant 0 : index
        %swap3A_550 = tpu.vector_load %arg21[%swap3A_548, %swap3A_549] {strides = array<i32>} : memref<128x32xf32, #tpu.memory_space<vmem>>, vector<1x16xf32>,
        %swap3A_551 = vector.shape_cast %swap3A_550 : vector<1x16xf32> to vector<16xf32>
        %swap3A_552 = vector.shape_cast %mul3A_534 : vector<16xf32> to vector<1x16xf32>
        tpu.vector_store %arg21[%swap3A_548, %swap3A_549], %swap3A_552 {strides = array<i32>} : memref<128x32xf32, #tpu.memory_space<vmem>>, vector<1x16xf32>,
        %swap3A_553 = arith.index_cast %add3A_447 : i32 to index
        %swap3A_554 = arith.constant 16 : index
        %swap3A_555 = tpu.vector_load %arg21[%swap3A_553, %swap3A_554] {strides = array<i32>} : memref<128x32xf32, #tpu.memory_space<vmem>>, vector<1x16xf32>,
        %swap3A_556 = vector.shape_cast %swap3A_555 : vector<1x16xf32> to vector<16xf32>
        %swap3A_557 = vector.shape_cast %select_n3A_542 : vector<16xf32> to vector<1x16xf32>
        tpu.vector_store %arg21[%swap3A_553, %swap3A_554], %swap3A_557 {strides = array<i32>} : memref<128x32xf32, #tpu.memory_space<vmem>>, vector<1x16xf32>,
        %mul3A_558 = arith.constant 8 : i32
        %mul3A_559 = arith.muli %scan3A_215, %mul3A_558 : i32
        %add3A_560 = arith.constant 0 : i32
        %add3A_561 = arith.addi %mul3A_559, %add3A_560 : i32
        %add3A_562 = arith.constant 3 : i32
        %add3A_563 = arith.addi %add3A_561, %add3A_562 : i32
        %get3A_564 = arith.constant 0 : i32
        %get3A_565 = arith.constant 0 : i32
        %get3A_566 = tpu.memref_slice %arg14[%scan3A_81, %get3A_564, %get3A_565] : memref<2x128x32xf32, #tpu.memory_space<vmem>> -> memref<1x128x32xf32, #tpu.memory_space<vmem>>
        %get3A_567 = tpu.memref_squeeze %get3A_566 : memref<1x128x32xf32, #tpu.memory_space<vmem>> -> memref<128x32xf32, #tpu.memory_space<vmem>>
        %get3A_568 = arith.index_cast %add3A_563 : i32 to index
        %get3A_569 = arith.constant 0 : index
        %get3A_570 = tpu.vector_load %get3A_567[%get3A_568, %get3A_569] {strides = array<i32>} : memref<128x32xf32, #tpu.memory_space<vmem>>, vector<1x16xf32>,
        %get3A_571 = vector.shape_cast %get3A_570 : vector<1x16xf32> to vector<16xf32>
        %get3A_572 = arith.constant 0 : i32
        %get3A_573 = arith.constant 0 : i32
        %get3A_574 = tpu.memref_slice %arg14[%scan3A_81, %get3A_572, %get3A_573] : memref<2x128x32xf32, #tpu.memory_space<vmem>> -> memref<1x128x32xf32, #tpu.memory_space<vmem>>
        %get3A_575 = tpu.memref_squeeze %get3A_574 : memref<1x128x32xf32, #tpu.memory_space<vmem>> -> memref<128x32xf32, #tpu.memory_space<vmem>>
        %get3A_576 = arith.index_cast %add3A_563 : i32 to index
        %get3A_577 = arith.constant 16 : index
        %get3A_578 = tpu.vector_load %get3A_575[%get3A_576, %get3A_577] {strides = array<i32>} : memref<128x32xf32, #tpu.memory_space<vmem>>, vector<1x16xf32>,
        %get3A_579 = vector.shape_cast %get3A_578 : vector<1x16xf32> to vector<16xf32>
        %get3A_580 = arith.constant 0 : i32
        %get3A_581 = arith.constant 0 : i32
        %get3A_582 = tpu.memref_slice %arg15[%scan3A_82, %get3A_580, %get3A_581] : memref<2x128x32xf32, #tpu.memory_space<vmem>> -> memref<1x128x32xf32, #tpu.memory_space<vmem>>
        %get3A_583 = tpu.memref_squeeze %get3A_582 : memref<1x128x32xf32, #tpu.memory_space<vmem>> -> memref<128x32xf32, #tpu.memory_space<vmem>>
        %get3A_584 = arith.index_cast %add3A_563 : i32 to index
        %get3A_585 = arith.constant 0 : index
        %get3A_586 = tpu.vector_load %get3A_583[%get3A_584, %get3A_585] {strides = array<i32>} : memref<128x32xf32, #tpu.memory_space<vmem>>, vector<1x16xf32>,
        %get3A_587 = vector.shape_cast %get3A_586 : vector<1x16xf32> to vector<16xf32>
        %get3A_588 = arith.constant 0 : i32
        %get3A_589 = arith.constant 0 : i32
        %get3A_590 = tpu.memref_slice %arg15[%scan3A_82, %get3A_588, %get3A_589] : memref<2x128x32xf32, #tpu.memory_space<vmem>> -> memref<1x128x32xf32, #tpu.memory_space<vmem>>
        %get3A_591 = tpu.memref_squeeze %get3A_590 : memref<1x128x32xf32, #tpu.memory_space<vmem>> -> memref<128x32xf32, #tpu.memory_space<vmem>>
        %get3A_592 = arith.index_cast %add3A_563 : i32 to index
        %get3A_593 = arith.constant 16 : index
        %get3A_594 = tpu.vector_load %get3A_591[%get3A_592, %get3A_593] {strides = array<i32>} : memref<128x32xf32, #tpu.memory_space<vmem>>, vector<1x16xf32>,
        %get3A_595 = vector.shape_cast %get3A_594 : vector<1x16xf32> to vector<16xf32>
        %get3A_596 = arith.index_cast %scan3A_215 : i32 to index
        %get3A_597 = arith.constant 96 : index
        %get3A_598 = tpu.vector_load %arg17[%get3A_596, %get3A_597] {strides = array<i32>} : memref<16x128xf32, #tpu.memory_space<vmem>>, vector<1x16xf32>,
        %get3A_599 = vector.shape_cast %get3A_598 : vector<1x16xf32> to vector<16xf32>
        %get3A_600 = arith.index_cast %scan3A_215 : i32 to index
        %get3A_601 = arith.constant 112 : index
        %get3A_602 = tpu.vector_load %arg17[%get3A_600, %get3A_601] {strides = array<i32>} : memref<16x128xf32, #tpu.memory_space<vmem>>, vector<1x16xf32>,
        %get3A_603 = vector.shape_cast %get3A_602 : vector<1x16xf32> to vector<16xf32>
        %add3A_604 = arith.addf %get3A_571, %get3A_587 : vector<16xf32>
        %add3A_605 = arith.addf %add3A_604, %get3A_599 : vector<16xf32>
        %gt3A_606 = arith.constant 0.000000e+00 : f32
        %gt3A_607 = vector.broadcast %gt3A_606 : f32 to vector<16xf32>
        %gt3A_608 = arith.cmpf ogt, %add3A_605, %gt3A_607 : vector<16xf32>
        %mul3A_609 = arith.constant 2.000000e-01 : f32
        %mul3A_610 = vector.broadcast %mul3A_609 : f32 to vector<16xf32>
        %mul3A_611 = arith.mulf %mul3A_610, %add3A_605 : vector<16xf32>
        %select_n3A_612 = arith.select %gt3A_608, %add3A_605, %mul3A_611 : vector<16xi1>, vector<16xf32>
        %add3A_613 = arith.addf %get3A_579, %get3A_595 : vector<16xf32>
        %add3A_614 = arith.addf %add3A_613, %get3A_603 : vector<16xf32>
        %gt3A_615 = arith.constant 0.000000e+00 : f32
        %gt3A_616 = vector.broadcast %gt3A_615 : f32 to vector<16xf32>
        %gt3A_617 = arith.cmpf ogt, %add3A_614, %gt3A_616 : vector<16xf32>
        %mul3A_618 = arith.constant 2.000000e-01 : f32
        %mul3A_619 = vector.broadcast %mul3A_618 : f32 to vector<16xf32>
        %mul3A_620 = arith.mulf %mul3A_619, %add3A_614 : vector<16xf32>
        %select_n3A_621 = arith.select %gt3A_617, %add3A_614, %mul3A_620 : vector<16xi1>, vector<16xf32>
        %mul3A_622 = arith.mulf %select_n3A_621, %get3A_19 : vector<16xf32>
        %broadcast_in_dim3A_623 = vector.shape_cast %xor3A_29 : vector<16xi32> to vector<16x1xi32>
        %gather3A_624 = vector.shape_cast %broadcast_in_dim3A_623 : vector<16x1xi32> to vector<16xi32>
        %gather3A_625 = tpu.dynamic_gather %mul3A_622[%gather3A_624] in [0] : vector<16xf32>, vector<16xi32> -> vector<16xf32>
        %add3A_626 = arith.addf %mul3A_622, %gather3A_625 : vector<16xf32>
        %broadcast_in_dim3A_627 = vector.shape_cast %xor3A_32 : vector<16xi32> to vector<16x1xi32>
        %gather3A_628 = vector.shape_cast %broadcast_in_dim3A_627 : vector<16x1xi32> to vector<16xi32>
        %gather3A_629 = tpu.dynamic_gather %add3A_626[%gather3A_628] in [0] : vector<16xf32>, vector<16xi32> -> vector<16xf32>
        %add3A_630 = arith.addf %add3A_626, %gather3A_629 : vector<16xf32>
        %broadcast_in_dim3A_631 = vector.shape_cast %xor3A_35 : vector<16xi32> to vector<16x1xi32>
        %gather3A_632 = vector.shape_cast %broadcast_in_dim3A_631 : vector<16x1xi32> to vector<16xi32>
        %gather3A_633 = tpu.dynamic_gather %add3A_630[%gather3A_632] in [0] : vector<16xf32>, vector<16xi32> -> vector<16xf32>
        %add3A_634 = arith.addf %add3A_630, %gather3A_633 : vector<16xf32>
        %broadcast_in_dim3A_635 = vector.shape_cast %xor3A_38 : vector<16xi32> to vector<16x1xi32>
        %gather3A_636 = vector.shape_cast %broadcast_in_dim3A_635 : vector<16x1xi32> to vector<16xi32>
        %gather3A_637 = tpu.dynamic_gather %add3A_634[%gather3A_636] in [0] : vector<16xf32>, vector<16xi32> -> vector<16xf32>
        %add3A_638 = arith.addf %add3A_634, %gather3A_637 : vector<16xf32>
        %add3A_639 = arith.addf %add3A_638, %get3A_22 : vector<16xf32>
        %neg3A_640 = arith.constant 0.000000e+00 : f32
        %neg3A_641 = vector.broadcast %neg3A_640 : f32 to vector<16xf32>
        %neg3A_642 = arith.subf %neg3A_641, %add3A_639 : vector<16xf32>
        %exp3A_643 = math.exp %neg3A_642 : vector<16xf32>
        %add3A_644 = arith.constant 1.000000e+00 : f32
        %add3A_645 = vector.broadcast %add3A_644 : f32 to vector<16xf32>
        %add3A_646 = arith.addf %add3A_645, %exp3A_643 : vector<16xf32>
        %div3A_647 = arith.constant 1.000000e+00 : f32
        %div3A_648 = vector.broadcast %div3A_647 : f32 to vector<16xf32>
        %div3A_649 = arith.divf %div3A_648, %add3A_646 : vector<16xf32>
        %mul3A_650 = arith.mulf %div3A_649, %select_n3A_621 : vector<16xf32>
        %eq3A_651 = arith.constant 0 : i32
        %eq3A_652 = vector.broadcast %eq3A_651 : i32 to vector<16xi32>
        %eq3A_653 = arith.cmpi eq, %iota3A, %eq3A_652 : vector<16xi32>
        %eq3A_654 = arith.constant 1 : i32
        %eq3A_655 = vector.broadcast %eq3A_654 : i32 to vector<16xi32>
        %eq3A_656 = arith.cmpi eq, %iota3A, %eq3A_655 : vector<16xi32>
        %select_n3A_657 = arith.select %eq3A_656, %broadcast_in_dim3A_23, %broadcast_in_dim3A_25 : vector<16xi1>, vector<16xf32>
        %select_n3A_658 = arith.select %eq3A_653, %div3A_649, %select_n3A_657 : vector<16xi1>, vector<16xf32>
        %swap3A_659 = arith.index_cast %add3A_563 : i32 to index
        %swap3A_660 = arith.constant 0 : index
        %swap3A_661 = tpu.vector_load %arg20[%swap3A_659, %swap3A_660] {strides = array<i32>} : memref<128x32xf32, #tpu.memory_space<vmem>>, vector<1x16xf32>,
        %swap3A_662 = vector.shape_cast %swap3A_661 : vector<1x16xf32> to vector<16xf32>
        %swap3A_663 = vector.shape_cast %select_n3A_612 : vector<16xf32> to vector<1x16xf32>
        tpu.vector_store %arg20[%swap3A_659, %swap3A_660], %swap3A_663 {strides = array<i32>} : memref<128x32xf32, #tpu.memory_space<vmem>>, vector<1x16xf32>,
        %swap3A_664 = arith.index_cast %add3A_563 : i32 to index
        %swap3A_665 = arith.constant 0 : index
        %swap3A_666 = tpu.vector_load %arg21[%swap3A_664, %swap3A_665] {strides = array<i32>} : memref<128x32xf32, #tpu.memory_space<vmem>>, vector<1x16xf32>,
        %swap3A_667 = vector.shape_cast %swap3A_666 : vector<1x16xf32> to vector<16xf32>
        %swap3A_668 = vector.shape_cast %mul3A_650 : vector<16xf32> to vector<1x16xf32>
        tpu.vector_store %arg21[%swap3A_664, %swap3A_665], %swap3A_668 {strides = array<i32>} : memref<128x32xf32, #tpu.memory_space<vmem>>, vector<1x16xf32>,
        %swap3A_669 = arith.index_cast %add3A_563 : i32 to index
        %swap3A_670 = arith.constant 16 : index
        %swap3A_671 = tpu.vector_load %arg21[%swap3A_669, %swap3A_670] {strides = array<i32>} : memref<128x32xf32, #tpu.memory_space<vmem>>, vector<1x16xf32>,
        %swap3A_672 = vector.shape_cast %swap3A_671 : vector<1x16xf32> to vector<16xf32>
        %swap3A_673 = vector.shape_cast %select_n3A_658 : vector<16xf32> to vector<1x16xf32>
        tpu.vector_store %arg21[%swap3A_669, %swap3A_670], %swap3A_673 {strides = array<i32>} : memref<128x32xf32, #tpu.memory_space<vmem>>, vector<1x16xf32>,
        %mul3A_674 = arith.constant 8 : i32
        %mul3A_675 = arith.muli %scan3A_215, %mul3A_674 : i32
        %add3A_676 = arith.constant 4 : i32
        %add3A_677 = arith.addi %mul3A_675, %add3A_676 : i32
        %add3A_678 = arith.constant 0 : i32
        %add3A_679 = arith.addi %add3A_677, %add3A_678 : i32
        %get3A_680 = arith.constant 0 : i32
        %get3A_681 = arith.constant 0 : i32
        %get3A_682 = tpu.memref_slice %arg14[%scan3A_81, %get3A_680, %get3A_681] : memref<2x128x32xf32, #tpu.memory_space<vmem>> -> memref<1x128x32xf32, #tpu.memory_space<vmem>>
        %get3A_683 = tpu.memref_squeeze %get3A_682 : memref<1x128x32xf32, #tpu.memory_space<vmem>> -> memref<128x32xf32, #tpu.memory_space<vmem>>
        %get3A_684 = arith.index_cast %add3A_679 : i32 to index
        %get3A_685 = arith.constant 0 : index
        %get3A_686 = tpu.vector_load %get3A_683[%get3A_684, %get3A_685] {strides = array<i32>} : memref<128x32xf32, #tpu.memory_space<vmem>>, vector<1x16xf32>,
        %get3A_687 = vector.shape_cast %get3A_686 : vector<1x16xf32> to vector<16xf32>
        %get3A_688 = arith.constant 0 : i32
        %get3A_689 = arith.constant 0 : i32
        %get3A_690 = tpu.memref_slice %arg14[%scan3A_81, %get3A_688, %get3A_689] : memref<2x128x32xf32, #tpu.memory_space<vmem>> -> memref<1x128x32xf32, #tpu.memory_space<vmem>>
        %get3A_691 = tpu.memref_squeeze %get3A_690 : memref<1x128x32xf32, #tpu.memory_space<vmem>> -> memref<128x32xf32, #tpu.memory_space<vmem>>
        %get3A_692 = arith.index_cast %add3A_679 : i32 to index
        %get3A_693 = arith.constant 16 : index
        %get3A_694 = tpu.vector_load %get3A_691[%get3A_692, %get3A_693] {strides = array<i32>} : memref<128x32xf32, #tpu.memory_space<vmem>>, vector<1x16xf32>,
        %get3A_695 = vector.shape_cast %get3A_694 : vector<1x16xf32> to vector<16xf32>
        %get3A_696 = arith.constant 0 : i32
        %get3A_697 = arith.constant 0 : i32
        %get3A_698 = tpu.memref_slice %arg15[%scan3A_82, %get3A_696, %get3A_697] : memref<2x128x32xf32, #tpu.memory_space<vmem>> -> memref<1x128x32xf32, #tpu.memory_space<vmem>>
        %get3A_699 = tpu.memref_squeeze %get3A_698 : memref<1x128x32xf32, #tpu.memory_space<vmem>> -> memref<128x32xf32, #tpu.memory_space<vmem>>
        %get3A_700 = arith.index_cast %add3A_679 : i32 to index
        %get3A_701 = arith.constant 0 : index
        %get3A_702 = tpu.vector_load %get3A_699[%get3A_700, %get3A_701] {strides = array<i32>} : memref<128x32xf32, #tpu.memory_space<vmem>>, vector<1x16xf32>,
        %get3A_703 = vector.shape_cast %get3A_702 : vector<1x16xf32> to vector<16xf32>
        %get3A_704 = arith.constant 0 : i32
        %get3A_705 = arith.constant 0 : i32
        %get3A_706 = tpu.memref_slice %arg15[%scan3A_82, %get3A_704, %get3A_705] : memref<2x128x32xf32, #tpu.memory_space<vmem>> -> memref<1x128x32xf32, #tpu.memory_space<vmem>>
        %get3A_707 = tpu.memref_squeeze %get3A_706 : memref<1x128x32xf32, #tpu.memory_space<vmem>> -> memref<128x32xf32, #tpu.memory_space<vmem>>
        %get3A_708 = arith.index_cast %add3A_679 : i32 to index
        %get3A_709 = arith.constant 16 : index
        %get3A_710 = tpu.vector_load %get3A_707[%get3A_708, %get3A_709] {strides = array<i32>} : memref<128x32xf32, #tpu.memory_space<vmem>>, vector<1x16xf32>,
        %get3A_711 = vector.shape_cast %get3A_710 : vector<1x16xf32> to vector<16xf32>
        %get3A_712 = arith.index_cast %scan3A_215 : i32 to index
        %get3A_713 = arith.constant 0 : index
        %get3A_714 = tpu.vector_load %arg19[%get3A_712, %get3A_713] {strides = array<i32>} : memref<16x128xf32, #tpu.memory_space<vmem>>, vector<1x16xf32>,
        %get3A_715 = vector.shape_cast %get3A_714 : vector<1x16xf32> to vector<16xf32>
        %get3A_716 = arith.index_cast %scan3A_215 : i32 to index
        %get3A_717 = arith.constant 16 : index
        %get3A_718 = tpu.vector_load %arg19[%get3A_716, %get3A_717] {strides = array<i32>} : memref<16x128xf32, #tpu.memory_space<vmem>>, vector<1x16xf32>,
        %get3A_719 = vector.shape_cast %get3A_718 : vector<1x16xf32> to vector<16xf32>
        %add3A_720 = arith.addf %get3A_687, %get3A_703 : vector<16xf32>
        %add3A_721 = arith.addf %add3A_720, %get3A_715 : vector<16xf32>
        %gt3A_722 = arith.constant 0.000000e+00 : f32
        %gt3A_723 = vector.broadcast %gt3A_722 : f32 to vector<16xf32>
        %gt3A_724 = arith.cmpf ogt, %add3A_721, %gt3A_723 : vector<16xf32>
        %mul3A_725 = arith.constant 2.000000e-01 : f32
        %mul3A_726 = vector.broadcast %mul3A_725 : f32 to vector<16xf32>
        %mul3A_727 = arith.mulf %mul3A_726, %add3A_721 : vector<16xf32>
        %select_n3A_728 = arith.select %gt3A_724, %add3A_721, %mul3A_727 : vector<16xi1>, vector<16xf32>
        %add3A_729 = arith.addf %get3A_695, %get3A_711 : vector<16xf32>
        %add3A_730 = arith.addf %add3A_729, %get3A_719 : vector<16xf32>
        %gt3A_731 = arith.constant 0.000000e+00 : f32
        %gt3A_732 = vector.broadcast %gt3A_731 : f32 to vector<16xf32>
        %gt3A_733 = arith.cmpf ogt, %add3A_730, %gt3A_732 : vector<16xf32>
        %mul3A_734 = arith.constant 2.000000e-01 : f32
        %mul3A_735 = vector.broadcast %mul3A_734 : f32 to vector<16xf32>
        %mul3A_736 = arith.mulf %mul3A_735, %add3A_730 : vector<16xf32>
        %select_n3A_737 = arith.select %gt3A_733, %add3A_730, %mul3A_736 : vector<16xi1>, vector<16xf32>
        %mul3A_738 = arith.mulf %select_n3A_737, %get3A_19 : vector<16xf32>
        %broadcast_in_dim3A_739 = vector.shape_cast %xor3A_29 : vector<16xi32> to vector<16x1xi32>
        %gather3A_740 = vector.shape_cast %broadcast_in_dim3A_739 : vector<16x1xi32> to vector<16xi32>
        %gather3A_741 = tpu.dynamic_gather %mul3A_738[%gather3A_740] in [0] : vector<16xf32>, vector<16xi32> -> vector<16xf32>
        %add3A_742 = arith.addf %mul3A_738, %gather3A_741 : vector<16xf32>
        %broadcast_in_dim3A_743 = vector.shape_cast %xor3A_32 : vector<16xi32> to vector<16x1xi32>
        %gather3A_744 = vector.shape_cast %broadcast_in_dim3A_743 : vector<16x1xi32> to vector<16xi32>
        %gather3A_745 = tpu.dynamic_gather %add3A_742[%gather3A_744] in [0] : vector<16xf32>, vector<16xi32> -> vector<16xf32>
        %add3A_746 = arith.addf %add3A_742, %gather3A_745 : vector<16xf32>
        %broadcast_in_dim3A_747 = vector.shape_cast %xor3A_35 : vector<16xi32> to vector<16x1xi32>
        %gather3A_748 = vector.shape_cast %broadcast_in_dim3A_747 : vector<16x1xi32> to vector<16xi32>
        %gather3A_749 = tpu.dynamic_gather %add3A_746[%gather3A_748] in [0] : vector<16xf32>, vector<16xi32> -> vector<16xf32>
        %add3A_750 = arith.addf %add3A_746, %gather3A_749 : vector<16xf32>
        %broadcast_in_dim3A_751 = vector.shape_cast %xor3A_38 : vector<16xi32> to vector<16x1xi32>
        %gather3A_752 = vector.shape_cast %broadcast_in_dim3A_751 : vector<16x1xi32> to vector<16xi32>
        %gather3A_753 = tpu.dynamic_gather %add3A_750[%gather3A_752] in [0] : vector<16xf32>, vector<16xi32> -> vector<16xf32>
        %add3A_754 = arith.addf %add3A_750, %gather3A_753 : vector<16xf32>
        %add3A_755 = arith.addf %add3A_754, %get3A_22 : vector<16xf32>
        %neg3A_756 = arith.constant 0.000000e+00 : f32
        %neg3A_757 = vector.broadcast %neg3A_756 : f32 to vector<16xf32>
        %neg3A_758 = arith.subf %neg3A_757, %add3A_755 : vector<16xf32>
        %exp3A_759 = math.exp %neg3A_758 : vector<16xf32>
        %add3A_760 = arith.constant 1.000000e+00 : f32
        %add3A_761 = vector.broadcast %add3A_760 : f32 to vector<16xf32>
        %add3A_762 = arith.addf %add3A_761, %exp3A_759 : vector<16xf32>
        %div3A_763 = arith.constant 1.000000e+00 : f32
        %div3A_764 = vector.broadcast %div3A_763 : f32 to vector<16xf32>
        %div3A_765 = arith.divf %div3A_764, %add3A_762 : vector<16xf32>
        %mul3A_766 = arith.mulf %div3A_765, %select_n3A_737 : vector<16xf32>
        %eq3A_767 = arith.constant 0 : i32
        %eq3A_768 = vector.broadcast %eq3A_767 : i32 to vector<16xi32>
        %eq3A_769 = arith.cmpi eq, %iota3A, %eq3A_768 : vector<16xi32>
        %eq3A_770 = arith.constant 1 : i32
        %eq3A_771 = vector.broadcast %eq3A_770 : i32 to vector<16xi32>
        %eq3A_772 = arith.cmpi eq, %iota3A, %eq3A_771 : vector<16xi32>
        %select_n3A_773 = arith.select %eq3A_772, %broadcast_in_dim3A_23, %broadcast_in_dim3A_25 : vector<16xi1>, vector<16xf32>
        %select_n3A_774 = arith.select %eq3A_769, %div3A_765, %select_n3A_773 : vector<16xi1>, vector<16xf32>
        %swap3A_775 = arith.index_cast %add3A_679 : i32 to index
        %swap3A_776 = arith.constant 0 : index
        %swap3A_777 = tpu.vector_load %arg20[%swap3A_775, %swap3A_776] {strides = array<i32>} : memref<128x32xf32, #tpu.memory_space<vmem>>, vector<1x16xf32>,
        %swap3A_778 = vector.shape_cast %swap3A_777 : vector<1x16xf32> to vector<16xf32>
        %swap3A_779 = vector.shape_cast %select_n3A_728 : vector<16xf32> to vector<1x16xf32>
        tpu.vector_store %arg20[%swap3A_775, %swap3A_776], %swap3A_779 {strides = array<i32>} : memref<128x32xf32, #tpu.memory_space<vmem>>, vector<1x16xf32>,
        %swap3A_780 = arith.index_cast %add3A_679 : i32 to index
        %swap3A_781 = arith.constant 0 : index
        %swap3A_782 = tpu.vector_load %arg21[%swap3A_780, %swap3A_781] {strides = array<i32>} : memref<128x32xf32, #tpu.memory_space<vmem>>, vector<1x16xf32>,
        %swap3A_783 = vector.shape_cast %swap3A_782 : vector<1x16xf32> to vector<16xf32>
        %swap3A_784 = vector.shape_cast %mul3A_766 : vector<16xf32> to vector<1x16xf32>
        tpu.vector_store %arg21[%swap3A_780, %swap3A_781], %swap3A_784 {strides = array<i32>} : memref<128x32xf32, #tpu.memory_space<vmem>>, vector<1x16xf32>,
        %swap3A_785 = arith.index_cast %add3A_679 : i32 to index
        %swap3A_786 = arith.constant 16 : index
        %swap3A_787 = tpu.vector_load %arg21[%swap3A_785, %swap3A_786] {strides = array<i32>} : memref<128x32xf32, #tpu.memory_space<vmem>>, vector<1x16xf32>,
        %swap3A_788 = vector.shape_cast %swap3A_787 : vector<1x16xf32> to vector<16xf32>
        %swap3A_789 = vector.shape_cast %select_n3A_774 : vector<16xf32> to vector<1x16xf32>
        tpu.vector_store %arg21[%swap3A_785, %swap3A_786], %swap3A_789 {strides = array<i32>} : memref<128x32xf32, #tpu.memory_space<vmem>>, vector<1x16xf32>,
        %mul3A_790 = arith.constant 8 : i32
        %mul3A_791 = arith.muli %scan3A_215, %mul3A_790 : i32
        %add3A_792 = arith.constant 4 : i32
        %add3A_793 = arith.addi %mul3A_791, %add3A_792 : i32
        %add3A_794 = arith.constant 1 : i32
        %add3A_795 = arith.addi %add3A_793, %add3A_794 : i32
        %get3A_796 = arith.constant 0 : i32
        %get3A_797 = arith.constant 0 : i32
        %get3A_798 = tpu.memref_slice %arg14[%scan3A_81, %get3A_796, %get3A_797] : memref<2x128x32xf32, #tpu.memory_space<vmem>> -> memref<1x128x32xf32, #tpu.memory_space<vmem>>
        %get3A_799 = tpu.memref_squeeze %get3A_798 : memref<1x128x32xf32, #tpu.memory_space<vmem>> -> memref<128x32xf32, #tpu.memory_space<vmem>>
        %get3A_800 = arith.index_cast %add3A_795 : i32 to index
        %get3A_801 = arith.constant 0 : index
        %get3A_802 = tpu.vector_load %get3A_799[%get3A_800, %get3A_801] {strides = array<i32>} : memref<128x32xf32, #tpu.memory_space<vmem>>, vector<1x16xf32>,
        %get3A_803 = vector.shape_cast %get3A_802 : vector<1x16xf32> to vector<16xf32>
        %get3A_804 = arith.constant 0 : i32
        %get3A_805 = arith.constant 0 : i32
        %get3A_806 = tpu.memref_slice %arg14[%scan3A_81, %get3A_804, %get3A_805] : memref<2x128x32xf32, #tpu.memory_space<vmem>> -> memref<1x128x32xf32, #tpu.memory_space<vmem>>
        %get3A_807 = tpu.memref_squeeze %get3A_806 : memref<1x128x32xf32, #tpu.memory_space<vmem>> -> memref<128x32xf32, #tpu.memory_space<vmem>>
        %get3A_808 = arith.index_cast %add3A_795 : i32 to index
        %get3A_809 = arith.constant 16 : index
        %get3A_810 = tpu.vector_load %get3A_807[%get3A_808, %get3A_809] {strides = array<i32>} : memref<128x32xf32, #tpu.memory_space<vmem>>, vector<1x16xf32>,
        %get3A_811 = vector.shape_cast %get3A_810 : vector<1x16xf32> to vector<16xf32>
        %get3A_812 = arith.constant 0 : i32
        %get3A_813 = arith.constant 0 : i32
        %get3A_814 = tpu.memref_slice %arg15[%scan3A_82, %get3A_812, %get3A_813] : memref<2x128x32xf32, #tpu.memory_space<vmem>> -> memref<1x128x32xf32, #tpu.memory_space<vmem>>
        %get3A_815 = tpu.memref_squeeze %get3A_814 : memref<1x128x32xf32, #tpu.memory_space<vmem>> -> memref<128x32xf32, #tpu.memory_space<vmem>>
        %get3A_816 = arith.index_cast %add3A_795 : i32 to index
        %get3A_817 = arith.constant 0 : index
        %get3A_818 = tpu.vector_load %get3A_815[%get3A_816, %get3A_817] {strides = array<i32>} : memref<128x32xf32, #tpu.memory_space<vmem>>, vector<1x16xf32>,
        %get3A_819 = vector.shape_cast %get3A_818 : vector<1x16xf32> to vector<16xf32>
        %get3A_820 = arith.constant 0 : i32
        %get3A_821 = arith.constant 0 : i32
        %get3A_822 = tpu.memref_slice %arg15[%scan3A_82, %get3A_820, %get3A_821] : memref<2x128x32xf32, #tpu.memory_space<vmem>> -> memref<1x128x32xf32, #tpu.memory_space<vmem>>
        %get3A_823 = tpu.memref_squeeze %get3A_822 : memref<1x128x32xf32, #tpu.memory_space<vmem>> -> memref<128x32xf32, #tpu.memory_space<vmem>>
        %get3A_824 = arith.index_cast %add3A_795 : i32 to index
        %get3A_825 = arith.constant 16 : index
        %get3A_826 = tpu.vector_load %get3A_823[%get3A_824, %get3A_825] {strides = array<i32>} : memref<128x32xf32, #tpu.memory_space<vmem>>, vector<1x16xf32>,
        %get3A_827 = vector.shape_cast %get3A_826 : vector<1x16xf32> to vector<16xf32>
        %get3A_828 = arith.index_cast %scan3A_215 : i32 to index
        %get3A_829 = arith.constant 32 : index
        %get3A_830 = tpu.vector_load %arg19[%get3A_828, %get3A_829] {strides = array<i32>} : memref<16x128xf32, #tpu.memory_space<vmem>>, vector<1x16xf32>,
        %get3A_831 = vector.shape_cast %get3A_830 : vector<1x16xf32> to vector<16xf32>
        %get3A_832 = arith.index_cast %scan3A_215 : i32 to index
        %get3A_833 = arith.constant 48 : index
        %get3A_834 = tpu.vector_load %arg19[%get3A_832, %get3A_833] {strides = array<i32>} : memref<16x128xf32, #tpu.memory_space<vmem>>, vector<1x16xf32>,
        %get3A_835 = vector.shape_cast %get3A_834 : vector<1x16xf32> to vector<16xf32>
        %add3A_836 = arith.addf %get3A_803, %get3A_819 : vector<16xf32>
        %add3A_837 = arith.addf %add3A_836, %get3A_831 : vector<16xf32>
        %gt3A_838 = arith.constant 0.000000e+00 : f32
        %gt3A_839 = vector.broadcast %gt3A_838 : f32 to vector<16xf32>
        %gt3A_840 = arith.cmpf ogt, %add3A_837, %gt3A_839 : vector<16xf32>
        %mul3A_841 = arith.constant 2.000000e-01 : f32
        %mul3A_842 = vector.broadcast %mul3A_841 : f32 to vector<16xf32>
        %mul3A_843 = arith.mulf %mul3A_842, %add3A_837 : vector<16xf32>
        %select_n3A_844 = arith.select %gt3A_840, %add3A_837, %mul3A_843 : vector<16xi1>, vector<16xf32>
        %add3A_845 = arith.addf %get3A_811, %get3A_827 : vector<16xf32>
        %add3A_846 = arith.addf %add3A_845, %get3A_835 : vector<16xf32>
        %gt3A_847 = arith.constant 0.000000e+00 : f32
        %gt3A_848 = vector.broadcast %gt3A_847 : f32 to vector<16xf32>
        %gt3A_849 = arith.cmpf ogt, %add3A_846, %gt3A_848 : vector<16xf32>
        %mul3A_850 = arith.constant 2.000000e-01 : f32
        %mul3A_851 = vector.broadcast %mul3A_850 : f32 to vector<16xf32>
        %mul3A_852 = arith.mulf %mul3A_851, %add3A_846 : vector<16xf32>
        %select_n3A_853 = arith.select %gt3A_849, %add3A_846, %mul3A_852 : vector<16xi1>, vector<16xf32>
        %mul3A_854 = arith.mulf %select_n3A_853, %get3A_19 : vector<16xf32>
        %broadcast_in_dim3A_855 = vector.shape_cast %xor3A_29 : vector<16xi32> to vector<16x1xi32>
        %gather3A_856 = vector.shape_cast %broadcast_in_dim3A_855 : vector<16x1xi32> to vector<16xi32>
        %gather3A_857 = tpu.dynamic_gather %mul3A_854[%gather3A_856] in [0] : vector<16xf32>, vector<16xi32> -> vector<16xf32>
        %add3A_858 = arith.addf %mul3A_854, %gather3A_857 : vector<16xf32>
        %broadcast_in_dim3A_859 = vector.shape_cast %xor3A_32 : vector<16xi32> to vector<16x1xi32>
        %gather3A_860 = vector.shape_cast %broadcast_in_dim3A_859 : vector<16x1xi32> to vector<16xi32>
        %gather3A_861 = tpu.dynamic_gather %add3A_858[%gather3A_860] in [0] : vector<16xf32>, vector<16xi32> -> vector<16xf32>
        %add3A_862 = arith.addf %add3A_858, %gather3A_861 : vector<16xf32>
        %broadcast_in_dim3A_863 = vector.shape_cast %xor3A_35 : vector<16xi32> to vector<16x1xi32>
        %gather3A_864 = vector.shape_cast %broadcast_in_dim3A_863 : vector<16x1xi32> to vector<16xi32>
        %gather3A_865 = tpu.dynamic_gather %add3A_862[%gather3A_864] in [0] : vector<16xf32>, vector<16xi32> -> vector<16xf32>
        %add3A_866 = arith.addf %add3A_862, %gather3A_865 : vector<16xf32>
        %broadcast_in_dim3A_867 = vector.shape_cast %xor3A_38 : vector<16xi32> to vector<16x1xi32>
        %gather3A_868 = vector.shape_cast %broadcast_in_dim3A_867 : vector<16x1xi32> to vector<16xi32>
        %gather3A_869 = tpu.dynamic_gather %add3A_866[%gather3A_868] in [0] : vector<16xf32>, vector<16xi32> -> vector<16xf32>
        %add3A_870 = arith.addf %add3A_866, %gather3A_869 : vector<16xf32>
        %add3A_871 = arith.addf %add3A_870, %get3A_22 : vector<16xf32>
        %neg3A_872 = arith.constant 0.000000e+00 : f32
        %neg3A_873 = vector.broadcast %neg3A_872 : f32 to vector<16xf32>
        %neg3A_874 = arith.subf %neg3A_873, %add3A_871 : vector<16xf32>
        %exp3A_875 = math.exp %neg3A_874 : vector<16xf32>
        %add3A_876 = arith.constant 1.000000e+00 : f32
        %add3A_877 = vector.broadcast %add3A_876 : f32 to vector<16xf32>
        %add3A_878 = arith.addf %add3A_877, %exp3A_875 : vector<16xf32>
        %div3A_879 = arith.constant 1.000000e+00 : f32
        %div3A_880 = vector.broadcast %div3A_879 : f32 to vector<16xf32>
        %div3A_881 = arith.divf %div3A_880, %add3A_878 : vector<16xf32>
        %mul3A_882 = arith.mulf %div3A_881, %select_n3A_853 : vector<16xf32>
        %eq3A_883 = arith.constant 0 : i32
        %eq3A_884 = vector.broadcast %eq3A_883 : i32 to vector<16xi32>
        %eq3A_885 = arith.cmpi eq, %iota3A, %eq3A_884 : vector<16xi32>
        %eq3A_886 = arith.constant 1 : i32
        %eq3A_887 = vector.broadcast %eq3A_886 : i32 to vector<16xi32>
        %eq3A_888 = arith.cmpi eq, %iota3A, %eq3A_887 : vector<16xi32>
        %select_n3A_889 = arith.select %eq3A_888, %broadcast_in_dim3A_23, %broadcast_in_dim3A_25 : vector<16xi1>, vector<16xf32>
        %select_n3A_890 = arith.select %eq3A_885, %div3A_881, %select_n3A_889 : vector<16xi1>, vector<16xf32>
        %swap3A_891 = arith.index_cast %add3A_795 : i32 to index
        %swap3A_892 = arith.constant 0 : index
        %swap3A_893 = tpu.vector_load %arg20[%swap3A_891, %swap3A_892] {strides = array<i32>} : memref<128x32xf32, #tpu.memory_space<vmem>>, vector<1x16xf32>,
        %swap3A_894 = vector.shape_cast %swap3A_893 : vector<1x16xf32> to vector<16xf32>
        %swap3A_895 = vector.shape_cast %select_n3A_844 : vector<16xf32> to vector<1x16xf32>
        tpu.vector_store %arg20[%swap3A_891, %swap3A_892], %swap3A_895 {strides = array<i32>} : memref<128x32xf32, #tpu.memory_space<vmem>>, vector<1x16xf32>,
        %swap3A_896 = arith.index_cast %add3A_795 : i32 to index
        %swap3A_897 = arith.constant 0 : index
        %swap3A_898 = tpu.vector_load %arg21[%swap3A_896, %swap3A_897] {strides = array<i32>} : memref<128x32xf32, #tpu.memory_space<vmem>>, vector<1x16xf32>,
        %swap3A_899 = vector.shape_cast %swap3A_898 : vector<1x16xf32> to vector<16xf32>
        %swap3A_900 = vector.shape_cast %mul3A_882 : vector<16xf32> to vector<1x16xf32>
        tpu.vector_store %arg21[%swap3A_896, %swap3A_897], %swap3A_900 {strides = array<i32>} : memref<128x32xf32, #tpu.memory_space<vmem>>, vector<1x16xf32>,
        %swap3A_901 = arith.index_cast %add3A_795 : i32 to index
        %swap3A_902 = arith.constant 16 : index
        %swap3A_903 = tpu.vector_load %arg21[%swap3A_901, %swap3A_902] {strides = array<i32>} : memref<128x32xf32, #tpu.memory_space<vmem>>, vector<1x16xf32>,
        %swap3A_904 = vector.shape_cast %swap3A_903 : vector<1x16xf32> to vector<16xf32>
        %swap3A_905 = vector.shape_cast %select_n3A_890 : vector<16xf32> to vector<1x16xf32>
        tpu.vector_store %arg21[%swap3A_901, %swap3A_902], %swap3A_905 {strides = array<i32>} : memref<128x32xf32, #tpu.memory_space<vmem>>, vector<1x16xf32>,
        %mul3A_906 = arith.constant 8 : i32
        %mul3A_907 = arith.muli %scan3A_215, %mul3A_906 : i32
        %add3A_908 = arith.constant 4 : i32
        %add3A_909 = arith.addi %mul3A_907, %add3A_908 : i32
        %add3A_910 = arith.constant 2 : i32
        %add3A_911 = arith.addi %add3A_909, %add3A_910 : i32
        %get3A_912 = arith.constant 0 : i32
        %get3A_913 = arith.constant 0 : i32
        %get3A_914 = tpu.memref_slice %arg14[%scan3A_81, %get3A_912, %get3A_913] : memref<2x128x32xf32, #tpu.memory_space<vmem>> -> memref<1x128x32xf32, #tpu.memory_space<vmem>>
        %get3A_915 = tpu.memref_squeeze %get3A_914 : memref<1x128x32xf32, #tpu.memory_space<vmem>> -> memref<128x32xf32, #tpu.memory_space<vmem>>
        %get3A_916 = arith.index_cast %add3A_911 : i32 to index
        %get3A_917 = arith.constant 0 : index
        %get3A_918 = tpu.vector_load %get3A_915[%get3A_916, %get3A_917] {strides = array<i32>} : memref<128x32xf32, #tpu.memory_space<vmem>>, vector<1x16xf32>,
        %get3A_919 = vector.shape_cast %get3A_918 : vector<1x16xf32> to vector<16xf32>
        %get3A_920 = arith.constant 0 : i32
        %get3A_921 = arith.constant 0 : i32
        %get3A_922 = tpu.memref_slice %arg14[%scan3A_81, %get3A_920, %get3A_921] : memref<2x128x32xf32, #tpu.memory_space<vmem>> -> memref<1x128x32xf32, #tpu.memory_space<vmem>>
        %get3A_923 = tpu.memref_squeeze %get3A_922 : memref<1x128x32xf32, #tpu.memory_space<vmem>> -> memref<128x32xf32, #tpu.memory_space<vmem>>
        %get3A_924 = arith.index_cast %add3A_911 : i32 to index
        %get3A_925 = arith.constant 16 : index
        %get3A_926 = tpu.vector_load %get3A_923[%get3A_924, %get3A_925] {strides = array<i32>} : memref<128x32xf32, #tpu.memory_space<vmem>>, vector<1x16xf32>,
        %get3A_927 = vector.shape_cast %get3A_926 : vector<1x16xf32> to vector<16xf32>
        %get3A_928 = arith.constant 0 : i32
        %get3A_929 = arith.constant 0 : i32
        %get3A_930 = tpu.memref_slice %arg15[%scan3A_82, %get3A_928, %get3A_929] : memref<2x128x32xf32, #tpu.memory_space<vmem>> -> memref<1x128x32xf32, #tpu.memory_space<vmem>>
        %get3A_931 = tpu.memref_squeeze %get3A_930 : memref<1x128x32xf32, #tpu.memory_space<vmem>> -> memref<128x32xf32, #tpu.memory_space<vmem>>
        %get3A_932 = arith.index_cast %add3A_911 : i32 to index
        %get3A_933 = arith.constant 0 : index
        %get3A_934 = tpu.vector_load %get3A_931[%get3A_932, %get3A_933] {strides = array<i32>} : memref<128x32xf32, #tpu.memory_space<vmem>>, vector<1x16xf32>,
        %get3A_935 = vector.shape_cast %get3A_934 : vector<1x16xf32> to vector<16xf32>
        %get3A_936 = arith.constant 0 : i32
        %get3A_937 = arith.constant 0 : i32
        %get3A_938 = tpu.memref_slice %arg15[%scan3A_82, %get3A_936, %get3A_937] : memref<2x128x32xf32, #tpu.memory_space<vmem>> -> memref<1x128x32xf32, #tpu.memory_space<vmem>>
        %get3A_939 = tpu.memref_squeeze %get3A_938 : memref<1x128x32xf32, #tpu.memory_space<vmem>> -> memref<128x32xf32, #tpu.memory_space<vmem>>
        %get3A_940 = arith.index_cast %add3A_911 : i32 to index
        %get3A_941 = arith.constant 16 : index
        %get3A_942 = tpu.vector_load %get3A_939[%get3A_940, %get3A_941] {strides = array<i32>} : memref<128x32xf32, #tpu.memory_space<vmem>>, vector<1x16xf32>,
        %get3A_943 = vector.shape_cast %get3A_942 : vector<1x16xf32> to vector<16xf32>
        %get3A_944 = arith.index_cast %scan3A_215 : i32 to index
        %get3A_945 = arith.constant 64 : index
        %get3A_946 = tpu.vector_load %arg19[%get3A_944, %get3A_945] {strides = array<i32>} : memref<16x128xf32, #tpu.memory_space<vmem>>, vector<1x16xf32>,
        %get3A_947 = vector.shape_cast %get3A_946 : vector<1x16xf32> to vector<16xf32>
        %get3A_948 = arith.index_cast %scan3A_215 : i32 to index
        %get3A_949 = arith.constant 80 : index
        %get3A_950 = tpu.vector_load %arg19[%get3A_948, %get3A_949] {strides = array<i32>} : memref<16x128xf32, #tpu.memory_space<vmem>>, vector<1x16xf32>,
        %get3A_951 = vector.shape_cast %get3A_950 : vector<1x16xf32> to vector<16xf32>
        %add3A_952 = arith.addf %get3A_919, %get3A_935 : vector<16xf32>
        %add3A_953 = arith.addf %add3A_952, %get3A_947 : vector<16xf32>
        %gt3A_954 = arith.constant 0.000000e+00 : f32
        %gt3A_955 = vector.broadcast %gt3A_954 : f32 to vector<16xf32>
        %gt3A_956 = arith.cmpf ogt, %add3A_953, %gt3A_955 : vector<16xf32>
        %mul3A_957 = arith.constant 2.000000e-01 : f32
        %mul3A_958 = vector.broadcast %mul3A_957 : f32 to vector<16xf32>
        %mul3A_959 = arith.mulf %mul3A_958, %add3A_953 : vector<16xf32>
        %select_n3A_960 = arith.select %gt3A_956, %add3A_953, %mul3A_959 : vector<16xi1>, vector<16xf32>
        %add3A_961 = arith.addf %get3A_927, %get3A_943 : vector<16xf32>
        %add3A_962 = arith.addf %add3A_961, %get3A_951 : vector<16xf32>
        %gt3A_963 = arith.constant 0.000000e+00 : f32
        %gt3A_964 = vector.broadcast %gt3A_963 : f32 to vector<16xf32>
        %gt3A_965 = arith.cmpf ogt, %add3A_962, %gt3A_964 : vector<16xf32>
        %mul3A_966 = arith.constant 2.000000e-01 : f32
        %mul3A_967 = vector.broadcast %mul3A_966 : f32 to vector<16xf32>
        %mul3A_968 = arith.mulf %mul3A_967, %add3A_962 : vector<16xf32>
        %select_n3A_969 = arith.select %gt3A_965, %add3A_962, %mul3A_968 : vector<16xi1>, vector<16xf32>
        %mul3A_970 = arith.mulf %select_n3A_969, %get3A_19 : vector<16xf32>
        %broadcast_in_dim3A_971 = vector.shape_cast %xor3A_29 : vector<16xi32> to vector<16x1xi32>
        %gather3A_972 = vector.shape_cast %broadcast_in_dim3A_971 : vector<16x1xi32> to vector<16xi32>
        %gather3A_973 = tpu.dynamic_gather %mul3A_970[%gather3A_972] in [0] : vector<16xf32>, vector<16xi32> -> vector<16xf32>
        %add3A_974 = arith.addf %mul3A_970, %gather3A_973 : vector<16xf32>
        %broadcast_in_dim3A_975 = vector.shape_cast %xor3A_32 : vector<16xi32> to vector<16x1xi32>
        %gather3A_976 = vector.shape_cast %broadcast_in_dim3A_975 : vector<16x1xi32> to vector<16xi32>
        %gather3A_977 = tpu.dynamic_gather %add3A_974[%gather3A_976] in [0] : vector<16xf32>, vector<16xi32> -> vector<16xf32>
        %add3A_978 = arith.addf %add3A_974, %gather3A_977 : vector<16xf32>
        %broadcast_in_dim3A_979 = vector.shape_cast %xor3A_35 : vector<16xi32> to vector<16x1xi32>
        %gather3A_980 = vector.shape_cast %broadcast_in_dim3A_979 : vector<16x1xi32> to vector<16xi32>
        %gather3A_981 = tpu.dynamic_gather %add3A_978[%gather3A_980] in [0] : vector<16xf32>, vector<16xi32> -> vector<16xf32>
        %add3A_982 = arith.addf %add3A_978, %gather3A_981 : vector<16xf32>
        %broadcast_in_dim3A_983 = vector.shape_cast %xor3A_38 : vector<16xi32> to vector<16x1xi32>
        %gather3A_984 = vector.shape_cast %broadcast_in_dim3A_983 : vector<16x1xi32> to vector<16xi32>
        %gather3A_985 = tpu.dynamic_gather %add3A_982[%gather3A_984] in [0] : vector<16xf32>, vector<16xi32> -> vector<16xf32>
        %add3A_986 = arith.addf %add3A_982, %gather3A_985 : vector<16xf32>
        %add3A_987 = arith.addf %add3A_986, %get3A_22 : vector<16xf32>
        %neg3A_988 = arith.constant 0.000000e+00 : f32
        %neg3A_989 = vector.broadcast %neg3A_988 : f32 to vector<16xf32>
        %neg3A_990 = arith.subf %neg3A_989, %add3A_987 : vector<16xf32>
        %exp3A_991 = math.exp %neg3A_990 : vector<16xf32>
        %add3A_992 = arith.constant 1.000000e+00 : f32
        %add3A_993 = vector.broadcast %add3A_992 : f32 to vector<16xf32>
        %add3A_994 = arith.addf %add3A_993, %exp3A_991 : vector<16xf32>
        %div3A_995 = arith.constant 1.000000e+00 : f32
        %div3A_996 = vector.broadcast %div3A_995 : f32 to vector<16xf32>
        %div3A_997 = arith.divf %div3A_996, %add3A_994 : vector<16xf32>
        %mul3A_998 = arith.mulf %div3A_997, %select_n3A_969 : vector<16xf32>
        %eq3A_999 = arith.constant 0 : i32
        %eq3A_1000 = vector.broadcast %eq3A_999 : i32 to vector<16xi32>
        %eq3A_1001 = arith.cmpi eq, %iota3A, %eq3A_1000 : vector<16xi32>
        %eq3A_1002 = arith.constant 1 : i32
        %eq3A_1003 = vector.broadcast %eq3A_1002 : i32 to vector<16xi32>
        %eq3A_1004 = arith.cmpi eq, %iota3A, %eq3A_1003 : vector<16xi32>
        %select_n3A_1005 = arith.select %eq3A_1004, %broadcast_in_dim3A_23, %broadcast_in_dim3A_25 : vector<16xi1>, vector<16xf32>
        %select_n3A_1006 = arith.select %eq3A_1001, %div3A_997, %select_n3A_1005 : vector<16xi1>, vector<16xf32>
        %swap3A_1007 = arith.index_cast %add3A_911 : i32 to index
        %swap3A_1008 = arith.constant 0 : index
        %swap3A_1009 = tpu.vector_load %arg20[%swap3A_1007, %swap3A_1008] {strides = array<i32>} : memref<128x32xf32, #tpu.memory_space<vmem>>, vector<1x16xf32>,
        %swap3A_1010 = vector.shape_cast %swap3A_1009 : vector<1x16xf32> to vector<16xf32>
        %swap3A_1011 = vector.shape_cast %select_n3A_960 : vector<16xf32> to vector<1x16xf32>
        tpu.vector_store %arg20[%swap3A_1007, %swap3A_1008], %swap3A_1011 {strides = array<i32>} : memref<128x32xf32, #tpu.memory_space<vmem>>, vector<1x16xf32>,
        %swap3A_1012 = arith.index_cast %add3A_911 : i32 to index
        %swap3A_1013 = arith.constant 0 : index
        %swap3A_1014 = tpu.vector_load %arg21[%swap3A_1012, %swap3A_1013] {strides = array<i32>} : memref<128x32xf32, #tpu.memory_space<vmem>>, vector<1x16xf32>,
        %swap3A_1015 = vector.shape_cast %swap3A_1014 : vector<1x16xf32> to vector<16xf32>
        %swap3A_1016 = vector.shape_cast %mul3A_998 : vector<16xf32> to vector<1x16xf32>
        tpu.vector_store %arg21[%swap3A_1012, %swap3A_1013], %swap3A_1016 {strides = array<i32>} : memref<128x32xf32, #tpu.memory_space<vmem>>, vector<1x16xf32>,
        %swap3A_1017 = arith.index_cast %add3A_911 : i32 to index
        %swap3A_1018 = arith.constant 16 : index
        %swap3A_1019 = tpu.vector_load %arg21[%swap3A_1017, %swap3A_1018] {strides = array<i32>} : memref<128x32xf32, #tpu.memory_space<vmem>>, vector<1x16xf32>,
        %swap3A_1020 = vector.shape_cast %swap3A_1019 : vector<1x16xf32> to vector<16xf32>
        %swap3A_1021 = vector.shape_cast %select_n3A_1006 : vector<16xf32> to vector<1x16xf32>
        tpu.vector_store %arg21[%swap3A_1017, %swap3A_1018], %swap3A_1021 {strides = array<i32>} : memref<128x32xf32, #tpu.memory_space<vmem>>, vector<1x16xf32>,
        %mul3A_1022 = arith.constant 8 : i32
        %mul3A_1023 = arith.muli %scan3A_215, %mul3A_1022 : i32
        %add3A_1024 = arith.constant 4 : i32
        %add3A_1025 = arith.addi %mul3A_1023, %add3A_1024 : i32
        %add3A_1026 = arith.constant 3 : i32
        %add3A_1027 = arith.addi %add3A_1025, %add3A_1026 : i32
        %get3A_1028 = arith.constant 0 : i32
        %get3A_1029 = arith.constant 0 : i32
        %get3A_1030 = tpu.memref_slice %arg14[%scan3A_81, %get3A_1028, %get3A_1029] : memref<2x128x32xf32, #tpu.memory_space<vmem>> -> memref<1x128x32xf32, #tpu.memory_space<vmem>>
        %get3A_1031 = tpu.memref_squeeze %get3A_1030 : memref<1x128x32xf32, #tpu.memory_space<vmem>> -> memref<128x32xf32, #tpu.memory_space<vmem>>
        %get3A_1032 = arith.index_cast %add3A_1027 : i32 to index
        %get3A_1033 = arith.constant 0 : index
        %get3A_1034 = tpu.vector_load %get3A_1031[%get3A_1032, %get3A_1033] {strides = array<i32>} : memref<128x32xf32, #tpu.memory_space<vmem>>, vector<1x16xf32>,
        %get3A_1035 = vector.shape_cast %get3A_1034 : vector<1x16xf32> to vector<16xf32>
        %get3A_1036 = arith.constant 0 : i32
        %get3A_1037 = arith.constant 0 : i32
        %get3A_1038 = tpu.memref_slice %arg14[%scan3A_81, %get3A_1036, %get3A_1037] : memref<2x128x32xf32, #tpu.memory_space<vmem>> -> memref<1x128x32xf32, #tpu.memory_space<vmem>>
        %get3A_1039 = tpu.memref_squeeze %get3A_1038 : memref<1x128x32xf32, #tpu.memory_space<vmem>> -> memref<128x32xf32, #tpu.memory_space<vmem>>
        %get3A_1040 = arith.index_cast %add3A_1027 : i32 to index
        %get3A_1041 = arith.constant 16 : index
        %get3A_1042 = tpu.vector_load %get3A_1039[%get3A_1040, %get3A_1041] {strides = array<i32>} : memref<128x32xf32, #tpu.memory_space<vmem>>, vector<1x16xf32>,
        %get3A_1043 = vector.shape_cast %get3A_1042 : vector<1x16xf32> to vector<16xf32>
        %get3A_1044 = arith.constant 0 : i32
        %get3A_1045 = arith.constant 0 : i32
        %get3A_1046 = tpu.memref_slice %arg15[%scan3A_82, %get3A_1044, %get3A_1045] : memref<2x128x32xf32, #tpu.memory_space<vmem>> -> memref<1x128x32xf32, #tpu.memory_space<vmem>>
        %get3A_1047 = tpu.memref_squeeze %get3A_1046 : memref<1x128x32xf32, #tpu.memory_space<vmem>> -> memref<128x32xf32, #tpu.memory_space<vmem>>
        %get3A_1048 = arith.index_cast %add3A_1027 : i32 to index
        %get3A_1049 = arith.constant 0 : index
        %get3A_1050 = tpu.vector_load %get3A_1047[%get3A_1048, %get3A_1049] {strides = array<i32>} : memref<128x32xf32, #tpu.memory_space<vmem>>, vector<1x16xf32>,
        %get3A_1051 = vector.shape_cast %get3A_1050 : vector<1x16xf32> to vector<16xf32>
        %get3A_1052 = arith.constant 0 : i32
        %get3A_1053 = arith.constant 0 : i32
        %get3A_1054 = tpu.memref_slice %arg15[%scan3A_82, %get3A_1052, %get3A_1053] : memref<2x128x32xf32, #tpu.memory_space<vmem>> -> memref<1x128x32xf32, #tpu.memory_space<vmem>>
        %get3A_1055 = tpu.memref_squeeze %get3A_1054 : memref<1x128x32xf32, #tpu.memory_space<vmem>> -> memref<128x32xf32, #tpu.memory_space<vmem>>
        %get3A_1056 = arith.index_cast %add3A_1027 : i32 to index
        %get3A_1057 = arith.constant 16 : index
        %get3A_1058 = tpu.vector_load %get3A_1055[%get3A_1056, %get3A_1057] {strides = array<i32>} : memref<128x32xf32, #tpu.memory_space<vmem>>, vector<1x16xf32>,
        %get3A_1059 = vector.shape_cast %get3A_1058 : vector<1x16xf32> to vector<16xf32>
        %get3A_1060 = arith.index_cast %scan3A_215 : i32 to index
        %get3A_1061 = arith.constant 96 : index
        %get3A_1062 = tpu.vector_load %arg19[%get3A_1060, %get3A_1061] {strides = array<i32>} : memref<16x128xf32, #tpu.memory_space<vmem>>, vector<1x16xf32>,
        %get3A_1063 = vector.shape_cast %get3A_1062 : vector<1x16xf32> to vector<16xf32>
        %get3A_1064 = arith.index_cast %scan3A_215 : i32 to index
        %get3A_1065 = arith.constant 112 : index
        %get3A_1066 = tpu.vector_load %arg19[%get3A_1064, %get3A_1065] {strides = array<i32>} : memref<16x128xf32, #tpu.memory_space<vmem>>, vector<1x16xf32>,
        %get3A_1067 = vector.shape_cast %get3A_1066 : vector<1x16xf32> to vector<16xf32>
        %add3A_1068 = arith.addf %get3A_1035, %get3A_1051 : vector<16xf32>
        %add3A_1069 = arith.addf %add3A_1068, %get3A_1063 : vector<16xf32>
        %gt3A_1070 = arith.constant 0.000000e+00 : f32
        %gt3A_1071 = vector.broadcast %gt3A_1070 : f32 to vector<16xf32>
        %gt3A_1072 = arith.cmpf ogt, %add3A_1069, %gt3A_1071 : vector<16xf32>
        %mul3A_1073 = arith.constant 2.000000e-01 : f32
        %mul3A_1074 = vector.broadcast %mul3A_1073 : f32 to vector<16xf32>
        %mul3A_1075 = arith.mulf %mul3A_1074, %add3A_1069 : vector<16xf32>
        %select_n3A_1076 = arith.select %gt3A_1072, %add3A_1069, %mul3A_1075 : vector<16xi1>, vector<16xf32>
        %add3A_1077 = arith.addf %get3A_1043, %get3A_1059 : vector<16xf32>
        %add3A_1078 = arith.addf %add3A_1077, %get3A_1067 : vector<16xf32>
        %gt3A_1079 = arith.constant 0.000000e+00 : f32
        %gt3A_1080 = vector.broadcast %gt3A_1079 : f32 to vector<16xf32>
        %gt3A_1081 = arith.cmpf ogt, %add3A_1078, %gt3A_1080 : vector<16xf32>
        %mul3A_1082 = arith.constant 2.000000e-01 : f32
        %mul3A_1083 = vector.broadcast %mul3A_1082 : f32 to vector<16xf32>
        %mul3A_1084 = arith.mulf %mul3A_1083, %add3A_1078 : vector<16xf32>
        %select_n3A_1085 = arith.select %gt3A_1081, %add3A_1078, %mul3A_1084 : vector<16xi1>, vector<16xf32>
        %mul3A_1086 = arith.mulf %select_n3A_1085, %get3A_19 : vector<16xf32>
        %broadcast_in_dim3A_1087 = vector.shape_cast %xor3A_29 : vector<16xi32> to vector<16x1xi32>
        %gather3A_1088 = vector.shape_cast %broadcast_in_dim3A_1087 : vector<16x1xi32> to vector<16xi32>
        %gather3A_1089 = tpu.dynamic_gather %mul3A_1086[%gather3A_1088] in [0] : vector<16xf32>, vector<16xi32> -> vector<16xf32>
        %add3A_1090 = arith.addf %mul3A_1086, %gather3A_1089 : vector<16xf32>
        %broadcast_in_dim3A_1091 = vector.shape_cast %xor3A_32 : vector<16xi32> to vector<16x1xi32>
        %gather3A_1092 = vector.shape_cast %broadcast_in_dim3A_1091 : vector<16x1xi32> to vector<16xi32>
        %gather3A_1093 = tpu.dynamic_gather %add3A_1090[%gather3A_1092] in [0] : vector<16xf32>, vector<16xi32> -> vector<16xf32>
        %add3A_1094 = arith.addf %add3A_1090, %gather3A_1093 : vector<16xf32>
        %broadcast_in_dim3A_1095 = vector.shape_cast %xor3A_35 : vector<16xi32> to vector<16x1xi32>
        %gather3A_1096 = vector.shape_cast %broadcast_in_dim3A_1095 : vector<16x1xi32> to vector<16xi32>
        %gather3A_1097 = tpu.dynamic_gather %add3A_1094[%gather3A_1096] in [0] : vector<16xf32>, vector<16xi32> -> vector<16xf32>
        %add3A_1098 = arith.addf %add3A_1094, %gather3A_1097 : vector<16xf32>
        %broadcast_in_dim3A_1099 = vector.shape_cast %xor3A_38 : vector<16xi32> to vector<16x1xi32>
        %gather3A_1100 = vector.shape_cast %broadcast_in_dim3A_1099 : vector<16x1xi32> to vector<16xi32>
        %gather3A_1101 = tpu.dynamic_gather %add3A_1098[%gather3A_1100] in [0] : vector<16xf32>, vector<16xi32> -> vector<16xf32>
        %add3A_1102 = arith.addf %add3A_1098, %gather3A_1101 : vector<16xf32>
        %add3A_1103 = arith.addf %add3A_1102, %get3A_22 : vector<16xf32>
        %neg3A_1104 = arith.constant 0.000000e+00 : f32
        %neg3A_1105 = vector.broadcast %neg3A_1104 : f32 to vector<16xf32>
        %neg3A_1106 = arith.subf %neg3A_1105, %add3A_1103 : vector<16xf32>
        %exp3A_1107 = math.exp %neg3A_1106 : vector<16xf32>
        %add3A_1108 = arith.constant 1.000000e+00 : f32
        %add3A_1109 = vector.broadcast %add3A_1108 : f32 to vector<16xf32>
        %add3A_1110 = arith.addf %add3A_1109, %exp3A_1107 : vector<16xf32>
        %div3A_1111 = arith.constant 1.000000e+00 : f32
        %div3A_1112 = vector.broadcast %div3A_1111 : f32 to vector<16xf32>
        %div3A_1113 = arith.divf %div3A_1112, %add3A_1110 : vector<16xf32>
        %mul3A_1114 = arith.mulf %div3A_1113, %select_n3A_1085 : vector<16xf32>
        %eq3A_1115 = arith.constant 0 : i32
        %eq3A_1116 = vector.broadcast %eq3A_1115 : i32 to vector<16xi32>
        %eq3A_1117 = arith.cmpi eq, %iota3A, %eq3A_1116 : vector<16xi32>
        %eq3A_1118 = arith.constant 1 : i32
        %eq3A_1119 = vector.broadcast %eq3A_1118 : i32 to vector<16xi32>
        %eq3A_1120 = arith.cmpi eq, %iota3A, %eq3A_1119 : vector<16xi32>
        %select_n3A_1121 = arith.select %eq3A_1120, %broadcast_in_dim3A_23, %broadcast_in_dim3A_25 : vector<16xi1>, vector<16xf32>
        %select_n3A_1122 = arith.select %eq3A_1117, %div3A_1113, %select_n3A_1121 : vector<16xi1>, vector<16xf32>
        %swap3A_1123 = arith.index_cast %add3A_1027 : i32 to index
        %swap3A_1124 = arith.constant 0 : index
        %swap3A_1125 = tpu.vector_load %arg20[%swap3A_1123, %swap3A_1124] {strides = array<i32>} : memref<128x32xf32, #tpu.memory_space<vmem>>, vector<1x16xf32>,
        %swap3A_1126 = vector.shape_cast %swap3A_1125 : vector<1x16xf32> to vector<16xf32>
        %swap3A_1127 = vector.shape_cast %select_n3A_1076 : vector<16xf32> to vector<1x16xf32>
        tpu.vector_store %arg20[%swap3A_1123, %swap3A_1124], %swap3A_1127 {strides = array<i32>} : memref<128x32xf32, #tpu.memory_space<vmem>>, vector<1x16xf32>,
        %swap3A_1128 = arith.index_cast %add3A_1027 : i32 to index
        %swap3A_1129 = arith.constant 0 : index
        %swap3A_1130 = tpu.vector_load %arg21[%swap3A_1128, %swap3A_1129] {strides = array<i32>} : memref<128x32xf32, #tpu.memory_space<vmem>>, vector<1x16xf32>,
        %swap3A_1131 = vector.shape_cast %swap3A_1130 : vector<1x16xf32> to vector<16xf32>
        %swap3A_1132 = vector.shape_cast %mul3A_1114 : vector<16xf32> to vector<1x16xf32>
        tpu.vector_store %arg21[%swap3A_1128, %swap3A_1129], %swap3A_1132 {strides = array<i32>} : memref<128x32xf32, #tpu.memory_space<vmem>>, vector<1x16xf32>,
        %swap3A_1133 = arith.index_cast %add3A_1027 : i32 to index
        %swap3A_1134 = arith.constant 16 : index
        %swap3A_1135 = tpu.vector_load %arg21[%swap3A_1133, %swap3A_1134] {strides = array<i32>} : memref<128x32xf32, #tpu.memory_space<vmem>>, vector<1x16xf32>,
        %swap3A_1136 = vector.shape_cast %swap3A_1135 : vector<1x16xf32> to vector<16xf32>
        %swap3A_1137 = vector.shape_cast %select_n3A_1122 : vector<16xf32> to vector<1x16xf32>
        tpu.vector_store %arg21[%swap3A_1133, %swap3A_1134], %swap3A_1137 {strides = array<i32>} : memref<128x32xf32, #tpu.memory_space<vmem>>, vector<1x16xf32>,
      }
      %scan3A_214 = arith.constant 16 : i32
      "tpu.region"() ({
        %run_scoped3A = tpu.sem_alloc : memref<!tpu.dma_semaphore, #tpu.memory_space<semaphore_mem>>
        %dma_start3A_215 = arith.constant 0 : i32
        %dma_start3A_216 = tpu.memref_slice %arg13[%add3A_102, %dma_start3A_215] : memref<79x128xi32, #tpu.memory_space<vmem>> -> memref<1x128xi32, #tpu.memory_space<vmem>>
        %dma_start3A_217 = tpu.memref_squeeze %dma_start3A_216 : memref<1x128xi32, #tpu.memory_space<vmem>> -> memref<128xi32, #tpu.memory_space<vmem>>
        %dma_start3A_218 = arith.constant 0 : i32
        %dma_start3A_219 = arith.constant 0 : i32
        %dma_start3A_220 = tpu.memref_slice %arg24[%dma_start3A_218, %dma_start3A_219] : memref<10112x32xf32, #tpu.memory_space<vmem_shared>> -> memref<10112x32xf32, #tpu.memory_space<vmem_shared>>
        tpu.enqueue_indirect_dma source(%arg20 : memref<128x32xf32, #tpu.memory_space<vmem>>) target(%dma_start3A_220 : memref<10112x32xf32, #tpu.memory_space<vmem_shared>>) offsets(%dma_start3A_217 : memref<128xi32, #tpu.memory_space<vmem>>) semaphore(%run_scoped3A : memref<!tpu.dma_semaphore, #tpu.memory_space<semaphore_mem>>) {add = true}
        %dma_wait3A_221 = arith.constant 0 : i32
        %dma_wait3A_222 = tpu.memref_slice %arg13[%add3A_102, %dma_wait3A_221] : memref<79x128xi32, #tpu.memory_space<vmem>> -> memref<1x128xi32, #tpu.memory_space<vmem>>
        %dma_wait3A_223 = tpu.memref_squeeze %dma_wait3A_222 : memref<1x128xi32, #tpu.memory_space<vmem>> -> memref<128xi32, #tpu.memory_space<vmem>>
        %dma_wait3A_224 = arith.constant 0 : i32
        %dma_wait3A_225 = arith.constant 0 : i32
        %dma_wait3A_226 = tpu.memref_slice %arg24[%dma_wait3A_224, %dma_wait3A_225] : memref<10112x32xf32, #tpu.memory_space<vmem_shared>> -> memref<10112x32xf32, #tpu.memory_space<vmem_shared>>
        tpu.wait_indirect_dma semaphore(%run_scoped3A : memref<!tpu.dma_semaphore, #tpu.memory_space<semaphore_mem>>) src(%arg20 : memref<128x32xf32, #tpu.memory_space<vmem>>) dst(%dma_wait3A_226 : memref<10112x32xf32, #tpu.memory_space<vmem_shared>>)
        tpu.yield
      }) : () -> ()
      "tpu.region"() ({
        %run_scoped3A = tpu.sem_alloc : memref<!tpu.dma_semaphore, #tpu.memory_space<semaphore_mem>>
        %dma_start3A_215 = arith.constant 0 : i32
        %dma_start3A_216 = tpu.memref_slice %arg12[%add3A_102, %dma_start3A_215] : memref<79x128xi32, #tpu.memory_space<vmem>> -> memref<1x128xi32, #tpu.memory_space<vmem>>
        %dma_start3A_217 = tpu.memref_squeeze %dma_start3A_216 : memref<1x128xi32, #tpu.memory_space<vmem>> -> memref<128xi32, #tpu.memory_space<vmem>>
        %dma_start3A_218 = arith.constant 0 : i32
        %dma_start3A_219 = arith.constant 0 : i32
        %dma_start3A_220 = tpu.memref_slice %arg25[%dma_start3A_218, %dma_start3A_219] : memref<10112x32xf32, #tpu.memory_space<vmem_shared>> -> memref<10112x32xf32, #tpu.memory_space<vmem_shared>>
        tpu.enqueue_indirect_dma source(%arg21 : memref<128x32xf32, #tpu.memory_space<vmem>>) target(%dma_start3A_220 : memref<10112x32xf32, #tpu.memory_space<vmem_shared>>) offsets(%dma_start3A_217 : memref<128xi32, #tpu.memory_space<vmem>>) semaphore(%run_scoped3A : memref<!tpu.dma_semaphore, #tpu.memory_space<semaphore_mem>>) {add = true}
        %dma_wait3A_221 = arith.constant 0 : i32
        %dma_wait3A_222 = tpu.memref_slice %arg12[%add3A_102, %dma_wait3A_221] : memref<79x128xi32, #tpu.memory_space<vmem>> -> memref<1x128xi32, #tpu.memory_space<vmem>>
        %dma_wait3A_223 = tpu.memref_squeeze %dma_wait3A_222 : memref<1x128xi32, #tpu.memory_space<vmem>> -> memref<128xi32, #tpu.memory_space<vmem>>
        %dma_wait3A_224 = arith.constant 0 : i32
        %dma_wait3A_225 = arith.constant 0 : i32
        %dma_wait3A_226 = tpu.memref_slice %arg25[%dma_wait3A_224, %dma_wait3A_225] : memref<10112x32xf32, #tpu.memory_space<vmem_shared>> -> memref<10112x32xf32, #tpu.memory_space<vmem_shared>>
        tpu.wait_indirect_dma semaphore(%run_scoped3A : memref<!tpu.dma_semaphore, #tpu.memory_space<semaphore_mem>>) src(%arg21 : memref<128x32xf32, #tpu.memory_space<vmem>>) dst(%dma_wait3A_226 : memref<10112x32xf32, #tpu.memory_space<vmem_shared>>)
        tpu.yield
      }) : () -> ()
    }
    %scan3A_89 = arith.constant 39 : i32
    %lt3A_90 = arith.constant 4 : i32
    %lt3A_91 = arith.cmpi slt, %add3A, %lt3A_90 : i32
    %convert_element_type3A_92 = arith.extui %lt3A_91 : i1 to i32
    %cond3A_93 = arith.constant 0 : i32
    %cond3A_94 = arith.constant 0 : i32
    %cond3A_95 = arith.constant 0 : i32
    %cond3A_96 = arith.cmpi ne, %convert_element_type3A_92, %cond3A_95 : i32
    scf.if %cond3A_96 {
      %add3A_98 = arith.constant 2496 : i32
      %add3A_99 = arith.addi %add3A_98, %add3A : i32
      %mul3A_100 = arith.constant 16 : i32
      %mul3A_101 = arith.muli %add3A_99, %mul3A_100 : i32
      %dma_start3A_102 = arith.constant 78 : i32
      %dma_start3A_103 = arith.constant 0 : i32
      %dma_start3A_104 = arith.constant 0 : i32
      %dma_start3A_105 = tpu.memref_slice %arg14[%cond3A_93, %dma_start3A_103, %dma_start3A_104] : memref<2x128x32xf32, #tpu.memory_space<vmem>> -> memref<1x128x32xf32, #tpu.memory_space<vmem>>
      %dma_start3A_106 = tpu.memref_squeeze %dma_start3A_105 : memref<1x128x32xf32, #tpu.memory_space<vmem>> -> memref<128x32xf32, #tpu.memory_space<vmem>>
      %dma_start3A_107 = arith.constant 0 : i32
      %dma_start3A_108 = tpu.memref_slice %arg12[%dma_start3A_102, %dma_start3A_107] : memref<79x128xi32, #tpu.memory_space<vmem>> -> memref<1x128xi32, #tpu.memory_space<vmem>>
      %dma_start3A_109 = tpu.memref_squeeze %dma_start3A_108 : memref<1x128xi32, #tpu.memory_space<vmem>> -> memref<128xi32, #tpu.memory_space<vmem>>
      %dma_start3A_110 = arith.constant 0 : i32
      %dma_start3A_111 = arith.constant 0 : i32
      %dma_start3A_112 = tpu.memref_slice %arg2[%dma_start3A_110, %dma_start3A_111] : memref<10000x32xf32, #tpu.memory_space<hbm>> -> memref<10000x32xf32, #tpu.memory_space<hbm>>
      tpu.enqueue_indirect_dma source(%dma_start3A_112 : memref<10000x32xf32, #tpu.memory_space<hbm>>) target(%dma_start3A_106 : memref<128x32xf32, #tpu.memory_space<vmem>>) offsets(%dma_start3A_109 : memref<128xi32, #tpu.memory_space<vmem>>) semaphore(%arg26 : memref<!tpu.dma_semaphore, #tpu.memory_space<semaphore_mem>>)
      %dma_start3A_113 = arith.constant 78 : i32
      %dma_start3A_114 = arith.constant 0 : i32
      %dma_start3A_115 = arith.constant 0 : i32
      %dma_start3A_116 = tpu.memref_slice %arg15[%cond3A_94, %dma_start3A_114, %dma_start3A_115] : memref<2x128x32xf32, #tpu.memory_space<vmem>> -> memref<1x128x32xf32, #tpu.memory_space<vmem>>
      %dma_start3A_117 = tpu.memref_squeeze %dma_start3A_116 : memref<1x128x32xf32, #tpu.memory_space<vmem>> -> memref<128x32xf32, #tpu.memory_space<vmem>>
      %dma_start3A_118 = arith.constant 0 : i32
      %dma_start3A_119 = tpu.memref_slice %arg13[%dma_start3A_113, %dma_start3A_118] : memref<79x128xi32, #tpu.memory_space<vmem>> -> memref<1x128xi32, #tpu.memory_space<vmem>>
      %dma_start3A_120 = tpu.memref_squeeze %dma_start3A_119 : memref<1x128xi32, #tpu.memory_space<vmem>> -> memref<128xi32, #tpu.memory_space<vmem>>
      %dma_start3A_121 = arith.constant 0 : i32
      %dma_start3A_122 = arith.constant 0 : i32
      %dma_start3A_123 = tpu.memref_slice %arg3[%dma_start3A_121, %dma_start3A_122] : memref<10000x32xf32, #tpu.memory_space<hbm>> -> memref<10000x32xf32, #tpu.memory_space<hbm>>
      tpu.enqueue_indirect_dma source(%dma_start3A_123 : memref<10000x32xf32, #tpu.memory_space<hbm>>) target(%dma_start3A_117 : memref<128x32xf32, #tpu.memory_space<vmem>>) offsets(%dma_start3A_120 : memref<128xi32, #tpu.memory_space<vmem>>) semaphore(%arg28 : memref<!tpu.dma_semaphore, #tpu.memory_space<semaphore_mem>>)
      %dma_start3A_124 = arith.constant 0 : i32
      %dma_start3A_125 = tpu.memref_slice %arg4[%mul3A_101, %dma_start3A_124] : memref<40000x128xf32, #tpu.memory_space<hbm>> -> memref<16x128xf32, #tpu.memory_space<hbm>>
      %dma_start3A_126 = arith.constant 0 : i32
      %dma_start3A_127 = tpu.memref_slice %arg4[%mul3A_101, %dma_start3A_126] : memref<40000x128xf32, #tpu.memory_space<hbm>> -> memref<16x128xf32, #tpu.memory_space<hbm>>
      tpu.enqueue_dma source(%dma_start3A_127 : memref<16x128xf32, #tpu.memory_space<hbm>>) target(%arg16 : memref<16x128xf32, #tpu.memory_space<vmem>>) target_semaphore(%arg30 : memref<!tpu.dma_semaphore, #tpu.memory_space<semaphore_mem>>)
      %dma_start3A_128 = arith.constant 0 : i32
      %dma_start3A_129 = tpu.memref_slice %arg5[%mul3A_101, %dma_start3A_128] : memref<40000x128xf32, #tpu.memory_space<hbm>> -> memref<16x128xf32, #tpu.memory_space<hbm>>
      %dma_start3A_130 = arith.constant 0 : i32
      %dma_start3A_131 = tpu.memref_slice %arg5[%mul3A_101, %dma_start3A_130] : memref<40000x128xf32, #tpu.memory_space<hbm>> -> memref<16x128xf32, #tpu.memory_space<hbm>>
      tpu.enqueue_dma source(%dma_start3A_131 : memref<16x128xf32, #tpu.memory_space<hbm>>) target(%arg18 : memref<16x128xf32, #tpu.memory_space<vmem>>) target_semaphore(%arg30 : memref<!tpu.dma_semaphore, #tpu.memory_space<semaphore_mem>>)
      %dma_wait3A = arith.constant 78 : i32
      %dma_wait3A_132 = arith.constant 0 : i32
      %dma_wait3A_133 = arith.constant 0 : i32
      %dma_wait3A_134 = tpu.memref_slice %arg14[%cond3A_93, %dma_wait3A_132, %dma_wait3A_133] : memref<2x128x32xf32, #tpu.memory_space<vmem>> -> memref<1x128x32xf32, #tpu.memory_space<vmem>>
      %dma_wait3A_135 = tpu.memref_squeeze %dma_wait3A_134 : memref<1x128x32xf32, #tpu.memory_space<vmem>> -> memref<128x32xf32, #tpu.memory_space<vmem>>
      %dma_wait3A_136 = arith.constant 0 : i32
      %dma_wait3A_137 = tpu.memref_slice %arg12[%dma_wait3A, %dma_wait3A_136] : memref<79x128xi32, #tpu.memory_space<vmem>> -> memref<1x128xi32, #tpu.memory_space<vmem>>
      %dma_wait3A_138 = tpu.memref_squeeze %dma_wait3A_137 : memref<1x128xi32, #tpu.memory_space<vmem>> -> memref<128xi32, #tpu.memory_space<vmem>>
      %dma_wait3A_139 = arith.constant 0 : i32
      %dma_wait3A_140 = arith.constant 0 : i32
      %dma_wait3A_141 = tpu.memref_slice %arg2[%dma_wait3A_139, %dma_wait3A_140] : memref<10000x32xf32, #tpu.memory_space<hbm>> -> memref<10000x32xf32, #tpu.memory_space<hbm>>
      tpu.wait_indirect_dma semaphore(%arg26 : memref<!tpu.dma_semaphore, #tpu.memory_space<semaphore_mem>>) src(%dma_wait3A_141 : memref<10000x32xf32, #tpu.memory_space<hbm>>) dst(%dma_wait3A_135 : memref<128x32xf32, #tpu.memory_space<vmem>>)
      %dma_wait3A_142 = arith.constant 78 : i32
      %dma_wait3A_143 = arith.constant 0 : i32
      %dma_wait3A_144 = arith.constant 0 : i32
      %dma_wait3A_145 = tpu.memref_slice %arg15[%cond3A_94, %dma_wait3A_143, %dma_wait3A_144] : memref<2x128x32xf32, #tpu.memory_space<vmem>> -> memref<1x128x32xf32, #tpu.memory_space<vmem>>
      %dma_wait3A_146 = tpu.memref_squeeze %dma_wait3A_145 : memref<1x128x32xf32, #tpu.memory_space<vmem>> -> memref<128x32xf32, #tpu.memory_space<vmem>>
      %dma_wait3A_147 = arith.constant 0 : i32
      %dma_wait3A_148 = tpu.memref_slice %arg13[%dma_wait3A_142, %dma_wait3A_147] : memref<79x128xi32, #tpu.memory_space<vmem>> -> memref<1x128xi32, #tpu.memory_space<vmem>>
      %dma_wait3A_149 = tpu.memref_squeeze %dma_wait3A_148 : memref<1x128xi32, #tpu.memory_space<vmem>> -> memref<128xi32, #tpu.memory_space<vmem>>
      %dma_wait3A_150 = arith.constant 0 : i32
      %dma_wait3A_151 = arith.constant 0 : i32
      %dma_wait3A_152 = tpu.memref_slice %arg3[%dma_wait3A_150, %dma_wait3A_151] : memref<10000x32xf32, #tpu.memory_space<hbm>> -> memref<10000x32xf32, #tpu.memory_space<hbm>>
      tpu.wait_indirect_dma semaphore(%arg28 : memref<!tpu.dma_semaphore, #tpu.memory_space<semaphore_mem>>) src(%dma_wait3A_152 : memref<10000x32xf32, #tpu.memory_space<hbm>>) dst(%dma_wait3A_146 : memref<128x32xf32, #tpu.memory_space<vmem>>)
      %dma_wait3A_153 = arith.constant 0 : i32
      %dma_wait3A_154 = tpu.memref_slice %arg4[%mul3A_101, %dma_wait3A_153] : memref<40000x128xf32, #tpu.memory_space<hbm>> -> memref<16x128xf32, #tpu.memory_space<hbm>>
      %dma_wait3A_155 = arith.constant 0 : i32
      %dma_wait3A_156 = tpu.memref_slice %arg4[%mul3A_101, %dma_wait3A_155] : memref<40000x128xf32, #tpu.memory_space<hbm>> -> memref<16x128xf32, #tpu.memory_space<hbm>>
      tpu.wait_dma2 semaphore(%arg30 : memref<!tpu.dma_semaphore, #tpu.memory_space<semaphore_mem>>) src(%dma_wait3A_156 : memref<16x128xf32, #tpu.memory_space<hbm>>) dst(%arg16 : memref<16x128xf32, #tpu.memory_space<vmem>>)
      %dma_wait3A_157 = arith.constant 0 : i32
      %dma_wait3A_158 = tpu.memref_slice %arg5[%mul3A_101, %dma_wait3A_157] : memref<40000x128xf32, #tpu.memory_space<hbm>> -> memref<16x128xf32, #tpu.memory_space<hbm>>
      %dma_wait3A_159 = arith.constant 0 : i32
      %dma_wait3A_160 = tpu.memref_slice %arg5[%mul3A_101, %dma_wait3A_159] : memref<40000x128xf32, #tpu.memory_space<hbm>> -> memref<16x128xf32, #tpu.memory_space<hbm>>
      tpu.wait_dma2 semaphore(%arg30 : memref<!tpu.dma_semaphore, #tpu.memory_space<semaphore_mem>>) src(%dma_wait3A_160 : memref<16x128xf32, #tpu.memory_space<hbm>>) dst(%arg18 : memref<16x128xf32, #tpu.memory_space<vmem>>)
      %scan3A_161 = arith.constant 0 : i32
      %scan3A_162 = arith.constant 0 : i32
      %scan3A_163 = arith.constant 16 : i32
      %scan3A_164 = arith.addi %scan3A_162, %scan3A_163 : i32
      %scan3A_165 = arith.constant 1 : i32
      scf.for %scan3A_168 = %scan3A_162 to %scan3A_164 step %scan3A_165  : i32 {
        %mul3A_169 = arith.constant 8 : i32
        %mul3A_170 = arith.muli %scan3A_168, %mul3A_169 : i32
        %add3A_171 = arith.constant 0 : i32
        %add3A_172 = arith.addi %mul3A_170, %add3A_171 : i32
        %add3A_173 = arith.constant 0 : i32
        %add3A_174 = arith.addi %add3A_172, %add3A_173 : i32
        %get3A_175 = arith.constant 0 : i32
        %get3A_176 = arith.constant 0 : i32
        %get3A_177 = tpu.memref_slice %arg14[%cond3A_93, %get3A_175, %get3A_176] : memref<2x128x32xf32, #tpu.memory_space<vmem>> -> memref<1x128x32xf32, #tpu.memory_space<vmem>>
        %get3A_178 = tpu.memref_squeeze %get3A_177 : memref<1x128x32xf32, #tpu.memory_space<vmem>> -> memref<128x32xf32, #tpu.memory_space<vmem>>
        %get3A_179 = arith.index_cast %add3A_174 : i32 to index
        %get3A_180 = arith.constant 0 : index
        %get3A_181 = tpu.vector_load %get3A_178[%get3A_179, %get3A_180] {strides = array<i32>} : memref<128x32xf32, #tpu.memory_space<vmem>>, vector<1x16xf32>,
        %get3A_182 = vector.shape_cast %get3A_181 : vector<1x16xf32> to vector<16xf32>
        %get3A_183 = arith.constant 0 : i32
        %get3A_184 = arith.constant 0 : i32
        %get3A_185 = tpu.memref_slice %arg14[%cond3A_93, %get3A_183, %get3A_184] : memref<2x128x32xf32, #tpu.memory_space<vmem>> -> memref<1x128x32xf32, #tpu.memory_space<vmem>>
        %get3A_186 = tpu.memref_squeeze %get3A_185 : memref<1x128x32xf32, #tpu.memory_space<vmem>> -> memref<128x32xf32, #tpu.memory_space<vmem>>
        %get3A_187 = arith.index_cast %add3A_174 : i32 to index
        %get3A_188 = arith.constant 16 : index
        %get3A_189 = tpu.vector_load %get3A_186[%get3A_187, %get3A_188] {strides = array<i32>} : memref<128x32xf32, #tpu.memory_space<vmem>>, vector<1x16xf32>,
        %get3A_190 = vector.shape_cast %get3A_189 : vector<1x16xf32> to vector<16xf32>
        %get3A_191 = arith.constant 0 : i32
        %get3A_192 = arith.constant 0 : i32
        %get3A_193 = tpu.memref_slice %arg15[%cond3A_94, %get3A_191, %get3A_192] : memref<2x128x32xf32, #tpu.memory_space<vmem>> -> memref<1x128x32xf32, #tpu.memory_space<vmem>>
        %get3A_194 = tpu.memref_squeeze %get3A_193 : memref<1x128x32xf32, #tpu.memory_space<vmem>> -> memref<128x32xf32, #tpu.memory_space<vmem>>
        %get3A_195 = arith.index_cast %add3A_174 : i32 to index
        %get3A_196 = arith.constant 0 : index
        %get3A_197 = tpu.vector_load %get3A_194[%get3A_195, %get3A_196] {strides = array<i32>} : memref<128x32xf32, #tpu.memory_space<vmem>>, vector<1x16xf32>,
        %get3A_198 = vector.shape_cast %get3A_197 : vector<1x16xf32> to vector<16xf32>
        %get3A_199 = arith.constant 0 : i32
        %get3A_200 = arith.constant 0 : i32
        %get3A_201 = tpu.memref_slice %arg15[%cond3A_94, %get3A_199, %get3A_200] : memref<2x128x32xf32, #tpu.memory_space<vmem>> -> memref<1x128x32xf32, #tpu.memory_space<vmem>>
        %get3A_202 = tpu.memref_squeeze %get3A_201 : memref<1x128x32xf32, #tpu.memory_space<vmem>> -> memref<128x32xf32, #tpu.memory_space<vmem>>
        %get3A_203 = arith.index_cast %add3A_174 : i32 to index
        %get3A_204 = arith.constant 16 : index
        %get3A_205 = tpu.vector_load %get3A_202[%get3A_203, %get3A_204] {strides = array<i32>} : memref<128x32xf32, #tpu.memory_space<vmem>>, vector<1x16xf32>,
        %get3A_206 = vector.shape_cast %get3A_205 : vector<1x16xf32> to vector<16xf32>
        %get3A_207 = arith.index_cast %scan3A_168 : i32 to index
        %get3A_208 = arith.constant 0 : index
        %get3A_209 = tpu.vector_load %arg16[%get3A_207, %get3A_208] {strides = array<i32>} : memref<16x128xf32, #tpu.memory_space<vmem>>, vector<1x16xf32>,
        %get3A_210 = vector.shape_cast %get3A_209 : vector<1x16xf32> to vector<16xf32>
        %get3A_211 = arith.index_cast %scan3A_168 : i32 to index
        %get3A_212 = arith.constant 16 : index
        %get3A_213 = tpu.vector_load %arg16[%get3A_211, %get3A_212] {strides = array<i32>} : memref<16x128xf32, #tpu.memory_space<vmem>>, vector<1x16xf32>,
        %get3A_214 = vector.shape_cast %get3A_213 : vector<1x16xf32> to vector<16xf32>
        %add3A_215 = arith.addf %get3A_182, %get3A_198 : vector<16xf32>
        %add3A_216 = arith.addf %add3A_215, %get3A_210 : vector<16xf32>
        %gt3A = arith.constant 0.000000e+00 : f32
        %gt3A_217 = vector.broadcast %gt3A : f32 to vector<16xf32>
        %gt3A_218 = arith.cmpf ogt, %add3A_216, %gt3A_217 : vector<16xf32>
        %mul3A_219 = arith.constant 2.000000e-01 : f32
        %mul3A_220 = vector.broadcast %mul3A_219 : f32 to vector<16xf32>
        %mul3A_221 = arith.mulf %mul3A_220, %add3A_216 : vector<16xf32>
        %select_n3A_222 = arith.select %gt3A_218, %add3A_216, %mul3A_221 : vector<16xi1>, vector<16xf32>
        %add3A_223 = arith.addf %get3A_190, %get3A_206 : vector<16xf32>
        %add3A_224 = arith.addf %add3A_223, %get3A_214 : vector<16xf32>
        %gt3A_225 = arith.constant 0.000000e+00 : f32
        %gt3A_226 = vector.broadcast %gt3A_225 : f32 to vector<16xf32>
        %gt3A_227 = arith.cmpf ogt, %add3A_224, %gt3A_226 : vector<16xf32>
        %mul3A_228 = arith.constant 2.000000e-01 : f32
        %mul3A_229 = vector.broadcast %mul3A_228 : f32 to vector<16xf32>
        %mul3A_230 = arith.mulf %mul3A_229, %add3A_224 : vector<16xf32>
        %select_n3A_231 = arith.select %gt3A_227, %add3A_224, %mul3A_230 : vector<16xi1>, vector<16xf32>
        %mul3A_232 = arith.mulf %select_n3A_231, %get3A_19 : vector<16xf32>
        %broadcast_in_dim3A_233 = vector.shape_cast %xor3A_29 : vector<16xi32> to vector<16x1xi32>
        %gather3A = vector.shape_cast %broadcast_in_dim3A_233 : vector<16x1xi32> to vector<16xi32>
        %gather3A_234 = tpu.dynamic_gather %mul3A_232[%gather3A] in [0] : vector<16xf32>, vector<16xi32> -> vector<16xf32>
        %add3A_235 = arith.addf %mul3A_232, %gather3A_234 : vector<16xf32>
        %broadcast_in_dim3A_236 = vector.shape_cast %xor3A_32 : vector<16xi32> to vector<16x1xi32>
        %gather3A_237 = vector.shape_cast %broadcast_in_dim3A_236 : vector<16x1xi32> to vector<16xi32>
        %gather3A_238 = tpu.dynamic_gather %add3A_235[%gather3A_237] in [0] : vector<16xf32>, vector<16xi32> -> vector<16xf32>
        %add3A_239 = arith.addf %add3A_235, %gather3A_238 : vector<16xf32>
        %broadcast_in_dim3A_240 = vector.shape_cast %xor3A_35 : vector<16xi32> to vector<16x1xi32>
        %gather3A_241 = vector.shape_cast %broadcast_in_dim3A_240 : vector<16x1xi32> to vector<16xi32>
        %gather3A_242 = tpu.dynamic_gather %add3A_239[%gather3A_241] in [0] : vector<16xf32>, vector<16xi32> -> vector<16xf32>
        %add3A_243 = arith.addf %add3A_239, %gather3A_242 : vector<16xf32>
        %broadcast_in_dim3A_244 = vector.shape_cast %xor3A_38 : vector<16xi32> to vector<16x1xi32>
        %gather3A_245 = vector.shape_cast %broadcast_in_dim3A_244 : vector<16x1xi32> to vector<16xi32>
        %gather3A_246 = tpu.dynamic_gather %add3A_243[%gather3A_245] in [0] : vector<16xf32>, vector<16xi32> -> vector<16xf32>
        %add3A_247 = arith.addf %add3A_243, %gather3A_246 : vector<16xf32>
        %add3A_248 = arith.addf %add3A_247, %get3A_22 : vector<16xf32>
        %neg3A = arith.constant 0.000000e+00 : f32
        %neg3A_249 = vector.broadcast %neg3A : f32 to vector<16xf32>
        %neg3A_250 = arith.subf %neg3A_249, %add3A_248 : vector<16xf32>
        %exp3A = math.exp %neg3A_250 : vector<16xf32>
        %add3A_251 = arith.constant 1.000000e+00 : f32
        %add3A_252 = vector.broadcast %add3A_251 : f32 to vector<16xf32>
        %add3A_253 = arith.addf %add3A_252, %exp3A : vector<16xf32>
        %div3A = arith.constant 1.000000e+00 : f32
        %div3A_254 = vector.broadcast %div3A : f32 to vector<16xf32>
        %div3A_255 = arith.divf %div3A_254, %add3A_253 : vector<16xf32>
        %mul3A_256 = arith.mulf %div3A_255, %select_n3A_231 : vector<16xf32>
        %eq3A_257 = arith.constant 0 : i32
        %eq3A_258 = vector.broadcast %eq3A_257 : i32 to vector<16xi32>
        %eq3A_259 = arith.cmpi eq, %iota3A, %eq3A_258 : vector<16xi32>
        %eq3A_260 = arith.constant 1 : i32
        %eq3A_261 = vector.broadcast %eq3A_260 : i32 to vector<16xi32>
        %eq3A_262 = arith.cmpi eq, %iota3A, %eq3A_261 : vector<16xi32>
        %select_n3A_263 = arith.select %eq3A_262, %broadcast_in_dim3A_23, %broadcast_in_dim3A_25 : vector<16xi1>, vector<16xf32>
        %select_n3A_264 = arith.select %eq3A_259, %div3A_255, %select_n3A_263 : vector<16xi1>, vector<16xf32>
        %swap3A = arith.index_cast %add3A_174 : i32 to index
        %swap3A_265 = arith.constant 0 : index
        %swap3A_266 = tpu.vector_load %arg20[%swap3A, %swap3A_265] {strides = array<i32>} : memref<128x32xf32, #tpu.memory_space<vmem>>, vector<1x16xf32>,
        %swap3A_267 = vector.shape_cast %swap3A_266 : vector<1x16xf32> to vector<16xf32>
        %swap3A_268 = vector.shape_cast %select_n3A_222 : vector<16xf32> to vector<1x16xf32>
        tpu.vector_store %arg20[%swap3A, %swap3A_265], %swap3A_268 {strides = array<i32>} : memref<128x32xf32, #tpu.memory_space<vmem>>, vector<1x16xf32>,
        %swap3A_269 = arith.index_cast %add3A_174 : i32 to index
        %swap3A_270 = arith.constant 0 : index
        %swap3A_271 = tpu.vector_load %arg21[%swap3A_269, %swap3A_270] {strides = array<i32>} : memref<128x32xf32, #tpu.memory_space<vmem>>, vector<1x16xf32>,
        %swap3A_272 = vector.shape_cast %swap3A_271 : vector<1x16xf32> to vector<16xf32>
        %swap3A_273 = vector.shape_cast %mul3A_256 : vector<16xf32> to vector<1x16xf32>
        tpu.vector_store %arg21[%swap3A_269, %swap3A_270], %swap3A_273 {strides = array<i32>} : memref<128x32xf32, #tpu.memory_space<vmem>>, vector<1x16xf32>,
        %swap3A_274 = arith.index_cast %add3A_174 : i32 to index
        %swap3A_275 = arith.constant 16 : index
        %swap3A_276 = tpu.vector_load %arg21[%swap3A_274, %swap3A_275] {strides = array<i32>} : memref<128x32xf32, #tpu.memory_space<vmem>>, vector<1x16xf32>,
        %swap3A_277 = vector.shape_cast %swap3A_276 : vector<1x16xf32> to vector<16xf32>
        %swap3A_278 = vector.shape_cast %select_n3A_264 : vector<16xf32> to vector<1x16xf32>
        tpu.vector_store %arg21[%swap3A_274, %swap3A_275], %swap3A_278 {strides = array<i32>} : memref<128x32xf32, #tpu.memory_space<vmem>>, vector<1x16xf32>,
        %mul3A_279 = arith.constant 8 : i32
        %mul3A_280 = arith.muli %scan3A_168, %mul3A_279 : i32
        %add3A_281 = arith.constant 0 : i32
        %add3A_282 = arith.addi %mul3A_280, %add3A_281 : i32
        %add3A_283 = arith.constant 1 : i32
        %add3A_284 = arith.addi %add3A_282, %add3A_283 : i32
        %get3A_285 = arith.constant 0 : i32
        %get3A_286 = arith.constant 0 : i32
        %get3A_287 = tpu.memref_slice %arg14[%cond3A_93, %get3A_285, %get3A_286] : memref<2x128x32xf32, #tpu.memory_space<vmem>> -> memref<1x128x32xf32, #tpu.memory_space<vmem>>
        %get3A_288 = tpu.memref_squeeze %get3A_287 : memref<1x128x32xf32, #tpu.memory_space<vmem>> -> memref<128x32xf32, #tpu.memory_space<vmem>>
        %get3A_289 = arith.index_cast %add3A_284 : i32 to index
        %get3A_290 = arith.constant 0 : index
        %get3A_291 = tpu.vector_load %get3A_288[%get3A_289, %get3A_290] {strides = array<i32>} : memref<128x32xf32, #tpu.memory_space<vmem>>, vector<1x16xf32>,
        %get3A_292 = vector.shape_cast %get3A_291 : vector<1x16xf32> to vector<16xf32>
        %get3A_293 = arith.constant 0 : i32
        %get3A_294 = arith.constant 0 : i32
        %get3A_295 = tpu.memref_slice %arg14[%cond3A_93, %get3A_293, %get3A_294] : memref<2x128x32xf32, #tpu.memory_space<vmem>> -> memref<1x128x32xf32, #tpu.memory_space<vmem>>
        %get3A_296 = tpu.memref_squeeze %get3A_295 : memref<1x128x32xf32, #tpu.memory_space<vmem>> -> memref<128x32xf32, #tpu.memory_space<vmem>>
        %get3A_297 = arith.index_cast %add3A_284 : i32 to index
        %get3A_298 = arith.constant 16 : index
        %get3A_299 = tpu.vector_load %get3A_296[%get3A_297, %get3A_298] {strides = array<i32>} : memref<128x32xf32, #tpu.memory_space<vmem>>, vector<1x16xf32>,
        %get3A_300 = vector.shape_cast %get3A_299 : vector<1x16xf32> to vector<16xf32>
        %get3A_301 = arith.constant 0 : i32
        %get3A_302 = arith.constant 0 : i32
        %get3A_303 = tpu.memref_slice %arg15[%cond3A_94, %get3A_301, %get3A_302] : memref<2x128x32xf32, #tpu.memory_space<vmem>> -> memref<1x128x32xf32, #tpu.memory_space<vmem>>
        %get3A_304 = tpu.memref_squeeze %get3A_303 : memref<1x128x32xf32, #tpu.memory_space<vmem>> -> memref<128x32xf32, #tpu.memory_space<vmem>>
        %get3A_305 = arith.index_cast %add3A_284 : i32 to index
        %get3A_306 = arith.constant 0 : index
        %get3A_307 = tpu.vector_load %get3A_304[%get3A_305, %get3A_306] {strides = array<i32>} : memref<128x32xf32, #tpu.memory_space<vmem>>, vector<1x16xf32>,
        %get3A_308 = vector.shape_cast %get3A_307 : vector<1x16xf32> to vector<16xf32>
        %get3A_309 = arith.constant 0 : i32
        %get3A_310 = arith.constant 0 : i32
        %get3A_311 = tpu.memref_slice %arg15[%cond3A_94, %get3A_309, %get3A_310] : memref<2x128x32xf32, #tpu.memory_space<vmem>> -> memref<1x128x32xf32, #tpu.memory_space<vmem>>
        %get3A_312 = tpu.memref_squeeze %get3A_311 : memref<1x128x32xf32, #tpu.memory_space<vmem>> -> memref<128x32xf32, #tpu.memory_space<vmem>>
        %get3A_313 = arith.index_cast %add3A_284 : i32 to index
        %get3A_314 = arith.constant 16 : index
        %get3A_315 = tpu.vector_load %get3A_312[%get3A_313, %get3A_314] {strides = array<i32>} : memref<128x32xf32, #tpu.memory_space<vmem>>, vector<1x16xf32>,
        %get3A_316 = vector.shape_cast %get3A_315 : vector<1x16xf32> to vector<16xf32>
        %get3A_317 = arith.index_cast %scan3A_168 : i32 to index
        %get3A_318 = arith.constant 32 : index
        %get3A_319 = tpu.vector_load %arg16[%get3A_317, %get3A_318] {strides = array<i32>} : memref<16x128xf32, #tpu.memory_space<vmem>>, vector<1x16xf32>,
        %get3A_320 = vector.shape_cast %get3A_319 : vector<1x16xf32> to vector<16xf32>
        %get3A_321 = arith.index_cast %scan3A_168 : i32 to index
        %get3A_322 = arith.constant 48 : index
        %get3A_323 = tpu.vector_load %arg16[%get3A_321, %get3A_322] {strides = array<i32>} : memref<16x128xf32, #tpu.memory_space<vmem>>, vector<1x16xf32>,
        %get3A_324 = vector.shape_cast %get3A_323 : vector<1x16xf32> to vector<16xf32>
        %add3A_325 = arith.addf %get3A_292, %get3A_308 : vector<16xf32>
        %add3A_326 = arith.addf %add3A_325, %get3A_320 : vector<16xf32>
        %gt3A_327 = arith.constant 0.000000e+00 : f32
        %gt3A_328 = vector.broadcast %gt3A_327 : f32 to vector<16xf32>
        %gt3A_329 = arith.cmpf ogt, %add3A_326, %gt3A_328 : vector<16xf32>
        %mul3A_330 = arith.constant 2.000000e-01 : f32
        %mul3A_331 = vector.broadcast %mul3A_330 : f32 to vector<16xf32>
        %mul3A_332 = arith.mulf %mul3A_331, %add3A_326 : vector<16xf32>
        %select_n3A_333 = arith.select %gt3A_329, %add3A_326, %mul3A_332 : vector<16xi1>, vector<16xf32>
        %add3A_334 = arith.addf %get3A_300, %get3A_316 : vector<16xf32>
        %add3A_335 = arith.addf %add3A_334, %get3A_324 : vector<16xf32>
        %gt3A_336 = arith.constant 0.000000e+00 : f32
        %gt3A_337 = vector.broadcast %gt3A_336 : f32 to vector<16xf32>
        %gt3A_338 = arith.cmpf ogt, %add3A_335, %gt3A_337 : vector<16xf32>
        %mul3A_339 = arith.constant 2.000000e-01 : f32
        %mul3A_340 = vector.broadcast %mul3A_339 : f32 to vector<16xf32>
        %mul3A_341 = arith.mulf %mul3A_340, %add3A_335 : vector<16xf32>
        %select_n3A_342 = arith.select %gt3A_338, %add3A_335, %mul3A_341 : vector<16xi1>, vector<16xf32>
        %mul3A_343 = arith.mulf %select_n3A_342, %get3A_19 : vector<16xf32>
        %broadcast_in_dim3A_344 = vector.shape_cast %xor3A_29 : vector<16xi32> to vector<16x1xi32>
        %gather3A_345 = vector.shape_cast %broadcast_in_dim3A_344 : vector<16x1xi32> to vector<16xi32>
        %gather3A_346 = tpu.dynamic_gather %mul3A_343[%gather3A_345] in [0] : vector<16xf32>, vector<16xi32> -> vector<16xf32>
        %add3A_347 = arith.addf %mul3A_343, %gather3A_346 : vector<16xf32>
        %broadcast_in_dim3A_348 = vector.shape_cast %xor3A_32 : vector<16xi32> to vector<16x1xi32>
        %gather3A_349 = vector.shape_cast %broadcast_in_dim3A_348 : vector<16x1xi32> to vector<16xi32>
        %gather3A_350 = tpu.dynamic_gather %add3A_347[%gather3A_349] in [0] : vector<16xf32>, vector<16xi32> -> vector<16xf32>
        %add3A_351 = arith.addf %add3A_347, %gather3A_350 : vector<16xf32>
        %broadcast_in_dim3A_352 = vector.shape_cast %xor3A_35 : vector<16xi32> to vector<16x1xi32>
        %gather3A_353 = vector.shape_cast %broadcast_in_dim3A_352 : vector<16x1xi32> to vector<16xi32>
        %gather3A_354 = tpu.dynamic_gather %add3A_351[%gather3A_353] in [0] : vector<16xf32>, vector<16xi32> -> vector<16xf32>
        %add3A_355 = arith.addf %add3A_351, %gather3A_354 : vector<16xf32>
        %broadcast_in_dim3A_356 = vector.shape_cast %xor3A_38 : vector<16xi32> to vector<16x1xi32>
        %gather3A_357 = vector.shape_cast %broadcast_in_dim3A_356 : vector<16x1xi32> to vector<16xi32>
        %gather3A_358 = tpu.dynamic_gather %add3A_355[%gather3A_357] in [0] : vector<16xf32>, vector<16xi32> -> vector<16xf32>
        %add3A_359 = arith.addf %add3A_355, %gather3A_358 : vector<16xf32>
        %add3A_360 = arith.addf %add3A_359, %get3A_22 : vector<16xf32>
        %neg3A_361 = arith.constant 0.000000e+00 : f32
        %neg3A_362 = vector.broadcast %neg3A_361 : f32 to vector<16xf32>
        %neg3A_363 = arith.subf %neg3A_362, %add3A_360 : vector<16xf32>
        %exp3A_364 = math.exp %neg3A_363 : vector<16xf32>
        %add3A_365 = arith.constant 1.000000e+00 : f32
        %add3A_366 = vector.broadcast %add3A_365 : f32 to vector<16xf32>
        %add3A_367 = arith.addf %add3A_366, %exp3A_364 : vector<16xf32>
        %div3A_368 = arith.constant 1.000000e+00 : f32
        %div3A_369 = vector.broadcast %div3A_368 : f32 to vector<16xf32>
        %div3A_370 = arith.divf %div3A_369, %add3A_367 : vector<16xf32>
        %mul3A_371 = arith.mulf %div3A_370, %select_n3A_342 : vector<16xf32>
        %eq3A_372 = arith.constant 0 : i32
        %eq3A_373 = vector.broadcast %eq3A_372 : i32 to vector<16xi32>
        %eq3A_374 = arith.cmpi eq, %iota3A, %eq3A_373 : vector<16xi32>
        %eq3A_375 = arith.constant 1 : i32
        %eq3A_376 = vector.broadcast %eq3A_375 : i32 to vector<16xi32>
        %eq3A_377 = arith.cmpi eq, %iota3A, %eq3A_376 : vector<16xi32>
        %select_n3A_378 = arith.select %eq3A_377, %broadcast_in_dim3A_23, %broadcast_in_dim3A_25 : vector<16xi1>, vector<16xf32>
        %select_n3A_379 = arith.select %eq3A_374, %div3A_370, %select_n3A_378 : vector<16xi1>, vector<16xf32>
        %swap3A_380 = arith.index_cast %add3A_284 : i32 to index
        %swap3A_381 = arith.constant 0 : index
        %swap3A_382 = tpu.vector_load %arg20[%swap3A_380, %swap3A_381] {strides = array<i32>} : memref<128x32xf32, #tpu.memory_space<vmem>>, vector<1x16xf32>,
        %swap3A_383 = vector.shape_cast %swap3A_382 : vector<1x16xf32> to vector<16xf32>
        %swap3A_384 = vector.shape_cast %select_n3A_333 : vector<16xf32> to vector<1x16xf32>
        tpu.vector_store %arg20[%swap3A_380, %swap3A_381], %swap3A_384 {strides = array<i32>} : memref<128x32xf32, #tpu.memory_space<vmem>>, vector<1x16xf32>,
        %swap3A_385 = arith.index_cast %add3A_284 : i32 to index
        %swap3A_386 = arith.constant 0 : index
        %swap3A_387 = tpu.vector_load %arg21[%swap3A_385, %swap3A_386] {strides = array<i32>} : memref<128x32xf32, #tpu.memory_space<vmem>>, vector<1x16xf32>,
        %swap3A_388 = vector.shape_cast %swap3A_387 : vector<1x16xf32> to vector<16xf32>
        %swap3A_389 = vector.shape_cast %mul3A_371 : vector<16xf32> to vector<1x16xf32>
        tpu.vector_store %arg21[%swap3A_385, %swap3A_386], %swap3A_389 {strides = array<i32>} : memref<128x32xf32, #tpu.memory_space<vmem>>, vector<1x16xf32>,
        %swap3A_390 = arith.index_cast %add3A_284 : i32 to index
        %swap3A_391 = arith.constant 16 : index
        %swap3A_392 = tpu.vector_load %arg21[%swap3A_390, %swap3A_391] {strides = array<i32>} : memref<128x32xf32, #tpu.memory_space<vmem>>, vector<1x16xf32>,
        %swap3A_393 = vector.shape_cast %swap3A_392 : vector<1x16xf32> to vector<16xf32>
        %swap3A_394 = vector.shape_cast %select_n3A_379 : vector<16xf32> to vector<1x16xf32>
        tpu.vector_store %arg21[%swap3A_390, %swap3A_391], %swap3A_394 {strides = array<i32>} : memref<128x32xf32, #tpu.memory_space<vmem>>, vector<1x16xf32>,
        %mul3A_395 = arith.constant 8 : i32
        %mul3A_396 = arith.muli %scan3A_168, %mul3A_395 : i32
        %add3A_397 = arith.constant 0 : i32
        %add3A_398 = arith.addi %mul3A_396, %add3A_397 : i32
        %add3A_399 = arith.constant 2 : i32
        %add3A_400 = arith.addi %add3A_398, %add3A_399 : i32
        %get3A_401 = arith.constant 0 : i32
        %get3A_402 = arith.constant 0 : i32
        %get3A_403 = tpu.memref_slice %arg14[%cond3A_93, %get3A_401, %get3A_402] : memref<2x128x32xf32, #tpu.memory_space<vmem>> -> memref<1x128x32xf32, #tpu.memory_space<vmem>>
        %get3A_404 = tpu.memref_squeeze %get3A_403 : memref<1x128x32xf32, #tpu.memory_space<vmem>> -> memref<128x32xf32, #tpu.memory_space<vmem>>
        %get3A_405 = arith.index_cast %add3A_400 : i32 to index
        %get3A_406 = arith.constant 0 : index
        %get3A_407 = tpu.vector_load %get3A_404[%get3A_405, %get3A_406] {strides = array<i32>} : memref<128x32xf32, #tpu.memory_space<vmem>>, vector<1x16xf32>,
        %get3A_408 = vector.shape_cast %get3A_407 : vector<1x16xf32> to vector<16xf32>
        %get3A_409 = arith.constant 0 : i32
        %get3A_410 = arith.constant 0 : i32
        %get3A_411 = tpu.memref_slice %arg14[%cond3A_93, %get3A_409, %get3A_410] : memref<2x128x32xf32, #tpu.memory_space<vmem>> -> memref<1x128x32xf32, #tpu.memory_space<vmem>>
        %get3A_412 = tpu.memref_squeeze %get3A_411 : memref<1x128x32xf32, #tpu.memory_space<vmem>> -> memref<128x32xf32, #tpu.memory_space<vmem>>
        %get3A_413 = arith.index_cast %add3A_400 : i32 to index
        %get3A_414 = arith.constant 16 : index
        %get3A_415 = tpu.vector_load %get3A_412[%get3A_413, %get3A_414] {strides = array<i32>} : memref<128x32xf32, #tpu.memory_space<vmem>>, vector<1x16xf32>,
        %get3A_416 = vector.shape_cast %get3A_415 : vector<1x16xf32> to vector<16xf32>
        %get3A_417 = arith.constant 0 : i32
        %get3A_418 = arith.constant 0 : i32
        %get3A_419 = tpu.memref_slice %arg15[%cond3A_94, %get3A_417, %get3A_418] : memref<2x128x32xf32, #tpu.memory_space<vmem>> -> memref<1x128x32xf32, #tpu.memory_space<vmem>>
        %get3A_420 = tpu.memref_squeeze %get3A_419 : memref<1x128x32xf32, #tpu.memory_space<vmem>> -> memref<128x32xf32, #tpu.memory_space<vmem>>
        %get3A_421 = arith.index_cast %add3A_400 : i32 to index
        %get3A_422 = arith.constant 0 : index
        %get3A_423 = tpu.vector_load %get3A_420[%get3A_421, %get3A_422] {strides = array<i32>} : memref<128x32xf32, #tpu.memory_space<vmem>>, vector<1x16xf32>,
        %get3A_424 = vector.shape_cast %get3A_423 : vector<1x16xf32> to vector<16xf32>
        %get3A_425 = arith.constant 0 : i32
        %get3A_426 = arith.constant 0 : i32
        %get3A_427 = tpu.memref_slice %arg15[%cond3A_94, %get3A_425, %get3A_426] : memref<2x128x32xf32, #tpu.memory_space<vmem>> -> memref<1x128x32xf32, #tpu.memory_space<vmem>>
        %get3A_428 = tpu.memref_squeeze %get3A_427 : memref<1x128x32xf32, #tpu.memory_space<vmem>> -> memref<128x32xf32, #tpu.memory_space<vmem>>
        %get3A_429 = arith.index_cast %add3A_400 : i32 to index
        %get3A_430 = arith.constant 16 : index
        %get3A_431 = tpu.vector_load %get3A_428[%get3A_429, %get3A_430] {strides = array<i32>} : memref<128x32xf32, #tpu.memory_space<vmem>>, vector<1x16xf32>,
        %get3A_432 = vector.shape_cast %get3A_431 : vector<1x16xf32> to vector<16xf32>
        %get3A_433 = arith.index_cast %scan3A_168 : i32 to index
        %get3A_434 = arith.constant 64 : index
        %get3A_435 = tpu.vector_load %arg16[%get3A_433, %get3A_434] {strides = array<i32>} : memref<16x128xf32, #tpu.memory_space<vmem>>, vector<1x16xf32>,
        %get3A_436 = vector.shape_cast %get3A_435 : vector<1x16xf32> to vector<16xf32>
        %get3A_437 = arith.index_cast %scan3A_168 : i32 to index
        %get3A_438 = arith.constant 80 : index
        %get3A_439 = tpu.vector_load %arg16[%get3A_437, %get3A_438] {strides = array<i32>} : memref<16x128xf32, #tpu.memory_space<vmem>>, vector<1x16xf32>,
        %get3A_440 = vector.shape_cast %get3A_439 : vector<1x16xf32> to vector<16xf32>
        %add3A_441 = arith.addf %get3A_408, %get3A_424 : vector<16xf32>
        %add3A_442 = arith.addf %add3A_441, %get3A_436 : vector<16xf32>
        %gt3A_443 = arith.constant 0.000000e+00 : f32
        %gt3A_444 = vector.broadcast %gt3A_443 : f32 to vector<16xf32>
        %gt3A_445 = arith.cmpf ogt, %add3A_442, %gt3A_444 : vector<16xf32>
        %mul3A_446 = arith.constant 2.000000e-01 : f32
        %mul3A_447 = vector.broadcast %mul3A_446 : f32 to vector<16xf32>
        %mul3A_448 = arith.mulf %mul3A_447, %add3A_442 : vector<16xf32>
        %select_n3A_449 = arith.select %gt3A_445, %add3A_442, %mul3A_448 : vector<16xi1>, vector<16xf32>
        %add3A_450 = arith.addf %get3A_416, %get3A_432 : vector<16xf32>
        %add3A_451 = arith.addf %add3A_450, %get3A_440 : vector<16xf32>
        %gt3A_452 = arith.constant 0.000000e+00 : f32
        %gt3A_453 = vector.broadcast %gt3A_452 : f32 to vector<16xf32>
        %gt3A_454 = arith.cmpf ogt, %add3A_451, %gt3A_453 : vector<16xf32>
        %mul3A_455 = arith.constant 2.000000e-01 : f32
        %mul3A_456 = vector.broadcast %mul3A_455 : f32 to vector<16xf32>
        %mul3A_457 = arith.mulf %mul3A_456, %add3A_451 : vector<16xf32>
        %select_n3A_458 = arith.select %gt3A_454, %add3A_451, %mul3A_457 : vector<16xi1>, vector<16xf32>
        %mul3A_459 = arith.mulf %select_n3A_458, %get3A_19 : vector<16xf32>
        %broadcast_in_dim3A_460 = vector.shape_cast %xor3A_29 : vector<16xi32> to vector<16x1xi32>
        %gather3A_461 = vector.shape_cast %broadcast_in_dim3A_460 : vector<16x1xi32> to vector<16xi32>
        %gather3A_462 = tpu.dynamic_gather %mul3A_459[%gather3A_461] in [0] : vector<16xf32>, vector<16xi32> -> vector<16xf32>
        %add3A_463 = arith.addf %mul3A_459, %gather3A_462 : vector<16xf32>
        %broadcast_in_dim3A_464 = vector.shape_cast %xor3A_32 : vector<16xi32> to vector<16x1xi32>
        %gather3A_465 = vector.shape_cast %broadcast_in_dim3A_464 : vector<16x1xi32> to vector<16xi32>
        %gather3A_466 = tpu.dynamic_gather %add3A_463[%gather3A_465] in [0] : vector<16xf32>, vector<16xi32> -> vector<16xf32>
        %add3A_467 = arith.addf %add3A_463, %gather3A_466 : vector<16xf32>
        %broadcast_in_dim3A_468 = vector.shape_cast %xor3A_35 : vector<16xi32> to vector<16x1xi32>
        %gather3A_469 = vector.shape_cast %broadcast_in_dim3A_468 : vector<16x1xi32> to vector<16xi32>
        %gather3A_470 = tpu.dynamic_gather %add3A_467[%gather3A_469] in [0] : vector<16xf32>, vector<16xi32> -> vector<16xf32>
        %add3A_471 = arith.addf %add3A_467, %gather3A_470 : vector<16xf32>
        %broadcast_in_dim3A_472 = vector.shape_cast %xor3A_38 : vector<16xi32> to vector<16x1xi32>
        %gather3A_473 = vector.shape_cast %broadcast_in_dim3A_472 : vector<16x1xi32> to vector<16xi32>
        %gather3A_474 = tpu.dynamic_gather %add3A_471[%gather3A_473] in [0] : vector<16xf32>, vector<16xi32> -> vector<16xf32>
        %add3A_475 = arith.addf %add3A_471, %gather3A_474 : vector<16xf32>
        %add3A_476 = arith.addf %add3A_475, %get3A_22 : vector<16xf32>
        %neg3A_477 = arith.constant 0.000000e+00 : f32
        %neg3A_478 = vector.broadcast %neg3A_477 : f32 to vector<16xf32>
        %neg3A_479 = arith.subf %neg3A_478, %add3A_476 : vector<16xf32>
        %exp3A_480 = math.exp %neg3A_479 : vector<16xf32>
        %add3A_481 = arith.constant 1.000000e+00 : f32
        %add3A_482 = vector.broadcast %add3A_481 : f32 to vector<16xf32>
        %add3A_483 = arith.addf %add3A_482, %exp3A_480 : vector<16xf32>
        %div3A_484 = arith.constant 1.000000e+00 : f32
        %div3A_485 = vector.broadcast %div3A_484 : f32 to vector<16xf32>
        %div3A_486 = arith.divf %div3A_485, %add3A_483 : vector<16xf32>
        %mul3A_487 = arith.mulf %div3A_486, %select_n3A_458 : vector<16xf32>
        %eq3A_488 = arith.constant 0 : i32
        %eq3A_489 = vector.broadcast %eq3A_488 : i32 to vector<16xi32>
        %eq3A_490 = arith.cmpi eq, %iota3A, %eq3A_489 : vector<16xi32>
        %eq3A_491 = arith.constant 1 : i32
        %eq3A_492 = vector.broadcast %eq3A_491 : i32 to vector<16xi32>
        %eq3A_493 = arith.cmpi eq, %iota3A, %eq3A_492 : vector<16xi32>
        %select_n3A_494 = arith.select %eq3A_493, %broadcast_in_dim3A_23, %broadcast_in_dim3A_25 : vector<16xi1>, vector<16xf32>
        %select_n3A_495 = arith.select %eq3A_490, %div3A_486, %select_n3A_494 : vector<16xi1>, vector<16xf32>
        %swap3A_496 = arith.index_cast %add3A_400 : i32 to index
        %swap3A_497 = arith.constant 0 : index
        %swap3A_498 = tpu.vector_load %arg20[%swap3A_496, %swap3A_497] {strides = array<i32>} : memref<128x32xf32, #tpu.memory_space<vmem>>, vector<1x16xf32>,
        %swap3A_499 = vector.shape_cast %swap3A_498 : vector<1x16xf32> to vector<16xf32>
        %swap3A_500 = vector.shape_cast %select_n3A_449 : vector<16xf32> to vector<1x16xf32>
        tpu.vector_store %arg20[%swap3A_496, %swap3A_497], %swap3A_500 {strides = array<i32>} : memref<128x32xf32, #tpu.memory_space<vmem>>, vector<1x16xf32>,
        %swap3A_501 = arith.index_cast %add3A_400 : i32 to index
        %swap3A_502 = arith.constant 0 : index
        %swap3A_503 = tpu.vector_load %arg21[%swap3A_501, %swap3A_502] {strides = array<i32>} : memref<128x32xf32, #tpu.memory_space<vmem>>, vector<1x16xf32>,
        %swap3A_504 = vector.shape_cast %swap3A_503 : vector<1x16xf32> to vector<16xf32>
        %swap3A_505 = vector.shape_cast %mul3A_487 : vector<16xf32> to vector<1x16xf32>
        tpu.vector_store %arg21[%swap3A_501, %swap3A_502], %swap3A_505 {strides = array<i32>} : memref<128x32xf32, #tpu.memory_space<vmem>>, vector<1x16xf32>,
        %swap3A_506 = arith.index_cast %add3A_400 : i32 to index
        %swap3A_507 = arith.constant 16 : index
        %swap3A_508 = tpu.vector_load %arg21[%swap3A_506, %swap3A_507] {strides = array<i32>} : memref<128x32xf32, #tpu.memory_space<vmem>>, vector<1x16xf32>,
        %swap3A_509 = vector.shape_cast %swap3A_508 : vector<1x16xf32> to vector<16xf32>
        %swap3A_510 = vector.shape_cast %select_n3A_495 : vector<16xf32> to vector<1x16xf32>
        tpu.vector_store %arg21[%swap3A_506, %swap3A_507], %swap3A_510 {strides = array<i32>} : memref<128x32xf32, #tpu.memory_space<vmem>>, vector<1x16xf32>,
        %mul3A_511 = arith.constant 8 : i32
        %mul3A_512 = arith.muli %scan3A_168, %mul3A_511 : i32
        %add3A_513 = arith.constant 0 : i32
        %add3A_514 = arith.addi %mul3A_512, %add3A_513 : i32
        %add3A_515 = arith.constant 3 : i32
        %add3A_516 = arith.addi %add3A_514, %add3A_515 : i32
        %get3A_517 = arith.constant 0 : i32
        %get3A_518 = arith.constant 0 : i32
        %get3A_519 = tpu.memref_slice %arg14[%cond3A_93, %get3A_517, %get3A_518] : memref<2x128x32xf32, #tpu.memory_space<vmem>> -> memref<1x128x32xf32, #tpu.memory_space<vmem>>
        %get3A_520 = tpu.memref_squeeze %get3A_519 : memref<1x128x32xf32, #tpu.memory_space<vmem>> -> memref<128x32xf32, #tpu.memory_space<vmem>>
        %get3A_521 = arith.index_cast %add3A_516 : i32 to index
        %get3A_522 = arith.constant 0 : index
        %get3A_523 = tpu.vector_load %get3A_520[%get3A_521, %get3A_522] {strides = array<i32>} : memref<128x32xf32, #tpu.memory_space<vmem>>, vector<1x16xf32>,
        %get3A_524 = vector.shape_cast %get3A_523 : vector<1x16xf32> to vector<16xf32>
        %get3A_525 = arith.constant 0 : i32
        %get3A_526 = arith.constant 0 : i32
        %get3A_527 = tpu.memref_slice %arg14[%cond3A_93, %get3A_525, %get3A_526] : memref<2x128x32xf32, #tpu.memory_space<vmem>> -> memref<1x128x32xf32, #tpu.memory_space<vmem>>
        %get3A_528 = tpu.memref_squeeze %get3A_527 : memref<1x128x32xf32, #tpu.memory_space<vmem>> -> memref<128x32xf32, #tpu.memory_space<vmem>>
        %get3A_529 = arith.index_cast %add3A_516 : i32 to index
        %get3A_530 = arith.constant 16 : index
        %get3A_531 = tpu.vector_load %get3A_528[%get3A_529, %get3A_530] {strides = array<i32>} : memref<128x32xf32, #tpu.memory_space<vmem>>, vector<1x16xf32>,
        %get3A_532 = vector.shape_cast %get3A_531 : vector<1x16xf32> to vector<16xf32>
        %get3A_533 = arith.constant 0 : i32
        %get3A_534 = arith.constant 0 : i32
        %get3A_535 = tpu.memref_slice %arg15[%cond3A_94, %get3A_533, %get3A_534] : memref<2x128x32xf32, #tpu.memory_space<vmem>> -> memref<1x128x32xf32, #tpu.memory_space<vmem>>
        %get3A_536 = tpu.memref_squeeze %get3A_535 : memref<1x128x32xf32, #tpu.memory_space<vmem>> -> memref<128x32xf32, #tpu.memory_space<vmem>>
        %get3A_537 = arith.index_cast %add3A_516 : i32 to index
        %get3A_538 = arith.constant 0 : index
        %get3A_539 = tpu.vector_load %get3A_536[%get3A_537, %get3A_538] {strides = array<i32>} : memref<128x32xf32, #tpu.memory_space<vmem>>, vector<1x16xf32>,
        %get3A_540 = vector.shape_cast %get3A_539 : vector<1x16xf32> to vector<16xf32>
        %get3A_541 = arith.constant 0 : i32
        %get3A_542 = arith.constant 0 : i32
        %get3A_543 = tpu.memref_slice %arg15[%cond3A_94, %get3A_541, %get3A_542] : memref<2x128x32xf32, #tpu.memory_space<vmem>> -> memref<1x128x32xf32, #tpu.memory_space<vmem>>
        %get3A_544 = tpu.memref_squeeze %get3A_543 : memref<1x128x32xf32, #tpu.memory_space<vmem>> -> memref<128x32xf32, #tpu.memory_space<vmem>>
        %get3A_545 = arith.index_cast %add3A_516 : i32 to index
        %get3A_546 = arith.constant 16 : index
        %get3A_547 = tpu.vector_load %get3A_544[%get3A_545, %get3A_546] {strides = array<i32>} : memref<128x32xf32, #tpu.memory_space<vmem>>, vector<1x16xf32>,
        %get3A_548 = vector.shape_cast %get3A_547 : vector<1x16xf32> to vector<16xf32>
        %get3A_549 = arith.index_cast %scan3A_168 : i32 to index
        %get3A_550 = arith.constant 96 : index
        %get3A_551 = tpu.vector_load %arg16[%get3A_549, %get3A_550] {strides = array<i32>} : memref<16x128xf32, #tpu.memory_space<vmem>>, vector<1x16xf32>,
        %get3A_552 = vector.shape_cast %get3A_551 : vector<1x16xf32> to vector<16xf32>
        %get3A_553 = arith.index_cast %scan3A_168 : i32 to index
        %get3A_554 = arith.constant 112 : index
        %get3A_555 = tpu.vector_load %arg16[%get3A_553, %get3A_554] {strides = array<i32>} : memref<16x128xf32, #tpu.memory_space<vmem>>, vector<1x16xf32>,
        %get3A_556 = vector.shape_cast %get3A_555 : vector<1x16xf32> to vector<16xf32>
        %add3A_557 = arith.addf %get3A_524, %get3A_540 : vector<16xf32>
        %add3A_558 = arith.addf %add3A_557, %get3A_552 : vector<16xf32>
        %gt3A_559 = arith.constant 0.000000e+00 : f32
        %gt3A_560 = vector.broadcast %gt3A_559 : f32 to vector<16xf32>
        %gt3A_561 = arith.cmpf ogt, %add3A_558, %gt3A_560 : vector<16xf32>
        %mul3A_562 = arith.constant 2.000000e-01 : f32
        %mul3A_563 = vector.broadcast %mul3A_562 : f32 to vector<16xf32>
        %mul3A_564 = arith.mulf %mul3A_563, %add3A_558 : vector<16xf32>
        %select_n3A_565 = arith.select %gt3A_561, %add3A_558, %mul3A_564 : vector<16xi1>, vector<16xf32>
        %add3A_566 = arith.addf %get3A_532, %get3A_548 : vector<16xf32>
        %add3A_567 = arith.addf %add3A_566, %get3A_556 : vector<16xf32>
        %gt3A_568 = arith.constant 0.000000e+00 : f32
        %gt3A_569 = vector.broadcast %gt3A_568 : f32 to vector<16xf32>
        %gt3A_570 = arith.cmpf ogt, %add3A_567, %gt3A_569 : vector<16xf32>
        %mul3A_571 = arith.constant 2.000000e-01 : f32
        %mul3A_572 = vector.broadcast %mul3A_571 : f32 to vector<16xf32>
        %mul3A_573 = arith.mulf %mul3A_572, %add3A_567 : vector<16xf32>
        %select_n3A_574 = arith.select %gt3A_570, %add3A_567, %mul3A_573 : vector<16xi1>, vector<16xf32>
        %mul3A_575 = arith.mulf %select_n3A_574, %get3A_19 : vector<16xf32>
        %broadcast_in_dim3A_576 = vector.shape_cast %xor3A_29 : vector<16xi32> to vector<16x1xi32>
        %gather3A_577 = vector.shape_cast %broadcast_in_dim3A_576 : vector<16x1xi32> to vector<16xi32>
        %gather3A_578 = tpu.dynamic_gather %mul3A_575[%gather3A_577] in [0] : vector<16xf32>, vector<16xi32> -> vector<16xf32>
        %add3A_579 = arith.addf %mul3A_575, %gather3A_578 : vector<16xf32>
        %broadcast_in_dim3A_580 = vector.shape_cast %xor3A_32 : vector<16xi32> to vector<16x1xi32>
        %gather3A_581 = vector.shape_cast %broadcast_in_dim3A_580 : vector<16x1xi32> to vector<16xi32>
        %gather3A_582 = tpu.dynamic_gather %add3A_579[%gather3A_581] in [0] : vector<16xf32>, vector<16xi32> -> vector<16xf32>
        %add3A_583 = arith.addf %add3A_579, %gather3A_582 : vector<16xf32>
        %broadcast_in_dim3A_584 = vector.shape_cast %xor3A_35 : vector<16xi32> to vector<16x1xi32>
        %gather3A_585 = vector.shape_cast %broadcast_in_dim3A_584 : vector<16x1xi32> to vector<16xi32>
        %gather3A_586 = tpu.dynamic_gather %add3A_583[%gather3A_585] in [0] : vector<16xf32>, vector<16xi32> -> vector<16xf32>
        %add3A_587 = arith.addf %add3A_583, %gather3A_586 : vector<16xf32>
        %broadcast_in_dim3A_588 = vector.shape_cast %xor3A_38 : vector<16xi32> to vector<16x1xi32>
        %gather3A_589 = vector.shape_cast %broadcast_in_dim3A_588 : vector<16x1xi32> to vector<16xi32>
        %gather3A_590 = tpu.dynamic_gather %add3A_587[%gather3A_589] in [0] : vector<16xf32>, vector<16xi32> -> vector<16xf32>
        %add3A_591 = arith.addf %add3A_587, %gather3A_590 : vector<16xf32>
        %add3A_592 = arith.addf %add3A_591, %get3A_22 : vector<16xf32>
        %neg3A_593 = arith.constant 0.000000e+00 : f32
        %neg3A_594 = vector.broadcast %neg3A_593 : f32 to vector<16xf32>
        %neg3A_595 = arith.subf %neg3A_594, %add3A_592 : vector<16xf32>
        %exp3A_596 = math.exp %neg3A_595 : vector<16xf32>
        %add3A_597 = arith.constant 1.000000e+00 : f32
        %add3A_598 = vector.broadcast %add3A_597 : f32 to vector<16xf32>
        %add3A_599 = arith.addf %add3A_598, %exp3A_596 : vector<16xf32>
        %div3A_600 = arith.constant 1.000000e+00 : f32
        %div3A_601 = vector.broadcast %div3A_600 : f32 to vector<16xf32>
        %div3A_602 = arith.divf %div3A_601, %add3A_599 : vector<16xf32>
        %mul3A_603 = arith.mulf %div3A_602, %select_n3A_574 : vector<16xf32>
        %eq3A_604 = arith.constant 0 : i32
        %eq3A_605 = vector.broadcast %eq3A_604 : i32 to vector<16xi32>
        %eq3A_606 = arith.cmpi eq, %iota3A, %eq3A_605 : vector<16xi32>
        %eq3A_607 = arith.constant 1 : i32
        %eq3A_608 = vector.broadcast %eq3A_607 : i32 to vector<16xi32>
        %eq3A_609 = arith.cmpi eq, %iota3A, %eq3A_608 : vector<16xi32>
        %select_n3A_610 = arith.select %eq3A_609, %broadcast_in_dim3A_23, %broadcast_in_dim3A_25 : vector<16xi1>, vector<16xf32>
        %select_n3A_611 = arith.select %eq3A_606, %div3A_602, %select_n3A_610 : vector<16xi1>, vector<16xf32>
        %swap3A_612 = arith.index_cast %add3A_516 : i32 to index
        %swap3A_613 = arith.constant 0 : index
        %swap3A_614 = tpu.vector_load %arg20[%swap3A_612, %swap3A_613] {strides = array<i32>} : memref<128x32xf32, #tpu.memory_space<vmem>>, vector<1x16xf32>,
        %swap3A_615 = vector.shape_cast %swap3A_614 : vector<1x16xf32> to vector<16xf32>
        %swap3A_616 = vector.shape_cast %select_n3A_565 : vector<16xf32> to vector<1x16xf32>
        tpu.vector_store %arg20[%swap3A_612, %swap3A_613], %swap3A_616 {strides = array<i32>} : memref<128x32xf32, #tpu.memory_space<vmem>>, vector<1x16xf32>,
        %swap3A_617 = arith.index_cast %add3A_516 : i32 to index
        %swap3A_618 = arith.constant 0 : index
        %swap3A_619 = tpu.vector_load %arg21[%swap3A_617, %swap3A_618] {strides = array<i32>} : memref<128x32xf32, #tpu.memory_space<vmem>>, vector<1x16xf32>,
        %swap3A_620 = vector.shape_cast %swap3A_619 : vector<1x16xf32> to vector<16xf32>
        %swap3A_621 = vector.shape_cast %mul3A_603 : vector<16xf32> to vector<1x16xf32>
        tpu.vector_store %arg21[%swap3A_617, %swap3A_618], %swap3A_621 {strides = array<i32>} : memref<128x32xf32, #tpu.memory_space<vmem>>, vector<1x16xf32>,
        %swap3A_622 = arith.index_cast %add3A_516 : i32 to index
        %swap3A_623 = arith.constant 16 : index
        %swap3A_624 = tpu.vector_load %arg21[%swap3A_622, %swap3A_623] {strides = array<i32>} : memref<128x32xf32, #tpu.memory_space<vmem>>, vector<1x16xf32>,
        %swap3A_625 = vector.shape_cast %swap3A_624 : vector<1x16xf32> to vector<16xf32>
        %swap3A_626 = vector.shape_cast %select_n3A_611 : vector<16xf32> to vector<1x16xf32>
        tpu.vector_store %arg21[%swap3A_622, %swap3A_623], %swap3A_626 {strides = array<i32>} : memref<128x32xf32, #tpu.memory_space<vmem>>, vector<1x16xf32>,
        %mul3A_627 = arith.constant 8 : i32
        %mul3A_628 = arith.muli %scan3A_168, %mul3A_627 : i32
        %add3A_629 = arith.constant 4 : i32
        %add3A_630 = arith.addi %mul3A_628, %add3A_629 : i32
        %add3A_631 = arith.constant 0 : i32
        %add3A_632 = arith.addi %add3A_630, %add3A_631 : i32
        %get3A_633 = arith.constant 0 : i32
        %get3A_634 = arith.constant 0 : i32
        %get3A_635 = tpu.memref_slice %arg14[%cond3A_93, %get3A_633, %get3A_634] : memref<2x128x32xf32, #tpu.memory_space<vmem>> -> memref<1x128x32xf32, #tpu.memory_space<vmem>>
        %get3A_636 = tpu.memref_squeeze %get3A_635 : memref<1x128x32xf32, #tpu.memory_space<vmem>> -> memref<128x32xf32, #tpu.memory_space<vmem>>
        %get3A_637 = arith.index_cast %add3A_632 : i32 to index
        %get3A_638 = arith.constant 0 : index
        %get3A_639 = tpu.vector_load %get3A_636[%get3A_637, %get3A_638] {strides = array<i32>} : memref<128x32xf32, #tpu.memory_space<vmem>>, vector<1x16xf32>,
        %get3A_640 = vector.shape_cast %get3A_639 : vector<1x16xf32> to vector<16xf32>
        %get3A_641 = arith.constant 0 : i32
        %get3A_642 = arith.constant 0 : i32
        %get3A_643 = tpu.memref_slice %arg14[%cond3A_93, %get3A_641, %get3A_642] : memref<2x128x32xf32, #tpu.memory_space<vmem>> -> memref<1x128x32xf32, #tpu.memory_space<vmem>>
        %get3A_644 = tpu.memref_squeeze %get3A_643 : memref<1x128x32xf32, #tpu.memory_space<vmem>> -> memref<128x32xf32, #tpu.memory_space<vmem>>
        %get3A_645 = arith.index_cast %add3A_632 : i32 to index
        %get3A_646 = arith.constant 16 : index
        %get3A_647 = tpu.vector_load %get3A_644[%get3A_645, %get3A_646] {strides = array<i32>} : memref<128x32xf32, #tpu.memory_space<vmem>>, vector<1x16xf32>,
        %get3A_648 = vector.shape_cast %get3A_647 : vector<1x16xf32> to vector<16xf32>
        %get3A_649 = arith.constant 0 : i32
        %get3A_650 = arith.constant 0 : i32
        %get3A_651 = tpu.memref_slice %arg15[%cond3A_94, %get3A_649, %get3A_650] : memref<2x128x32xf32, #tpu.memory_space<vmem>> -> memref<1x128x32xf32, #tpu.memory_space<vmem>>
        %get3A_652 = tpu.memref_squeeze %get3A_651 : memref<1x128x32xf32, #tpu.memory_space<vmem>> -> memref<128x32xf32, #tpu.memory_space<vmem>>
        %get3A_653 = arith.index_cast %add3A_632 : i32 to index
        %get3A_654 = arith.constant 0 : index
        %get3A_655 = tpu.vector_load %get3A_652[%get3A_653, %get3A_654] {strides = array<i32>} : memref<128x32xf32, #tpu.memory_space<vmem>>, vector<1x16xf32>,
        %get3A_656 = vector.shape_cast %get3A_655 : vector<1x16xf32> to vector<16xf32>
        %get3A_657 = arith.constant 0 : i32
        %get3A_658 = arith.constant 0 : i32
        %get3A_659 = tpu.memref_slice %arg15[%cond3A_94, %get3A_657, %get3A_658] : memref<2x128x32xf32, #tpu.memory_space<vmem>> -> memref<1x128x32xf32, #tpu.memory_space<vmem>>
        %get3A_660 = tpu.memref_squeeze %get3A_659 : memref<1x128x32xf32, #tpu.memory_space<vmem>> -> memref<128x32xf32, #tpu.memory_space<vmem>>
        %get3A_661 = arith.index_cast %add3A_632 : i32 to index
        %get3A_662 = arith.constant 16 : index
        %get3A_663 = tpu.vector_load %get3A_660[%get3A_661, %get3A_662] {strides = array<i32>} : memref<128x32xf32, #tpu.memory_space<vmem>>, vector<1x16xf32>,
        %get3A_664 = vector.shape_cast %get3A_663 : vector<1x16xf32> to vector<16xf32>
        %get3A_665 = arith.index_cast %scan3A_168 : i32 to index
        %get3A_666 = arith.constant 0 : index
        %get3A_667 = tpu.vector_load %arg18[%get3A_665, %get3A_666] {strides = array<i32>} : memref<16x128xf32, #tpu.memory_space<vmem>>, vector<1x16xf32>,
        %get3A_668 = vector.shape_cast %get3A_667 : vector<1x16xf32> to vector<16xf32>
        %get3A_669 = arith.index_cast %scan3A_168 : i32 to index
        %get3A_670 = arith.constant 16 : index
        %get3A_671 = tpu.vector_load %arg18[%get3A_669, %get3A_670] {strides = array<i32>} : memref<16x128xf32, #tpu.memory_space<vmem>>, vector<1x16xf32>,
        %get3A_672 = vector.shape_cast %get3A_671 : vector<1x16xf32> to vector<16xf32>
        %add3A_673 = arith.addf %get3A_640, %get3A_656 : vector<16xf32>
        %add3A_674 = arith.addf %add3A_673, %get3A_668 : vector<16xf32>
        %gt3A_675 = arith.constant 0.000000e+00 : f32
        %gt3A_676 = vector.broadcast %gt3A_675 : f32 to vector<16xf32>
        %gt3A_677 = arith.cmpf ogt, %add3A_674, %gt3A_676 : vector<16xf32>
        %mul3A_678 = arith.constant 2.000000e-01 : f32
        %mul3A_679 = vector.broadcast %mul3A_678 : f32 to vector<16xf32>
        %mul3A_680 = arith.mulf %mul3A_679, %add3A_674 : vector<16xf32>
        %select_n3A_681 = arith.select %gt3A_677, %add3A_674, %mul3A_680 : vector<16xi1>, vector<16xf32>
        %add3A_682 = arith.addf %get3A_648, %get3A_664 : vector<16xf32>
        %add3A_683 = arith.addf %add3A_682, %get3A_672 : vector<16xf32>
        %gt3A_684 = arith.constant 0.000000e+00 : f32
        %gt3A_685 = vector.broadcast %gt3A_684 : f32 to vector<16xf32>
        %gt3A_686 = arith.cmpf ogt, %add3A_683, %gt3A_685 : vector<16xf32>
        %mul3A_687 = arith.constant 2.000000e-01 : f32
        %mul3A_688 = vector.broadcast %mul3A_687 : f32 to vector<16xf32>
        %mul3A_689 = arith.mulf %mul3A_688, %add3A_683 : vector<16xf32>
        %select_n3A_690 = arith.select %gt3A_686, %add3A_683, %mul3A_689 : vector<16xi1>, vector<16xf32>
        %mul3A_691 = arith.mulf %select_n3A_690, %get3A_19 : vector<16xf32>
        %broadcast_in_dim3A_692 = vector.shape_cast %xor3A_29 : vector<16xi32> to vector<16x1xi32>
        %gather3A_693 = vector.shape_cast %broadcast_in_dim3A_692 : vector<16x1xi32> to vector<16xi32>
        %gather3A_694 = tpu.dynamic_gather %mul3A_691[%gather3A_693] in [0] : vector<16xf32>, vector<16xi32> -> vector<16xf32>
        %add3A_695 = arith.addf %mul3A_691, %gather3A_694 : vector<16xf32>
        %broadcast_in_dim3A_696 = vector.shape_cast %xor3A_32 : vector<16xi32> to vector<16x1xi32>
        %gather3A_697 = vector.shape_cast %broadcast_in_dim3A_696 : vector<16x1xi32> to vector<16xi32>
        %gather3A_698 = tpu.dynamic_gather %add3A_695[%gather3A_697] in [0] : vector<16xf32>, vector<16xi32> -> vector<16xf32>
        %add3A_699 = arith.addf %add3A_695, %gather3A_698 : vector<16xf32>
        %broadcast_in_dim3A_700 = vector.shape_cast %xor3A_35 : vector<16xi32> to vector<16x1xi32>
        %gather3A_701 = vector.shape_cast %broadcast_in_dim3A_700 : vector<16x1xi32> to vector<16xi32>
        %gather3A_702 = tpu.dynamic_gather %add3A_699[%gather3A_701] in [0] : vector<16xf32>, vector<16xi32> -> vector<16xf32>
        %add3A_703 = arith.addf %add3A_699, %gather3A_702 : vector<16xf32>
        %broadcast_in_dim3A_704 = vector.shape_cast %xor3A_38 : vector<16xi32> to vector<16x1xi32>
        %gather3A_705 = vector.shape_cast %broadcast_in_dim3A_704 : vector<16x1xi32> to vector<16xi32>
        %gather3A_706 = tpu.dynamic_gather %add3A_703[%gather3A_705] in [0] : vector<16xf32>, vector<16xi32> -> vector<16xf32>
        %add3A_707 = arith.addf %add3A_703, %gather3A_706 : vector<16xf32>
        %add3A_708 = arith.addf %add3A_707, %get3A_22 : vector<16xf32>
        %neg3A_709 = arith.constant 0.000000e+00 : f32
        %neg3A_710 = vector.broadcast %neg3A_709 : f32 to vector<16xf32>
        %neg3A_711 = arith.subf %neg3A_710, %add3A_708 : vector<16xf32>
        %exp3A_712 = math.exp %neg3A_711 : vector<16xf32>
        %add3A_713 = arith.constant 1.000000e+00 : f32
        %add3A_714 = vector.broadcast %add3A_713 : f32 to vector<16xf32>
        %add3A_715 = arith.addf %add3A_714, %exp3A_712 : vector<16xf32>
        %div3A_716 = arith.constant 1.000000e+00 : f32
        %div3A_717 = vector.broadcast %div3A_716 : f32 to vector<16xf32>
        %div3A_718 = arith.divf %div3A_717, %add3A_715 : vector<16xf32>
        %mul3A_719 = arith.mulf %div3A_718, %select_n3A_690 : vector<16xf32>
        %eq3A_720 = arith.constant 0 : i32
        %eq3A_721 = vector.broadcast %eq3A_720 : i32 to vector<16xi32>
        %eq3A_722 = arith.cmpi eq, %iota3A, %eq3A_721 : vector<16xi32>
        %eq3A_723 = arith.constant 1 : i32
        %eq3A_724 = vector.broadcast %eq3A_723 : i32 to vector<16xi32>
        %eq3A_725 = arith.cmpi eq, %iota3A, %eq3A_724 : vector<16xi32>
        %select_n3A_726 = arith.select %eq3A_725, %broadcast_in_dim3A_23, %broadcast_in_dim3A_25 : vector<16xi1>, vector<16xf32>
        %select_n3A_727 = arith.select %eq3A_722, %div3A_718, %select_n3A_726 : vector<16xi1>, vector<16xf32>
        %swap3A_728 = arith.index_cast %add3A_632 : i32 to index
        %swap3A_729 = arith.constant 0 : index
        %swap3A_730 = tpu.vector_load %arg20[%swap3A_728, %swap3A_729] {strides = array<i32>} : memref<128x32xf32, #tpu.memory_space<vmem>>, vector<1x16xf32>,
        %swap3A_731 = vector.shape_cast %swap3A_730 : vector<1x16xf32> to vector<16xf32>
        %swap3A_732 = vector.shape_cast %select_n3A_681 : vector<16xf32> to vector<1x16xf32>
        tpu.vector_store %arg20[%swap3A_728, %swap3A_729], %swap3A_732 {strides = array<i32>} : memref<128x32xf32, #tpu.memory_space<vmem>>, vector<1x16xf32>,
        %swap3A_733 = arith.index_cast %add3A_632 : i32 to index
        %swap3A_734 = arith.constant 0 : index
        %swap3A_735 = tpu.vector_load %arg21[%swap3A_733, %swap3A_734] {strides = array<i32>} : memref<128x32xf32, #tpu.memory_space<vmem>>, vector<1x16xf32>,
        %swap3A_736 = vector.shape_cast %swap3A_735 : vector<1x16xf32> to vector<16xf32>
        %swap3A_737 = vector.shape_cast %mul3A_719 : vector<16xf32> to vector<1x16xf32>
        tpu.vector_store %arg21[%swap3A_733, %swap3A_734], %swap3A_737 {strides = array<i32>} : memref<128x32xf32, #tpu.memory_space<vmem>>, vector<1x16xf32>,
        %swap3A_738 = arith.index_cast %add3A_632 : i32 to index
        %swap3A_739 = arith.constant 16 : index
        %swap3A_740 = tpu.vector_load %arg21[%swap3A_738, %swap3A_739] {strides = array<i32>} : memref<128x32xf32, #tpu.memory_space<vmem>>, vector<1x16xf32>,
        %swap3A_741 = vector.shape_cast %swap3A_740 : vector<1x16xf32> to vector<16xf32>
        %swap3A_742 = vector.shape_cast %select_n3A_727 : vector<16xf32> to vector<1x16xf32>
        tpu.vector_store %arg21[%swap3A_738, %swap3A_739], %swap3A_742 {strides = array<i32>} : memref<128x32xf32, #tpu.memory_space<vmem>>, vector<1x16xf32>,
        %mul3A_743 = arith.constant 8 : i32
        %mul3A_744 = arith.muli %scan3A_168, %mul3A_743 : i32
        %add3A_745 = arith.constant 4 : i32
        %add3A_746 = arith.addi %mul3A_744, %add3A_745 : i32
        %add3A_747 = arith.constant 1 : i32
        %add3A_748 = arith.addi %add3A_746, %add3A_747 : i32
        %get3A_749 = arith.constant 0 : i32
        %get3A_750 = arith.constant 0 : i32
        %get3A_751 = tpu.memref_slice %arg14[%cond3A_93, %get3A_749, %get3A_750] : memref<2x128x32xf32, #tpu.memory_space<vmem>> -> memref<1x128x32xf32, #tpu.memory_space<vmem>>
        %get3A_752 = tpu.memref_squeeze %get3A_751 : memref<1x128x32xf32, #tpu.memory_space<vmem>> -> memref<128x32xf32, #tpu.memory_space<vmem>>
        %get3A_753 = arith.index_cast %add3A_748 : i32 to index
        %get3A_754 = arith.constant 0 : index
        %get3A_755 = tpu.vector_load %get3A_752[%get3A_753, %get3A_754] {strides = array<i32>} : memref<128x32xf32, #tpu.memory_space<vmem>>, vector<1x16xf32>,
        %get3A_756 = vector.shape_cast %get3A_755 : vector<1x16xf32> to vector<16xf32>
        %get3A_757 = arith.constant 0 : i32
        %get3A_758 = arith.constant 0 : i32
        %get3A_759 = tpu.memref_slice %arg14[%cond3A_93, %get3A_757, %get3A_758] : memref<2x128x32xf32, #tpu.memory_space<vmem>> -> memref<1x128x32xf32, #tpu.memory_space<vmem>>
        %get3A_760 = tpu.memref_squeeze %get3A_759 : memref<1x128x32xf32, #tpu.memory_space<vmem>> -> memref<128x32xf32, #tpu.memory_space<vmem>>
        %get3A_761 = arith.index_cast %add3A_748 : i32 to index
        %get3A_762 = arith.constant 16 : index
        %get3A_763 = tpu.vector_load %get3A_760[%get3A_761, %get3A_762] {strides = array<i32>} : memref<128x32xf32, #tpu.memory_space<vmem>>, vector<1x16xf32>,
        %get3A_764 = vector.shape_cast %get3A_763 : vector<1x16xf32> to vector<16xf32>
        %get3A_765 = arith.constant 0 : i32
        %get3A_766 = arith.constant 0 : i32
        %get3A_767 = tpu.memref_slice %arg15[%cond3A_94, %get3A_765, %get3A_766] : memref<2x128x32xf32, #tpu.memory_space<vmem>> -> memref<1x128x32xf32, #tpu.memory_space<vmem>>
        %get3A_768 = tpu.memref_squeeze %get3A_767 : memref<1x128x32xf32, #tpu.memory_space<vmem>> -> memref<128x32xf32, #tpu.memory_space<vmem>>
        %get3A_769 = arith.index_cast %add3A_748 : i32 to index
        %get3A_770 = arith.constant 0 : index
        %get3A_771 = tpu.vector_load %get3A_768[%get3A_769, %get3A_770] {strides = array<i32>} : memref<128x32xf32, #tpu.memory_space<vmem>>, vector<1x16xf32>,
        %get3A_772 = vector.shape_cast %get3A_771 : vector<1x16xf32> to vector<16xf32>
        %get3A_773 = arith.constant 0 : i32
        %get3A_774 = arith.constant 0 : i32
        %get3A_775 = tpu.memref_slice %arg15[%cond3A_94, %get3A_773, %get3A_774] : memref<2x128x32xf32, #tpu.memory_space<vmem>> -> memref<1x128x32xf32, #tpu.memory_space<vmem>>
        %get3A_776 = tpu.memref_squeeze %get3A_775 : memref<1x128x32xf32, #tpu.memory_space<vmem>> -> memref<128x32xf32, #tpu.memory_space<vmem>>
        %get3A_777 = arith.index_cast %add3A_748 : i32 to index
        %get3A_778 = arith.constant 16 : index
        %get3A_779 = tpu.vector_load %get3A_776[%get3A_777, %get3A_778] {strides = array<i32>} : memref<128x32xf32, #tpu.memory_space<vmem>>, vector<1x16xf32>,
        %get3A_780 = vector.shape_cast %get3A_779 : vector<1x16xf32> to vector<16xf32>
        %get3A_781 = arith.index_cast %scan3A_168 : i32 to index
        %get3A_782 = arith.constant 32 : index
        %get3A_783 = tpu.vector_load %arg18[%get3A_781, %get3A_782] {strides = array<i32>} : memref<16x128xf32, #tpu.memory_space<vmem>>, vector<1x16xf32>,
        %get3A_784 = vector.shape_cast %get3A_783 : vector<1x16xf32> to vector<16xf32>
        %get3A_785 = arith.index_cast %scan3A_168 : i32 to index
        %get3A_786 = arith.constant 48 : index
        %get3A_787 = tpu.vector_load %arg18[%get3A_785, %get3A_786] {strides = array<i32>} : memref<16x128xf32, #tpu.memory_space<vmem>>, vector<1x16xf32>,
        %get3A_788 = vector.shape_cast %get3A_787 : vector<1x16xf32> to vector<16xf32>
        %add3A_789 = arith.addf %get3A_756, %get3A_772 : vector<16xf32>
        %add3A_790 = arith.addf %add3A_789, %get3A_784 : vector<16xf32>
        %gt3A_791 = arith.constant 0.000000e+00 : f32
        %gt3A_792 = vector.broadcast %gt3A_791 : f32 to vector<16xf32>
        %gt3A_793 = arith.cmpf ogt, %add3A_790, %gt3A_792 : vector<16xf32>
        %mul3A_794 = arith.constant 2.000000e-01 : f32
        %mul3A_795 = vector.broadcast %mul3A_794 : f32 to vector<16xf32>
        %mul3A_796 = arith.mulf %mul3A_795, %add3A_790 : vector<16xf32>
        %select_n3A_797 = arith.select %gt3A_793, %add3A_790, %mul3A_796 : vector<16xi1>, vector<16xf32>
        %add3A_798 = arith.addf %get3A_764, %get3A_780 : vector<16xf32>
        %add3A_799 = arith.addf %add3A_798, %get3A_788 : vector<16xf32>
        %gt3A_800 = arith.constant 0.000000e+00 : f32
        %gt3A_801 = vector.broadcast %gt3A_800 : f32 to vector<16xf32>
        %gt3A_802 = arith.cmpf ogt, %add3A_799, %gt3A_801 : vector<16xf32>
        %mul3A_803 = arith.constant 2.000000e-01 : f32
        %mul3A_804 = vector.broadcast %mul3A_803 : f32 to vector<16xf32>
        %mul3A_805 = arith.mulf %mul3A_804, %add3A_799 : vector<16xf32>
        %select_n3A_806 = arith.select %gt3A_802, %add3A_799, %mul3A_805 : vector<16xi1>, vector<16xf32>
        %mul3A_807 = arith.mulf %select_n3A_806, %get3A_19 : vector<16xf32>
        %broadcast_in_dim3A_808 = vector.shape_cast %xor3A_29 : vector<16xi32> to vector<16x1xi32>
        %gather3A_809 = vector.shape_cast %broadcast_in_dim3A_808 : vector<16x1xi32> to vector<16xi32>
        %gather3A_810 = tpu.dynamic_gather %mul3A_807[%gather3A_809] in [0] : vector<16xf32>, vector<16xi32> -> vector<16xf32>
        %add3A_811 = arith.addf %mul3A_807, %gather3A_810 : vector<16xf32>
        %broadcast_in_dim3A_812 = vector.shape_cast %xor3A_32 : vector<16xi32> to vector<16x1xi32>
        %gather3A_813 = vector.shape_cast %broadcast_in_dim3A_812 : vector<16x1xi32> to vector<16xi32>
        %gather3A_814 = tpu.dynamic_gather %add3A_811[%gather3A_813] in [0] : vector<16xf32>, vector<16xi32> -> vector<16xf32>
        %add3A_815 = arith.addf %add3A_811, %gather3A_814 : vector<16xf32>
        %broadcast_in_dim3A_816 = vector.shape_cast %xor3A_35 : vector<16xi32> to vector<16x1xi32>
        %gather3A_817 = vector.shape_cast %broadcast_in_dim3A_816 : vector<16x1xi32> to vector<16xi32>
        %gather3A_818 = tpu.dynamic_gather %add3A_815[%gather3A_817] in [0] : vector<16xf32>, vector<16xi32> -> vector<16xf32>
        %add3A_819 = arith.addf %add3A_815, %gather3A_818 : vector<16xf32>
        %broadcast_in_dim3A_820 = vector.shape_cast %xor3A_38 : vector<16xi32> to vector<16x1xi32>
        %gather3A_821 = vector.shape_cast %broadcast_in_dim3A_820 : vector<16x1xi32> to vector<16xi32>
        %gather3A_822 = tpu.dynamic_gather %add3A_819[%gather3A_821] in [0] : vector<16xf32>, vector<16xi32> -> vector<16xf32>
        %add3A_823 = arith.addf %add3A_819, %gather3A_822 : vector<16xf32>
        %add3A_824 = arith.addf %add3A_823, %get3A_22 : vector<16xf32>
        %neg3A_825 = arith.constant 0.000000e+00 : f32
        %neg3A_826 = vector.broadcast %neg3A_825 : f32 to vector<16xf32>
        %neg3A_827 = arith.subf %neg3A_826, %add3A_824 : vector<16xf32>
        %exp3A_828 = math.exp %neg3A_827 : vector<16xf32>
        %add3A_829 = arith.constant 1.000000e+00 : f32
        %add3A_830 = vector.broadcast %add3A_829 : f32 to vector<16xf32>
        %add3A_831 = arith.addf %add3A_830, %exp3A_828 : vector<16xf32>
        %div3A_832 = arith.constant 1.000000e+00 : f32
        %div3A_833 = vector.broadcast %div3A_832 : f32 to vector<16xf32>
        %div3A_834 = arith.divf %div3A_833, %add3A_831 : vector<16xf32>
        %mul3A_835 = arith.mulf %div3A_834, %select_n3A_806 : vector<16xf32>
        %eq3A_836 = arith.constant 0 : i32
        %eq3A_837 = vector.broadcast %eq3A_836 : i32 to vector<16xi32>
        %eq3A_838 = arith.cmpi eq, %iota3A, %eq3A_837 : vector<16xi32>
        %eq3A_839 = arith.constant 1 : i32
        %eq3A_840 = vector.broadcast %eq3A_839 : i32 to vector<16xi32>
        %eq3A_841 = arith.cmpi eq, %iota3A, %eq3A_840 : vector<16xi32>
        %select_n3A_842 = arith.select %eq3A_841, %broadcast_in_dim3A_23, %broadcast_in_dim3A_25 : vector<16xi1>, vector<16xf32>
        %select_n3A_843 = arith.select %eq3A_838, %div3A_834, %select_n3A_842 : vector<16xi1>, vector<16xf32>
        %swap3A_844 = arith.index_cast %add3A_748 : i32 to index
        %swap3A_845 = arith.constant 0 : index
        %swap3A_846 = tpu.vector_load %arg20[%swap3A_844, %swap3A_845] {strides = array<i32>} : memref<128x32xf32, #tpu.memory_space<vmem>>, vector<1x16xf32>,
        %swap3A_847 = vector.shape_cast %swap3A_846 : vector<1x16xf32> to vector<16xf32>
        %swap3A_848 = vector.shape_cast %select_n3A_797 : vector<16xf32> to vector<1x16xf32>
        tpu.vector_store %arg20[%swap3A_844, %swap3A_845], %swap3A_848 {strides = array<i32>} : memref<128x32xf32, #tpu.memory_space<vmem>>, vector<1x16xf32>,
        %swap3A_849 = arith.index_cast %add3A_748 : i32 to index
        %swap3A_850 = arith.constant 0 : index
        %swap3A_851 = tpu.vector_load %arg21[%swap3A_849, %swap3A_850] {strides = array<i32>} : memref<128x32xf32, #tpu.memory_space<vmem>>, vector<1x16xf32>,
        %swap3A_852 = vector.shape_cast %swap3A_851 : vector<1x16xf32> to vector<16xf32>
        %swap3A_853 = vector.shape_cast %mul3A_835 : vector<16xf32> to vector<1x16xf32>
        tpu.vector_store %arg21[%swap3A_849, %swap3A_850], %swap3A_853 {strides = array<i32>} : memref<128x32xf32, #tpu.memory_space<vmem>>, vector<1x16xf32>,
        %swap3A_854 = arith.index_cast %add3A_748 : i32 to index
        %swap3A_855 = arith.constant 16 : index
        %swap3A_856 = tpu.vector_load %arg21[%swap3A_854, %swap3A_855] {strides = array<i32>} : memref<128x32xf32, #tpu.memory_space<vmem>>, vector<1x16xf32>,
        %swap3A_857 = vector.shape_cast %swap3A_856 : vector<1x16xf32> to vector<16xf32>
        %swap3A_858 = vector.shape_cast %select_n3A_843 : vector<16xf32> to vector<1x16xf32>
        tpu.vector_store %arg21[%swap3A_854, %swap3A_855], %swap3A_858 {strides = array<i32>} : memref<128x32xf32, #tpu.memory_space<vmem>>, vector<1x16xf32>,
        %mul3A_859 = arith.constant 8 : i32
        %mul3A_860 = arith.muli %scan3A_168, %mul3A_859 : i32
        %add3A_861 = arith.constant 4 : i32
        %add3A_862 = arith.addi %mul3A_860, %add3A_861 : i32
        %add3A_863 = arith.constant 2 : i32
        %add3A_864 = arith.addi %add3A_862, %add3A_863 : i32
        %get3A_865 = arith.constant 0 : i32
        %get3A_866 = arith.constant 0 : i32
        %get3A_867 = tpu.memref_slice %arg14[%cond3A_93, %get3A_865, %get3A_866] : memref<2x128x32xf32, #tpu.memory_space<vmem>> -> memref<1x128x32xf32, #tpu.memory_space<vmem>>
        %get3A_868 = tpu.memref_squeeze %get3A_867 : memref<1x128x32xf32, #tpu.memory_space<vmem>> -> memref<128x32xf32, #tpu.memory_space<vmem>>
        %get3A_869 = arith.index_cast %add3A_864 : i32 to index
        %get3A_870 = arith.constant 0 : index
        %get3A_871 = tpu.vector_load %get3A_868[%get3A_869, %get3A_870] {strides = array<i32>} : memref<128x32xf32, #tpu.memory_space<vmem>>, vector<1x16xf32>,
        %get3A_872 = vector.shape_cast %get3A_871 : vector<1x16xf32> to vector<16xf32>
        %get3A_873 = arith.constant 0 : i32
        %get3A_874 = arith.constant 0 : i32
        %get3A_875 = tpu.memref_slice %arg14[%cond3A_93, %get3A_873, %get3A_874] : memref<2x128x32xf32, #tpu.memory_space<vmem>> -> memref<1x128x32xf32, #tpu.memory_space<vmem>>
        %get3A_876 = tpu.memref_squeeze %get3A_875 : memref<1x128x32xf32, #tpu.memory_space<vmem>> -> memref<128x32xf32, #tpu.memory_space<vmem>>
        %get3A_877 = arith.index_cast %add3A_864 : i32 to index
        %get3A_878 = arith.constant 16 : index
        %get3A_879 = tpu.vector_load %get3A_876[%get3A_877, %get3A_878] {strides = array<i32>} : memref<128x32xf32, #tpu.memory_space<vmem>>, vector<1x16xf32>,
        %get3A_880 = vector.shape_cast %get3A_879 : vector<1x16xf32> to vector<16xf32>
        %get3A_881 = arith.constant 0 : i32
        %get3A_882 = arith.constant 0 : i32
        %get3A_883 = tpu.memref_slice %arg15[%cond3A_94, %get3A_881, %get3A_882] : memref<2x128x32xf32, #tpu.memory_space<vmem>> -> memref<1x128x32xf32, #tpu.memory_space<vmem>>
        %get3A_884 = tpu.memref_squeeze %get3A_883 : memref<1x128x32xf32, #tpu.memory_space<vmem>> -> memref<128x32xf32, #tpu.memory_space<vmem>>
        %get3A_885 = arith.index_cast %add3A_864 : i32 to index
        %get3A_886 = arith.constant 0 : index
        %get3A_887 = tpu.vector_load %get3A_884[%get3A_885, %get3A_886] {strides = array<i32>} : memref<128x32xf32, #tpu.memory_space<vmem>>, vector<1x16xf32>,
        %get3A_888 = vector.shape_cast %get3A_887 : vector<1x16xf32> to vector<16xf32>
        %get3A_889 = arith.constant 0 : i32
        %get3A_890 = arith.constant 0 : i32
        %get3A_891 = tpu.memref_slice %arg15[%cond3A_94, %get3A_889, %get3A_890] : memref<2x128x32xf32, #tpu.memory_space<vmem>> -> memref<1x128x32xf32, #tpu.memory_space<vmem>>
        %get3A_892 = tpu.memref_squeeze %get3A_891 : memref<1x128x32xf32, #tpu.memory_space<vmem>> -> memref<128x32xf32, #tpu.memory_space<vmem>>
        %get3A_893 = arith.index_cast %add3A_864 : i32 to index
        %get3A_894 = arith.constant 16 : index
        %get3A_895 = tpu.vector_load %get3A_892[%get3A_893, %get3A_894] {strides = array<i32>} : memref<128x32xf32, #tpu.memory_space<vmem>>, vector<1x16xf32>,
        %get3A_896 = vector.shape_cast %get3A_895 : vector<1x16xf32> to vector<16xf32>
        %get3A_897 = arith.index_cast %scan3A_168 : i32 to index
        %get3A_898 = arith.constant 64 : index
        %get3A_899 = tpu.vector_load %arg18[%get3A_897, %get3A_898] {strides = array<i32>} : memref<16x128xf32, #tpu.memory_space<vmem>>, vector<1x16xf32>,
        %get3A_900 = vector.shape_cast %get3A_899 : vector<1x16xf32> to vector<16xf32>
        %get3A_901 = arith.index_cast %scan3A_168 : i32 to index
        %get3A_902 = arith.constant 80 : index
        %get3A_903 = tpu.vector_load %arg18[%get3A_901, %get3A_902] {strides = array<i32>} : memref<16x128xf32, #tpu.memory_space<vmem>>, vector<1x16xf32>,
        %get3A_904 = vector.shape_cast %get3A_903 : vector<1x16xf32> to vector<16xf32>
        %add3A_905 = arith.addf %get3A_872, %get3A_888 : vector<16xf32>
        %add3A_906 = arith.addf %add3A_905, %get3A_900 : vector<16xf32>
        %gt3A_907 = arith.constant 0.000000e+00 : f32
        %gt3A_908 = vector.broadcast %gt3A_907 : f32 to vector<16xf32>
        %gt3A_909 = arith.cmpf ogt, %add3A_906, %gt3A_908 : vector<16xf32>
        %mul3A_910 = arith.constant 2.000000e-01 : f32
        %mul3A_911 = vector.broadcast %mul3A_910 : f32 to vector<16xf32>
        %mul3A_912 = arith.mulf %mul3A_911, %add3A_906 : vector<16xf32>
        %select_n3A_913 = arith.select %gt3A_909, %add3A_906, %mul3A_912 : vector<16xi1>, vector<16xf32>
        %add3A_914 = arith.addf %get3A_880, %get3A_896 : vector<16xf32>
        %add3A_915 = arith.addf %add3A_914, %get3A_904 : vector<16xf32>
        %gt3A_916 = arith.constant 0.000000e+00 : f32
        %gt3A_917 = vector.broadcast %gt3A_916 : f32 to vector<16xf32>
        %gt3A_918 = arith.cmpf ogt, %add3A_915, %gt3A_917 : vector<16xf32>
        %mul3A_919 = arith.constant 2.000000e-01 : f32
        %mul3A_920 = vector.broadcast %mul3A_919 : f32 to vector<16xf32>
        %mul3A_921 = arith.mulf %mul3A_920, %add3A_915 : vector<16xf32>
        %select_n3A_922 = arith.select %gt3A_918, %add3A_915, %mul3A_921 : vector<16xi1>, vector<16xf32>
        %mul3A_923 = arith.mulf %select_n3A_922, %get3A_19 : vector<16xf32>
        %broadcast_in_dim3A_924 = vector.shape_cast %xor3A_29 : vector<16xi32> to vector<16x1xi32>
        %gather3A_925 = vector.shape_cast %broadcast_in_dim3A_924 : vector<16x1xi32> to vector<16xi32>
        %gather3A_926 = tpu.dynamic_gather %mul3A_923[%gather3A_925] in [0] : vector<16xf32>, vector<16xi32> -> vector<16xf32>
        %add3A_927 = arith.addf %mul3A_923, %gather3A_926 : vector<16xf32>
        %broadcast_in_dim3A_928 = vector.shape_cast %xor3A_32 : vector<16xi32> to vector<16x1xi32>
        %gather3A_929 = vector.shape_cast %broadcast_in_dim3A_928 : vector<16x1xi32> to vector<16xi32>
        %gather3A_930 = tpu.dynamic_gather %add3A_927[%gather3A_929] in [0] : vector<16xf32>, vector<16xi32> -> vector<16xf32>
        %add3A_931 = arith.addf %add3A_927, %gather3A_930 : vector<16xf32>
        %broadcast_in_dim3A_932 = vector.shape_cast %xor3A_35 : vector<16xi32> to vector<16x1xi32>
        %gather3A_933 = vector.shape_cast %broadcast_in_dim3A_932 : vector<16x1xi32> to vector<16xi32>
        %gather3A_934 = tpu.dynamic_gather %add3A_931[%gather3A_933] in [0] : vector<16xf32>, vector<16xi32> -> vector<16xf32>
        %add3A_935 = arith.addf %add3A_931, %gather3A_934 : vector<16xf32>
        %broadcast_in_dim3A_936 = vector.shape_cast %xor3A_38 : vector<16xi32> to vector<16x1xi32>
        %gather3A_937 = vector.shape_cast %broadcast_in_dim3A_936 : vector<16x1xi32> to vector<16xi32>
        %gather3A_938 = tpu.dynamic_gather %add3A_935[%gather3A_937] in [0] : vector<16xf32>, vector<16xi32> -> vector<16xf32>
        %add3A_939 = arith.addf %add3A_935, %gather3A_938 : vector<16xf32>
        %add3A_940 = arith.addf %add3A_939, %get3A_22 : vector<16xf32>
        %neg3A_941 = arith.constant 0.000000e+00 : f32
        %neg3A_942 = vector.broadcast %neg3A_941 : f32 to vector<16xf32>
        %neg3A_943 = arith.subf %neg3A_942, %add3A_940 : vector<16xf32>
        %exp3A_944 = math.exp %neg3A_943 : vector<16xf32>
        %add3A_945 = arith.constant 1.000000e+00 : f32
        %add3A_946 = vector.broadcast %add3A_945 : f32 to vector<16xf32>
        %add3A_947 = arith.addf %add3A_946, %exp3A_944 : vector<16xf32>
        %div3A_948 = arith.constant 1.000000e+00 : f32
        %div3A_949 = vector.broadcast %div3A_948 : f32 to vector<16xf32>
        %div3A_950 = arith.divf %div3A_949, %add3A_947 : vector<16xf32>
        %mul3A_951 = arith.mulf %div3A_950, %select_n3A_922 : vector<16xf32>
        %eq3A_952 = arith.constant 0 : i32
        %eq3A_953 = vector.broadcast %eq3A_952 : i32 to vector<16xi32>
        %eq3A_954 = arith.cmpi eq, %iota3A, %eq3A_953 : vector<16xi32>
        %eq3A_955 = arith.constant 1 : i32
        %eq3A_956 = vector.broadcast %eq3A_955 : i32 to vector<16xi32>
        %eq3A_957 = arith.cmpi eq, %iota3A, %eq3A_956 : vector<16xi32>
        %select_n3A_958 = arith.select %eq3A_957, %broadcast_in_dim3A_23, %broadcast_in_dim3A_25 : vector<16xi1>, vector<16xf32>
        %select_n3A_959 = arith.select %eq3A_954, %div3A_950, %select_n3A_958 : vector<16xi1>, vector<16xf32>
        %swap3A_960 = arith.index_cast %add3A_864 : i32 to index
        %swap3A_961 = arith.constant 0 : index
        %swap3A_962 = tpu.vector_load %arg20[%swap3A_960, %swap3A_961] {strides = array<i32>} : memref<128x32xf32, #tpu.memory_space<vmem>>, vector<1x16xf32>,
        %swap3A_963 = vector.shape_cast %swap3A_962 : vector<1x16xf32> to vector<16xf32>
        %swap3A_964 = vector.shape_cast %select_n3A_913 : vector<16xf32> to vector<1x16xf32>
        tpu.vector_store %arg20[%swap3A_960, %swap3A_961], %swap3A_964 {strides = array<i32>} : memref<128x32xf32, #tpu.memory_space<vmem>>, vector<1x16xf32>,
        %swap3A_965 = arith.index_cast %add3A_864 : i32 to index
        %swap3A_966 = arith.constant 0 : index
        %swap3A_967 = tpu.vector_load %arg21[%swap3A_965, %swap3A_966] {strides = array<i32>} : memref<128x32xf32, #tpu.memory_space<vmem>>, vector<1x16xf32>,
        %swap3A_968 = vector.shape_cast %swap3A_967 : vector<1x16xf32> to vector<16xf32>
        %swap3A_969 = vector.shape_cast %mul3A_951 : vector<16xf32> to vector<1x16xf32>
        tpu.vector_store %arg21[%swap3A_965, %swap3A_966], %swap3A_969 {strides = array<i32>} : memref<128x32xf32, #tpu.memory_space<vmem>>, vector<1x16xf32>,
        %swap3A_970 = arith.index_cast %add3A_864 : i32 to index
        %swap3A_971 = arith.constant 16 : index
        %swap3A_972 = tpu.vector_load %arg21[%swap3A_970, %swap3A_971] {strides = array<i32>} : memref<128x32xf32, #tpu.memory_space<vmem>>, vector<1x16xf32>,
        %swap3A_973 = vector.shape_cast %swap3A_972 : vector<1x16xf32> to vector<16xf32>
        %swap3A_974 = vector.shape_cast %select_n3A_959 : vector<16xf32> to vector<1x16xf32>
        tpu.vector_store %arg21[%swap3A_970, %swap3A_971], %swap3A_974 {strides = array<i32>} : memref<128x32xf32, #tpu.memory_space<vmem>>, vector<1x16xf32>,
        %mul3A_975 = arith.constant 8 : i32
        %mul3A_976 = arith.muli %scan3A_168, %mul3A_975 : i32
        %add3A_977 = arith.constant 4 : i32
        %add3A_978 = arith.addi %mul3A_976, %add3A_977 : i32
        %add3A_979 = arith.constant 3 : i32
        %add3A_980 = arith.addi %add3A_978, %add3A_979 : i32
        %get3A_981 = arith.constant 0 : i32
        %get3A_982 = arith.constant 0 : i32
        %get3A_983 = tpu.memref_slice %arg14[%cond3A_93, %get3A_981, %get3A_982] : memref<2x128x32xf32, #tpu.memory_space<vmem>> -> memref<1x128x32xf32, #tpu.memory_space<vmem>>
        %get3A_984 = tpu.memref_squeeze %get3A_983 : memref<1x128x32xf32, #tpu.memory_space<vmem>> -> memref<128x32xf32, #tpu.memory_space<vmem>>
        %get3A_985 = arith.index_cast %add3A_980 : i32 to index
        %get3A_986 = arith.constant 0 : index
        %get3A_987 = tpu.vector_load %get3A_984[%get3A_985, %get3A_986] {strides = array<i32>} : memref<128x32xf32, #tpu.memory_space<vmem>>, vector<1x16xf32>,
        %get3A_988 = vector.shape_cast %get3A_987 : vector<1x16xf32> to vector<16xf32>
        %get3A_989 = arith.constant 0 : i32
        %get3A_990 = arith.constant 0 : i32
        %get3A_991 = tpu.memref_slice %arg14[%cond3A_93, %get3A_989, %get3A_990] : memref<2x128x32xf32, #tpu.memory_space<vmem>> -> memref<1x128x32xf32, #tpu.memory_space<vmem>>
        %get3A_992 = tpu.memref_squeeze %get3A_991 : memref<1x128x32xf32, #tpu.memory_space<vmem>> -> memref<128x32xf32, #tpu.memory_space<vmem>>
        %get3A_993 = arith.index_cast %add3A_980 : i32 to index
        %get3A_994 = arith.constant 16 : index
        %get3A_995 = tpu.vector_load %get3A_992[%get3A_993, %get3A_994] {strides = array<i32>} : memref<128x32xf32, #tpu.memory_space<vmem>>, vector<1x16xf32>,
        %get3A_996 = vector.shape_cast %get3A_995 : vector<1x16xf32> to vector<16xf32>
        %get3A_997 = arith.constant 0 : i32
        %get3A_998 = arith.constant 0 : i32
        %get3A_999 = tpu.memref_slice %arg15[%cond3A_94, %get3A_997, %get3A_998] : memref<2x128x32xf32, #tpu.memory_space<vmem>> -> memref<1x128x32xf32, #tpu.memory_space<vmem>>
        %get3A_1000 = tpu.memref_squeeze %get3A_999 : memref<1x128x32xf32, #tpu.memory_space<vmem>> -> memref<128x32xf32, #tpu.memory_space<vmem>>
        %get3A_1001 = arith.index_cast %add3A_980 : i32 to index
        %get3A_1002 = arith.constant 0 : index
        %get3A_1003 = tpu.vector_load %get3A_1000[%get3A_1001, %get3A_1002] {strides = array<i32>} : memref<128x32xf32, #tpu.memory_space<vmem>>, vector<1x16xf32>,
        %get3A_1004 = vector.shape_cast %get3A_1003 : vector<1x16xf32> to vector<16xf32>
        %get3A_1005 = arith.constant 0 : i32
        %get3A_1006 = arith.constant 0 : i32
        %get3A_1007 = tpu.memref_slice %arg15[%cond3A_94, %get3A_1005, %get3A_1006] : memref<2x128x32xf32, #tpu.memory_space<vmem>> -> memref<1x128x32xf32, #tpu.memory_space<vmem>>
        %get3A_1008 = tpu.memref_squeeze %get3A_1007 : memref<1x128x32xf32, #tpu.memory_space<vmem>> -> memref<128x32xf32, #tpu.memory_space<vmem>>
        %get3A_1009 = arith.index_cast %add3A_980 : i32 to index
        %get3A_1010 = arith.constant 16 : index
        %get3A_1011 = tpu.vector_load %get3A_1008[%get3A_1009, %get3A_1010] {strides = array<i32>} : memref<128x32xf32, #tpu.memory_space<vmem>>, vector<1x16xf32>,
        %get3A_1012 = vector.shape_cast %get3A_1011 : vector<1x16xf32> to vector<16xf32>
        %get3A_1013 = arith.index_cast %scan3A_168 : i32 to index
        %get3A_1014 = arith.constant 96 : index
        %get3A_1015 = tpu.vector_load %arg18[%get3A_1013, %get3A_1014] {strides = array<i32>} : memref<16x128xf32, #tpu.memory_space<vmem>>, vector<1x16xf32>,
        %get3A_1016 = vector.shape_cast %get3A_1015 : vector<1x16xf32> to vector<16xf32>
        %get3A_1017 = arith.index_cast %scan3A_168 : i32 to index
        %get3A_1018 = arith.constant 112 : index
        %get3A_1019 = tpu.vector_load %arg18[%get3A_1017, %get3A_1018] {strides = array<i32>} : memref<16x128xf32, #tpu.memory_space<vmem>>, vector<1x16xf32>,
        %get3A_1020 = vector.shape_cast %get3A_1019 : vector<1x16xf32> to vector<16xf32>
        %add3A_1021 = arith.addf %get3A_988, %get3A_1004 : vector<16xf32>
        %add3A_1022 = arith.addf %add3A_1021, %get3A_1016 : vector<16xf32>
        %gt3A_1023 = arith.constant 0.000000e+00 : f32
        %gt3A_1024 = vector.broadcast %gt3A_1023 : f32 to vector<16xf32>
        %gt3A_1025 = arith.cmpf ogt, %add3A_1022, %gt3A_1024 : vector<16xf32>
        %mul3A_1026 = arith.constant 2.000000e-01 : f32
        %mul3A_1027 = vector.broadcast %mul3A_1026 : f32 to vector<16xf32>
        %mul3A_1028 = arith.mulf %mul3A_1027, %add3A_1022 : vector<16xf32>
        %select_n3A_1029 = arith.select %gt3A_1025, %add3A_1022, %mul3A_1028 : vector<16xi1>, vector<16xf32>
        %add3A_1030 = arith.addf %get3A_996, %get3A_1012 : vector<16xf32>
        %add3A_1031 = arith.addf %add3A_1030, %get3A_1020 : vector<16xf32>
        %gt3A_1032 = arith.constant 0.000000e+00 : f32
        %gt3A_1033 = vector.broadcast %gt3A_1032 : f32 to vector<16xf32>
        %gt3A_1034 = arith.cmpf ogt, %add3A_1031, %gt3A_1033 : vector<16xf32>
        %mul3A_1035 = arith.constant 2.000000e-01 : f32
        %mul3A_1036 = vector.broadcast %mul3A_1035 : f32 to vector<16xf32>
        %mul3A_1037 = arith.mulf %mul3A_1036, %add3A_1031 : vector<16xf32>
        %select_n3A_1038 = arith.select %gt3A_1034, %add3A_1031, %mul3A_1037 : vector<16xi1>, vector<16xf32>
        %mul3A_1039 = arith.mulf %select_n3A_1038, %get3A_19 : vector<16xf32>
        %broadcast_in_dim3A_1040 = vector.shape_cast %xor3A_29 : vector<16xi32> to vector<16x1xi32>
        %gather3A_1041 = vector.shape_cast %broadcast_in_dim3A_1040 : vector<16x1xi32> to vector<16xi32>
        %gather3A_1042 = tpu.dynamic_gather %mul3A_1039[%gather3A_1041] in [0] : vector<16xf32>, vector<16xi32> -> vector<16xf32>
        %add3A_1043 = arith.addf %mul3A_1039, %gather3A_1042 : vector<16xf32>
        %broadcast_in_dim3A_1044 = vector.shape_cast %xor3A_32 : vector<16xi32> to vector<16x1xi32>
        %gather3A_1045 = vector.shape_cast %broadcast_in_dim3A_1044 : vector<16x1xi32> to vector<16xi32>
        %gather3A_1046 = tpu.dynamic_gather %add3A_1043[%gather3A_1045] in [0] : vector<16xf32>, vector<16xi32> -> vector<16xf32>
        %add3A_1047 = arith.addf %add3A_1043, %gather3A_1046 : vector<16xf32>
        %broadcast_in_dim3A_1048 = vector.shape_cast %xor3A_35 : vector<16xi32> to vector<16x1xi32>
        %gather3A_1049 = vector.shape_cast %broadcast_in_dim3A_1048 : vector<16x1xi32> to vector<16xi32>
        %gather3A_1050 = tpu.dynamic_gather %add3A_1047[%gather3A_1049] in [0] : vector<16xf32>, vector<16xi32> -> vector<16xf32>
        %add3A_1051 = arith.addf %add3A_1047, %gather3A_1050 : vector<16xf32>
        %broadcast_in_dim3A_1052 = vector.shape_cast %xor3A_38 : vector<16xi32> to vector<16x1xi32>
        %gather3A_1053 = vector.shape_cast %broadcast_in_dim3A_1052 : vector<16x1xi32> to vector<16xi32>
        %gather3A_1054 = tpu.dynamic_gather %add3A_1051[%gather3A_1053] in [0] : vector<16xf32>, vector<16xi32> -> vector<16xf32>
        %add3A_1055 = arith.addf %add3A_1051, %gather3A_1054 : vector<16xf32>
        %add3A_1056 = arith.addf %add3A_1055, %get3A_22 : vector<16xf32>
        %neg3A_1057 = arith.constant 0.000000e+00 : f32
        %neg3A_1058 = vector.broadcast %neg3A_1057 : f32 to vector<16xf32>
        %neg3A_1059 = arith.subf %neg3A_1058, %add3A_1056 : vector<16xf32>
        %exp3A_1060 = math.exp %neg3A_1059 : vector<16xf32>
        %add3A_1061 = arith.constant 1.000000e+00 : f32
        %add3A_1062 = vector.broadcast %add3A_1061 : f32 to vector<16xf32>
        %add3A_1063 = arith.addf %add3A_1062, %exp3A_1060 : vector<16xf32>
        %div3A_1064 = arith.constant 1.000000e+00 : f32
        %div3A_1065 = vector.broadcast %div3A_1064 : f32 to vector<16xf32>
        %div3A_1066 = arith.divf %div3A_1065, %add3A_1063 : vector<16xf32>
        %mul3A_1067 = arith.mulf %div3A_1066, %select_n3A_1038 : vector<16xf32>
        %eq3A_1068 = arith.constant 0 : i32
        %eq3A_1069 = vector.broadcast %eq3A_1068 : i32 to vector<16xi32>
        %eq3A_1070 = arith.cmpi eq, %iota3A, %eq3A_1069 : vector<16xi32>
        %eq3A_1071 = arith.constant 1 : i32
        %eq3A_1072 = vector.broadcast %eq3A_1071 : i32 to vector<16xi32>
        %eq3A_1073 = arith.cmpi eq, %iota3A, %eq3A_1072 : vector<16xi32>
        %select_n3A_1074 = arith.select %eq3A_1073, %broadcast_in_dim3A_23, %broadcast_in_dim3A_25 : vector<16xi1>, vector<16xf32>
        %select_n3A_1075 = arith.select %eq3A_1070, %div3A_1066, %select_n3A_1074 : vector<16xi1>, vector<16xf32>
        %swap3A_1076 = arith.index_cast %add3A_980 : i32 to index
        %swap3A_1077 = arith.constant 0 : index
        %swap3A_1078 = tpu.vector_load %arg20[%swap3A_1076, %swap3A_1077] {strides = array<i32>} : memref<128x32xf32, #tpu.memory_space<vmem>>, vector<1x16xf32>,
        %swap3A_1079 = vector.shape_cast %swap3A_1078 : vector<1x16xf32> to vector<16xf32>
        %swap3A_1080 = vector.shape_cast %select_n3A_1029 : vector<16xf32> to vector<1x16xf32>
        tpu.vector_store %arg20[%swap3A_1076, %swap3A_1077], %swap3A_1080 {strides = array<i32>} : memref<128x32xf32, #tpu.memory_space<vmem>>, vector<1x16xf32>,
        %swap3A_1081 = arith.index_cast %add3A_980 : i32 to index
        %swap3A_1082 = arith.constant 0 : index
        %swap3A_1083 = tpu.vector_load %arg21[%swap3A_1081, %swap3A_1082] {strides = array<i32>} : memref<128x32xf32, #tpu.memory_space<vmem>>, vector<1x16xf32>,
        %swap3A_1084 = vector.shape_cast %swap3A_1083 : vector<1x16xf32> to vector<16xf32>
        %swap3A_1085 = vector.shape_cast %mul3A_1067 : vector<16xf32> to vector<1x16xf32>
        tpu.vector_store %arg21[%swap3A_1081, %swap3A_1082], %swap3A_1085 {strides = array<i32>} : memref<128x32xf32, #tpu.memory_space<vmem>>, vector<1x16xf32>,
        %swap3A_1086 = arith.index_cast %add3A_980 : i32 to index
        %swap3A_1087 = arith.constant 16 : index
        %swap3A_1088 = tpu.vector_load %arg21[%swap3A_1086, %swap3A_1087] {strides = array<i32>} : memref<128x32xf32, #tpu.memory_space<vmem>>, vector<1x16xf32>,
        %swap3A_1089 = vector.shape_cast %swap3A_1088 : vector<1x16xf32> to vector<16xf32>
        %swap3A_1090 = vector.shape_cast %select_n3A_1075 : vector<16xf32> to vector<1x16xf32>
        tpu.vector_store %arg21[%swap3A_1086, %swap3A_1087], %swap3A_1090 {strides = array<i32>} : memref<128x32xf32, #tpu.memory_space<vmem>>, vector<1x16xf32>,
      }
      %scan3A_166 = arith.constant 16 : i32
      %run_scoped3A = arith.constant 78 : i32
      "tpu.region"() ({
        %run_scoped3A_168 = tpu.sem_alloc : memref<!tpu.dma_semaphore, #tpu.memory_space<semaphore_mem>>
        %dma_start3A_169 = arith.constant 0 : i32
        %dma_start3A_170 = tpu.memref_slice %arg13[%run_scoped3A, %dma_start3A_169] : memref<79x128xi32, #tpu.memory_space<vmem>> -> memref<1x128xi32, #tpu.memory_space<vmem>>
        %dma_start3A_171 = tpu.memref_squeeze %dma_start3A_170 : memref<1x128xi32, #tpu.memory_space<vmem>> -> memref<128xi32, #tpu.memory_space<vmem>>
        %dma_start3A_172 = arith.constant 0 : i32
        %dma_start3A_173 = arith.constant 0 : i32
        %dma_start3A_174 = tpu.memref_slice %arg24[%dma_start3A_172, %dma_start3A_173] : memref<10112x32xf32, #tpu.memory_space<vmem_shared>> -> memref<10112x32xf32, #tpu.memory_space<vmem_shared>>
        tpu.enqueue_indirect_dma source(%arg20 : memref<128x32xf32, #tpu.memory_space<vmem>>) target(%dma_start3A_174 : memref<10112x32xf32, #tpu.memory_space<vmem_shared>>) offsets(%dma_start3A_171 : memref<128xi32, #tpu.memory_space<vmem>>) semaphore(%run_scoped3A_168 : memref<!tpu.dma_semaphore, #tpu.memory_space<semaphore_mem>>) {add = true}
        %dma_wait3A_175 = arith.constant 0 : i32
        %dma_wait3A_176 = tpu.memref_slice %arg13[%run_scoped3A, %dma_wait3A_175] : memref<79x128xi32, #tpu.memory_space<vmem>> -> memref<1x128xi32, #tpu.memory_space<vmem>>
        %dma_wait3A_177 = tpu.memref_squeeze %dma_wait3A_176 : memref<1x128xi32, #tpu.memory_space<vmem>> -> memref<128xi32, #tpu.memory_space<vmem>>
        %dma_wait3A_178 = arith.constant 0 : i32
        %dma_wait3A_179 = arith.constant 0 : i32
        %dma_wait3A_180 = tpu.memref_slice %arg24[%dma_wait3A_178, %dma_wait3A_179] : memref<10112x32xf32, #tpu.memory_space<vmem_shared>> -> memref<10112x32xf32, #tpu.memory_space<vmem_shared>>
        tpu.wait_indirect_dma semaphore(%run_scoped3A_168 : memref<!tpu.dma_semaphore, #tpu.memory_space<semaphore_mem>>) src(%arg20 : memref<128x32xf32, #tpu.memory_space<vmem>>) dst(%dma_wait3A_180 : memref<10112x32xf32, #tpu.memory_space<vmem_shared>>)
        tpu.yield
      }) : () -> ()
      %run_scoped3A_167 = arith.constant 78 : i32
      "tpu.region"() ({
        %run_scoped3A_168 = tpu.sem_alloc : memref<!tpu.dma_semaphore, #tpu.memory_space<semaphore_mem>>
        %dma_start3A_169 = arith.constant 0 : i32
        %dma_start3A_170 = tpu.memref_slice %arg12[%run_scoped3A_167, %dma_start3A_169] : memref<79x128xi32, #tpu.memory_space<vmem>> -> memref<1x128xi32, #tpu.memory_space<vmem>>
        %dma_start3A_171 = tpu.memref_squeeze %dma_start3A_170 : memref<1x128xi32, #tpu.memory_space<vmem>> -> memref<128xi32, #tpu.memory_space<vmem>>
        %dma_start3A_172 = arith.constant 0 : i32
        %dma_start3A_173 = arith.constant 0 : i32
        %dma_start3A_174 = tpu.memref_slice %arg25[%dma_start3A_172, %dma_start3A_173] : memref<10112x32xf32, #tpu.memory_space<vmem_shared>> -> memref<10112x32xf32, #tpu.memory_space<vmem_shared>>
        tpu.enqueue_indirect_dma source(%arg21 : memref<128x32xf32, #tpu.memory_space<vmem>>) target(%dma_start3A_174 : memref<10112x32xf32, #tpu.memory_space<vmem_shared>>) offsets(%dma_start3A_171 : memref<128xi32, #tpu.memory_space<vmem>>) semaphore(%run_scoped3A_168 : memref<!tpu.dma_semaphore, #tpu.memory_space<semaphore_mem>>) {add = true}
        %dma_wait3A_175 = arith.constant 0 : i32
        %dma_wait3A_176 = tpu.memref_slice %arg12[%run_scoped3A_167, %dma_wait3A_175] : memref<79x128xi32, #tpu.memory_space<vmem>> -> memref<1x128xi32, #tpu.memory_space<vmem>>
        %dma_wait3A_177 = tpu.memref_squeeze %dma_wait3A_176 : memref<1x128xi32, #tpu.memory_space<vmem>> -> memref<128xi32, #tpu.memory_space<vmem>>
        %dma_wait3A_178 = arith.constant 0 : i32
        %dma_wait3A_179 = arith.constant 0 : i32
        %dma_wait3A_180 = tpu.memref_slice %arg25[%dma_wait3A_178, %dma_wait3A_179] : memref<10112x32xf32, #tpu.memory_space<vmem_shared>> -> memref<10112x32xf32, #tpu.memory_space<vmem_shared>>
        tpu.wait_indirect_dma semaphore(%run_scoped3A_168 : memref<!tpu.dma_semaphore, #tpu.memory_space<semaphore_mem>>) src(%arg21 : memref<128x32xf32, #tpu.memory_space<vmem>>) dst(%dma_wait3A_180 : memref<10112x32xf32, #tpu.memory_space<vmem_shared>>)
        tpu.yield
      }) : () -> ()
    } else {
    }
    %barrier3A_97 = arith.constant 0 : index
    tpu.barrier barrier_id(%barrier3A_97)
    "tpu.region"() ({
      %run_scoped3A = tpu.sem_alloc : memref<!tpu.dma_semaphore, #tpu.memory_space<semaphore_mem>>
      %dma_start3A_98 = arith.constant 0 : i32
      %dma_start3A_99 = tpu.memref_slice %arg10[%arg0, %mul3A_2, %dma_start3A_98] : memref<2x10112x32xf32, #tpu.memory_space<hbm>> -> memref<1x632x32xf32, #tpu.memory_space<hbm>>
      %dma_start3A_100 = tpu.memref_squeeze %dma_start3A_99 : memref<1x632x32xf32, #tpu.memory_space<hbm>> -> memref<632x32xf32, #tpu.memory_space<hbm>>
      %dma_start3A_101 = arith.constant 0 : i32
      %dma_start3A_102 = tpu.memref_slice %arg24[%mul3A_2, %dma_start3A_101] : memref<10112x32xf32, #tpu.memory_space<vmem_shared>> -> memref<632x32xf32, #tpu.memory_space<vmem_shared>>
      tpu.enqueue_dma source(%dma_start3A_102 : memref<632x32xf32, #tpu.memory_space<vmem_shared>>) target(%dma_start3A_100 : memref<632x32xf32, #tpu.memory_space<hbm>>) target_semaphore(%run_scoped3A : memref<!tpu.dma_semaphore, #tpu.memory_space<semaphore_mem>>)
      %dma_wait3A = arith.constant 0 : i32
      %dma_wait3A_103 = tpu.memref_slice %arg10[%arg0, %mul3A_2, %dma_wait3A] : memref<2x10112x32xf32, #tpu.memory_space<hbm>> -> memref<1x632x32xf32, #tpu.memory_space<hbm>>
      %dma_wait3A_104 = tpu.memref_squeeze %dma_wait3A_103 : memref<1x632x32xf32, #tpu.memory_space<hbm>> -> memref<632x32xf32, #tpu.memory_space<hbm>>
      %dma_wait3A_105 = arith.constant 0 : i32
      %dma_wait3A_106 = tpu.memref_slice %arg24[%mul3A_2, %dma_wait3A_105] : memref<10112x32xf32, #tpu.memory_space<vmem_shared>> -> memref<632x32xf32, #tpu.memory_space<vmem_shared>>
      tpu.wait_dma2 semaphore(%run_scoped3A : memref<!tpu.dma_semaphore, #tpu.memory_space<semaphore_mem>>) src(%dma_wait3A_106 : memref<632x32xf32, #tpu.memory_space<vmem_shared>>) dst(%dma_wait3A_104 : memref<632x32xf32, #tpu.memory_space<hbm>>)
      tpu.yield
    }) : () -> ()
    "tpu.region"() ({
      %run_scoped3A = tpu.sem_alloc : memref<!tpu.dma_semaphore, #tpu.memory_space<semaphore_mem>>
      %dma_start3A_98 = arith.constant 0 : i32
      %dma_start3A_99 = tpu.memref_slice %arg11[%arg0, %mul3A_2, %dma_start3A_98] : memref<2x10112x32xf32, #tpu.memory_space<hbm>> -> memref<1x632x32xf32, #tpu.memory_space<hbm>>
      %dma_start3A_100 = tpu.memref_squeeze %dma_start3A_99 : memref<1x632x32xf32, #tpu.memory_space<hbm>> -> memref<632x32xf32, #tpu.memory_space<hbm>>
      %dma_start3A_101 = arith.constant 0 : i32
      %dma_start3A_102 = tpu.memref_slice %arg25[%mul3A_2, %dma_start3A_101] : memref<10112x32xf32, #tpu.memory_space<vmem_shared>> -> memref<632x32xf32, #tpu.memory_space<vmem_shared>>
      tpu.enqueue_dma source(%dma_start3A_102 : memref<632x32xf32, #tpu.memory_space<vmem_shared>>) target(%dma_start3A_100 : memref<632x32xf32, #tpu.memory_space<hbm>>) target_semaphore(%run_scoped3A : memref<!tpu.dma_semaphore, #tpu.memory_space<semaphore_mem>>)
      %dma_wait3A = arith.constant 0 : i32
      %dma_wait3A_103 = tpu.memref_slice %arg11[%arg0, %mul3A_2, %dma_wait3A] : memref<2x10112x32xf32, #tpu.memory_space<hbm>> -> memref<1x632x32xf32, #tpu.memory_space<hbm>>
      %dma_wait3A_104 = tpu.memref_squeeze %dma_wait3A_103 : memref<1x632x32xf32, #tpu.memory_space<hbm>> -> memref<632x32xf32, #tpu.memory_space<hbm>>
      %dma_wait3A_105 = arith.constant 0 : i32
      %dma_wait3A_106 = tpu.memref_slice %arg25[%mul3A_2, %dma_wait3A_105] : memref<10112x32xf32, #tpu.memory_space<vmem_shared>> -> memref<632x32xf32, #tpu.memory_space<vmem_shared>>
      tpu.wait_dma2 semaphore(%run_scoped3A : memref<!tpu.dma_semaphore, #tpu.memory_space<semaphore_mem>>) src(%dma_wait3A_106 : memref<632x32xf32, #tpu.memory_space<vmem_shared>>) dst(%dma_wait3A_104 : memref<632x32xf32, #tpu.memory_space<hbm>>)
      tpu.yield
    }) : () -> ()
    return
  }
}

module attributes {stable_mosaic.version = 14 : i64} {
  func.func @_tables_body(%arg0: memref<10000x128xf32, #tpu.memory_space<vmem>>, %arg1: memref<128x32xf32, #tpu.memory_space<vmem>>, %arg2: memref<128x32xf32, #tpu.memory_space<vmem>>, %arg3: memref<10000x32xf32, #tpu.memory_space<vmem>>, %arg4: memref<10000x32xf32, #tpu.memory_space<vmem>>) attributes {dimension_semantics = [], scalar_prefetch = 0 : i64, scratch_operands = 0 : i64, tpu.core_type = #tpu.core_type<tc>} {
    %get3A = arith.constant 0 : index
    %get3A_0 = arith.constant 0 : index
    %get3A_1 = vector.load %arg0[%get3A, %get3A_0] : memref<10000x128xf32, #tpu.memory_space<vmem>>, vector<10000x128xf32>
    %get3A_2 = arith.constant 0 : index
    %get3A_3 = arith.constant 0 : index
    %get3A_4 = vector.load %arg1[%get3A_2, %get3A_3] : memref<128x32xf32, #tpu.memory_space<vmem>>, vector<128x32xf32>
    %dot_general3A = arith.constant dense<0.000000e+00> : vector<10000x32xf32>
    %dot_general3A_5 = tpu.matmul %get3A_1, %get3A_4, %dot_general3A {dimension_numbers = #tpu.dot_dimension_numbers<[1], [0], [0], [1], [0, 0, 1, 1], [], []>, transpose_lhs_hint = false} : vector<10000x128xf32>, vector<128x32xf32>, vector<10000x32xf32> -> vector<10000x32xf32>
    %swap3A = arith.constant 0 : index
    %swap3A_6 = arith.constant 0 : index
    %swap3A_7 = vector.load %arg3[%swap3A, %swap3A_6] : memref<10000x32xf32, #tpu.memory_space<vmem>>, vector<10000x32xf32>
    tpu.vector_store %arg3[%swap3A, %swap3A_6], %dot_general3A_5 {strides = array<i32>} : memref<10000x32xf32, #tpu.memory_space<vmem>>, vector<10000x32xf32>,
    %get3A_8 = arith.constant 0 : index
    %get3A_9 = arith.constant 0 : index
    %get3A_10 = vector.load %arg2[%get3A_8, %get3A_9] : memref<128x32xf32, #tpu.memory_space<vmem>>, vector<128x32xf32>
    %dot_general3A_11 = arith.constant dense<0.000000e+00> : vector<10000x32xf32>
    %dot_general3A_12 = tpu.matmul %get3A_1, %get3A_10, %dot_general3A_11 {dimension_numbers = #tpu.dot_dimension_numbers<[1], [0], [0], [1], [0, 0, 1, 1], [], []>, transpose_lhs_hint = false} : vector<10000x128xf32>, vector<128x32xf32>, vector<10000x32xf32> -> vector<10000x32xf32>
    %swap3A_13 = arith.constant 0 : index
    %swap3A_14 = arith.constant 0 : index
    %swap3A_15 = vector.load %arg4[%swap3A_13, %swap3A_14] : memref<10000x32xf32, #tpu.memory_space<vmem>>, vector<10000x32xf32>
    tpu.vector_store %arg4[%swap3A_13, %swap3A_14], %dot_general3A_12 {strides = array<i32>} : memref<10000x32xf32, #tpu.memory_space<vmem>>, vector<10000x32xf32>,
    return
  }
}

module attributes {stable_mosaic.version = 14 : i64} {
  func.func @_re_body(%arg0: i32, %arg1: memref<4000x128xf32, #tpu.memory_space<vmem>>, %arg2: memref<128x128xf32, #tpu.memory_space<vmem>>, %arg3: memref<128x128xf32, #tpu.memory_space<vmem>>, %arg4: memref<1x128xf32, #tpu.memory_space<vmem>>, %arg5: memref<4000x128xf32, #tpu.memory_space<vmem>>, %arg6: memref<4000x128xf32, #tpu.memory_space<vmem>>) attributes {dimension_semantics = [#tpu.dimension_semantics<arbitrary>], iteration_bounds = array<i64: 10>, scalar_prefetch = 0 : i64, scratch_operands = 0 : i64, tpu.core_type = #tpu.core_type<tc>, window_params = [{transform_indices = @transform_0, window_bounds = array<i64: 4000, 128>}, {pipeline_mode = #tpu.pipeline_mode<synchronous>, transform_indices = @transform_1, window_bounds = array<i64: 128, 128>}, {pipeline_mode = #tpu.pipeline_mode<synchronous>, transform_indices = @transform_2, window_bounds = array<i64: 128, 128>}, {pipeline_mode = #tpu.pipeline_mode<synchronous>, transform_indices = @transform_3, window_bounds = array<i64: 1, 128>}, {transform_indices = @transform_4, window_bounds = array<i64: 4000, 128>}, {transform_indices = @transform_5, window_bounds = array<i64: 4000, 128>}]} {
    %get3A = arith.constant 0 : index
    %get3A_0 = arith.constant 0 : index
    %get3A_1 = vector.load %arg1[%get3A, %get3A_0] : memref<4000x128xf32, #tpu.memory_space<vmem>>, vector<4000x128xf32>
    %get3A_2 = arith.constant 0 : index
    %get3A_3 = arith.constant 0 : index
    %get3A_4 = vector.load %arg2[%get3A_2, %get3A_3] : memref<128x128xf32, #tpu.memory_space<vmem>>, vector<128x128xf32>
    %dot_general3A = arith.constant dense<0.000000e+00> : vector<4000x128xf32>
    %dot_general3A_5 = tpu.matmul %get3A_1, %get3A_4, %dot_general3A {dimension_numbers = #tpu.dot_dimension_numbers<[1], [0], [0], [1], [0, 0, 1, 1], [], []>, transpose_lhs_hint = false} : vector<4000x128xf32>, vector<128x128xf32>, vector<4000x128xf32> -> vector<4000x128xf32>
    %get3A_6 = arith.constant 0 : index
    %get3A_7 = arith.constant 0 : index
    %get3A_8 = vector.load %arg4[%get3A_6, %get3A_7] : memref<1x128xf32, #tpu.memory_space<vmem>>, vector<1x128xf32>
    %add3A = vector.broadcast %get3A_8 : vector<1x128xf32> to vector<4000x128xf32>
    %add3A_9 = arith.addf %dot_general3A_5, %add3A : vector<4000x128xf32>
    %swap3A = arith.constant 0 : index
    %swap3A_10 = arith.constant 0 : index
    %swap3A_11 = vector.load %arg5[%swap3A, %swap3A_10] : memref<4000x128xf32, #tpu.memory_space<vmem>>, vector<4000x128xf32>
    tpu.vector_store %arg5[%swap3A, %swap3A_10], %add3A_9 {strides = array<i32>} : memref<4000x128xf32, #tpu.memory_space<vmem>>, vector<4000x128xf32>,
    %get3A_12 = arith.constant 0 : index
    %get3A_13 = arith.constant 0 : index
    %get3A_14 = vector.load %arg3[%get3A_12, %get3A_13] : memref<128x128xf32, #tpu.memory_space<vmem>>, vector<128x128xf32>
    %dot_general3A_15 = arith.constant dense<0.000000e+00> : vector<4000x128xf32>
    %dot_general3A_16 = tpu.matmul %get3A_1, %get3A_14, %dot_general3A_15 {dimension_numbers = #tpu.dot_dimension_numbers<[1], [0], [0], [1], [0, 0, 1, 1], [], []>, transpose_lhs_hint = false} : vector<4000x128xf32>, vector<128x128xf32>, vector<4000x128xf32> -> vector<4000x128xf32>
    %get3A_17 = arith.constant 0 : index
    %get3A_18 = arith.constant 0 : index
    %get3A_19 = vector.load %arg4[%get3A_17, %get3A_18] : memref<1x128xf32, #tpu.memory_space<vmem>>, vector<1x128xf32>
    %add3A_20 = vector.broadcast %get3A_19 : vector<1x128xf32> to vector<4000x128xf32>
    %add3A_21 = arith.addf %dot_general3A_16, %add3A_20 : vector<4000x128xf32>
    %swap3A_22 = arith.constant 0 : index
    %swap3A_23 = arith.constant 0 : index
    %swap3A_24 = vector.load %arg6[%swap3A_22, %swap3A_23] : memref<4000x128xf32, #tpu.memory_space<vmem>>, vector<4000x128xf32>
    tpu.vector_store %arg6[%swap3A_22, %swap3A_23], %add3A_21 {strides = array<i32>} : memref<4000x128xf32, #tpu.memory_space<vmem>>, vector<4000x128xf32>,
    return
  }
  func.func @transform_0(%arg0: i32) -> (i32, i32) {
    %c0_i32 = arith.constant 0 : i32
    %c0_i32_0 = arith.constant 0 : i32
    return %arg0, %c0_i32 : i32, i32
  }
  func.func @transform_1(%arg0: i32) -> (i32, i32) {
    %c0_i32 = arith.constant 0 : i32
    %c0_i32_0 = arith.constant 0 : i32
    %c0_i32_1 = arith.constant 0 : i32
    return %c0_i32, %c0_i32_0 : i32, i32
  }
  func.func @transform_2(%arg0: i32) -> (i32, i32) {
    %c0_i32 = arith.constant 0 : i32
    %c0_i32_0 = arith.constant 0 : i32
    %c0_i32_1 = arith.constant 0 : i32
    return %c0_i32, %c0_i32_0 : i32, i32
  }
  func.func @transform_3(%arg0: i32) -> (i32, i32) {
    %c0_i32 = arith.constant 0 : i32
    %c0_i32_0 = arith.constant 0 : i32
    %c0_i32_1 = arith.constant 0 : i32
    return %c0_i32, %c0_i32_0 : i32, i32
  }
  func.func @transform_4(%arg0: i32) -> (i32, i32) {
    %c0_i32 = arith.constant 0 : i32
    %c0_i32_0 = arith.constant 0 : i32
    return %arg0, %c0_i32 : i32, i32
  }
  func.func @transform_5(%arg0: i32) -> (i32, i32) {
    %c0_i32 = arith.constant 0 : i32
    %c0_i32_0 = arith.constant 0 : i32
    return %arg0, %c0_i32 : i32, i32
  }
}

module attributes {stable_mosaic.version = 14 : i64} {
  func.func @_fin_body(%arg0: i32, %arg1: memref<2x2000x32xf32, #tpu.memory_space<vmem>>, %arg2: memref<2x2000x32xf32, #tpu.memory_space<vmem>>, %arg3: memref<16x128xf32, #tpu.memory_space<vmem>>, %arg4: memref<1x128xf32, #tpu.memory_space<vmem>>, %arg5: memref<16x16xf32, #tpu.memory_space<vmem>>, %arg6: memref<1x16xf32, #tpu.memory_space<vmem>>, %arg7: memref<144x16xf32, #tpu.memory_space<vmem>>, %arg8: memref<1x16xf32, #tpu.memory_space<vmem>>, %arg9: memref<16x128xf32, #tpu.memory_space<vmem>>, %arg10: memref<1x128xf32, #tpu.memory_space<vmem>>, %arg11: memref<2000x128xf32, #tpu.memory_space<vmem>>) attributes {dimension_semantics = [#tpu.dimension_semantics<arbitrary>], iteration_bounds = array<i64: 5>, scalar_prefetch = 0 : i64, scratch_operands = 0 : i64, tpu.core_type = #tpu.core_type<tc>, window_params = [{transform_indices = @transform_0, window_bounds = array<i64: 2, 2000, 32>}, {transform_indices = @transform_1, window_bounds = array<i64: 2, 2000, 32>}, {pipeline_mode = #tpu.pipeline_mode<synchronous>, transform_indices = @transform_2, window_bounds = array<i64: 16, 128>}, {pipeline_mode = #tpu.pipeline_mode<synchronous>, transform_indices = @transform_3, window_bounds = array<i64: 1, 128>}, {pipeline_mode = #tpu.pipeline_mode<synchronous>, transform_indices = @transform_4, window_bounds = array<i64: 16, 16>}, {pipeline_mode = #tpu.pipeline_mode<synchronous>, transform_indices = @transform_5, window_bounds = array<i64: 1, 16>}, {pipeline_mode = #tpu.pipeline_mode<synchronous>, transform_indices = @transform_6, window_bounds = array<i64: 144, 16>}, {pipeline_mode = #tpu.pipeline_mode<synchronous>, transform_indices = @transform_7, window_bounds = array<i64: 1, 16>}, {pipeline_mode = #tpu.pipeline_mode<synchronous>, transform_indices = @transform_8, window_bounds = array<i64: 16, 128>}, {pipeline_mode = #tpu.pipeline_mode<synchronous>, transform_indices = @transform_9, window_bounds = array<i64: 1, 128>}, {transform_indices = @transform_10, window_bounds = array<i64: 2000, 128>}]} {
    %get3A = arith.constant 0 : index
    %get3A_0 = arith.constant 0 : index
    %get3A_1 = arith.constant 0 : index
    %get3A_2 = vector.load %arg1[%get3A, %get3A_0, %get3A_1] : memref<2x2000x32xf32, #tpu.memory_space<vmem>>, vector<1x2000x32xf32>
    %get3A_3 = vector.shape_cast %get3A_2 : vector<1x2000x32xf32> to vector<2000x32xf32>
    %get3A_4 = arith.constant 1 : index
    %get3A_5 = arith.constant 0 : index
    %get3A_6 = arith.constant 0 : index
    %get3A_7 = vector.load %arg1[%get3A_4, %get3A_5, %get3A_6] : memref<2x2000x32xf32, #tpu.memory_space<vmem>>, vector<1x2000x32xf32>
    %get3A_8 = vector.shape_cast %get3A_7 : vector<1x2000x32xf32> to vector<2000x32xf32>
    %add3A = arith.addf %get3A_3, %get3A_8 : vector<2000x32xf32>
    %get3A_9 = arith.constant 0 : index
    %get3A_10 = arith.constant 0 : index
    %get3A_11 = arith.constant 0 : index
    %get3A_12 = vector.load %arg2[%get3A_9, %get3A_10, %get3A_11] : memref<2x2000x32xf32, #tpu.memory_space<vmem>>, vector<1x2000x32xf32>
    %get3A_13 = vector.shape_cast %get3A_12 : vector<1x2000x32xf32> to vector<2000x32xf32>
    %get3A_14 = arith.constant 1 : index
    %get3A_15 = arith.constant 0 : index
    %get3A_16 = arith.constant 0 : index
    %get3A_17 = vector.load %arg2[%get3A_14, %get3A_15, %get3A_16] : memref<2x2000x32xf32, #tpu.memory_space<vmem>>, vector<1x2000x32xf32>
    %get3A_18 = vector.shape_cast %get3A_17 : vector<1x2000x32xf32> to vector<2000x32xf32>
    %add3A_19 = arith.addf %get3A_13, %get3A_18 : vector<2000x32xf32>
    %slice3A = vector.extract_strided_slice %add3A {offsets = [0, 0], sizes = [2000, 16], strides = [1, 1]} : vector<2000x32xf32> to vector<2000x16xf32>
    %slice3A_20 = vector.extract_strided_slice %add3A {offsets = [0, 16], sizes = [2000, 1], strides = [1, 1]} : vector<2000x32xf32> to vector<2000x1xf32>
    %get3A_21 = arith.constant 0 : index
    %get3A_22 = arith.constant 0 : index
    %get3A_23 = vector.load %arg3[%get3A_21, %get3A_22] : memref<16x128xf32, #tpu.memory_space<vmem>>, vector<16x128xf32>
    %dot_general3A = arith.constant dense<0.000000e+00> : vector<2000x128xf32>
    %dot_general3A_24 = tpu.matmul %slice3A, %get3A_23, %dot_general3A {dimension_numbers = #tpu.dot_dimension_numbers<[1], [0], [0], [1], [0, 0, 1, 1], [], []>, transpose_lhs_hint = false} : vector<2000x16xf32>, vector<16x128xf32>, vector<2000x128xf32> -> vector<2000x128xf32>
    %get3A_25 = arith.constant 0 : index
    %get3A_26 = arith.constant 0 : index
    %get3A_27 = vector.load %arg4[%get3A_25, %get3A_26] : memref<1x128xf32, #tpu.memory_space<vmem>>, vector<1x128xf32>
    %mul3A = vector.broadcast %slice3A_20 : vector<2000x1xf32> to vector<2000x128xf32>
    %mul3A_28 = vector.broadcast %get3A_27 : vector<1x128xf32> to vector<2000x128xf32>
    %mul3A_29 = arith.mulf %mul3A, %mul3A_28 : vector<2000x128xf32>
    %add3A_30 = arith.addf %dot_general3A_24, %mul3A_29 : vector<2000x128xf32>
    %slice3A_31 = vector.extract_strided_slice %add3A_19 {offsets = [0, 0], sizes = [2000, 16], strides = [1, 1]} : vector<2000x32xf32> to vector<2000x16xf32>
    %slice3A_32 = vector.extract_strided_slice %add3A_19 {offsets = [0, 16], sizes = [2000, 1], strides = [1, 1]} : vector<2000x32xf32> to vector<2000x1xf32>
    %slice3A_33 = vector.extract_strided_slice %add3A_19 {offsets = [0, 17], sizes = [2000, 1], strides = [1, 1]} : vector<2000x32xf32> to vector<2000x1xf32>
    %get3A_34 = arith.constant 0 : index
    %get3A_35 = arith.constant 0 : index
    %get3A_36 = vector.load %arg5[%get3A_34, %get3A_35] : memref<16x16xf32, #tpu.memory_space<vmem>>, vector<16x16xf32>
    %dot_general3A_37 = arith.constant dense<0.000000e+00> : vector<2000x16xf32>
    %dot_general3A_38 = tpu.matmul %slice3A_31, %get3A_36, %dot_general3A_37 {dimension_numbers = #tpu.dot_dimension_numbers<[1], [0], [0], [1], [0, 0, 1, 1], [], []>, transpose_lhs_hint = false} : vector<2000x16xf32>, vector<16x16xf32>, vector<2000x16xf32> -> vector<2000x16xf32>
    %get3A_39 = arith.constant 0 : index
    %get3A_40 = arith.constant 0 : index
    %get3A_41 = vector.load %arg6[%get3A_39, %get3A_40] : memref<1x16xf32, #tpu.memory_space<vmem>>, vector<1x16xf32>
    %mul3A_42 = vector.broadcast %slice3A_32 : vector<2000x1xf32> to vector<2000x16xf32>
    %mul3A_43 = vector.broadcast %get3A_41 : vector<1x16xf32> to vector<2000x16xf32>
    %mul3A_44 = arith.mulf %mul3A_42, %mul3A_43 : vector<2000x16xf32>
    %add3A_45 = arith.addf %dot_general3A_38, %mul3A_44 : vector<2000x16xf32>
    %slice3A_46 = vector.extract_strided_slice %add3A_45 {offsets = [0, 8], sizes = [2000, 8], strides = [1, 1]} : vector<2000x16xf32> to vector<2000x8xf32>
    %max3A = arith.constant 1.000000e+00 : f32
    %max3A_47 = vector.broadcast %max3A : f32 to vector<2000x1xf32>
    %max3A_48 = arith.maximumf %slice3A_33, %max3A_47 : vector<2000x1xf32>
    %div3A = vector.broadcast %max3A_48 : vector<2000x1xf32> to vector<2000x8xf32>
    %div3A_49 = arith.divf %slice3A_46, %div3A : vector<2000x8xf32>
    %slice3A_50 = vector.extract_strided_slice %add3A_45 {offsets = [0, 0], sizes = [2000, 8], strides = [1, 1]} : vector<2000x16xf32> to vector<2000x8xf32>
    %concatenate3A = tpu.concatenate %add3A_30, %slice3A_50, %div3A_49 in 1 : vector<2000x128xf32>, vector<2000x8xf32>, vector<2000x8xf32> -> vector<2000x144xf32>
    %get3A_51 = arith.constant 0 : index
    %get3A_52 = arith.constant 0 : index
    %get3A_53 = vector.load %arg7[%get3A_51, %get3A_52] : memref<144x16xf32, #tpu.memory_space<vmem>>, vector<144x16xf32>
    %dot_general3A_54 = arith.constant dense<0.000000e+00> : vector<2000x16xf32>
    %dot_general3A_55 = tpu.matmul %concatenate3A, %get3A_53, %dot_general3A_54 {dimension_numbers = #tpu.dot_dimension_numbers<[1], [0], [0], [1], [0, 0, 1, 1], [], []>, transpose_lhs_hint = false} : vector<2000x144xf32>, vector<144x16xf32>, vector<2000x16xf32> -> vector<2000x16xf32>
    %get3A_56 = arith.constant 0 : index
    %get3A_57 = arith.constant 0 : index
    %get3A_58 = vector.load %arg8[%get3A_56, %get3A_57] : memref<1x16xf32, #tpu.memory_space<vmem>>, vector<1x16xf32>
    %add3A_59 = vector.broadcast %get3A_58 : vector<1x16xf32> to vector<2000x16xf32>
    %add3A_60 = arith.addf %dot_general3A_55, %add3A_59 : vector<2000x16xf32>
    %gt3A = arith.constant 0.000000e+00 : f32
    %gt3A_61 = vector.broadcast %gt3A : f32 to vector<2000x16xf32>
    %gt3A_62 = arith.cmpf ogt, %add3A_60, %gt3A_61 : vector<2000x16xf32>
    %mul3A_63 = arith.constant 2.000000e-01 : f32
    %mul3A_64 = vector.broadcast %mul3A_63 : f32 to vector<2000x16xf32>
    %mul3A_65 = arith.mulf %mul3A_64, %add3A_60 : vector<2000x16xf32>
    %select_n3A = arith.select %gt3A_62, %add3A_60, %mul3A_65 : vector<2000x16xi1>, vector<2000x16xf32>
    %get3A_66 = arith.constant 0 : index
    %get3A_67 = arith.constant 0 : index
    %get3A_68 = vector.load %arg9[%get3A_66, %get3A_67] : memref<16x128xf32, #tpu.memory_space<vmem>>, vector<16x128xf32>
    %dot_general3A_69 = arith.constant dense<0.000000e+00> : vector<2000x128xf32>
    %dot_general3A_70 = tpu.matmul %select_n3A, %get3A_68, %dot_general3A_69 {dimension_numbers = #tpu.dot_dimension_numbers<[1], [0], [0], [1], [0, 0, 1, 1], [], []>, transpose_lhs_hint = false} : vector<2000x16xf32>, vector<16x128xf32>, vector<2000x128xf32> -> vector<2000x128xf32>
    %get3A_71 = arith.constant 0 : index
    %get3A_72 = arith.constant 0 : index
    %get3A_73 = vector.load %arg10[%get3A_71, %get3A_72] : memref<1x128xf32, #tpu.memory_space<vmem>>, vector<1x128xf32>
    %add3A_74 = vector.broadcast %get3A_73 : vector<1x128xf32> to vector<2000x128xf32>
    %add3A_75 = arith.addf %dot_general3A_70, %add3A_74 : vector<2000x128xf32>
    %gt3A_76 = arith.constant 0.000000e+00 : f32
    %gt3A_77 = vector.broadcast %gt3A_76 : f32 to vector<2000x1xf32>
    %gt3A_78 = arith.cmpf ogt, %slice3A_33, %gt3A_77 : vector<2000x1xf32>
    %broadcast_in_dim3A = vector.shape_cast %gt3A_78 : vector<2000x1xi1> to vector<2000x1xi1>
    %broadcast_in_dim3A_79 = vector.broadcast %broadcast_in_dim3A : vector<2000x1xi1> to vector<2000x128xi1>
    %select_n3A_80 = arith.select %broadcast_in_dim3A_79, %add3A_75, %add3A_30 : vector<2000x128xi1>, vector<2000x128xf32>
    %swap3A = arith.constant 0 : index
    %swap3A_81 = arith.constant 0 : index
    %swap3A_82 = vector.load %arg11[%swap3A, %swap3A_81] : memref<2000x128xf32, #tpu.memory_space<vmem>>, vector<2000x128xf32>
    tpu.vector_store %arg11[%swap3A, %swap3A_81], %select_n3A_80 {strides = array<i32>} : memref<2000x128xf32, #tpu.memory_space<vmem>>, vector<2000x128xf32>,
    return
  }
  func.func @transform_0(%arg0: i32) -> (i32, i32, i32) {
    %c0_i32 = arith.constant 0 : i32
    %c0_i32_0 = arith.constant 0 : i32
    %c0_i32_1 = arith.constant 0 : i32
    return %c0_i32, %arg0, %c0_i32_0 : i32, i32, i32
  }
  func.func @transform_1(%arg0: i32) -> (i32, i32, i32) {
    %c0_i32 = arith.constant 0 : i32
    %c0_i32_0 = arith.constant 0 : i32
    %c0_i32_1 = arith.constant 0 : i32
    return %c0_i32, %arg0, %c0_i32_0 : i32, i32, i32
  }
  func.func @transform_2(%arg0: i32) -> (i32, i32) {
    %c0_i32 = arith.constant 0 : i32
    %c0_i32_0 = arith.constant 0 : i32
    %c0_i32_1 = arith.constant 0 : i32
    return %c0_i32, %c0_i32_0 : i32, i32
  }
  func.func @transform_3(%arg0: i32) -> (i32, i32) {
    %c0_i32 = arith.constant 0 : i32
    %c0_i32_0 = arith.constant 0 : i32
    %c0_i32_1 = arith.constant 0 : i32
    return %c0_i32, %c0_i32_0 : i32, i32
  }
  func.func @transform_4(%arg0: i32) -> (i32, i32) {
    %c0_i32 = arith.constant 0 : i32
    %c0_i32_0 = arith.constant 0 : i32
    %c0_i32_1 = arith.constant 0 : i32
    return %c0_i32, %c0_i32_0 : i32, i32
  }
  func.func @transform_5(%arg0: i32) -> (i32, i32) {
    %c0_i32 = arith.constant 0 : i32
    %c0_i32_0 = arith.constant 0 : i32
    %c0_i32_1 = arith.constant 0 : i32
    return %c0_i32, %c0_i32_0 : i32, i32
  }
  func.func @transform_6(%arg0: i32) -> (i32, i32) {
    %c0_i32 = arith.constant 0 : i32
    %c0_i32_0 = arith.constant 0 : i32
    %c0_i32_1 = arith.constant 0 : i32
    return %c0_i32, %c0_i32_0 : i32, i32
  }
  func.func @transform_7(%arg0: i32) -> (i32, i32) {
    %c0_i32 = arith.constant 0 : i32
    %c0_i32_0 = arith.constant 0 : i32
    %c0_i32_1 = arith.constant 0 : i32
    return %c0_i32, %c0_i32_0 : i32, i32
  }
  func.func @transform_8(%arg0: i32) -> (i32, i32) {
    %c0_i32 = arith.constant 0 : i32
    %c0_i32_0 = arith.constant 0 : i32
    %c0_i32_1 = arith.constant 0 : i32
    return %c0_i32, %c0_i32_0 : i32, i32
  }
  func.func @transform_9(%arg0: i32) -> (i32, i32) {
    %c0_i32 = arith.constant 0 : i32
    %c0_i32_0 = arith.constant 0 : i32
    %c0_i32_1 = arith.constant 0 : i32
    return %c0_i32, %c0_i32_0 : i32, i32
  }
  func.func @transform_10(%arg0: i32) -> (i32, i32) {
    %c0_i32 = arith.constant 0 : i32
    %c0_i32_0 = arith.constant 0 : i32
    return %arg0, %c0_i32 : i32, i32
  }
}

</mosaic_0001>

<sc_bundles>
// kernel: kernel.6.cloned.1.call-start
scs
__scs_entry_jumppad:
0x0: {  	(pc) =	sbr.rel $0x88, $3  }
0x1: {  	(tag) =	ssettag $0x0;
	lr =	simm.s32 $0x1  }
0x2: {  	[smem:$0x3F92] =	sst lr;
	_ =	strace $0xD0000000  }
0x3: {  	_ = 	snop  }
0x4: {  	_ = 	snop  }
0x5: {  	_ = 	snop  }
0x6: {  	_ = 	snop  }
0x7: {  	_ = 	snop  }
__scs_overlays_trampoline_lowered:
0x8: {  	[smem:$0x3FA1] =	sst s0  }
0x9: {  	[smem:$0x3FA2] =	sst s1  }
0xa: {  	[smem:$0x3FA3] =	sst s2  }
0xb: {  	[smem:$0x3FA4] =	sst s3  }
0xc: {  	[smem:$0x3FA5] =	sst s4  }
0xd: {  	[smem:$0x3FA6] =	sst s5  }
0xe: {  	[smem:$0x3FA7] =	sst s6  }
0xf: {  	[smem:$0x3FA8] =	sst s7  }
0x10: {  	[smem:$0x3FA9] =	sst s8  }
0x11: {  	[smem:$0x3FAA] =	sst s9;
	s0 =	simm.s32 @!p0 $0x0  }
0x12: {  	s1 =	sld [smem:$0x3F90];
	s0 =	simm.s32 @p0 $0x1  }
0x13: {  	[smem:$0x3FAB] =	sst s0;
	s0 =	simm.s32 @!p1 $0x0  }
0x14: {  	s2 =	sld [smem:$0x3F8F];
	s0 =	simm.s32 @p1 $0x1  }
0x15: {  	[smem:$0x3FAC] =	sst s0;
	s0 =	simm.s32 @!p2 $0x0  }
0x16: {  	s3 =	sld [smem:$0x3FDB];
	s0 =	simm.s32 @p2 $0x1  }
0x17: {  	s4 =	simm.s32 $0x1BF5;
	[smem:$0x3FAE] =	sst s0  }
0x18: {  	s0 =	sld [smem:$0x3F91];
	_ =	swait.ge [sflag:s4], $0x0  }
0x19: {  	s7 =	sld [smem:$0x3F92]  }
0x1a: {  	s8 =	sadd.s32 $0xFFFFE003, lr  }
0x1b: {  	s9 =	sadd.s32 $0xFFFFFEF7, lr;
	s5 =	simm.s32 $0xFFFFFFFF;
	p2 =	slt.u32 s8, $0xFFFFF086  }
0x1c: {  	p1 =	slt.u32 s9, $0xF7A;
	s5 =	simm.s32 @!p2 $0x0  }
0x1d: {  	s5 =	simm.s32 @p1 $0x1;
	p0 =	seq.s32 s7, s2  }
0x1e: {  	s7 =	smul.u32 @!p0 $0xF7A, s2;
	p2 =	seq.s32 @!p0 s5, $0x0  }
0x1f: {  	s9 =	smul.u32 $0xF7A, s1;
	s8 =	simm.s32 @!p0 $0x1BF5;
	p2 =	por !p2, p0  }
0x20: {  	[sflag:s8] =	ssyncset.s32 @!p0 $0xFFFFF086;
	s6 =	sadd.s32 @!p0 s3, s7;
	s7 =	simm.s32 @!p0 $0x108  }
0x21: {  	s3 =	sadd.s32 s3, s9;
	s6 =	sadd.s32 @!p0 $0x88, s6;
	s7 =	simm.s32 @p2 $0x1082  }
0x22: {  	[simem:s7], [sflag:s8] =	dma.local @!p0 [hbm:s6], $0xF7A  }
0x23: {  	s9 =	sor.u32 $0xD0000000, s2;
	s6 =	simm.s32 $0x108;
	_ =	swait.ge @!p0 [sflag:s8], $0x0  }
0x24: {  	s3 =	sadd.s32 $0x88, s3;
	s6 =	simm.s32 @!p1 $0x1082;
	[sflag:s4] =	ssyncset.s32 $0xFFFFF086  }
0x25: {  	[simem:s6], [sflag:s4] =	dma.local [hbm:s3], $0xF7A  }
0x26: {  	[smem:$0x3F92] =	sst s1;
	(tag) =	ssettag s2;
	_ =	strace s9  }
0x27: {  	s1 =	sld [smem:$0x3FA2]  }
0x28: {  	s2 =	sld [smem:$0x3FA3]  }
0x29: {  	s4 =	sld [smem:$0x3FA5]  }
0x2a: {  	p0 =	seq.s32 s5, $0x0;
	s5 =	sld [smem:$0x3FA6]  }
0x2b: {  	s6 =	sld [smem:$0x3FA7]  }
0x2c: {  	s7 =	sld [smem:$0x3FA8]  }
0x2d: {  	s3 =	simm.s32 $0x108;
	s8 =	sld [smem:$0x3FA9]  }
0x2e: {  	s3 =	simm.s32 @!p0 $0x1082;
	s9 =	sld [smem:$0x3FAA]  }
0x2f: {  	lr =	sadd.s32 s0, s3;
	s0 =	sld [smem:$0x3FA1]  }
0x30: {  	s3 =	sld [smem:$0x3FA4]  }
0x31: {  	[smem:$0x3FAD] =	sst s10  }
0x32: {  	s10 =	sld [smem:$0x3FAB];
	_ =	sdelay $0x3  }
0x33: {  	p0 =	seq.s32 s10, $0x1;
	s10 =	sld [smem:$0x3FAD];
	_ =	sdelay $0x3  }
0x34: {  	[smem:$0x3FAD] =	sst s10  }
0x35: {  	s10 =	sld [smem:$0x3FAC];
	_ =	sdelay $0x3  }
0x36: {  	p1 =	seq.s32 s10, $0x1;
	s10 =	sld [smem:$0x3FAD];
	_ =	sdelay $0x3  }
0x37: {  	[smem:$0x3FAD] =	sst s10  }
0x38: {  	s10 =	sld [smem:$0x3FAE]  }
0x39: {  	_ = 	snop;
	(pc) =	sbr.ind lr, $3  }
0x3a: {  	_ = 	snop  }
0x3b: {  	_ = 	snop  }
0x3c: {  	p2 =	seq.s32 s10, $0x1;
	s10 =	sld [smem:$0x3FAD]  }
0x3d: {  	_ =	shalt  }
0x3e: {  	_ =	shalt  }
0x3f: {  	_ =	shalt  }
0x40: {  	_ =	shalt  }
0x41: {  	_ =	shalt  }
0x42: {  	_ =	shalt  }
0x43: {  	_ =	shalt  }
0x44: {  	_ =	shalt  }
0x45: {  	_ =	shalt  }
0x46: {  	_ =	shalt  }
0x47: {  	_ =	shalt  }
0x48: {  	_ =	shalt  }
0x49: {  	_ =	shalt  }
0x4a: {  	_ =	shalt  }
0x4b: {  	_ =	shalt  }
0x4c: {  	_ =	shalt  }
0x4d: {  	_ =	shalt  }
0x4e: {  	_ =	shalt  }
0x4f: {  	_ =	shalt  }
0x50: {  	_ =	shalt  }
0x51: {  	_ =	shalt  }
0x52: {  	_ =	shalt  }
0x53: {  	_ =	shalt  }
0x54: {  	_ =	shalt  }
0x55: {  	_ =	shalt  }
0x56: {  	_ =	shalt  }
0x57: {  	_ =	shalt  }
0x58: {  	_ =	shalt  }
0x59: {  	_ =	shalt  }
0x5a: {  	_ =	shalt  }
0x5b: {  	_ =	shalt  }
0x5c: {  	_ =	shalt  }
0x5d: {  	_ =	shalt  }
0x5e: {  	_ =	shalt  }
0x5f: {  	_ =	shalt  }
0x60: {  	_ =	shalt  }
0x61: {  	_ =	shalt  }
0x62: {  	_ =	shalt  }
0x63: {  	_ =	shalt  }
0x64: {  	_ =	shalt  }
0x65: {  	_ =	shalt  }
0x66: {  	_ =	shalt  }
0x67: {  	_ =	shalt  }
0x68: {  	_ =	shalt  }
0x69: {  	_ =	shalt  }
0x6a: {  	_ =	shalt  }
0x6b: {  	_ =	shalt  }
0x6c: {  	_ =	shalt  }
0x6d: {  	_ =	shalt  }
0x6e: {  	_ =	shalt  }
0x6f: {  	_ =	shalt  }
0x70: {  	_ =	shalt  }
0x71: {  	_ =	shalt  }
0x72: {  	_ =	shalt  }
0x73: {  	_ =	shalt  }
0x74: {  	_ =	shalt  }
0x75: {  	_ =	shalt  }
0x76: {  	_ =	shalt  }
0x77: {  	_ =	shalt  }
0x78: {  	_ =	shalt  }
0x79: {  	_ =	shalt  }
0x7a: {  	_ =	shalt  }
0x7b: {  	_ =	shalt  }
0x7c: {  	_ =	shalt  }
0x7d: {  	_ =	shalt  }
0x7e: {  	_ =	shalt  }
0x7f: {  	_ =	shalt  }
0x80: {  	_ =	shalt  }
0x81: {  	_ =	shalt  }
0x82: {  	_ =	shalt  }
0x83: {  	_ =	shalt  }
0x84: {  	_ =	shalt  }
0x85: {  	_ =	shalt  }
0x86: {  	_ =	shalt  }
0x87: {  	_ =	shalt  }
.Lfunc_end0:
.L_simem_size_0:
called_computation_lowered:
.L_overlay_start_0:
0x88: {  	s2 =	sld [smem:$0x3FD9]  }
0x89: {  	s3 =	sld [smem:$0x3FFE];
	_ =	sdelay $0x1  }
0x8a: {  	s1 =	srdreg.scid  }
0x8b: {  	s0 =	sand.u32 $0x1, s1  }
0x8c: {  	s17 =	sshll.u32 s0, $0xA;
	s2 =	sadd.s32 s3, s2  }
0x8d: {  	s2 =	sadd.s32 s2, s17  }
0x8e: {  	[smem:$0x3FB9] =	sst s2  }
0x8f: {  	_ = 	snop  }
0x90: {  	s2 =	sld [smem:$0x3FD0];
	(tm) =	ssettm $0x1  }
0x91: {  	s18 =	sld [smem:$0x3FFB];
	_ =	sdelay $0x3  }
0x92: {  	_ =	strace s18  }
0x93: {  	s3 =	sld [smem:$0x3FFC];
	_ =	sdelay $0x3  }
0x94: {  	_ =	strace s3  }
0x95: {  	s3 =	sld [smem:$0x3FFD];
	_ =	sdelay $0x3  }
0x96: {  	_ =	strace s3  }
0x97: {  	_ =	strace $0x8FFFFFFF  }
0x98: {  	s19 =	sld [smem:$0x3FDB];
	_ =	sdelay $0x1  }
0x99: {  	s4 =	simm.s32 $_scs_section_size  }
0x9a: {  	s5 =	simm.s32 $_size__tile_overlayer_lowered;
	s6 =	simm.s32 $_tile_overlayer_lowered  }
0x9b: {  	s22 =	simm.s32 $0x1BFF;
	s21 =	sshll.u32 s6, $0x1;
	s3 =	sadd.s32 s4, s19  }
0x9c: {  	s7 =	simm.s32 $0x0;
	s20 =	sshll.u32 s5, $0x1;
	s5 =	sadd.s32 s21, s3  }
0x9d: {  	[timem:s7], [sflag:s22] =	dma.local [hbm:s5], s20  }
0x9e: {  	_ =	swait.ge [sflag:s22], s20  }
0x9f: {  	s4 =	ssub.s32 $0x0, s20;
	[sflag:s22] =	ssyncset.done $0x0  }
0xa0: {  	[sflag:s22] =	ssyncadd.s32 s4;
	_ =	sdelay $0x1  }
0xa1: {  	s23 =	simm.s32 $0x1B8B  }
0xa2: {  	_ =	swait.ge [sflag:s23], $0x1  }
0xa3: {  	[sflag:s23] =	ssyncset.done $0x0  }
0xa4: {  	s25 =	simm.s32 $0x1B8E;
	s24 =	sld [smem:$0x3FFE];
	[sflag:s23] =	ssyncadd.s32 $0xFFFFFFFF  }
0xa5: {  	s26 =	simm.s32 $execute0_lowered;
	[smem:$0x3FD2] =	sst s25  }
0xa6: {  	s5 =	sshll.u32 s26, $0x1;
	_ =	strace $0x80000046;
	[dreg:$0x1] =	wrdreg $0xFFFFFFFF  }
0xa7: {  	s28 =	simm.s32 $_size_execute0_lowered;
	s3 =	sadd.s32 s3, s5;
	[dreg:$0x0] =	wrdreg $0x0  }
0xa8: {  	s5 =	sshll.u32 s28, $0x1;
	[dreg:$0x2] =	wrdreg s3  }
0xa9: {  	[dreg:$0x3] =	wrdreg s5  }
0xaa: {  	[dreg:$0x4] =	wrdreg $0xC0  }
0xab: {  	_ =	task [dreg:s7], $0x5FFFF  }
0xac: {  	[dreg:$0x1] =	wrdreg $0xFFFFFFFF  }
0xad: {  	[dreg:$0x0] =	wrdreg $0x60  }
0xae: {  	[dreg:$0x2] =	wrdreg s24  }
0xaf: {  	[dreg:$0x3] =	wrdreg s2  }
0xb0: {  	[dreg:$0x4] =	wrdreg $0xCF200  }
0xb1: {  	[dreg:$0x5] =	wrdreg $0x11E200  }
0xb2: {  	[dreg:$0x6] =	wrdreg $0x9  }
0xb3: {  	_ =	task.clear_ibuf [dreg:s7], $0x7FFFF;
	_ =	strace $0x90000046  }
0xb4: {  	s29 =	simm.s32 $0x9;
	_ =	strace $0x80000048  }
0xb5: {  	_ =	swait.ge [sflag:s29], $0x1  }
0xb6: {  	[sflag:s29] =	ssyncadd.s32 $0xFFFFFFFF  }
0xb7: {  	_ =	strace $0x90000048  }
0xb8: {  	_ =	sfence  }
0xb9: {  	s30 =	sld [smem:$0x0];
	_ =	sdelay $0x2  }
0xba: {  	s31 =	sshll.u32 s1, $0xD;
	s1 =	sshrl.u32 s1, $0x2  }
0xbb: {  	s3 =	sand.u32 $0x4000, s31;
	s1 =	sadd.s32 s1, s30  }
0xbc: {  	s0 =	sor.u32 s3, s0;
	s1 =	sshll.u32 s1, $0x11  }
0xbd: {  	s0 =	sor.u32 s1, s0  }
0xbe: {  	s0 =	sadd.s32 $0x8F2B, s0  }
0xbf: {  	[sflag:s0] =	ssyncadd.remote.s32 $0x1  }
0xc0: {  	_ =	sfence.sel $0xFFFF  }
0xc1: {  	[dreg:$0x0] =	wrdreg $0xFFFFFFFF;
	(pc) =	sbr.abs _section_cstart, $3  }
0xc2: {  	[dreg:$0x1] =	wrdreg $0xFFFFFFFF  }
0xc3: {  	_ =	task.clear_ibuf [dreg:s7], $0x2FFFF;
	_ =	strace $0x9FFFFFFF  }
0xc4: {  	(tm) =	ssettm $0x7FFFFFFF  }
0xc5: {  	_ =	shalt  }
tec
execute0_lowered:
.L_overlay_start_1:
0x0: {  	(tag) =	ssettag $0x1  }
0x1: {  	s0 =	rddreg [dreg:$0x0]  }
0x2: {  	s3 =	rddreg [dreg:$0x1]  }
0x3: {  	s1 =	rddreg [dreg:$0x2]  }
0x4: {  	s2 =	rddreg [dreg:$0x3]  }
0x5: {  	s4 =	simm.s32 $0x0;
	s18 =	stileid.u32;
	s8 =	srdreg.scid  }
0x6: {  	s30 =	simm.s32 $0x7;
	s31 =	simm.s32 $0x80;
	s28 =	simm.s32 $0xA700  }
0x7: {  	s29 =	simm.s32 $0x1;
	[smem:$0x7FF] =	sst s4;
	s5 =	sadd.s32 $0x3400, s0  }
0x8: {  	s9 =	smul.u32 $0x4F00, s18;
	s6 =	sadd.s32 $0xD200, s0;
	s7 =	sadd.s32 $0xC7000, s0  }
0x9: {  	s10 =	sand.u32 $0x1, s8;
	s8 =	sadd.s32 $0x2AC00, s0;
	s13 =	sadd.s32 $0x17000, s0  }
0xa: {  	s16 =	sadd.s32 $0x2AA00, s0;
	s17 =	sadd.s32 $0x16D200, s0;
	s22 =	sshll.u32 s18, $0x6  }
0xb: {  	p0 =	sgt.u32 s18, $0x1;
	_ =	strace $0x80000047;
	[dreg:$0x5] =	wrdreg s16  }
0xc: {  	s12 =	smul.u32 $0x4F000, s10;
	[dreg:$0x6] =	wrdreg s17;
	s20 =	ssub.s32 $0x2, s10  }
0xd: {  	s16 =	sshll.u32 s18, $0x1;
	s11 =	sshrl.u32 s9, $0x3;
	s21 =	sshrl.u32 s20, $0x1  }
0xe: {  	s16 =	sor.u32 s10, s16;
	s17 =	sadd.s32 s9, s1;
	s10 =	smul.u32 $0x4E0, s10  }
0xf: {  	s14 =	sadd.s32 s11, s0;
	s19 =	sadd.s32 s9, s12;
	s11 =	smul.u32 $0x4E, s16  }
0x10: {  	s12 =	ssub.s32 s20, s21;
	[dreg:$0x7] =	wrdreg s17;
	s25 =	smul.u32 $0x4E00, s16  }
0x11: {  	s23 =	sshll.u32 s16, $0x4;
	s9 =	sadd.s32 s9, s2;
	s20 =	smul.u32 $0x9C0, s18  }
0x12: {  	s21 =	sshll.u32 s16, $0x8;
	s16 =	simm.s32 $0x4;
	s17 =	simm.s32 $0x6  }
0x13: {  	v0 =	vimm.s32 $0xEFCDAB89;
	v1 =	vimm.s32 $0x67452301;
	s15 =	sshrl.u32 s19, $0x3;
	s14 =	sadd.s32 $0x163400, s14;
	[dreg:$0xa] =	wrdreg s9  }
0x14: {  	v2 =	vimm.s32 $0xDCFE98BA;
	v3 =	vimm.s32 $0xBA98FEDC;
	s19 =	sor.u32 $0x1C08, s22;
	s24 =	sadd.s32 s23, s13;
	[dreg:$0x8] =	wrdreg s14  }
0x15: {  	v4 =	vimm.s32 $0x32107654;
	v0 =	vunpack.c.l.s4.s8 v0;
	v1 =	vunpack.c.l.s4.s8 v1;
	s0 =	sadd.s32 s15, s0;
	s26 =	sadd.s32 $0x9C00, s24;
	[dreg:$0x9] =	wrdreg s19  }
0x16: {  	v5 =	vimm.s32 $0xFEDCBA98;
	v6 =	vimm.s32 $0x76543210;
	v2 =	vunpack.c.l.s4.s8 v2;
	s3 =	sadd.s32 s3, s15;
	s9 =	sadd.s32 $0x13840, s24;
	[dreg:$0xb] =	wrdreg s26  }
0x17: {  	v3 =	vunpack.c.l.s4.s8 v3;
	v0 =	vunpack.c.0.s8.s32 v0;
	v1 =	vunpack.c.0.s8.s32 v1;
	s22 =	sadd.s32 s7, s25;
	s23 =	sadd.s32 s8, s25;
	[dreg:$0xc] =	wrdreg s3  }
0x18: {  	v4 =	vunpack.c.l.s4.s8 v4;
	v5 =	vunpack.c.l.s4.s8 v5;
	v6 =	vunpack.c.l.s4.s8 v6;
	s25 =	smax.u32 s12, $0x1;
	s12 =	simm.s32 $0xBF00;
	[dreg:$0xd] =	wrdreg s9  }
0x19: {  	v1 =	vcombine.low v1, v0;
	v0 =	vunpack.c.0.s8.s32 v2;
	v2 =	vimm.s32 $0x54761032;
	s15 =	simm.s32 $0x2;
	s14 =	simm.s32 $0x0;
	[dreg:$0xe] =	wrdreg s22  }
0x1a: {  	v3 =	vunpack.c.0.s8.s32 v3;
	v4 =	vunpack.c.0.s8.s32 v4;
	v2 =	vunpack.c.l.s4.s8 v2;
	s3 =	sadd.s32 s20, s13;
	s9 =	sor.u32 $0x9C000, s21;
	[dreg:$0xf] =	wrdreg s23  }
0x1b: {  	v5 =	vunpack.c.0.s8.s32 v5;
	s0 =	sadd.s32 $0x16D400, s0;
	[dreg:$0x13] =	wrdreg s25;
	s22 =	simm.s32 $0x7F00  }
.Ltmp0:
0x1c: {  	v4 =	vcombine.low v4, v3;
	v3 =	vunpack.c.0.s8.s32 v6;
	s23 =	simm.s32 $0x0;
	s3 =	sadd.s32 s10, s3;
	v2 =	vunpack.c.0.s8.s32 v2;
	(pc) =	sbr.rel .LBB2_1-.Ltmp0, $4  }
0x1d: {  	v7 =	vimm.f32 $0.0e+00;
	vm0 =	vcmask $0x300;
	v5 =	vand.u32 $0xF, v5;
	s24 =	sadd.s32 s7, s9;
	s9 =	sadd.s32 s8, s9;
	[dreg:$0x12] =	wrdreg s0  }
0x1e: {  	v1 =	vand.u32 $0xF, v1;
	v3 =	vcombine.low v5, v3;
	s0 =	simm.s32 $0x9700;
	s10 =	simm.s32 $0xAF00;
	[dreg:$0x10] =	wrdreg s24;
	v2 =	vcombine.low v2, v0  }
0x1f: {  	v4 =	vand.u32 $0xF, v4;
	[dreg:$0x11] =	wrdreg s9;
	s26 =	sadd.s32 $0x9C40, s3;
	s3 =	simm.s32 $0x3;
	v0 =	vsel vm0, $0x3F800000, v7;
	vm0 =	vcmask $0x704  }
0x20: {  	s9 =	simm.s32 $0x5;
	[dreg:$0x14] =	wrdreg s26;
	s26 =	simm.s32 $0x8;
	v5 =	vsel vm0, $0x3F800000, v7;
	vm0 =	vmmov $0x1;
	v2 =	vand.u32 $0xF, v2  }
.LBB2_17:
0x21: {  	[bflag:$0x0] =	sbarrier.arrive $0xFFFF  }
0x22: {  	s19 =	rddreg [dreg:$0x9]  }
0x23: {  	s13 =	rddreg [dreg:$0xc]  }
0x24: {  	s18 =	rddreg [dreg:$0x16]  }
0x25: {  	[hbm:s13], [sflag:s19] =	dma.local [spmem:s18], $0x9E0  }
0x26: {  	_ =	swait.ge [sflag:s26], $0x9E0  }
0x27: {  	[sflag:s26] =	ssyncset.done $0x0;
	s21 =	rddreg [dreg:$0x12]  }
0x28: {  	s24 =	rddreg [dreg:$0x17];
	[sflag:s26] =	ssyncadd.s32 $0xFFFFF620  }
0x29: {  	[hbm:s21], [sflag:s19] =	dma.local [spmem:s24], $0x9E0  }
0x2a: {  	_ =	swait.ge [sflag:s26], $0x9E0  }
0x2b: {  	s14 =	sadd.s32 $0x1, s14;
	s25 =	rddreg [dreg:$0x13]  }
0x2c: {  	p1 =	sne.s32 s14, s25  }
.Ltmp1:
0x2d: {  	_ = 	snop;
	(pc) =	sbr.rel @!p1 .LBB2_18-.Ltmp1, $3  }
0x2e: {  	_ =	sdelay $0x1  }
0x2f: {  	[sflag:s26] =	ssyncset.done $0x0  }
0x30: {  	[sflag:s26] =	ssyncadd.s32 $0xFFFFF620  }
.LBB2_1:
0x31: {  	[dreg:$0x15] =	wrdreg s14  }
0x32: {  	s13 =	rddreg [dreg:$0x7]  }
0x33: {  	s24 =	rddreg [dreg:$0x8];
	s21 =	sshrl.u32 s13, $0x3  }
0x34: {  	[dreg:$0x16] =	wrdreg s21  }
0x35: {  	[spmem:s21], [sflag:s19] =	dma.local [hbm:s24], $0x9E0  }
0x36: {  	_ =	swait.ge [sflag:s26], $0x9E0  }
0x37: {  	s25 =	rddreg [dreg:$0xa]  }
0x38: {  	[sflag:s26] =	ssyncset.done $0x0;
	s14 =	sshrl.u32 s25, $0x3  }
0x39: {  	[sflag:s26] =	ssyncadd.s32 $0xFFFFF620;
	[dreg:$0x17] =	wrdreg s14  }
0x3a: {  	[spmem:s14], [sflag:s19] =	dma.local [hbm:s24], $0x9E0  }
0x3b: {  	_ =	swait.ge [sflag:s26], $0x9E0  }
0x3c: {  	[sflag:s26] =	ssyncset.done $0x0  }
0x3d: {  	s18 =	simm.s32 $0xCF00;
	s14 =	rddreg [dreg:$0x5];
	[sflag:s26] =	ssyncadd.s32 $0xFFFFF620  }
0x3e: {  	[tilespmem:s18], [sflag:$0x8] =	stream.linear.gather [hbm4b:s14+s4], $0x10, $0x38;
	[tilespmem:$0x16D20] =	vst v63  }
0x3f: {  	_ =	swait.ge [sflag:s26], $0x10  }
0x40: {  	[sflag:s26] =	ssyncset.done $0x0  }
0x41: {  	s20 =	simm.s32 $0xCF10;
	s19 =	rddreg [dreg:$0x6];
	[sflag:s26] =	ssyncadd.s32 $0xFFFFFFF0  }
0x42: {  	[tilespmem:s20], [sflag:$0x8] =	stream.linear.gather [hbm4b:s19+s4], $0x10, $0x38;
	[tilespmem:$0x16D20] =	vst v63  }
0x43: {  	_ =	swait.ge [sflag:s26], $0x10  }
0x44: {  	[sflag:s26] =	ssyncset.done $0x0;
	s18 =	rddreg [dreg:$0x14]  }
0x45: {  	s21 =	simm.s32 $0x0;
	[sflag:s26] =	ssyncadd.s32 $0xFFFFFFF0;
	s24 =	sadd.s32 $0xFFFF63C0, s18  }
0x46: {  	[tilespmem:s21], [sflag:$0x7] =	stream.linear.gather [hbm4b:s24+s4], $0x80, $0x38;
	[tilespmem:$0x16D20] =	vst v63  }
0x47: {  	s13 =	simm.s32 $0x200;
	s25 =	simm.s32 $0x2780;
	s14 =	smov.u32 s18  }
0x48: {  	[tilespmem:s25], [sflag:$0x7] =	stream.linear.gather [hbm4b:s18+s4], $0x80, $0x38;
	[tilespmem:$0x16D20] =	vst v63  }
.LBB2_2:
0x49: {  	p1 =	sne.s32 s13, $0x9A00  }
.Ltmp2:
0x4a: {  	s18 =	sshra.s32 s13, $0x2;
	s14 =	sadd.s32 $0x10, s14;
	(pc) =	sbr.rel @p1 .LBB2_2-.Ltmp2, $4  }
0x4b: {  	s13 =	sadd.s32 $0x200, s13;
	s19 =	sadd.s32 $0xFFFF63C0, s14  }
0x4c: {  	[tilespmem:s18], [sflag:$0x7] =	stream.linear.gather [hbm4b:s19+s4], $0x80, $0x38;
	[tilespmem:$0x16D20] =	vst v63  }
0x4d: {  	s18 =	sadd.s32 $0x2780, s18  }
0x4e: {  	[tilespmem:s18], [sflag:$0x7] =	stream.linear.gather [hbm4b:s14+s4], $0x80, $0x38;
	[tilespmem:$0x16D20] =	vst v63  }
0x4f: {  	s13 =	simm.s32 @!p0 $0x0;
	s14 =	simm.s32 @!p0 $0x2700;
	s18 =	rddreg [dreg:$0xb]  }
0x50: {  	[tilespmem:s14], [sflag:$0x7] =	stream.linear.gather @!p0 [hbm4b:s18+s13], $0x80, $0x38;
	[tilespmem:$0x16D20] =	vst v63  }
0x51: {  	s14 =	simm.s32 @!p0 $0x4E80;
	s18 =	rddreg [dreg:$0xd]  }
0x52: {  	[tilespmem:s14], [sflag:$0x7] =	stream.linear.gather @!p0 [hbm4b:s18+s13], $0x80, $0x38;
	[tilespmem:$0x16D20] =	vst v63  }
0x53: {  	s13 =	simm.s32 @!p0 $0x7  }
0x54: {  	_ =	swait.ge @!p0 [sflag:s13], $0x80  }
0x55: {  	[sflag:s13] =	ssyncset.done @!p0 $0x0  }
0x56: {  	[sflag:s13] =	ssyncadd.s32 @!p0 $0xFFFFFF80  }
0x57: {  	_ =	swait.ge @!p0 [sflag:s13], $0x80  }
0x58: {  	[sflag:s13] =	ssyncset.done @!p0 $0x0  }
0x59: {  	[sflag:s13] =	ssyncadd.s32 @!p0 $0xFFFFFF80  }
0x5a: {  	_ =	swait.ge [sflag:s30], $0x80  }
0x5b: {  	[sflag:s30] =	ssyncset.done $0x0  }
0x5c: {  	[sflag:s30] =	ssyncadd.s32 $0xFFFFFF80  }
0x5d: {  	_ =	swait.ge [sflag:s30], $0x80  }
0x5e: {  	s13 =	simm.s32 $0x4D;
	[sflag:s30] =	ssyncset.done $0x0  }
.LBB2_4:
0x5f: {  	p1 =	sne.s32 s13, $0x1;
	s13 =	sadd.s32 $0xFFFFFFFF, s13;
	[sflag:s30] =	ssyncadd.s32 $0xFFFFFF80  }
.Ltmp3:
0x60: {  	_ =	swait.ge [sflag:s30], $0x80;
	(pc) =	sbr.rel @p1 .LBB2_4-.Ltmp3, $4  }
0x61: {  	[sflag:s30] =	ssyncset.done $0x0  }
0x62: {  	[sflag:s30] =	ssyncadd.s32 $0xFFFFFF80  }
0x63: {  	_ =	swait.ge [sflag:s30], $0x80  }
0x64: {  	[sflag:s30] =	ssyncset.done $0x0  }
0x65: {  	[sflag:s30] =	ssyncadd.s32 $0xFFFFFF80  }
0x66: {  	[bflag:$0x0] =	sbarrier.arrive $0xFFFF  }
0x67: {  	v6 =	vld [tilespmem:$0xCF00]  }
0x68: {  	s13 =	simm.s32 $0x80;
	s14 =	simm.s32 $0x0;
	v7 =	vld [tilespmem:$0xCF10]  }
.LBB2_6:
0x69: {  	p1 =	sne.s32 s13, $0x3F80;
	[tilespmem:s14+$0xAF10] =	vst v0;
	s14 =	smov.u32 s13;
	s13 =	sadd.s32 $0x80, s13  }
.Ltmp4:
0x6a: {  	(pc) =	sbr.rel @p1 .LBB2_6-.Ltmp4, $2  }
0x6b: {  	_ =	sdelay $0x2  }
0x6c: {  	s14 =	sshra.s32 s14, $0x2  }
0x6d: {  	[tilespmem:s14+$0xAF10] =	vst v0;
	s13 =	simm.s32 $0x4F00  }
0x6e: {  	[tilespmem:s13], [sflag:$0x1] =	stream.indirect.gather [hbm4b:s5+s31], $0x20, s23, s31, $0xb8;
	[tilespmem:$0x16D20] =	vst v63  }
0x6f: {  	s18 =	simm.s32 $0x2780;
	s19 =	simm.s32 $0x6F00  }
0x70: {  	[tilespmem:s19], [sflag:$0x3] =	stream.indirect.gather [hbm4b:s6+s31], $0x20, s18, s31, $0xb8;
	[tilespmem:$0x16D20] =	vst v63  }
0x71: {  	s20 =	rddreg [dreg:$0xe];
	s21 =	simm.s32 $0x8F00  }
0x72: {  	[tilespmem:s21], [sflag:$0x5] =	stream.linear.gather [hbm4b:s20+s23], $0x800, $0x38;
	[tilespmem:$0x16D20] =	vst v63  }
0x73: {  	s24 =	rddreg [dreg:$0xf];
	s25 =	simm.s32 $0x9F00  }
0x74: {  	[tilespmem:s25], [sflag:$0x5] =	stream.linear.gather [hbm4b:s24+s23], $0x800, $0x38;
	[tilespmem:$0x16D20] =	vst v63  }
0x75: {  	s24 =	simm.s32 $0x0  }
.LBB2_8:
0x76: {  	s14 =	sshllo.u32 s24, $0x1  }
0x77: {  	s18 =	simm.s32 $0x5F00;
	s13 =	sshll.u32 s14, $0x7;
	s14 =	sadd.s32 s11, s14  }
0x78: {  	[tilespmem:s18], [sflag:$0x2] =	stream.indirect.gather [hbm4b:s5+s31], $0x20, s13, s31, $0xb8;
	[tilespmem:$0x16D20] =	vst v63  }
0x79: {  	s14 =	sshll.u32 s14, $0x8  }
0x7a: {  	s25 =	sadd.s32 $0x2780, s13;
	s14 =	sand.u32 $0x1FFFFF00, s14  }
0x7b: {  	[tilespmem:s22], [sflag:$0x4] =	stream.indirect.gather [hbm4b:s6+s31], $0x20, s25, s31, $0xb8;
	[tilespmem:$0x16D20] =	vst v63  }
0x7c: {  	s21 =	sadd.s32 s7, s14  }
0x7d: {  	[tilespmem:s0], [sflag:$0x6] =	stream.linear.gather [hbm4b:s21+s23], $0x800, $0x38;
	[tilespmem:$0x16D20] =	vst v63  }
0x7e: {  	s14 =	sadd.s32 s8, s14  }
0x7f: {  	[tilespmem:s28], [sflag:$0x6] =	stream.linear.gather [hbm4b:s14+s23], $0x800, $0x38;
	[tilespmem:$0x16D20] =	vst v63  }
0x80: {  	_ =	swait.ge [sflag:s29], $0x1000  }
0x81: {  	[sflag:s29] =	ssyncset.done $0x0  }
0x82: {  	[sflag:s29] =	ssyncadd.s32 $0xFFFFF000  }
0x83: {  	_ =	swait.ge [sflag:s3], $0x1000  }
0x84: {  	[sflag:s3] =	ssyncset.done $0x0  }
0x85: {  	[sflag:s3] =	ssyncadd.s32 $0xFFFFF000  }
0x86: {  	_ =	swait.ge [sflag:s9], $0x800  }
0x87: {  	[sflag:s9] =	ssyncset.done $0x0  }
0x88: {  	[sflag:s9] =	ssyncadd.s32 $0xFFFFF800  }
0x89: {  	_ =	swait.ge [sflag:s9], $0x800  }
0x8a: {  	s19 =	sshll.u32 s24, $0x1;
	s20 =	simm.s32 $0x9F40;
	[sflag:s9] =	ssyncset.done $0x0  }
0x8b: {  	s18 =	simm.s32 $0x0;
	s14 =	simm.s32 $0x8F40;
	[sflag:s9] =	ssyncadd.s32 $0xFFFFF800  }
.LBB2_9:
0x8c: {  	s21 =	sshra.s32 s18, $0x2  }
0x8d: {  	v8 =	vld [tilespmem:s21+$0x4F10]  }
0x8e: {  	v9 =	vld [tilespmem:s21+$0x6F10];
	_ =	sdelay $0x1  }
0x8f: {  	v10 =	vld [tilespmem:s14+$0xFFFFFFD0];
	_ =	sdelay $0x2  }
0x90: {  	v8 =	vadd.f32 v9, v8;
	_ =	sdelay $0x1  }
0x91: {  	v8 =	vadd.f32 v10, v8;
	_ =	sdelay $0x1  }
0x92: {  	v54 =	vmul.f32 $2.000000030e-01, v8  }
0x93: {  	vm1 =	vgt.f32 v8, $0.0e+00  }
0x94: {  	v8 =	vsel vm1, v8, v54  }
0x95: {  	v9 =	vmul.f32 v8, v6;
	_ =	sdelay $0x1  }
0x96: {  	v55 =	vperm.xlane v9, v1;
	_ =	sdelay $0x1  }
0x97: {  	v9 =	vadd.f32 v9, v55;
	_ =	sdelay $0x1  }
0x98: {  	v10 =	vperm.xlane v9, v2;
	_ =	sdelay $0x1  }
0x99: {  	v9 =	vadd.f32 v9, v10;
	_ =	sdelay $0x1  }
0x9a: {  	v10 =	vperm.xlane v9, v4;
	_ =	sdelay $0x1  }
0x9b: {  	v9 =	vadd.f32 v9, v10;
	_ =	sdelay $0x1  }
0x9c: {  	v10 =	vperm.xlane v9, v3;
	_ =	sdelay $0x1  }
0x9d: {  	v9 =	vadd.f32 v9, v10;
	_ =	sdelay $0x1  }
0x9e: {  	v9 =	vadd.f32 v9, v7;
	_ =	sdelay $0x1  }
0x9f: {  	v9 =	vsub.f32 $0.0e+00, v9;
	_ =	sdelay $0x1  }
0xa0: {  	v9 =	vmul.f32 $1.442695020e+00, v9;
	_ =	sdelay $0x1  }
0xa1: {  	(erf) = vpow2.f32 v9;
	_ =	sdelay $0x8  }
0xa2: {  	v9 =	vpop (erf)  }
0xa3: {  	v56 =	vld [tilespmem:s21+$0x4F00];
	v9 =	vadd.f32 $1.000000000e+00, v9  }
0xa4: {  	v11 =	vld [tilespmem:s21+$0x6F00]  }
0xa5: {  	(erf) = vrcp.f32 v9  }
0xa6: {  	v57 =	vld [tilespmem:s14+$0xFFFFFFC0];
	_ =	sdelay $0x2  }
0xa7: {  	v10 =	vadd.f32 v11, v56;
	_ =	sdelay $0x1  }
0xa8: {  	v9 =	vadd.f32 v57, v10;
	_ =	sdelay $0x1  }
0xa9: {  	v10 =	vmul.f32 $2.000000030e-01, v9  }
0xaa: {  	vm1 =	vgt.f32 v9, $0.0e+00;
	v58 =	vpop (erf)  }
0xab: {  	v9 =	vsel vm1, v9, v10;
	v8 =	vmul.f32 v58, v8  }
0xac: {  	v59 =	vld [tilespmem:s21+$0x4F30];
	[tilespmem:s21+$0xAF00] =	vst v9  }
0xad: {  	v60 =	vsel vm0, v58, v5;
	[tilespmem:s21+$0xBF00] =	vst v8;
	v8 =	vld [tilespmem:s21+$0x6F30]  }
0xae: {  	[tilespmem:s21+$0xBF10] =	vst v60  }
0xaf: {  	v10 =	vld [tilespmem:s14+$0xFFFFFFF0];
	_ =	sdelay $0x2  }
0xb0: {  	v8 =	vadd.f32 v8, v59;
	_ =	sdelay $0x1  }
0xb1: {  	v8 =	vadd.f32 v10, v8;
	_ =	sdelay $0x1  }
0xb2: {  	v61 =	vmul.f32 $2.000000030e-01, v8  }
0xb3: {  	vm1 =	vgt.f32 v8, $0.0e+00  }
0xb4: {  	v8 =	vsel vm1, v8, v61  }
0xb5: {  	v9 =	vmul.f32 v8, v6;
	_ =	sdelay $0x1  }
0xb6: {  	v62 =	vperm.xlane v9, v1;
	_ =	sdelay $0x1  }
0xb7: {  	v9 =	vadd.f32 v9, v62;
	_ =	sdelay $0x1  }
0xb8: {  	v10 =	vperm.xlane v9, v2;
	_ =	sdelay $0x1  }
0xb9: {  	v9 =	vadd.f32 v9, v10;
	_ =	sdelay $0x1  }
0xba: {  	v10 =	vperm.xlane v9, v4;
	_ =	sdelay $0x1  }
0xbb: {  	v9 =	vadd.f32 v9, v10;
	_ =	sdelay $0x1  }
0xbc: {  	v10 =	vperm.xlane v9, v3;
	_ =	sdelay $0x1  }
0xbd: {  	v9 =	vadd.f32 v9, v10;
	_ =	sdelay $0x1  }
0xbe: {  	v9 =	vadd.f32 v9, v7;
	_ =	sdelay $0x1  }
0xbf: {  	v9 =	vsub.f32 $0.0e+00, v9;
	_ =	sdelay $0x1  }
0xc0: {  	v9 =	vmul.f32 $1.442695020e+00, v9;
	_ =	sdelay $0x1  }
0xc1: {  	(erf) = vpow2.f32 v9;
	_ =	sdelay $0x8  }
0xc2: {  	v9 =	vpop (erf)  }
0xc3: {  	v63 =	vld [tilespmem:s21+$0x4F20];
	v9 =	vadd.f32 $1.000000000e+00, v9  }
0xc4: {  	v12 =	vld [tilespmem:s21+$0x6F20]  }
0xc5: {  	(erf) = vrcp.f32 v9  }
0xc6: {  	v13 =	vld [tilespmem:s14+$0xFFFFFFE0];
	_ =	sdelay $0x2  }
0xc7: {  	v10 =	vadd.f32 v12, v63;
	_ =	sdelay $0x1  }
0xc8: {  	v9 =	vadd.f32 v13, v10;
	_ =	sdelay $0x1  }
0xc9: {  	v10 =	vmul.f32 $2.000000030e-01, v9  }
0xca: {  	vm1 =	vgt.f32 v9, $0.0e+00;
	v14 =	vpop (erf)  }
0xcb: {  	v9 =	vsel vm1, v9, v10;
	v8 =	vmul.f32 v14, v8  }
0xcc: {  	v15 =	vld [tilespmem:s21+$0x4F50];
	[tilespmem:s21+$0xAF20] =	vst v9  }
0xcd: {  	v16 =	vsel vm0, v14, v5;
	[tilespmem:s21+$0xBF20] =	vst v8;
	v8 =	vld [tilespmem:s21+$0x6F50]  }
0xce: {  	[tilespmem:s21+$0xBF30] =	vst v16  }
0xcf: {  	v10 =	vld [tilespmem:s14+$0x10];
	_ =	sdelay $0x2  }
0xd0: {  	v8 =	vadd.f32 v8, v15;
	_ =	sdelay $0x1  }
0xd1: {  	v8 =	vadd.f32 v10, v8;
	_ =	sdelay $0x1  }
0xd2: {  	v17 =	vmul.f32 $2.000000030e-01, v8  }
0xd3: {  	vm1 =	vgt.f32 v8, $0.0e+00  }
0xd4: {  	v8 =	vsel vm1, v8, v17  }
0xd5: {  	v9 =	vmul.f32 v8, v6;
	_ =	sdelay $0x1  }
0xd6: {  	v18 =	vperm.xlane v9, v1;
	_ =	sdelay $0x1  }
0xd7: {  	v9 =	vadd.f32 v9, v18;
	_ =	sdelay $0x1  }
0xd8: {  	v10 =	vperm.xlane v9, v2;
	_ =	sdelay $0x1  }
0xd9: {  	v9 =	vadd.f32 v9, v10;
	_ =	sdelay $0x1  }
0xda: {  	v10 =	vperm.xlane v9, v4;
	_ =	sdelay $0x1  }
0xdb: {  	v9 =	vadd.f32 v9, v10;
	_ =	sdelay $0x1  }
0xdc: {  	v10 =	vperm.xlane v9, v3;
	_ =	sdelay $0x1  }
0xdd: {  	v9 =	vadd.f32 v9, v10;
	_ =	sdelay $0x1  }
0xde: {  	v9 =	vadd.f32 v9, v7;
	_ =	sdelay $0x1  }
0xdf: {  	v9 =	vsub.f32 $0.0e+00, v9;
	_ =	sdelay $0x1  }
0xe0: {  	v9 =	vmul.f32 $1.442695020e+00, v9;
	_ =	sdelay $0x1  }
0xe1: {  	(erf) = vpow2.f32 v9;
	_ =	sdelay $0x8  }
0xe2: {  	v9 =	vpop (erf)  }
0xe3: {  	v19 =	vld [tilespmem:s21+$0x4F40];
	v9 =	vadd.f32 $1.000000000e+00, v9  }
0xe4: {  	v20 =	vld [tilespmem:s21+$0x6F40]  }
0xe5: {  	(erf) = vrcp.f32 v9  }
0xe6: {  	v21 =	vld [tilespmem:s14+$0x0];
	_ =	sdelay $0x2  }
0xe7: {  	v10 =	vadd.f32 v20, v19;
	_ =	sdelay $0x1  }
0xe8: {  	v9 =	vadd.f32 v21, v10;
	_ =	sdelay $0x1  }
0xe9: {  	v10 =	vmul.f32 $2.000000030e-01, v9  }
0xea: {  	vm1 =	vgt.f32 v9, $0.0e+00;
	v22 =	vpop (erf)  }
0xeb: {  	v9 =	vsel vm1, v9, v10;
	v8 =	vmul.f32 v22, v8  }
0xec: {  	v23 =	vld [tilespmem:s21+$0x4F70];
	[tilespmem:s21+$0xAF40] =	vst v9  }
0xed: {  	v24 =	vsel vm0, v22, v5;
	[tilespmem:s21+$0xBF40] =	vst v8;
	v8 =	vld [tilespmem:s21+$0x6F70]  }
0xee: {  	[tilespmem:s21+$0xBF50] =	vst v24  }
0xef: {  	v10 =	vld [tilespmem:s14+$0x30];
	_ =	sdelay $0x2  }
0xf0: {  	v8 =	vadd.f32 v8, v23;
	_ =	sdelay $0x1  }
0xf1: {  	v8 =	vadd.f32 v10, v8;
	_ =	sdelay $0x1  }
0xf2: {  	v25 =	vmul.f32 $2.000000030e-01, v8  }
0xf3: {  	vm1 =	vgt.f32 v8, $0.0e+00  }
0xf4: {  	v8 =	vsel vm1, v8, v25  }
0xf5: {  	v9 =	vmul.f32 v8, v6;
	_ =	sdelay $0x1  }
0xf6: {  	v26 =	vperm.xlane v9, v1;
	_ =	sdelay $0x1  }
0xf7: {  	v9 =	vadd.f32 v9, v26;
	_ =	sdelay $0x1  }
0xf8: {  	v10 =	vperm.xlane v9, v2;
	_ =	sdelay $0x1  }
0xf9: {  	v9 =	vadd.f32 v9, v10;
	_ =	sdelay $0x1  }
0xfa: {  	v10 =	vperm.xlane v9, v4;
	_ =	sdelay $0x1  }
0xfb: {  	v9 =	vadd.f32 v9, v10;
	_ =	sdelay $0x1  }
0xfc: {  	v10 =	vperm.xlane v9, v3;
	_ =	sdelay $0x1  }
0xfd: {  	v9 =	vadd.f32 v9, v10;
	_ =	sdelay $0x1  }
0xfe: {  	v9 =	vadd.f32 v9, v7;
	_ =	sdelay $0x1  }
0xff: {  	v9 =	vsub.f32 $0.0e+00, v9;
	_ =	sdelay $0x1  }
0x100: {  	v9 =	vmul.f32 $1.442695020e+00, v9;
	_ =	sdelay $0x1  }
0x101: {  	(erf) = vpow2.f32 v9;
	_ =	sdelay $0x8  }
0x102: {  	v9 =	vpop (erf)  }
0x103: {  	v27 =	vld [tilespmem:s21+$0x4F60];
	v9 =	vadd.f32 $1.000000000e+00, v9  }
0x104: {  	v28 =	vld [tilespmem:s21+$0x6F60]  }
0x105: {  	(erf) = vrcp.f32 v9  }
0x106: {  	v29 =	vld [tilespmem:s14+$0x20];
	_ =	sdelay $0x2  }
0x107: {  	v10 =	vadd.f32 v28, v27;
	_ =	sdelay $0x1  }
0x108: {  	v9 =	vadd.f32 v29, v10;
	_ =	sdelay $0x1  }
0x109: {  	v10 =	vmul.f32 $2.000000030e-01, v9  }
0x10a: {  	vm1 =	vgt.f32 v9, $0.0e+00;
	v30 =	vpop (erf)  }
0x10b: {  	v9 =	vsel vm1, v9, v10;
	v8 =	vmul.f32 v30, v8  }
0x10c: {  	v31 =	vld [tilespmem:s21+$0x4F90];
	[tilespmem:s21+$0xAF60] =	vst v9  }
0x10d: {  	v32 =	vsel vm0, v30, v5;
	[tilespmem:s21+$0xBF60] =	vst v8;
	v8 =	vld [tilespmem:s21+$0x6F90]  }
0x10e: {  	[tilespmem:s21+$0xBF70] =	vst v32  }
0x10f: {  	v10 =	vld [tilespmem:s20+$0xFFFFFFD0];
	_ =	sdelay $0x2  }
0x110: {  	v8 =	vadd.f32 v8, v31;
	_ =	sdelay $0x1  }
0x111: {  	v8 =	vadd.f32 v10, v8;
	_ =	sdelay $0x1  }
0x112: {  	v33 =	vmul.f32 $2.000000030e-01, v8  }
0x113: {  	vm1 =	vgt.f32 v8, $0.0e+00  }
0x114: {  	v8 =	vsel vm1, v8, v33  }
0x115: {  	v9 =	vmul.f32 v8, v6;
	_ =	sdelay $0x1  }
0x116: {  	v34 =	vperm.xlane v9, v1;
	_ =	sdelay $0x1  }
0x117: {  	v9 =	vadd.f32 v9, v34;
	_ =	sdelay $0x1  }
0x118: {  	v10 =	vperm.xlane v9, v2;
	_ =	sdelay $0x1  }
0x119: {  	v9 =	vadd.f32 v9, v10;
	_ =	sdelay $0x1  }
0x11a: {  	v10 =	vperm.xlane v9, v4;
	_ =	sdelay $0x1  }
0x11b: {  	v9 =	vadd.f32 v9, v10;
	_ =	sdelay $0x1  }
0x11c: {  	v10 =	vperm.xlane v9, v3;
	_ =	sdelay $0x1  }
0x11d: {  	v9 =	vadd.f32 v9, v10;
	_ =	sdelay $0x1  }
0x11e: {  	v9 =	vadd.f32 v9, v7;
	_ =	sdelay $0x1  }
0x11f: {  	v9 =	vsub.f32 $0.0e+00, v9;
	_ =	sdelay $0x1  }
0x120: {  	v9 =	vmul.f32 $1.442695020e+00, v9;
	_ =	sdelay $0x1  }
0x121: {  	(erf) = vpow2.f32 v9;
	_ =	sdelay $0x8  }
0x122: {  	v9 =	vpop (erf)  }
0x123: {  	v35 =	vld [tilespmem:s21+$0x4F80];
	v9 =	vadd.f32 $1.000000000e+00, v9  }
0x124: {  	v36 =	vld [tilespmem:s21+$0x6F80]  }
0x125: {  	(erf) = vrcp.f32 v9  }
0x126: {  	v37 =	vld [tilespmem:s20+$0xFFFFFFC0];
	_ =	sdelay $0x2  }
0x127: {  	v10 =	vadd.f32 v36, v35;
	_ =	sdelay $0x1  }
0x128: {  	v9 =	vadd.f32 v37, v10;
	_ =	sdelay $0x1  }
0x129: {  	v10 =	vmul.f32 $2.000000030e-01, v9  }
0x12a: {  	vm1 =	vgt.f32 v9, $0.0e+00;
	v38 =	vpop (erf)  }
0x12b: {  	v9 =	vsel vm1, v9, v10;
	v8 =	vmul.f32 v38, v8  }
0x12c: {  	v39 =	vld [tilespmem:s21+$0x4FB0];
	[tilespmem:s21+$0xAF80] =	vst v9  }
0x12d: {  	v40 =	vsel vm0, v38, v5;
	[tilespmem:s21+$0xBF80] =	vst v8;
	v8 =	vld [tilespmem:s21+$0x6FB0]  }
0x12e: {  	[tilespmem:s21+$0xBF90] =	vst v40  }
0x12f: {  	v10 =	vld [tilespmem:s20+$0xFFFFFFF0];
	_ =	sdelay $0x2  }
0x130: {  	v8 =	vadd.f32 v8, v39;
	_ =	sdelay $0x1  }
0x131: {  	v8 =	vadd.f32 v10, v8;
	_ =	sdelay $0x1  }
0x132: {  	v41 =	vmul.f32 $2.000000030e-01, v8  }
0x133: {  	vm1 =	vgt.f32 v8, $0.0e+00  }
0x134: {  	v8 =	vsel vm1, v8, v41  }
0x135: {  	v9 =	vmul.f32 v8, v6;
	_ =	sdelay $0x1  }
0x136: {  	v42 =	vperm.xlane v9, v1;
	_ =	sdelay $0x1  }
0x137: {  	v9 =	vadd.f32 v9, v42;
	_ =	sdelay $0x1  }
0x138: {  	v10 =	vperm.xlane v9, v2;
	_ =	sdelay $0x1  }
0x139: {  	v9 =	vadd.f32 v9, v10;
	_ =	sdelay $0x1  }
0x13a: {  	v10 =	vperm.xlane v9, v4;
	_ =	sdelay $0x1  }
0x13b: {  	v9 =	vadd.f32 v9, v10;
	_ =	sdelay $0x1  }
0x13c: {  	v10 =	vperm.xlane v9, v3;
	_ =	sdelay $0x1  }
0x13d: {  	v9 =	vadd.f32 v9, v10;
	_ =	sdelay $0x1  }
0x13e: {  	v9 =	vadd.f32 v9, v7;
	_ =	sdelay $0x1  }
0x13f: {  	v9 =	vsub.f32 $0.0e+00, v9;
	_ =	sdelay $0x1  }
0x140: {  	v9 =	vmul.f32 $1.442695020e+00, v9;
	_ =	sdelay $0x1  }
0x141: {  	(erf) = vpow2.f32 v9;
	_ =	sdelay $0x8  }
0x142: {  	v9 =	vpop (erf)  }
0x143: {  	v43 =	vld [tilespmem:s21+$0x4FA0];
	v9 =	vadd.f32 $1.000000000e+00, v9  }
0x144: {  	v44 =	vld [tilespmem:s21+$0x6FA0]  }
0x145: {  	(erf) = vrcp.f32 v9  }
0x146: {  	v45 =	vld [tilespmem:s20+$0xFFFFFFE0];
	_ =	sdelay $0x2  }
0x147: {  	v10 =	vadd.f32 v44, v43;
	_ =	sdelay $0x1  }
0x148: {  	v9 =	vadd.f32 v45, v10;
	_ =	sdelay $0x1  }
0x149: {  	v10 =	vmul.f32 $2.000000030e-01, v9  }
0x14a: {  	vm1 =	vgt.f32 v9, $0.0e+00;
	v46 =	vpop (erf)  }
0x14b: {  	v9 =	vsel vm1, v9, v10;
	v8 =	vmul.f32 v46, v8  }
0x14c: {  	v47 =	vld [tilespmem:s21+$0x4FD0];
	[tilespmem:s21+$0xAFA0] =	vst v9  }
0x14d: {  	v48 =	vsel vm0, v46, v5;
	[tilespmem:s21+$0xBFA0] =	vst v8;
	v8 =	vld [tilespmem:s21+$0x6FD0]  }
0x14e: {  	[tilespmem:s21+$0xBFB0] =	vst v48  }
0x14f: {  	v10 =	vld [tilespmem:s20+$0x10];
	_ =	sdelay $0x2  }
0x150: {  	v8 =	vadd.f32 v8, v47;
	_ =	sdelay $0x1  }
0x151: {  	v8 =	vadd.f32 v10, v8;
	_ =	sdelay $0x1  }
0x152: {  	v49 =	vmul.f32 $2.000000030e-01, v8  }
0x153: {  	vm1 =	vgt.f32 v8, $0.0e+00  }
0x154: {  	v8 =	vsel vm1, v8, v49  }
0x155: {  	v9 =	vmul.f32 v8, v6;
	_ =	sdelay $0x1  }
0x156: {  	v50 =	vperm.xlane v9, v1;
	_ =	sdelay $0x1  }
0x157: {  	v9 =	vadd.f32 v9, v50;
	_ =	sdelay $0x1  }
0x158: {  	v10 =	vperm.xlane v9, v2;
	_ =	sdelay $0x1  }
0x159: {  	v9 =	vadd.f32 v9, v10;
	_ =	sdelay $0x1  }
0x15a: {  	v10 =	vperm.xlane v9, v4;
	_ =	sdelay $0x1  }
0x15b: {  	v9 =	vadd.f32 v9, v10;
	_ =	sdelay $0x1  }
0x15c: {  	v10 =	vperm.xlane v9, v3;
	_ =	sdelay $0x1  }
0x15d: {  	v9 =	vadd.f32 v9, v10;
	_ =	sdelay $0x1  }
0x15e: {  	v9 =	vadd.f32 v9, v7;
	_ =	sdelay $0x1  }
0x15f: {  	v9 =	vsub.f32 $0.0e+00, v9;
	_ =	sdelay $0x1  }
0x160: {  	v9 =	vmul.f32 $1.442695020e+00, v9;
	_ =	sdelay $0x1  }
0x161: {  	(erf) = vpow2.f32 v9;
	_ =	sdelay $0x8  }
0x162: {  	v9 =	vpop (erf)  }
0x163: {  	v51 =	vld [tilespmem:s21+$0x4FC0];
	v9 =	vadd.f32 $1.000000000e+00, v9  }
0x164: {  	v52 =	vld [tilespmem:s21+$0x6FC0]  }
0x165: {  	(erf) = vrcp.f32 v9  }
0x166: {  	v53 =	vld [tilespmem:s20+$0x0];
	_ =	sdelay $0x2  }
0x167: {  	v10 =	vadd.f32 v52, v51;
	_ =	sdelay $0x1  }
0x168: {  	v9 =	vadd.f32 v53, v10;
	_ =	sdelay $0x1  }
0x169: {  	v10 =	vmul.f32 $2.000000030e-01, v9  }
0x16a: {  	vm1 =	vgt.f32 v9, $0.0e+00;
	v54 =	vpop (erf)  }
0x16b: {  	v9 =	vsel vm1, v9, v10;
	v8 =	vmul.f32 v54, v8  }
0x16c: {  	v55 =	vld [tilespmem:s21+$0x4FF0];
	[tilespmem:s21+$0xAFC0] =	vst v9  }
0x16d: {  	v56 =	vsel vm0, v54, v5;
	[tilespmem:s21+$0xBFC0] =	vst v8;
	v8 =	vld [tilespmem:s21+$0x6FF0]  }
0x16e: {  	[tilespmem:s21+$0xBFD0] =	vst v56  }
0x16f: {  	v10 =	vld [tilespmem:s20+$0x30];
	_ =	sdelay $0x2  }
0x170: {  	v8 =	vadd.f32 v8, v55;
	_ =	sdelay $0x1  }
0x171: {  	v8 =	vadd.f32 v10, v8;
	_ =	sdelay $0x1  }
0x172: {  	v57 =	vmul.f32 $2.000000030e-01, v8  }
0x173: {  	vm1 =	vgt.f32 v8, $0.0e+00  }
0x174: {  	v8 =	vsel vm1, v8, v57  }
0x175: {  	v9 =	vmul.f32 v8, v6;
	_ =	sdelay $0x1  }
0x176: {  	v58 =	vperm.xlane v9, v1;
	_ =	sdelay $0x1  }
0x177: {  	v9 =	vadd.f32 v9, v58;
	_ =	sdelay $0x1  }
0x178: {  	v10 =	vperm.xlane v9, v2;
	_ =	sdelay $0x1  }
0x179: {  	v9 =	vadd.f32 v9, v10;
	_ =	sdelay $0x1  }
0x17a: {  	v10 =	vperm.xlane v9, v4;
	_ =	sdelay $0x1  }
0x17b: {  	v9 =	vadd.f32 v9, v10;
	_ =	sdelay $0x1  }
0x17c: {  	v10 =	vperm.xlane v9, v3;
	_ =	sdelay $0x1  }
0x17d: {  	v9 =	vadd.f32 v9, v10;
	_ =	sdelay $0x1  }
0x17e: {  	v9 =	vadd.f32 v9, v7;
	_ =	sdelay $0x1  }
0x17f: {  	v9 =	vsub.f32 $0.0e+00, v9;
	_ =	sdelay $0x1  }
0x180: {  	v9 =	vmul.f32 $1.442695020e+00, v9;
	_ =	sdelay $0x1  }
0x181: {  	(erf) = vpow2.f32 v9;
	_ =	sdelay $0x8  }
0x182: {  	v60 =	vld [tilespmem:s21+$0x6FE0];
	v9 =	vpop (erf)  }
0x183: {  	v59 =	vld [tilespmem:s21+$0x4FE0];
	v9 =	vadd.f32 $1.000000000e+00, v9;
	_ =	sdelay $0x1  }
0x184: {  	v61 =	vld [tilespmem:s20+$0x20];
	(erf) = vrcp.f32 v9;
	_ =	sdelay $0x2  }
0x185: {  	v10 =	vadd.f32 v60, v59;
	_ =	sdelay $0x1  }
0x186: {  	v9 =	vadd.f32 v61, v10;
	_ =	sdelay $0x1  }
0x187: {  	p1 =	sne.s32 s18, $0x3C00;
	v10 =	vmul.f32 $2.000000030e-01, v9  }
.Ltmp5:
0x188: {  	vm1 =	vgt.f32 v9, $0.0e+00;
	(pc) =	sbr.rel @p1 .LBB2_9-.Ltmp5, $4  }
0x189: {  	v9 =	vsel vm1, v9, v10;
	v62 =	vpop (erf)  }
0x18a: {  	[tilespmem:s21+$0xAFE0] =	vst v9;
	v8 =	vmul.f32 v62, v8;
	v63 =	vsel vm0, v62, v5  }
0x18b: {  	[tilespmem:s21+$0xBFF0] =	vst v63  }
0x18c: {  	s18 =	sadd.s32 $0x400, s18;
	s14 =	sadd.s32 $0x80, s14;
	s20 =	sadd.s32 $0x80, s20;
	[tilespmem:s21+$0xBFE0] =	vst v8  }
0x18d: {  	s14 =	sshll.u32 s24, $0x8  }
0x18e: {  	s18 =	sadd.s32 $0x2780, s14  }
0x18f: {  	[spmem:s1] =	stream.indirect.scatter.add.f32 [tilespmem:s10], [sflag:$0x8], $0x20, s18, s31, $0xb8;
	[tilespmem:$0x16D20] =	vst v63  }
0x190: {  	_ =	swait.ge [sflag:s26], $0x1000  }
0x191: {  	[sflag:s26] =	ssyncset.done $0x0  }
0x192: {  	p1 =	seq.s32 s24, $0x26;
	[sflag:s26] =	ssyncadd.s32 $0xFFFFF000  }
0x193: {  	[spmem:s2] =	stream.indirect.scatter.add.f32 [tilespmem:s12], [sflag:$0x8], $0x20, s14, s31, $0xb8;
	[tilespmem:$0x16D20] =	vst v63  }
0x194: {  	s20 =	simm.s32 @!p1 $0x4F00;
	s14 =	sadd.s32 @!p1 $0x2, s19;
	_ =	swait.ge [sflag:s26], $0x1000  }
0x195: {  	s18 =	sshll.u32 @!p1 s14, $0x7;
	s14 =	sadd.s32 @!p1 s11, s14;
	[sflag:s26] =	ssyncset.done $0x0  }
0x196: {  	s19 =	simm.s32 @!p1 $0x80;
	s14 =	sshll.u32 @!p1 s14, $0x8;
	[sflag:s26] =	ssyncadd.s32 $0xFFFFF000  }
0x197: {  	[tilespmem:s20], [sflag:$0x1] =	stream.indirect.gather @!p1 [hbm4b:s5+s19], $0x20, s18, s19, $0xb8;
	[tilespmem:$0x16D20] =	vst v63  }
0x198: {  	s14 =	sand.u32 @!p1 $0x1FFFFE00, s14;
	s18 =	sadd.s32 @!p1 $0x2780, s18;
	s20 =	simm.s32 @!p1 $0x6F00  }
0x199: {  	[tilespmem:s20], [sflag:$0x3] =	stream.indirect.gather @!p1 [hbm4b:s6+s19], $0x20, s18, s19, $0xb8;
	[tilespmem:$0x16D20] =	vst v63  }
0x19a: {  	s18 =	sadd.s32 @!p1 s7, s14;
	s19 =	simm.s32 @!p1 $0x0;
	s20 =	simm.s32 @!p1 $0x8F00  }
0x19b: {  	[tilespmem:s20], [sflag:$0x5] =	stream.linear.gather @!p1 [hbm4b:s18+s19], $0x800, $0x38;
	[tilespmem:$0x16D20] =	vst v63  }
0x19c: {  	s14 =	sadd.s32 @!p1 s8, s14;
	s18 =	simm.s32 @!p1 $0x9F00  }
0x19d: {  	[tilespmem:s18], [sflag:$0x5] =	stream.linear.gather @!p1 [hbm4b:s14+s19], $0x800, $0x38;
	[tilespmem:$0x16D20] =	vst v63  }
0x19e: {  	_ =	swait.ge [sflag:s15], $0x1000  }
0x19f: {  	[sflag:s15] =	ssyncset.done $0x0  }
0x1a0: {  	[sflag:s15] =	ssyncadd.s32 $0xFFFFF000  }
0x1a1: {  	_ =	swait.ge [sflag:s16], $0x1000  }
0x1a2: {  	[sflag:s16] =	ssyncset.done $0x0  }
0x1a3: {  	[sflag:s16] =	ssyncadd.s32 $0xFFFFF000  }
0x1a4: {  	_ =	swait.ge [sflag:s17], $0x800  }
0x1a5: {  	[sflag:s17] =	ssyncset.done $0x0  }
0x1a6: {  	[sflag:s17] =	ssyncadd.s32 $0xFFFFF800  }
0x1a7: {  	_ =	swait.ge [sflag:s17], $0x800  }
0x1a8: {  	s19 =	simm.s32 $0x0;
	[sflag:s17] =	ssyncset.done $0x0  }
0x1a9: {  	s14 =	simm.s32 $0xA740;
	s18 =	simm.s32 $0x9740;
	[sflag:s17] =	ssyncadd.s32 $0xFFFFF800  }
.LBB2_11:
0x1aa: {  	s20 =	sshra.s32 s19, $0x2  }
0x1ab: {  	v8 =	vld [tilespmem:s20+$0x5F10]  }
0x1ac: {  	v9 =	vld [tilespmem:s20+$0x7F10];
	_ =	sdelay $0x1  }
0x1ad: {  	v10 =	vld [tilespmem:s18+$0xFFFFFFD0];
	_ =	sdelay $0x2  }
0x1ae: {  	v8 =	vadd.f32 v9, v8;
	_ =	sdelay $0x1  }
0x1af: {  	v8 =	vadd.f32 v10, v8;
	_ =	sdelay $0x1  }
0x1b0: {  	v54 =	vmul.f32 $2.000000030e-01, v8  }
0x1b1: {  	vm1 =	vgt.f32 v8, $0.0e+00  }
0x1b2: {  	v8 =	vsel vm1, v8, v54  }
0x1b3: {  	v9 =	vmul.f32 v8, v6;
	_ =	sdelay $0x1  }
0x1b4: {  	v55 =	vperm.xlane v9, v1;
	_ =	sdelay $0x1  }
0x1b5: {  	v9 =	vadd.f32 v9, v55;
	_ =	sdelay $0x1  }
0x1b6: {  	v10 =	vperm.xlane v9, v2;
	_ =	sdelay $0x1  }
0x1b7: {  	v9 =	vadd.f32 v9, v10;
	_ =	sdelay $0x1  }
0x1b8: {  	v10 =	vperm.xlane v9, v4;
	_ =	sdelay $0x1  }
0x1b9: {  	v9 =	vadd.f32 v9, v10;
	_ =	sdelay $0x1  }
0x1ba: {  	v10 =	vperm.xlane v9, v3;
	_ =	sdelay $0x1  }
0x1bb: {  	v9 =	vadd.f32 v9, v10;
	_ =	sdelay $0x1  }
0x1bc: {  	v9 =	vadd.f32 v9, v7;
	_ =	sdelay $0x1  }
0x1bd: {  	v9 =	vsub.f32 $0.0e+00, v9;
	_ =	sdelay $0x1  }
0x1be: {  	v9 =	vmul.f32 $1.442695020e+00, v9;
	_ =	sdelay $0x1  }
0x1bf: {  	(erf) = vpow2.f32 v9;
	_ =	sdelay $0x8  }
0x1c0: {  	v9 =	vpop (erf)  }
0x1c1: {  	v56 =	vld [tilespmem:s20+$0x5F00];
	v9 =	vadd.f32 $1.000000000e+00, v9  }
0x1c2: {  	v11 =	vld [tilespmem:s20+$0x7F00]  }
0x1c3: {  	(erf) = vrcp.f32 v9  }
0x1c4: {  	v57 =	vld [tilespmem:s18+$0xFFFFFFC0];
	_ =	sdelay $0x2  }
0x1c5: {  	v10 =	vadd.f32 v11, v56;
	_ =	sdelay $0x1  }
0x1c6: {  	v9 =	vadd.f32 v57, v10;
	_ =	sdelay $0x1  }
0x1c7: {  	v10 =	vmul.f32 $2.000000030e-01, v9  }
0x1c8: {  	vm1 =	vgt.f32 v9, $0.0e+00;
	v58 =	vpop (erf)  }
0x1c9: {  	v9 =	vsel vm1, v9, v10;
	v8 =	vmul.f32 v58, v8  }
0x1ca: {  	v59 =	vld [tilespmem:s20+$0x5F30];
	[tilespmem:s20+$0xAF00] =	vst v9  }
0x1cb: {  	v60 =	vsel vm0, v58, v5;
	[tilespmem:s20+$0xBF00] =	vst v8;
	v8 =	vld [tilespmem:s20+$0x7F30]  }
0x1cc: {  	[tilespmem:s20+$0xBF10] =	vst v60  }
0x1cd: {  	v10 =	vld [tilespmem:s18+$0xFFFFFFF0];
	_ =	sdelay $0x2  }
0x1ce: {  	v8 =	vadd.f32 v8, v59;
	_ =	sdelay $0x1  }
0x1cf: {  	v8 =	vadd.f32 v10, v8;
	_ =	sdelay $0x1  }
0x1d0: {  	v61 =	vmul.f32 $2.000000030e-01, v8  }
0x1d1: {  	vm1 =	vgt.f32 v8, $0.0e+00  }
0x1d2: {  	v8 =	vsel vm1, v8, v61  }
0x1d3: {  	v9 =	vmul.f32 v8, v6;
	_ =	sdelay $0x1  }
0x1d4: {  	v62 =	vperm.xlane v9, v1;
	_ =	sdelay $0x1  }
0x1d5: {  	v9 =	vadd.f32 v9, v62;
	_ =	sdelay $0x1  }
0x1d6: {  	v10 =	vperm.xlane v9, v2;
	_ =	sdelay $0x1  }
0x1d7: {  	v9 =	vadd.f32 v9, v10;
	_ =	sdelay $0x1  }
0x1d8: {  	v10 =	vperm.xlane v9, v4;
	_ =	sdelay $0x1  }
0x1d9: {  	v9 =	vadd.f32 v9, v10;
	_ =	sdelay $0x1  }
0x1da: {  	v10 =	vperm.xlane v9, v3;
	_ =	sdelay $0x1  }
0x1db: {  	v9 =	vadd.f32 v9, v10;
	_ =	sdelay $0x1  }
0x1dc: {  	v9 =	vadd.f32 v9, v7;
	_ =	sdelay $0x1  }
0x1dd: {  	v9 =	vsub.f32 $0.0e+00, v9;
	_ =	sdelay $0x1  }
0x1de: {  	v9 =	vmul.f32 $1.442695020e+00, v9;
	_ =	sdelay $0x1  }
0x1df: {  	(erf) = vpow2.f32 v9;
	_ =	sdelay $0x8  }
0x1e0: {  	v9 =	vpop (erf)  }
0x1e1: {  	v63 =	vld [tilespmem:s20+$0x5F20];
	v9 =	vadd.f32 $1.000000000e+00, v9  }
0x1e2: {  	v12 =	vld [tilespmem:s20+$0x7F20]  }
0x1e3: {  	(erf) = vrcp.f32 v9  }
0x1e4: {  	v13 =	vld [tilespmem:s18+$0xFFFFFFE0];
	_ =	sdelay $0x2  }
0x1e5: {  	v10 =	vadd.f32 v12, v63;
	_ =	sdelay $0x1  }
0x1e6: {  	v9 =	vadd.f32 v13, v10;
	_ =	sdelay $0x1  }
0x1e7: {  	v10 =	vmul.f32 $2.000000030e-01, v9  }
0x1e8: {  	vm1 =	vgt.f32 v9, $0.0e+00;
	v14 =	vpop (erf)  }
0x1e9: {  	v9 =	vsel vm1, v9, v10;
	v8 =	vmul.f32 v14, v8  }
0x1ea: {  	v15 =	vld [tilespmem:s20+$0x5F50];
	[tilespmem:s20+$0xAF20] =	vst v9  }
0x1eb: {  	v16 =	vsel vm0, v14, v5;
	[tilespmem:s20+$0xBF20] =	vst v8;
	v8 =	vld [tilespmem:s20+$0x7F50]  }
0x1ec: {  	[tilespmem:s20+$0xBF30] =	vst v16  }
0x1ed: {  	v10 =	vld [tilespmem:s18+$0x10];
	_ =	sdelay $0x2  }
0x1ee: {  	v8 =	vadd.f32 v8, v15;
	_ =	sdelay $0x1  }
0x1ef: {  	v8 =	vadd.f32 v10, v8;
	_ =	sdelay $0x1  }
0x1f0: {  	v17 =	vmul.f32 $2.000000030e-01, v8  }
0x1f1: {  	vm1 =	vgt.f32 v8, $0.0e+00  }
0x1f2: {  	v8 =	vsel vm1, v8, v17  }
0x1f3: {  	v9 =	vmul.f32 v8, v6;
	_ =	sdelay $0x1  }
0x1f4: {  	v18 =	vperm.xlane v9, v1;
	_ =	sdelay $0x1  }
0x1f5: {  	v9 =	vadd.f32 v9, v18;
	_ =	sdelay $0x1  }
0x1f6: {  	v10 =	vperm.xlane v9, v2;
	_ =	sdelay $0x1  }
0x1f7: {  	v9 =	vadd.f32 v9, v10;
	_ =	sdelay $0x1  }
0x1f8: {  	v10 =	vperm.xlane v9, v4;
	_ =	sdelay $0x1  }
0x1f9: {  	v9 =	vadd.f32 v9, v10;
	_ =	sdelay $0x1  }
0x1fa: {  	v10 =	vperm.xlane v9, v3;
	_ =	sdelay $0x1  }
0x1fb: {  	v9 =	vadd.f32 v9, v10;
	_ =	sdelay $0x1  }
0x1fc: {  	v9 =	vadd.f32 v9, v7;
	_ =	sdelay $0x1  }
0x1fd: {  	v9 =	vsub.f32 $0.0e+00, v9;
	_ =	sdelay $0x1  }
0x1fe: {  	v9 =	vmul.f32 $1.442695020e+00, v9;
	_ =	sdelay $0x1  }
0x1ff: {  	(erf) = vpow2.f32 v9;
	_ =	sdelay $0x8  }
0x200: {  	v9 =	vpop (erf)  }
0x201: {  	v19 =	vld [tilespmem:s20+$0x5F40];
	v9 =	vadd.f32 $1.000000000e+00, v9  }
0x202: {  	v20 =	vld [tilespmem:s20+$0x7F40]  }
0x203: {  	(erf) = vrcp.f32 v9  }
0x204: {  	v21 =	vld [tilespmem:s18+$0x0];
	_ =	sdelay $0x2  }
0x205: {  	v10 =	vadd.f32 v20, v19;
	_ =	sdelay $0x1  }
0x206: {  	v9 =	vadd.f32 v21, v10;
	_ =	sdelay $0x1  }
0x207: {  	v10 =	vmul.f32 $2.000000030e-01, v9  }
0x208: {  	vm1 =	vgt.f32 v9, $0.0e+00;
	v22 =	vpop (erf)  }
0x209: {  	v9 =	vsel vm1, v9, v10;
	v8 =	vmul.f32 v22, v8  }
0x20a: {  	v23 =	vld [tilespmem:s20+$0x5F70];
	[tilespmem:s20+$0xAF40] =	vst v9  }
0x20b: {  	v24 =	vsel vm0, v22, v5;
	[tilespmem:s20+$0xBF40] =	vst v8;
	v8 =	vld [tilespmem:s20+$0x7F70]  }
0x20c: {  	[tilespmem:s20+$0xBF50] =	vst v24  }
0x20d: {  	v10 =	vld [tilespmem:s18+$0x30];
	_ =	sdelay $0x2  }
0x20e: {  	v8 =	vadd.f32 v8, v23;
	_ =	sdelay $0x1  }
0x20f: {  	v8 =	vadd.f32 v10, v8;
	_ =	sdelay $0x1  }
0x210: {  	v25 =	vmul.f32 $2.000000030e-01, v8  }
0x211: {  	vm1 =	vgt.f32 v8, $0.0e+00  }
0x212: {  	v8 =	vsel vm1, v8, v25  }
0x213: {  	v9 =	vmul.f32 v8, v6;
	_ =	sdelay $0x1  }
0x214: {  	v26 =	vperm.xlane v9, v1;
	_ =	sdelay $0x1  }
0x215: {  	v9 =	vadd.f32 v9, v26;
	_ =	sdelay $0x1  }
0x216: {  	v10 =	vperm.xlane v9, v2;
	_ =	sdelay $0x1  }
0x217: {  	v9 =	vadd.f32 v9, v10;
	_ =	sdelay $0x1  }
0x218: {  	v10 =	vperm.xlane v9, v4;
	_ =	sdelay $0x1  }
0x219: {  	v9 =	vadd.f32 v9, v10;
	_ =	sdelay $0x1  }
0x21a: {  	v10 =	vperm.xlane v9, v3;
	_ =	sdelay $0x1  }
0x21b: {  	v9 =	vadd.f32 v9, v10;
	_ =	sdelay $0x1  }
0x21c: {  	v9 =	vadd.f32 v9, v7;
	_ =	sdelay $0x1  }
0x21d: {  	v9 =	vsub.f32 $0.0e+00, v9;
	_ =	sdelay $0x1  }
0x21e: {  	v9 =	vmul.f32 $1.442695020e+00, v9;
	_ =	sdelay $0x1  }
0x21f: {  	(erf) = vpow2.f32 v9;
	_ =	sdelay $0x8  }
0x220: {  	v9 =	vpop (erf)  }
0x221: {  	v27 =	vld [tilespmem:s20+$0x5F60];
	v9 =	vadd.f32 $1.000000000e+00, v9  }
0x222: {  	v28 =	vld [tilespmem:s20+$0x7F60]  }
0x223: {  	(erf) = vrcp.f32 v9  }
0x224: {  	v29 =	vld [tilespmem:s18+$0x20];
	_ =	sdelay $0x2  }
0x225: {  	v10 =	vadd.f32 v28, v27;
	_ =	sdelay $0x1  }
0x226: {  	v9 =	vadd.f32 v29, v10;
	_ =	sdelay $0x1  }
0x227: {  	v10 =	vmul.f32 $2.000000030e-01, v9  }
0x228: {  	vm1 =	vgt.f32 v9, $0.0e+00;
	v30 =	vpop (erf)  }
0x229: {  	v9 =	vsel vm1, v9, v10;
	v8 =	vmul.f32 v30, v8  }
0x22a: {  	v31 =	vld [tilespmem:s20+$0x5F90];
	[tilespmem:s20+$0xAF60] =	vst v9  }
0x22b: {  	v32 =	vsel vm0, v30, v5;
	[tilespmem:s20+$0xBF60] =	vst v8;
	v8 =	vld [tilespmem:s20+$0x7F90]  }
0x22c: {  	[tilespmem:s20+$0xBF70] =	vst v32  }
0x22d: {  	v10 =	vld [tilespmem:s14+$0xFFFFFFD0];
	_ =	sdelay $0x2  }
0x22e: {  	v8 =	vadd.f32 v8, v31;
	_ =	sdelay $0x1  }
0x22f: {  	v8 =	vadd.f32 v10, v8;
	_ =	sdelay $0x1  }
0x230: {  	v33 =	vmul.f32 $2.000000030e-01, v8  }
0x231: {  	vm1 =	vgt.f32 v8, $0.0e+00  }
0x232: {  	v8 =	vsel vm1, v8, v33  }
0x233: {  	v9 =	vmul.f32 v8, v6;
	_ =	sdelay $0x1  }
0x234: {  	v34 =	vperm.xlane v9, v1;
	_ =	sdelay $0x1  }
0x235: {  	v9 =	vadd.f32 v9, v34;
	_ =	sdelay $0x1  }
0x236: {  	v10 =	vperm.xlane v9, v2;
	_ =	sdelay $0x1  }
0x237: {  	v9 =	vadd.f32 v9, v10;
	_ =	sdelay $0x1  }
0x238: {  	v10 =	vperm.xlane v9, v4;
	_ =	sdelay $0x1  }
0x239: {  	v9 =	vadd.f32 v9, v10;
	_ =	sdelay $0x1  }
0x23a: {  	v10 =	vperm.xlane v9, v3;
	_ =	sdelay $0x1  }
0x23b: {  	v9 =	vadd.f32 v9, v10;
	_ =	sdelay $0x1  }
0x23c: {  	v9 =	vadd.f32 v9, v7;
	_ =	sdelay $0x1  }
0x23d: {  	v9 =	vsub.f32 $0.0e+00, v9;
	_ =	sdelay $0x1  }
0x23e: {  	v9 =	vmul.f32 $1.442695020e+00, v9;
	_ =	sdelay $0x1  }
0x23f: {  	(erf) = vpow2.f32 v9;
	_ =	sdelay $0x8  }
0x240: {  	v9 =	vpop (erf)  }
0x241: {  	v35 =	vld [tilespmem:s20+$0x5F80];
	v9 =	vadd.f32 $1.000000000e+00, v9  }
0x242: {  	v36 =	vld [tilespmem:s20+$0x7F80]  }
0x243: {  	(erf) = vrcp.f32 v9  }
0x244: {  	v37 =	vld [tilespmem:s14+$0xFFFFFFC0];
	_ =	sdelay $0x2  }
0x245: {  	v10 =	vadd.f32 v36, v35;
	_ =	sdelay $0x1  }
0x246: {  	v9 =	vadd.f32 v37, v10;
	_ =	sdelay $0x1  }
0x247: {  	v10 =	vmul.f32 $2.000000030e-01, v9  }
0x248: {  	vm1 =	vgt.f32 v9, $0.0e+00;
	v38 =	vpop (erf)  }
0x249: {  	v9 =	vsel vm1, v9, v10;
	v8 =	vmul.f32 v38, v8  }
0x24a: {  	v39 =	vld [tilespmem:s20+$0x5FB0];
	[tilespmem:s20+$0xAF80] =	vst v9  }
0x24b: {  	v40 =	vsel vm0, v38, v5;
	[tilespmem:s20+$0xBF80] =	vst v8;
	v8 =	vld [tilespmem:s20+$0x7FB0]  }
0x24c: {  	[tilespmem:s20+$0xBF90] =	vst v40  }
0x24d: {  	v10 =	vld [tilespmem:s14+$0xFFFFFFF0];
	_ =	sdelay $0x2  }
0x24e: {  	v8 =	vadd.f32 v8, v39;
	_ =	sdelay $0x1  }
0x24f: {  	v8 =	vadd.f32 v10, v8;
	_ =	sdelay $0x1  }
0x250: {  	v41 =	vmul.f32 $2.000000030e-01, v8  }
0x251: {  	vm1 =	vgt.f32 v8, $0.0e+00  }
0x252: {  	v8 =	vsel vm1, v8, v41  }
0x253: {  	v9 =	vmul.f32 v8, v6;
	_ =	sdelay $0x1  }
0x254: {  	v42 =	vperm.xlane v9, v1;
	_ =	sdelay $0x1  }
0x255: {  	v9 =	vadd.f32 v9, v42;
	_ =	sdelay $0x1  }
0x256: {  	v10 =	vperm.xlane v9, v2;
	_ =	sdelay $0x1  }
0x257: {  	v9 =	vadd.f32 v9, v10;
	_ =	sdelay $0x1  }
0x258: {  	v10 =	vperm.xlane v9, v4;
	_ =	sdelay $0x1  }
0x259: {  	v9 =	vadd.f32 v9, v10;
	_ =	sdelay $0x1  }
0x25a: {  	v10 =	vperm.xlane v9, v3;
	_ =	sdelay $0x1  }
0x25b: {  	v9 =	vadd.f32 v9, v10;
	_ =	sdelay $0x1  }
0x25c: {  	v9 =	vadd.f32 v9, v7;
	_ =	sdelay $0x1  }
0x25d: {  	v9 =	vsub.f32 $0.0e+00, v9;
	_ =	sdelay $0x1  }
0x25e: {  	v9 =	vmul.f32 $1.442695020e+00, v9;
	_ =	sdelay $0x1  }
0x25f: {  	(erf) = vpow2.f32 v9;
	_ =	sdelay $0x8  }
0x260: {  	v9 =	vpop (erf)  }
0x261: {  	v43 =	vld [tilespmem:s20+$0x5FA0];
	v9 =	vadd.f32 $1.000000000e+00, v9  }
0x262: {  	v44 =	vld [tilespmem:s20+$0x7FA0]  }
0x263: {  	(erf) = vrcp.f32 v9  }
0x264: {  	v45 =	vld [tilespmem:s14+$0xFFFFFFE0];
	_ =	sdelay $0x2  }
0x265: {  	v10 =	vadd.f32 v44, v43;
	_ =	sdelay $0x1  }
0x266: {  	v9 =	vadd.f32 v45, v10;
	_ =	sdelay $0x1  }
0x267: {  	v10 =	vmul.f32 $2.000000030e-01, v9  }
0x268: {  	vm1 =	vgt.f32 v9, $0.0e+00;
	v46 =	vpop (erf)  }
0x269: {  	v9 =	vsel vm1, v9, v10;
	v8 =	vmul.f32 v46, v8  }
0x26a: {  	v47 =	vld [tilespmem:s20+$0x5FD0];
	[tilespmem:s20+$0xAFA0] =	vst v9  }
0x26b: {  	v48 =	vsel vm0, v46, v5;
	[tilespmem:s20+$0xBFA0] =	vst v8;
	v8 =	vld [tilespmem:s20+$0x7FD0]  }
0x26c: {  	[tilespmem:s20+$0xBFB0] =	vst v48  }
0x26d: {  	v10 =	vld [tilespmem:s14+$0x10];
	_ =	sdelay $0x2  }
0x26e: {  	v8 =	vadd.f32 v8, v47;
	_ =	sdelay $0x1  }
0x26f: {  	v8 =	vadd.f32 v10, v8;
	_ =	sdelay $0x1  }
0x270: {  	v49 =	vmul.f32 $2.000000030e-01, v8  }
0x271: {  	vm1 =	vgt.f32 v8, $0.0e+00  }
0x272: {  	v8 =	vsel vm1, v8, v49  }
0x273: {  	v9 =	vmul.f32 v8, v6;
	_ =	sdelay $0x1  }
0x274: {  	v50 =	vperm.xlane v9, v1;
	_ =	sdelay $0x1  }
0x275: {  	v9 =	vadd.f32 v9, v50;
	_ =	sdelay $0x1  }
0x276: {  	v10 =	vperm.xlane v9, v2;
	_ =	sdelay $0x1  }
0x277: {  	v9 =	vadd.f32 v9, v10;
	_ =	sdelay $0x1  }
0x278: {  	v10 =	vperm.xlane v9, v4;
	_ =	sdelay $0x1  }
0x279: {  	v9 =	vadd.f32 v9, v10;
	_ =	sdelay $0x1  }
0x27a: {  	v10 =	vperm.xlane v9, v3;
	_ =	sdelay $0x1  }
0x27b: {  	v9 =	vadd.f32 v9, v10;
	_ =	sdelay $0x1  }
0x27c: {  	v9 =	vadd.f32 v9, v7;
	_ =	sdelay $0x1  }
0x27d: {  	v9 =	vsub.f32 $0.0e+00, v9;
	_ =	sdelay $0x1  }
0x27e: {  	v9 =	vmul.f32 $1.442695020e+00, v9;
	_ =	sdelay $0x1  }
0x27f: {  	(erf) = vpow2.f32 v9;
	_ =	sdelay $0x8  }
0x280: {  	v9 =	vpop (erf)  }
0x281: {  	v51 =	vld [tilespmem:s20+$0x5FC0];
	v9 =	vadd.f32 $1.000000000e+00, v9  }
0x282: {  	v52 =	vld [tilespmem:s20+$0x7FC0]  }
0x283: {  	(erf) = vrcp.f32 v9  }
0x284: {  	v53 =	vld [tilespmem:s14+$0x0];
	_ =	sdelay $0x2  }
0x285: {  	v10 =	vadd.f32 v52, v51;
	_ =	sdelay $0x1  }
0x286: {  	v9 =	vadd.f32 v53, v10;
	_ =	sdelay $0x1  }
0x287: {  	v10 =	vmul.f32 $2.000000030e-01, v9  }
0x288: {  	vm1 =	vgt.f32 v9, $0.0e+00;
	v54 =	vpop (erf)  }
0x289: {  	v9 =	vsel vm1, v9, v10;
	v8 =	vmul.f32 v54, v8  }
0x28a: {  	v55 =	vld [tilespmem:s20+$0x5FF0];
	[tilespmem:s20+$0xAFC0] =	vst v9  }
0x28b: {  	v56 =	vsel vm0, v54, v5;
	[tilespmem:s20+$0xBFC0] =	vst v8;
	v8 =	vld [tilespmem:s20+$0x7FF0]  }
0x28c: {  	[tilespmem:s20+$0xBFD0] =	vst v56  }
0x28d: {  	v10 =	vld [tilespmem:s14+$0x30];
	_ =	sdelay $0x2  }
0x28e: {  	v8 =	vadd.f32 v8, v55;
	_ =	sdelay $0x1  }
0x28f: {  	v8 =	vadd.f32 v10, v8;
	_ =	sdelay $0x1  }
0x290: {  	v57 =	vmul.f32 $2.000000030e-01, v8  }
0x291: {  	vm1 =	vgt.f32 v8, $0.0e+00  }
0x292: {  	v8 =	vsel vm1, v8, v57  }
0x293: {  	v9 =	vmul.f32 v8, v6;
	_ =	sdelay $0x1  }
0x294: {  	v58 =	vperm.xlane v9, v1;
	_ =	sdelay $0x1  }
0x295: {  	v9 =	vadd.f32 v9, v58;
	_ =	sdelay $0x1  }
0x296: {  	v10 =	vperm.xlane v9, v2;
	_ =	sdelay $0x1  }
0x297: {  	v9 =	vadd.f32 v9, v10;
	_ =	sdelay $0x1  }
0x298: {  	v10 =	vperm.xlane v9, v4;
	_ =	sdelay $0x1  }
0x299: {  	v9 =	vadd.f32 v9, v10;
	_ =	sdelay $0x1  }
0x29a: {  	v10 =	vperm.xlane v9, v3;
	_ =	sdelay $0x1  }
0x29b: {  	v9 =	vadd.f32 v9, v10;
	_ =	sdelay $0x1  }
0x29c: {  	v9 =	vadd.f32 v9, v7;
	_ =	sdelay $0x1  }
0x29d: {  	v9 =	vsub.f32 $0.0e+00, v9;
	_ =	sdelay $0x1  }
0x29e: {  	v9 =	vmul.f32 $1.442695020e+00, v9;
	_ =	sdelay $0x1  }
0x29f: {  	(erf) = vpow2.f32 v9;
	_ =	sdelay $0x8  }
0x2a0: {  	v60 =	vld [tilespmem:s20+$0x7FE0];
	v9 =	vpop (erf)  }
0x2a1: {  	v59 =	vld [tilespmem:s20+$0x5FE0];
	v9 =	vadd.f32 $1.000000000e+00, v9;
	_ =	sdelay $0x1  }
0x2a2: {  	v61 =	vld [tilespmem:s14+$0x20];
	(erf) = vrcp.f32 v9;
	_ =	sdelay $0x2  }
0x2a3: {  	v10 =	vadd.f32 v60, v59;
	_ =	sdelay $0x1  }
0x2a4: {  	v9 =	vadd.f32 v61, v10;
	_ =	sdelay $0x1  }
0x2a5: {  	p1 =	sne.s32 s19, $0x3C00;
	v10 =	vmul.f32 $2.000000030e-01, v9  }
.Ltmp6:
0x2a6: {  	vm1 =	vgt.f32 v9, $0.0e+00;
	(pc) =	sbr.rel @p1 .LBB2_11-.Ltmp6, $4  }
0x2a7: {  	v9 =	vsel vm1, v9, v10;
	v62 =	vpop (erf)  }
0x2a8: {  	[tilespmem:s20+$0xAFE0] =	vst v9;
	v8 =	vmul.f32 v62, v8;
	v63 =	vsel vm0, v62, v5  }
0x2a9: {  	[tilespmem:s20+$0xBFF0] =	vst v63  }
0x2aa: {  	s19 =	sadd.s32 $0x400, s19;
	s18 =	sadd.s32 $0x80, s18;
	s14 =	sadd.s32 $0x80, s14;
	[tilespmem:s20+$0xBFE0] =	vst v8  }
0x2ab: {  	[spmem:s1] =	stream.indirect.scatter.add.f32 [tilespmem:s10], [sflag:$0x8], $0x20, s25, s31, $0xb8;
	[tilespmem:$0x16D20] =	vst v63  }
0x2ac: {  	s24 =	sadd.s32 $0x1, s24;
	_ =	swait.ge [sflag:s26], $0x1000  }
0x2ad: {  	p1 =	sne.s32 s24, $0x27;
	[sflag:s26] =	ssyncset.done $0x0  }
.Ltmp7:
0x2ae: {  	[sflag:s26] =	ssyncadd.s32 $0xFFFFF000;
	(pc) =	sbr.rel @p1 .LBB2_8-.Ltmp7, $4  }
0x2af: {  	[spmem:s2] =	stream.indirect.scatter.add.f32 [tilespmem:s12], [sflag:$0x8], $0x20, s13, s31, $0xb8;
	[tilespmem:$0x16D20] =	vst v63  }
0x2b0: {  	_ =	swait.ge [sflag:s26], $0x1000  }
0x2b1: {  	[sflag:s26] =	ssyncset.done $0x0  }
0x2b2: {  	[sflag:s26] =	ssyncadd.s32 $0xFFFFF000  }
.Ltmp8:
0x2b3: {  	(pc) =	sbr.rel @p0 .LBB2_17-.Ltmp8, $2  }
0x2b4: {  	_ =	sdelay $0x2  }
0x2b5: {  	s14 =	rddreg [dreg:$0x15]  }
0x2b6: {  	s13 =	simm.s32 $0x4F00;
	s14 =	simm.s32 $0x2700  }
0x2b7: {  	[tilespmem:s13], [sflag:$0x1] =	stream.indirect.gather [hbm4b:s5+s31], $0x20, s14, s31, $0xb8;
	[tilespmem:$0x16D20] =	vst v63  }
0x2b8: {  	s19 =	simm.s32 $0x6F00;
	s20 =	simm.s32 $0x4E80  }
0x2b9: {  	[tilespmem:s19], [sflag:$0x3] =	stream.indirect.gather [hbm4b:s6+s31], $0x20, s20, s31, $0xb8;
	[tilespmem:$0x16D20] =	vst v63  }
0x2ba: {  	s21 =	rddreg [dreg:$0x10];
	s18 =	simm.s32 $0x8F00;
	s13 =	simm.s32 $0x0  }
0x2bb: {  	[tilespmem:s18], [sflag:$0x5] =	stream.linear.gather [hbm4b:s21+s13], $0x800, $0x38;
	[tilespmem:$0x16D20] =	vst v63  }
0x2bc: {  	s24 =	rddreg [dreg:$0x11];
	s25 =	simm.s32 $0x9F00  }
0x2bd: {  	[tilespmem:s25], [sflag:$0x5] =	stream.linear.gather [hbm4b:s24+s13], $0x800, $0x38;
	[tilespmem:$0x16D20] =	vst v63  }
0x2be: {  	_ =	swait.ge [sflag:s29], $0x1000  }
0x2bf: {  	[sflag:s29] =	ssyncset.done $0x0  }
0x2c0: {  	[sflag:s29] =	ssyncadd.s32 $0xFFFFF000  }
0x2c1: {  	_ =	swait.ge [sflag:s3], $0x1000  }
0x2c2: {  	[sflag:s3] =	ssyncset.done $0x0  }
0x2c3: {  	[sflag:s3] =	ssyncadd.s32 $0xFFFFF000  }
0x2c4: {  	_ =	swait.ge [sflag:s9], $0x800  }
0x2c5: {  	[sflag:s9] =	ssyncset.done $0x0  }
0x2c6: {  	[sflag:s9] =	ssyncadd.s32 $0xFFFFF800  }
0x2c7: {  	_ =	swait.ge [sflag:s9], $0x800  }
0x2c8: {  	[sflag:s9] =	ssyncset.done $0x0  }
0x2c9: {  	s14 =	simm.s32 $0x9F40;
	s18 =	simm.s32 $0x8F40;
	[sflag:s9] =	ssyncadd.s32 $0xFFFFF800  }
.LBB2_15:
0x2ca: {  	s19 =	sshra.s32 s13, $0x2  }
0x2cb: {  	v8 =	vld [tilespmem:s19+$0x4F10]  }
0x2cc: {  	v9 =	vld [tilespmem:s19+$0x6F10];
	_ =	sdelay $0x1  }
0x2cd: {  	v10 =	vld [tilespmem:s18+$0xFFFFFFD0];
	_ =	sdelay $0x2  }
0x2ce: {  	v8 =	vadd.f32 v9, v8;
	_ =	sdelay $0x1  }
0x2cf: {  	v8 =	vadd.f32 v10, v8;
	_ =	sdelay $0x1  }
0x2d0: {  	v54 =	vmul.f32 $2.000000030e-01, v8  }
0x2d1: {  	vm1 =	vgt.f32 v8, $0.0e+00  }
0x2d2: {  	v8 =	vsel vm1, v8, v54  }
0x2d3: {  	v9 =	vmul.f32 v8, v6;
	_ =	sdelay $0x1  }
0x2d4: {  	v55 =	vperm.xlane v9, v1;
	_ =	sdelay $0x1  }
0x2d5: {  	v9 =	vadd.f32 v9, v55;
	_ =	sdelay $0x1  }
0x2d6: {  	v10 =	vperm.xlane v9, v2;
	_ =	sdelay $0x1  }
0x2d7: {  	v9 =	vadd.f32 v9, v10;
	_ =	sdelay $0x1  }
0x2d8: {  	v10 =	vperm.xlane v9, v4;
	_ =	sdelay $0x1  }
0x2d9: {  	v9 =	vadd.f32 v9, v10;
	_ =	sdelay $0x1  }
0x2da: {  	v10 =	vperm.xlane v9, v3;
	_ =	sdelay $0x1  }
0x2db: {  	v9 =	vadd.f32 v9, v10;
	_ =	sdelay $0x1  }
0x2dc: {  	v9 =	vadd.f32 v9, v7;
	_ =	sdelay $0x1  }
0x2dd: {  	v9 =	vsub.f32 $0.0e+00, v9;
	_ =	sdelay $0x1  }
0x2de: {  	v9 =	vmul.f32 $1.442695020e+00, v9;
	_ =	sdelay $0x1  }
0x2df: {  	(erf) = vpow2.f32 v9;
	_ =	sdelay $0x8  }
0x2e0: {  	v9 =	vpop (erf)  }
0x2e1: {  	v56 =	vld [tilespmem:s19+$0x4F00];
	v9 =	vadd.f32 $1.000000000e+00, v9  }
0x2e2: {  	v11 =	vld [tilespmem:s19+$0x6F00]  }
0x2e3: {  	(erf) = vrcp.f32 v9  }
0x2e4: {  	v57 =	vld [tilespmem:s18+$0xFFFFFFC0];
	_ =	sdelay $0x2  }
0x2e5: {  	v10 =	vadd.f32 v11, v56;
	_ =	sdelay $0x1  }
0x2e6: {  	v9 =	vadd.f32 v57, v10;
	_ =	sdelay $0x1  }
0x2e7: {  	v10 =	vmul.f32 $2.000000030e-01, v9  }
0x2e8: {  	vm1 =	vgt.f32 v9, $0.0e+00;
	v58 =	vpop (erf)  }
0x2e9: {  	v9 =	vsel vm1, v9, v10;
	v8 =	vmul.f32 v58, v8  }
0x2ea: {  	v59 =	vld [tilespmem:s19+$0x4F30];
	[tilespmem:s19+$0xAF00] =	vst v9  }
0x2eb: {  	v60 =	vsel vm0, v58, v5;
	[tilespmem:s19+$0xBF00] =	vst v8;
	v8 =	vld [tilespmem:s19+$0x6F30]  }
0x2ec: {  	[tilespmem:s19+$0xBF10] =	vst v60  }
0x2ed: {  	v10 =	vld [tilespmem:s18+$0xFFFFFFF0];
	_ =	sdelay $0x2  }
0x2ee: {  	v8 =	vadd.f32 v8, v59;
	_ =	sdelay $0x1  }
0x2ef: {  	v8 =	vadd.f32 v10, v8;
	_ =	sdelay $0x1  }
0x2f0: {  	v61 =	vmul.f32 $2.000000030e-01, v8  }
0x2f1: {  	vm1 =	vgt.f32 v8, $0.0e+00  }
0x2f2: {  	v8 =	vsel vm1, v8, v61  }
0x2f3: {  	v9 =	vmul.f32 v8, v6;
	_ =	sdelay $0x1  }
0x2f4: {  	v62 =	vperm.xlane v9, v1;
	_ =	sdelay $0x1  }
0x2f5: {  	v9 =	vadd.f32 v9, v62;
	_ =	sdelay $0x1  }
0x2f6: {  	v10 =	vperm.xlane v9, v2;
	_ =	sdelay $0x1  }
0x2f7: {  	v9 =	vadd.f32 v9, v10;
	_ =	sdelay $0x1  }
0x2f8: {  	v10 =	vperm.xlane v9, v4;
	_ =	sdelay $0x1  }
0x2f9: {  	v9 =	vadd.f32 v9, v10;
	_ =	sdelay $0x1  }
0x2fa: {  	v10 =	vperm.xlane v9, v3;
	_ =	sdelay $0x1  }
0x2fb: {  	v9 =	vadd.f32 v9, v10;
	_ =	sdelay $0x1  }
0x2fc: {  	v9 =	vadd.f32 v9, v7;
	_ =	sdelay $0x1  }
0x2fd: {  	v9 =	vsub.f32 $0.0e+00, v9;
	_ =	sdelay $0x1  }
0x2fe: {  	v9 =	vmul.f32 $1.442695020e+00, v9;
	_ =	sdelay $0x1  }
0x2ff: {  	(erf) = vpow2.f32 v9;
	_ =	sdelay $0x8  }
0x300: {  	v9 =	vpop (erf)  }
0x301: {  	v63 =	vld [tilespmem:s19+$0x4F20];
	v9 =	vadd.f32 $1.000000000e+00, v9  }
0x302: {  	v12 =	vld [tilespmem:s19+$0x6F20]  }
0x303: {  	(erf) = vrcp.f32 v9  }
0x304: {  	v13 =	vld [tilespmem:s18+$0xFFFFFFE0];
	_ =	sdelay $0x2  }
0x305: {  	v10 =	vadd.f32 v12, v63;
	_ =	sdelay $0x1  }
0x306: {  	v9 =	vadd.f32 v13, v10;
	_ =	sdelay $0x1  }
0x307: {  	v10 =	vmul.f32 $2.000000030e-01, v9  }
0x308: {  	vm1 =	vgt.f32 v9, $0.0e+00;
	v14 =	vpop (erf)  }
0x309: {  	v9 =	vsel vm1, v9, v10;
	v8 =	vmul.f32 v14, v8  }
0x30a: {  	v15 =	vld [tilespmem:s19+$0x4F50];
	[tilespmem:s19+$0xAF20] =	vst v9  }
0x30b: {  	v16 =	vsel vm0, v14, v5;
	[tilespmem:s19+$0xBF20] =	vst v8;
	v8 =	vld [tilespmem:s19+$0x6F50]  }
0x30c: {  	[tilespmem:s19+$0xBF30] =	vst v16  }
0x30d: {  	v10 =	vld [tilespmem:s18+$0x10];
	_ =	sdelay $0x2  }
0x30e: {  	v8 =	vadd.f32 v8, v15;
	_ =	sdelay $0x1  }
0x30f: {  	v8 =	vadd.f32 v10, v8;
	_ =	sdelay $0x1  }
0x310: {  	v17 =	vmul.f32 $2.000000030e-01, v8  }
0x311: {  	vm1 =	vgt.f32 v8, $0.0e+00  }
0x312: {  	v8 =	vsel vm1, v8, v17  }
0x313: {  	v9 =	vmul.f32 v8, v6;
	_ =	sdelay $0x1  }
0x314: {  	v18 =	vperm.xlane v9, v1;
	_ =	sdelay $0x1  }
0x315: {  	v9 =	vadd.f32 v9, v18;
	_ =	sdelay $0x1  }
0x316: {  	v10 =	vperm.xlane v9, v2;
	_ =	sdelay $0x1  }
0x317: {  	v9 =	vadd.f32 v9, v10;
	_ =	sdelay $0x1  }
0x318: {  	v10 =	vperm.xlane v9, v4;
	_ =	sdelay $0x1  }
0x319: {  	v9 =	vadd.f32 v9, v10;
	_ =	sdelay $0x1  }
0x31a: {  	v10 =	vperm.xlane v9, v3;
	_ =	sdelay $0x1  }
0x31b: {  	v9 =	vadd.f32 v9, v10;
	_ =	sdelay $0x1  }
0x31c: {  	v9 =	vadd.f32 v9, v7;
	_ =	sdelay $0x1  }
0x31d: {  	v9 =	vsub.f32 $0.0e+00, v9;
	_ =	sdelay $0x1  }
0x31e: {  	v9 =	vmul.f32 $1.442695020e+00, v9;
	_ =	sdelay $0x1  }
0x31f: {  	(erf) = vpow2.f32 v9;
	_ =	sdelay $0x8  }
0x320: {  	v9 =	vpop (erf)  }
0x321: {  	v19 =	vld [tilespmem:s19+$0x4F40];
	v9 =	vadd.f32 $1.000000000e+00, v9  }
0x322: {  	v20 =	vld [tilespmem:s19+$0x6F40]  }
0x323: {  	(erf) = vrcp.f32 v9  }
0x324: {  	v21 =	vld [tilespmem:s18+$0x0];
	_ =	sdelay $0x2  }
0x325: {  	v10 =	vadd.f32 v20, v19;
	_ =	sdelay $0x1  }
0x326: {  	v9 =	vadd.f32 v21, v10;
	_ =	sdelay $0x1  }
0x327: {  	v10 =	vmul.f32 $2.000000030e-01, v9  }
0x328: {  	vm1 =	vgt.f32 v9, $0.0e+00;
	v22 =	vpop (erf)  }
0x329: {  	v9 =	vsel vm1, v9, v10;
	v8 =	vmul.f32 v22, v8  }
0x32a: {  	v23 =	vld [tilespmem:s19+$0x4F70];
	[tilespmem:s19+$0xAF40] =	vst v9  }
0x32b: {  	v24 =	vsel vm0, v22, v5;
	[tilespmem:s19+$0xBF40] =	vst v8;
	v8 =	vld [tilespmem:s19+$0x6F70]  }
0x32c: {  	[tilespmem:s19+$0xBF50] =	vst v24  }
0x32d: {  	v10 =	vld [tilespmem:s18+$0x30];
	_ =	sdelay $0x2  }
0x32e: {  	v8 =	vadd.f32 v8, v23;
	_ =	sdelay $0x1  }
0x32f: {  	v8 =	vadd.f32 v10, v8;
	_ =	sdelay $0x1  }
0x330: {  	v25 =	vmul.f32 $2.000000030e-01, v8  }
0x331: {  	vm1 =	vgt.f32 v8, $0.0e+00  }
0x332: {  	v8 =	vsel vm1, v8, v25  }
0x333: {  	v9 =	vmul.f32 v8, v6;
	_ =	sdelay $0x1  }
0x334: {  	v26 =	vperm.xlane v9, v1;
	_ =	sdelay $0x1  }
0x335: {  	v9 =	vadd.f32 v9, v26;
	_ =	sdelay $0x1  }
0x336: {  	v10 =	vperm.xlane v9, v2;
	_ =	sdelay $0x1  }
0x337: {  	v9 =	vadd.f32 v9, v10;
	_ =	sdelay $0x1  }
0x338: {  	v10 =	vperm.xlane v9, v4;
	_ =	sdelay $0x1  }
0x339: {  	v9 =	vadd.f32 v9, v10;
	_ =	sdelay $0x1  }
0x33a: {  	v10 =	vperm.xlane v9, v3;
	_ =	sdelay $0x1  }
0x33b: {  	v9 =	vadd.f32 v9, v10;
	_ =	sdelay $0x1  }
0x33c: {  	v9 =	vadd.f32 v9, v7;
	_ =	sdelay $0x1  }
0x33d: {  	v9 =	vsub.f32 $0.0e+00, v9;
	_ =	sdelay $0x1  }
0x33e: {  	v9 =	vmul.f32 $1.442695020e+00, v9;
	_ =	sdelay $0x1  }
0x33f: {  	(erf) = vpow2.f32 v9;
	_ =	sdelay $0x8  }
0x340: {  	v9 =	vpop (erf)  }
0x341: {  	v27 =	vld [tilespmem:s19+$0x4F60];
	v9 =	vadd.f32 $1.000000000e+00, v9  }
0x342: {  	v28 =	vld [tilespmem:s19+$0x6F60]  }
0x343: {  	(erf) = vrcp.f32 v9  }
0x344: {  	v29 =	vld [tilespmem:s18+$0x20];
	_ =	sdelay $0x2  }
0x345: {  	v10 =	vadd.f32 v28, v27;
	_ =	sdelay $0x1  }
0x346: {  	v9 =	vadd.f32 v29, v10;
	_ =	sdelay $0x1  }
0x347: {  	v10 =	vmul.f32 $2.000000030e-01, v9  }
0x348: {  	vm1 =	vgt.f32 v9, $0.0e+00;
	v30 =	vpop (erf)  }
0x349: {  	v9 =	vsel vm1, v9, v10;
	v8 =	vmul.f32 v30, v8  }
0x34a: {  	v31 =	vld [tilespmem:s19+$0x4F90];
	[tilespmem:s19+$0xAF60] =	vst v9  }
0x34b: {  	v32 =	vsel vm0, v30, v5;
	[tilespmem:s19+$0xBF60] =	vst v8;
	v8 =	vld [tilespmem:s19+$0x6F90]  }
0x34c: {  	[tilespmem:s19+$0xBF70] =	vst v32  }
0x34d: {  	v10 =	vld [tilespmem:s14+$0xFFFFFFD0];
	_ =	sdelay $0x2  }
0x34e: {  	v8 =	vadd.f32 v8, v31;
	_ =	sdelay $0x1  }
0x34f: {  	v8 =	vadd.f32 v10, v8;
	_ =	sdelay $0x1  }
0x350: {  	v33 =	vmul.f32 $2.000000030e-01, v8  }
0x351: {  	vm1 =	vgt.f32 v8, $0.0e+00  }
0x352: {  	v8 =	vsel vm1, v8, v33  }
0x353: {  	v9 =	vmul.f32 v8, v6;
	_ =	sdelay $0x1  }
0x354: {  	v34 =	vperm.xlane v9, v1;
	_ =	sdelay $0x1  }
0x355: {  	v9 =	vadd.f32 v9, v34;
	_ =	sdelay $0x1  }
0x356: {  	v10 =	vperm.xlane v9, v2;
	_ =	sdelay $0x1  }
0x357: {  	v9 =	vadd.f32 v9, v10;
	_ =	sdelay $0x1  }
0x358: {  	v10 =	vperm.xlane v9, v4;
	_ =	sdelay $0x1  }
0x359: {  	v9 =	vadd.f32 v9, v10;
	_ =	sdelay $0x1  }
0x35a: {  	v10 =	vperm.xlane v9, v3;
	_ =	sdelay $0x1  }
0x35b: {  	v9 =	vadd.f32 v9, v10;
	_ =	sdelay $0x1  }
0x35c: {  	v9 =	vadd.f32 v9, v7;
	_ =	sdelay $0x1  }
0x35d: {  	v9 =	vsub.f32 $0.0e+00, v9;
	_ =	sdelay $0x1  }
0x35e: {  	v9 =	vmul.f32 $1.442695020e+00, v9;
	_ =	sdelay $0x1  }
0x35f: {  	(erf) = vpow2.f32 v9;
	_ =	sdelay $0x8  }
0x360: {  	v9 =	vpop (erf)  }
0x361: {  	v35 =	vld [tilespmem:s19+$0x4F80];
	v9 =	vadd.f32 $1.000000000e+00, v9  }
0x362: {  	v36 =	vld [tilespmem:s19+$0x6F80]  }
0x363: {  	(erf) = vrcp.f32 v9  }
0x364: {  	v37 =	vld [tilespmem:s14+$0xFFFFFFC0];
	_ =	sdelay $0x2  }
0x365: {  	v10 =	vadd.f32 v36, v35;
	_ =	sdelay $0x1  }
0x366: {  	v9 =	vadd.f32 v37, v10;
	_ =	sdelay $0x1  }
0x367: {  	v10 =	vmul.f32 $2.000000030e-01, v9  }
0x368: {  	vm1 =	vgt.f32 v9, $0.0e+00;
	v38 =	vpop (erf)  }
0x369: {  	v9 =	vsel vm1, v9, v10;
	v8 =	vmul.f32 v38, v8  }
0x36a: {  	v39 =	vld [tilespmem:s19+$0x4FB0];
	[tilespmem:s19+$0xAF80] =	vst v9  }
0x36b: {  	v40 =	vsel vm0, v38, v5;
	[tilespmem:s19+$0xBF80] =	vst v8;
	v8 =	vld [tilespmem:s19+$0x6FB0]  }
0x36c: {  	[tilespmem:s19+$0xBF90] =	vst v40  }
0x36d: {  	v10 =	vld [tilespmem:s14+$0xFFFFFFF0];
	_ =	sdelay $0x2  }
0x36e: {  	v8 =	vadd.f32 v8, v39;
	_ =	sdelay $0x1  }
0x36f: {  	v8 =	vadd.f32 v10, v8;
	_ =	sdelay $0x1  }
0x370: {  	v41 =	vmul.f32 $2.000000030e-01, v8  }
0x371: {  	vm1 =	vgt.f32 v8, $0.0e+00  }
0x372: {  	v8 =	vsel vm1, v8, v41  }
0x373: {  	v9 =	vmul.f32 v8, v6;
	_ =	sdelay $0x1  }
0x374: {  	v42 =	vperm.xlane v9, v1;
	_ =	sdelay $0x1  }
0x375: {  	v9 =	vadd.f32 v9, v42;
	_ =	sdelay $0x1  }
0x376: {  	v10 =	vperm.xlane v9, v2;
	_ =	sdelay $0x1  }
0x377: {  	v9 =	vadd.f32 v9, v10;
	_ =	sdelay $0x1  }
0x378: {  	v10 =	vperm.xlane v9, v4;
	_ =	sdelay $0x1  }
0x379: {  	v9 =	vadd.f32 v9, v10;
	_ =	sdelay $0x1  }
0x37a: {  	v10 =	vperm.xlane v9, v3;
	_ =	sdelay $0x1  }
0x37b: {  	v9 =	vadd.f32 v9, v10;
	_ =	sdelay $0x1  }
0x37c: {  	v9 =	vadd.f32 v9, v7;
	_ =	sdelay $0x1  }
0x37d: {  	v9 =	vsub.f32 $0.0e+00, v9;
	_ =	sdelay $0x1  }
0x37e: {  	v9 =	vmul.f32 $1.442695020e+00, v9;
	_ =	sdelay $0x1  }
0x37f: {  	(erf) = vpow2.f32 v9;
	_ =	sdelay $0x8  }
0x380: {  	v9 =	vpop (erf)  }
0x381: {  	v43 =	vld [tilespmem:s19+$0x4FA0];
	v9 =	vadd.f32 $1.000000000e+00, v9  }
0x382: {  	v44 =	vld [tilespmem:s19+$0x6FA0]  }
0x383: {  	(erf) = vrcp.f32 v9  }
0x384: {  	v45 =	vld [tilespmem:s14+$0xFFFFFFE0];
	_ =	sdelay $0x2  }
0x385: {  	v10 =	vadd.f32 v44, v43;
	_ =	sdelay $0x1  }
0x386: {  	v9 =	vadd.f32 v45, v10;
	_ =	sdelay $0x1  }
0x387: {  	v10 =	vmul.f32 $2.000000030e-01, v9  }
0x388: {  	vm1 =	vgt.f32 v9, $0.0e+00;
	v46 =	vpop (erf)  }
0x389: {  	v9 =	vsel vm1, v9, v10;
	v8 =	vmul.f32 v46, v8  }
0x38a: {  	v47 =	vld [tilespmem:s19+$0x4FD0];
	[tilespmem:s19+$0xAFA0] =	vst v9  }
0x38b: {  	v48 =	vsel vm0, v46, v5;
	[tilespmem:s19+$0xBFA0] =	vst v8;
	v8 =	vld [tilespmem:s19+$0x6FD0]  }
0x38c: {  	[tilespmem:s19+$0xBFB0] =	vst v48  }
0x38d: {  	v10 =	vld [tilespmem:s14+$0x10];
	_ =	sdelay $0x2  }
0x38e: {  	v8 =	vadd.f32 v8, v47;
	_ =	sdelay $0x1  }
0x38f: {  	v8 =	vadd.f32 v10, v8;
	_ =	sdelay $0x1  }
0x390: {  	v49 =	vmul.f32 $2.000000030e-01, v8  }
0x391: {  	vm1 =	vgt.f32 v8, $0.0e+00  }
0x392: {  	v8 =	vsel vm1, v8, v49  }
0x393: {  	v9 =	vmul.f32 v8, v6;
	_ =	sdelay $0x1  }
0x394: {  	v50 =	vperm.xlane v9, v1;
	_ =	sdelay $0x1  }
0x395: {  	v9 =	vadd.f32 v9, v50;
	_ =	sdelay $0x1  }
0x396: {  	v10 =	vperm.xlane v9, v2;
	_ =	sdelay $0x1  }
0x397: {  	v9 =	vadd.f32 v9, v10;
	_ =	sdelay $0x1  }
0x398: {  	v10 =	vperm.xlane v9, v4;
	_ =	sdelay $0x1  }
0x399: {  	v9 =	vadd.f32 v9, v10;
	_ =	sdelay $0x1  }
0x39a: {  	v10 =	vperm.xlane v9, v3;
	_ =	sdelay $0x1  }
0x39b: {  	v9 =	vadd.f32 v9, v10;
	_ =	sdelay $0x1  }
0x39c: {  	v9 =	vadd.f32 v9, v7;
	_ =	sdelay $0x1  }
0x39d: {  	v9 =	vsub.f32 $0.0e+00, v9;
	_ =	sdelay $0x1  }
0x39e: {  	v9 =	vmul.f32 $1.442695020e+00, v9;
	_ =	sdelay $0x1  }
0x39f: {  	(erf) = vpow2.f32 v9;
	_ =	sdelay $0x8  }
0x3a0: {  	v9 =	vpop (erf)  }
0x3a1: {  	v51 =	vld [tilespmem:s19+$0x4FC0];
	v9 =	vadd.f32 $1.000000000e+00, v9  }
0x3a2: {  	v52 =	vld [tilespmem:s19+$0x6FC0]  }
0x3a3: {  	(erf) = vrcp.f32 v9  }
0x3a4: {  	v53 =	vld [tilespmem:s14+$0x0];
	_ =	sdelay $0x2  }
0x3a5: {  	v10 =	vadd.f32 v52, v51;
	_ =	sdelay $0x1  }
0x3a6: {  	v9 =	vadd.f32 v53, v10;
	_ =	sdelay $0x1  }
0x3a7: {  	v10 =	vmul.f32 $2.000000030e-01, v9  }
0x3a8: {  	vm1 =	vgt.f32 v9, $0.0e+00;
	v54 =	vpop (erf)  }
0x3a9: {  	v9 =	vsel vm1, v9, v10;
	v8 =	vmul.f32 v54, v8  }
0x3aa: {  	v55 =	vld [tilespmem:s19+$0x4FF0];
	[tilespmem:s19+$0xAFC0] =	vst v9  }
0x3ab: {  	v56 =	vsel vm0, v54, v5;
	[tilespmem:s19+$0xBFC0] =	vst v8;
	v8 =	vld [tilespmem:s19+$0x6FF0]  }
0x3ac: {  	[tilespmem:s19+$0xBFD0] =	vst v56  }
0x3ad: {  	v10 =	vld [tilespmem:s14+$0x30];
	_ =	sdelay $0x2  }
0x3ae: {  	v8 =	vadd.f32 v8, v55;
	_ =	sdelay $0x1  }
0x3af: {  	v8 =	vadd.f32 v10, v8;
	_ =	sdelay $0x1  }
0x3b0: {  	v57 =	vmul.f32 $2.000000030e-01, v8  }
0x3b1: {  	vm1 =	vgt.f32 v8, $0.0e+00  }
0x3b2: {  	v8 =	vsel vm1, v8, v57  }
0x3b3: {  	v9 =	vmul.f32 v8, v6;
	_ =	sdelay $0x1  }
0x3b4: {  	v58 =	vperm.xlane v9, v1;
	_ =	sdelay $0x1  }
0x3b5: {  	v9 =	vadd.f32 v9, v58;
	_ =	sdelay $0x1  }
0x3b6: {  	v10 =	vperm.xlane v9, v2;
	_ =	sdelay $0x1  }
0x3b7: {  	v9 =	vadd.f32 v9, v10;
	_ =	sdelay $0x1  }
0x3b8: {  	v10 =	vperm.xlane v9, v4;
	_ =	sdelay $0x1  }
0x3b9: {  	v9 =	vadd.f32 v9, v10;
	_ =	sdelay $0x1  }
0x3ba: {  	v10 =	vperm.xlane v9, v3;
	_ =	sdelay $0x1  }
0x3bb: {  	v9 =	vadd.f32 v9, v10;
	_ =	sdelay $0x1  }
0x3bc: {  	v9 =	vadd.f32 v9, v7;
	_ =	sdelay $0x1  }
0x3bd: {  	v9 =	vsub.f32 $0.0e+00, v9;
	_ =	sdelay $0x1  }
0x3be: {  	v9 =	vmul.f32 $1.442695020e+00, v9;
	_ =	sdelay $0x1  }
0x3bf: {  	(erf) = vpow2.f32 v9;
	_ =	sdelay $0x8  }
0x3c0: {  	v60 =	vld [tilespmem:s19+$0x6FE0];
	v9 =	vpop (erf)  }
0x3c1: {  	v59 =	vld [tilespmem:s19+$0x4FE0];
	v9 =	vadd.f32 $1.000000000e+00, v9;
	_ =	sdelay $0x1  }
0x3c2: {  	v61 =	vld [tilespmem:s14+$0x20];
	(erf) = vrcp.f32 v9;
	_ =	sdelay $0x2  }
0x3c3: {  	v10 =	vadd.f32 v60, v59;
	_ =	sdelay $0x1  }
0x3c4: {  	v9 =	vadd.f32 v61, v10;
	_ =	sdelay $0x1  }
0x3c5: {  	p1 =	sne.s32 s13, $0x3C00;
	v10 =	vmul.f32 $2.000000030e-01, v9  }
.Ltmp9:
0x3c6: {  	vm1 =	vgt.f32 v9, $0.0e+00;
	(pc) =	sbr.rel @p1 .LBB2_15-.Ltmp9, $4  }
0x3c7: {  	v9 =	vsel vm1, v9, v10;
	v62 =	vpop (erf)  }
0x3c8: {  	[tilespmem:s19+$0xAFE0] =	vst v9;
	v8 =	vmul.f32 v62, v8;
	v63 =	vsel vm0, v62, v5  }
0x3c9: {  	[tilespmem:s19+$0xBFF0] =	vst v63  }
0x3ca: {  	s13 =	sadd.s32 $0x400, s13;
	s18 =	sadd.s32 $0x80, s18;
	s14 =	sadd.s32 $0x80, s14;
	[tilespmem:s19+$0xBFE0] =	vst v8  }
0x3cb: {  	s13 =	simm.s32 $0x4E80  }
0x3cc: {  	[spmem:s1] =	stream.indirect.scatter.add.f32 [tilespmem:s10], [sflag:$0x8], $0x20, s13, s31, $0xb8;
	[tilespmem:$0x16D20] =	vst v63  }
0x3cd: {  	_ =	swait.ge [sflag:s26], $0x1000  }
0x3ce: {  	[sflag:s26] =	ssyncset.done $0x0  }
.Ltmp10:
0x3cf: {  	s25 =	simm.s32 $0x2700;
	[sflag:s26] =	ssyncadd.s32 $0xFFFFF000;
	(pc) =	sbr.rel .LBB2_17-.Ltmp10, $4  }
0x3d0: {  	[spmem:s2] =	stream.indirect.scatter.add.f32 [tilespmem:s12], [sflag:$0x8], $0x20, s25, s31, $0xb8;
	[tilespmem:$0x16D20] =	vst v63  }
0x3d1: {  	_ =	swait.ge [sflag:s26], $0x1000  }
0x3d2: {  	[sflag:s26] =	ssyncset.done $0x0  }
0x3d3: {  	s14 =	rddreg [dreg:$0x15];
	[sflag:s26] =	ssyncadd.s32 $0xFFFFF000  }
.LBB2_18:
0x3d4: {  	_ =	sfence.sel $0x180000  }
0x3d5: {  	[bflag:$0x0] =	sbarrier.arrive $0xFFFF  }
0x3d6: {  	_ =	strace $0x90000047  }
0x3d7: {  	s0 =	stileid.u32;
	[bflag:$0x2] =	sbarrier.arrive $0xFFFF  }
0x3d8: {  	p0 =	sne.s32 s0, $0x0;
	s0 =	rddreg [dreg:$0x4]  }
0x3d9: {  	s0 =	sadd.s32 @!p0 $0x100000, s0  }
0x3da: {  	[sflag:s0] =	ssyncadd.tile.s32 @!p0 $0x1;
	_ =	shalt  }
.Lfunc_end2:
_tile_overlayer_lowered:
.L_overlay_start_2:
0x3db: {  	(tag) =	ssettag $0x2  }
0x3dc: {  	s0 =	rddreg [dreg:$0x0];
	s2 =	stileid.u32  }
0x3dd: {  	s1 =	rddreg [dreg:$0x1];
	p0 =	sne.s32 s2, $0x0  }
0x3de: {  	s3 =	rddreg [dreg:$0x2];
	[bflag:$0x3] =	sbarrier.arrive $0xFFFF;
	s2 =	simm.s32 @!p0 $0x1C08  }
0x3df: {  	[timem:s3], [sflag:s2] =	dma.local @!p0 [hbm:s0], s1  }
0x3e0: {  	s0 =	simm.s32 @!p0 $0x8  }
0x3e1: {  	_ =	swait.ge @!p0 [sflag:s0], s1  }
0x3e2: {  	s1 =	ssub.s32 @!p0 $0x0, s1;
	[sflag:s0] =	ssyncset.done @!p0 $0x0  }
0x3e3: {  	[sflag:s0] =	ssyncadd.s32 @!p0 s1  }
0x3e4: {  	[bflag:$0x3] =	sbarrier.arrive $0xFFFF  }
0x3e5: {  	_ =	shalt  }

</sc_bundles>
